<compile_context>
chip_gen: v7x
topology: tpu7x:2x2x1
jax: 0.10.2.dev20260603
libtpu: 0.0.44.dev20260713+nightly
codegen_flags: <defaults>
</compile_context>

<pallas_src>
import functools

import jax
import jax.numpy as jnp
from jax import lax
from jax.experimental import pallas as pl
from jax.experimental.pallas import tpu as pltpu
from jax.experimental.pallas import tpu_sc as plsc

N_NODES = 10000
N_PAD = 10112
E_EDGES = 320000
CHUNK = 128
N_CHUNKS = 2560
EP = N_CHUNKS * CHUNK
D = 128
N_SC = 2
N_SUB = 16
STAGES = 2
C0 = 2048
CPT0 = C0 // N_SUB
CPT1 = (N_CHUNKS - C0) // N_SUB
SS0 = CPT0 // STAGES
SS1 = CPT1 // STAGES
N_CHUNKS_PAD = N_CHUNKS + SS0
ROWS_PER_TILE = N_PAD // N_SUB
NC_PAD = 10240
CNT_PER_TILE = NC_PAD // N_SUB


def _sc_agg_body(do_cnt, *refs):
    if do_cnt:
        (h_hbm, srcm, dstm, agg_out, cnt_out,
         src_v, dst_v, rows_v, rows2_v, ones_v, agg_sh, cnt_sh, sem) = refs
    else:
        (h_hbm, srcm, dstm, agg_out,
         src_v, dst_v, rows_v, rows2_v, agg_sh, sem) = refs
        cnt_out = cnt_sh = ones_v = None
    c = lax.axis_index("c")
    s = lax.axis_index("s")

    def zrow(i, carry):
        for k in range(D // 16):
            rows_v[i, pl.ds(k * 16, 16)] = jnp.zeros((16,), jnp.float32)
        return carry
    lax.fori_loop(0, CHUNK, zrow, 0)
    if do_cnt:
        for k in range(CHUNK // 16):
            ones_v[pl.ds(k * 16, 16)] = jnp.ones((16,), jnp.float32)

    zbase = s * ROWS_PER_TILE
    TAIL = ROWS_PER_TILE - (ROWS_PER_TILE // CHUNK) * CHUNK

    def zcopies(copy):
        for k in range(ROWS_PER_TILE // CHUNK):
            copy(rows_v, agg_sh.at[pl.ds(zbase + k * CHUNK, CHUNK)])
        copy(rows_v.at[pl.ds(0, TAIL)],
             agg_sh.at[pl.ds(zbase + ROWS_PER_TILE - TAIL, TAIL)])
        if do_cnt:
            for k in range(CNT_PER_TILE // CHUNK):
                copy(rows_v.at[0],
                     cnt_sh.at[pl.ds(s * CNT_PER_TILE + k * CHUNK, CHUNK)])

    zcopies(lambda a, b: pltpu.async_copy(a, b, sem))
    zcopies(lambda a, b: pltpu.make_async_copy(a, b, sem).wait())
    plsc.subcore_barrier()

    base_chunk = jnp.where(c == 0, s * CPT0, C0 + s * CPT1)
    nst = jnp.where(c == 0, SS0, SS1)
    for stage in range(STAGES):
        sbase = base_chunk + stage * nst
        pltpu.async_copy(srcm.at[pl.ds(sbase, SS0)], src_v, sem)
        pltpu.async_copy(dstm.at[pl.ds(sbase, SS0)], dst_v, sem)
        pltpu.make_async_copy(srcm.at[pl.ds(sbase, SS0)], src_v, sem).wait()
        pltpu.make_async_copy(dstm.at[pl.ds(sbase, SS0)], dst_v, sem).wait()

        pltpu.async_copy(h_hbm.at[src_v.at[0]], rows_v, sem)
        pltpu.async_copy(h_hbm.at[src_v.at[1]], rows2_v, sem)

        def scatter_pair(j0):
            pltpu.make_async_copy(h_hbm.at[src_v.at[j0]], rows_v, sem).wait()
            pltpu.make_async_copy(h_hbm.at[src_v.at[j0 + 1]], rows2_v, sem).wait()
            pltpu.sync_copy(rows_v, agg_sh.at[dst_v.at[j0]], add=True)
            pltpu.sync_copy(rows2_v, agg_sh.at[dst_v.at[j0 + 1]], add=True)
            if do_cnt:
                pltpu.sync_copy(ones_v, cnt_sh.at[dst_v.at[j0]], add=True)
                pltpu.sync_copy(ones_v, cnt_sh.at[dst_v.at[j0 + 1]], add=True)

        def body(j, carry):
            j0 = 2 * j
            scatter_pair(j0)
            pltpu.async_copy(h_hbm.at[src_v.at[j0 + 2]], rows_v, sem)
            pltpu.async_copy(h_hbm.at[src_v.at[j0 + 3]], rows2_v, sem)
            return carry
        lax.fori_loop(0, nst // 2 - 1, body, 0)
        scatter_pair(nst - 2)
    plsc.subcore_barrier()

    pltpu.sync_copy(agg_sh.at[pl.ds(zbase, ROWS_PER_TILE)],
                    agg_out.at[c].at[pl.ds(zbase, ROWS_PER_TILE)])
    if do_cnt:
        pltpu.sync_copy(cnt_sh.at[pl.ds(s * CNT_PER_TILE, CNT_PER_TILE)],
                        cnt_out.at[c].at[pl.ds(s * CNT_PER_TILE, CNT_PER_TILE)])


def _make_sc_agg(do_cnt):
    mesh = plsc.VectorSubcoreMesh(core_axis_name="c", subcore_axis_name="s")
    out_type = [jax.ShapeDtypeStruct((N_SC, N_PAD, D), jnp.float32)]
    if do_cnt:
        out_type.append(jax.ShapeDtypeStruct((N_SC, NC_PAD), jnp.float32))
    scratch = [
        pltpu.VMEM((SS0, CHUNK), jnp.int32),
        pltpu.VMEM((SS0, CHUNK), jnp.int32),
        pltpu.VMEM((CHUNK, D), jnp.float32),
        pltpu.VMEM((CHUNK, D), jnp.float32),
    ]
    if do_cnt:
        scratch.append(pltpu.VMEM((CHUNK,), jnp.float32))
    scratch.append(pltpu.VMEM_SHARED((N_PAD, D), jnp.float32))
    if do_cnt:
        scratch.append(pltpu.VMEM_SHARED((NC_PAD,), jnp.float32))
    scratch.append(pltpu.SemaphoreType.DMA)
    return pl.kernel(
        functools.partial(_sc_agg_body, do_cnt),
        out_type=tuple(out_type) if len(out_type) > 1 else out_type[0],
        mesh=mesh,
        scratch_types=tuple(scratch),
    )


_sc_agg_cnt = _make_sc_agg(True)
_sc_agg = _make_sc_agg(False)

BR = 1000


def _dense_body(agg_ref, cnt_ref, h_ref, wl_ref, wr_ref, b_ref, a_ref, out_ref):
    r = agg_ref[0] + agg_ref[1]
    cnt = cnt_ref[0] + cnt_ref[1]
    r = r / jnp.maximum(cnt, 1.0)
    o = (jnp.dot(r, wl_ref[...], preferred_element_type=jnp.float32)
         + b_ref[...]
         + jnp.dot(h_ref[...], wr_ref[...], preferred_element_type=jnp.float32))
    av = a_ref[0, 0]
    out_ref[...] = jnp.where(o >= 0, o, av * o)


_dense = pl.pallas_call(
    _dense_body,
    grid=(N_NODES // BR,),
    in_specs=[
        pl.BlockSpec((N_SC, BR, D), lambda i: (0, i, 0)),
        pl.BlockSpec((N_SC, BR, 1), lambda i: (0, i, 0)),
        pl.BlockSpec((BR, D), lambda i: (i, 0)),
        pl.BlockSpec((D, D), lambda i: (0, 0)),
        pl.BlockSpec((D, D), lambda i: (0, 0)),
        pl.BlockSpec((1, D), lambda i: (0, 0)),
        pl.BlockSpec((1, 1), lambda i: (0, 0)),
    ],
    out_specs=pl.BlockSpec((BR, D), lambda i: (i, 0)),
    out_shape=jax.ShapeDtypeStruct((N_NODES, D), jnp.float32),
)


_dense_win = pl.pallas_call(
    _dense_body,
    grid=(1,),
    in_specs=[
        pl.BlockSpec((N_SC, 1024, D), lambda i: (0, 0, 0)),
        pl.BlockSpec((N_SC, 1024, 1), lambda i: (0, 0, 0)),
        pl.BlockSpec((1024, D), lambda i: (0, 0)),
        pl.BlockSpec((D, D), lambda i: (0, 0)),
        pl.BlockSpec((D, D), lambda i: (0, 0)),
        pl.BlockSpec((1, D), lambda i: (0, 0)),
        pl.BlockSpec((1, 1), lambda i: (0, 0)),
    ],
    out_specs=pl.BlockSpec((1024, D), lambda i: (0, 0)),
    out_shape=jax.ShapeDtypeStruct((1024, D), jnp.float32),
)


def kernel(x, edge_index, W1_l, b1, W1_r, W2_l, b2, W2_r, W3_l, b3, W3_r, a,
           batch_size, layer):
    src = edge_index[0]
    dst = edge_index[1]
    pad = N_CHUNKS_PAD * CHUNK - E_EDGES
    srcm = jnp.concatenate([src, jnp.zeros((pad,), jnp.int32)]).reshape(N_CHUNKS_PAD, CHUNK)
    dstm = jnp.concatenate([dst, jnp.full((pad,), N_NODES, jnp.int32)]).reshape(N_CHUNKS_PAD, CHUNK)
    a2 = jnp.reshape(a, (1, 1)).astype(jnp.float32)

    agg1, cnt = _sc_agg_cnt(x, srcm, dstm)
    cnt3 = cnt[:, :, None]
    h1 = _dense(agg1, cnt3, x, W1_l, W1_r, b1.reshape(1, D), a2)
    agg2 = _sc_agg(h1, srcm, dstm)
    h2 = _dense(agg2, cnt3, h1, W2_l, W2_r, b2.reshape(1, D), a2)
    agg3 = _sc_agg(h2, srcm, dstm)
    lo = jnp.clip(jnp.asarray(batch_size, jnp.int32) - 1024, 0, N_NODES - 1024)
    agg3w = lax.dynamic_slice(agg3, (0, lo, 0), (N_SC, 1024, D))
    cnt3w = lax.dynamic_slice(cnt3, (0, lo, 0), (N_SC, 1024, 1))
    h2w = lax.dynamic_slice(h2, (lo, 0), (1024, D))
    return _dense_win(agg3w, cnt3w, h2w, W3_l, W3_r, b3.reshape(1, D), a2)

# --- scband reference (transcript-rebuilt; emitter-appended) ---
"""Pipeline reference for scband-encoder-60421599920740 (READ-ONLY COPY).

The authoritative reference and input builder live on the scoring server;
editing this copy changes nothing except your own understanding.
"""

import jax, jax.numpy as jnp
import numpy as np

N = 10000
E = 320000
D = 128

def setup_inputs(seed: int = 0) -> dict:
    key = jax.random.key(seed)
    ks = jax.random.split(key, 16)
    x = jax.random.normal(ks[0], (N, D), dtype=jnp.float32)
    edge_index = jax.random.randint(ks[1], (2, E), 0, N, dtype=jnp.int32)
    s = 1.0 / np.sqrt(D)
    W1_l = jax.random.uniform(ks[2], (D, D), jnp.float32, -s, s)
    b1   = jax.random.uniform(ks[3], (D,),   jnp.float32, -s, s)
    W1_r = jax.random.uniform(ks[4], (D, D), jnp.float32, -s, s)
    W2_l = jax.random.uniform(ks[5], (D, D), jnp.float32, -s, s)
    b2   = jax.random.uniform(ks[6], (D,),   jnp.float32, -s, s)
    W2_r = jax.random.uniform(ks[7], (D, D), jnp.float32, -s, s)
    W3_l = jax.random.uniform(ks[8], (D, D), jnp.float32, -s, s)
    b3   = jax.random.uniform(ks[9], (D,),   jnp.float32, -s, s)
    W3_r = jax.random.uniform(ks[10], (D, D), jnp.float32, -s, s)
    a = jnp.float32(0.25)  # PReLU weight (single-parameter)
    return {"x": x, "edge_index": edge_index, "W1_l": W1_l, "b1": b1, "W1_r": W1_r,
            "W2_l": W2_l, "b2": b2, "W2_r": W2_r, "W3_l": W3_l, "b3": b3, "W3_r": W3_r,
            "a": a, "batch_size": 1024, "layer": 0}

def _sage_conv(x, Wl, bl, Wr, src, dst, n_nodes):
    # PyG SAGEConv (mean aggr): out = lin_l(mean_j x_j) + lin_r(x_i)
    msgs = jnp.take(x, src, axis=0)                       # gather  [E, D]
    agg = jax.ops.segment_sum(msgs, dst, num_segments=n_nodes)  # scatter-add
    cnt = jax.ops.segment_sum(jnp.ones((src.shape[0], 1), x.dtype), dst, num_segments=n_nodes)
    agg = agg / jnp.clip(cnt, 1.0, None)
    return agg @ Wl + bl + x @ Wr

def _prelu(x, a):
    return jnp.where(x >= 0, x, a * x)

def reference(x, edge_index, W1_l, b1, W1_r, W2_l, b2, W2_r, W3_l, b3, W3_r, a, batch_size, layer):
    src = edge_index[0]
    dst = edge_index[1]
    n_nodes = x.shape[0]
    # dataset_convs[layer]  (layer=0 weights materialized)
    h = _prelu(_sage_conv(x, W1_l, b1, W1_r, src, dst, n_nodes), a)
    h = _prelu(_sage_conv(h, W2_l, b2, W2_r, src, dst, n_nodes), a)
    h = _prelu(_sage_conv(h, W3_l, b3, W3_r, src, dst, n_nodes), a)
    return jax.lax.dynamic_slice_in_dim(h, batch_size - 1024, 1024, axis=0)

if __name__ == "__main__":
    import jax
    _d = setup_inputs()
    print(jax.jit(kernel)(*tuple(_d.values())))

</pallas_src>

<mosaic_0001>
#map = affine_map<(d0, d1) -> (0, 0)>
#map1 = affine_map<(d0, d1) -> (0, 0, 0)>
module attributes {stable_mosaic.version = 14 : i64} {
  func.func @_sc_agg_body(%arg0: i32, %arg1: i32, %arg2: memref<10000x128xf32, #tpu.memory_space<hbm>>, %arg3: memref<2624x128xi32, #tpu.memory_space<hbm>>, %arg4: memref<2624x128xi32, #tpu.memory_space<hbm>>, %arg5: memref<2x10112x128xf32, #tpu.memory_space<hbm>>, %arg6: memref<64x128xi32, #tpu.memory_space<vmem>>, %arg7: memref<64x128xi32, #tpu.memory_space<vmem>>, %arg8: memref<128x128xf32, #tpu.memory_space<vmem>>, %arg9: memref<128x128xf32, #tpu.memory_space<vmem>>, %arg10: memref<10112x128xf32, #tpu.memory_space<vmem_shared>>, %arg11: memref<!tpu.dma_semaphore, #tpu.memory_space<semaphore_mem>>) attributes {dimension_semantics = [#tpu.dimension_semantics<core_parallel>, #tpu.dimension_semantics<subcore_parallel>], iteration_bounds = array<i64: 2, 16>, scalar_prefetch = 0 : i64, scratch_operands = 6 : i64, tpu.core_type = #tpu.core_type<sc_vector_subcore>, window_params = [{transform_indices = #map}, {transform_indices = #map}, {transform_indices = #map}, {transform_indices = #map1}]} {
    %scan3A = arith.constant 0 : i32
    %scan3A_0 = arith.constant 0 : i32
    %scan3A_1 = arith.constant 128 : i32
    %scan3A_2 = arith.addi %scan3A_0, %scan3A_1 : i32
    %scan3A_3 = arith.constant 1 : i32
    scf.for %scan3A_258 = %scan3A_0 to %scan3A_2 step %scan3A_3  : i32 {
      %broadcast_in_dim3A = arith.constant 0.000000e+00 : f32
      %broadcast_in_dim3A_259 = vector.broadcast %broadcast_in_dim3A : f32 to vector<16xf32>
      %swap3A = arith.index_cast %scan3A_258 : i32 to index
      %swap3A_260 = arith.constant 0 : index
      %swap3A_261 = tpu.vector_load %arg8[%swap3A, %swap3A_260] {strides = array<i32>} : memref<128x128xf32, #tpu.memory_space<vmem>>, vector<1x16xf32>,
      %swap3A_262 = vector.shape_cast %swap3A_261 : vector<1x16xf32> to vector<16xf32>
      %swap3A_263 = vector.shape_cast %broadcast_in_dim3A_259 : vector<16xf32> to vector<1x16xf32>
      tpu.vector_store %arg8[%swap3A, %swap3A_260], %swap3A_263 {strides = array<i32>} : memref<128x128xf32, #tpu.memory_space<vmem>>, vector<1x16xf32>,
      %broadcast_in_dim3A_264 = arith.constant 0.000000e+00 : f32
      %broadcast_in_dim3A_265 = vector.broadcast %broadcast_in_dim3A_264 : f32 to vector<16xf32>
      %swap3A_266 = arith.index_cast %scan3A_258 : i32 to index
      %swap3A_267 = arith.constant 16 : index
      %swap3A_268 = tpu.vector_load %arg8[%swap3A_266, %swap3A_267] {strides = array<i32>} : memref<128x128xf32, #tpu.memory_space<vmem>>, vector<1x16xf32>,
      %swap3A_269 = vector.shape_cast %swap3A_268 : vector<1x16xf32> to vector<16xf32>
      %swap3A_270 = vector.shape_cast %broadcast_in_dim3A_265 : vector<16xf32> to vector<1x16xf32>
      tpu.vector_store %arg8[%swap3A_266, %swap3A_267], %swap3A_270 {strides = array<i32>} : memref<128x128xf32, #tpu.memory_space<vmem>>, vector<1x16xf32>,
      %broadcast_in_dim3A_271 = arith.constant 0.000000e+00 : f32
      %broadcast_in_dim3A_272 = vector.broadcast %broadcast_in_dim3A_271 : f32 to vector<16xf32>
      %swap3A_273 = arith.index_cast %scan3A_258 : i32 to index
      %swap3A_274 = arith.constant 32 : index
      %swap3A_275 = tpu.vector_load %arg8[%swap3A_273, %swap3A_274] {strides = array<i32>} : memref<128x128xf32, #tpu.memory_space<vmem>>, vector<1x16xf32>,
      %swap3A_276 = vector.shape_cast %swap3A_275 : vector<1x16xf32> to vector<16xf32>
      %swap3A_277 = vector.shape_cast %broadcast_in_dim3A_272 : vector<16xf32> to vector<1x16xf32>
      tpu.vector_store %arg8[%swap3A_273, %swap3A_274], %swap3A_277 {strides = array<i32>} : memref<128x128xf32, #tpu.memory_space<vmem>>, vector<1x16xf32>,
      %broadcast_in_dim3A_278 = arith.constant 0.000000e+00 : f32
      %broadcast_in_dim3A_279 = vector.broadcast %broadcast_in_dim3A_278 : f32 to vector<16xf32>
      %swap3A_280 = arith.index_cast %scan3A_258 : i32 to index
      %swap3A_281 = arith.constant 48 : index
      %swap3A_282 = tpu.vector_load %arg8[%swap3A_280, %swap3A_281] {strides = array<i32>} : memref<128x128xf32, #tpu.memory_space<vmem>>, vector<1x16xf32>,
      %swap3A_283 = vector.shape_cast %swap3A_282 : vector<1x16xf32> to vector<16xf32>
      %swap3A_284 = vector.shape_cast %broadcast_in_dim3A_279 : vector<16xf32> to vector<1x16xf32>
      tpu.vector_store %arg8[%swap3A_280, %swap3A_281], %swap3A_284 {strides = array<i32>} : memref<128x128xf32, #tpu.memory_space<vmem>>, vector<1x16xf32>,
      %broadcast_in_dim3A_285 = arith.constant 0.000000e+00 : f32
      %broadcast_in_dim3A_286 = vector.broadcast %broadcast_in_dim3A_285 : f32 to vector<16xf32>
      %swap3A_287 = arith.index_cast %scan3A_258 : i32 to index
      %swap3A_288 = arith.constant 64 : index
      %swap3A_289 = tpu.vector_load %arg8[%swap3A_287, %swap3A_288] {strides = array<i32>} : memref<128x128xf32, #tpu.memory_space<vmem>>, vector<1x16xf32>,
      %swap3A_290 = vector.shape_cast %swap3A_289 : vector<1x16xf32> to vector<16xf32>
      %swap3A_291 = vector.shape_cast %broadcast_in_dim3A_286 : vector<16xf32> to vector<1x16xf32>
      tpu.vector_store %arg8[%swap3A_287, %swap3A_288], %swap3A_291 {strides = array<i32>} : memref<128x128xf32, #tpu.memory_space<vmem>>, vector<1x16xf32>,
      %broadcast_in_dim3A_292 = arith.constant 0.000000e+00 : f32
      %broadcast_in_dim3A_293 = vector.broadcast %broadcast_in_dim3A_292 : f32 to vector<16xf32>
      %swap3A_294 = arith.index_cast %scan3A_258 : i32 to index
      %swap3A_295 = arith.constant 80 : index
      %swap3A_296 = tpu.vector_load %arg8[%swap3A_294, %swap3A_295] {strides = array<i32>} : memref<128x128xf32, #tpu.memory_space<vmem>>, vector<1x16xf32>,
      %swap3A_297 = vector.shape_cast %swap3A_296 : vector<1x16xf32> to vector<16xf32>
      %swap3A_298 = vector.shape_cast %broadcast_in_dim3A_293 : vector<16xf32> to vector<1x16xf32>
      tpu.vector_store %arg8[%swap3A_294, %swap3A_295], %swap3A_298 {strides = array<i32>} : memref<128x128xf32, #tpu.memory_space<vmem>>, vector<1x16xf32>,
      %broadcast_in_dim3A_299 = arith.constant 0.000000e+00 : f32
      %broadcast_in_dim3A_300 = vector.broadcast %broadcast_in_dim3A_299 : f32 to vector<16xf32>
      %swap3A_301 = arith.index_cast %scan3A_258 : i32 to index
      %swap3A_302 = arith.constant 96 : index
      %swap3A_303 = tpu.vector_load %arg8[%swap3A_301, %swap3A_302] {strides = array<i32>} : memref<128x128xf32, #tpu.memory_space<vmem>>, vector<1x16xf32>,
      %swap3A_304 = vector.shape_cast %swap3A_303 : vector<1x16xf32> to vector<16xf32>
      %swap3A_305 = vector.shape_cast %broadcast_in_dim3A_300 : vector<16xf32> to vector<1x16xf32>
      tpu.vector_store %arg8[%swap3A_301, %swap3A_302], %swap3A_305 {strides = array<i32>} : memref<128x128xf32, #tpu.memory_space<vmem>>, vector<1x16xf32>,
      %broadcast_in_dim3A_306 = arith.constant 0.000000e+00 : f32
      %broadcast_in_dim3A_307 = vector.broadcast %broadcast_in_dim3A_306 : f32 to vector<16xf32>
      %swap3A_308 = arith.index_cast %scan3A_258 : i32 to index
      %swap3A_309 = arith.constant 112 : index
      %swap3A_310 = tpu.vector_load %arg8[%swap3A_308, %swap3A_309] {strides = array<i32>} : memref<128x128xf32, #tpu.memory_space<vmem>>, vector<1x16xf32>,
      %swap3A_311 = vector.shape_cast %swap3A_310 : vector<1x16xf32> to vector<16xf32>
      %swap3A_312 = vector.shape_cast %broadcast_in_dim3A_307 : vector<16xf32> to vector<1x16xf32>
      tpu.vector_store %arg8[%swap3A_308, %swap3A_309], %swap3A_312 {strides = array<i32>} : memref<128x128xf32, #tpu.memory_space<vmem>>, vector<1x16xf32>,
    }
    %scan3A_4 = arith.constant 128 : i32
    %mul3A = arith.constant 632 : i32
    %mul3A_5 = arith.muli %arg1, %mul3A : i32
    %add3A = arith.constant 0 : i32
    %add3A_6 = arith.addi %mul3A_5, %add3A : i32
    %dma_start3A = arith.constant 0 : i32
    %dma_start3A_7 = tpu.memref_slice %arg10[%add3A_6, %dma_start3A] : memref<10112x128xf32, #tpu.memory_space<vmem_shared>> -> memref<128x128xf32, #tpu.memory_space<vmem_shared>>
    %dma_start3A_8 = arith.constant 0 : i32
    %dma_start3A_9 = tpu.memref_slice %arg10[%add3A_6, %dma_start3A_8] : memref<10112x128xf32, #tpu.memory_space<vmem_shared>> -> memref<128x128xf32, #tpu.memory_space<vmem_shared>>
    tpu.enqueue_dma source(%arg8 : memref<128x128xf32, #tpu.memory_space<vmem>>) target(%dma_start3A_9 : memref<128x128xf32, #tpu.memory_space<vmem_shared>>) target_semaphore(%arg11 : memref<!tpu.dma_semaphore, #tpu.memory_space<semaphore_mem>>)
    %add3A_10 = arith.constant 128 : i32
    %add3A_11 = arith.addi %mul3A_5, %add3A_10 : i32
    %dma_start3A_12 = arith.constant 0 : i32
    %dma_start3A_13 = tpu.memref_slice %arg10[%add3A_11, %dma_start3A_12] : memref<10112x128xf32, #tpu.memory_space<vmem_shared>> -> memref<128x128xf32, #tpu.memory_space<vmem_shared>>
    %dma_start3A_14 = arith.constant 0 : i32
    %dma_start3A_15 = tpu.memref_slice %arg10[%add3A_11, %dma_start3A_14] : memref<10112x128xf32, #tpu.memory_space<vmem_shared>> -> memref<128x128xf32, #tpu.memory_space<vmem_shared>>
    tpu.enqueue_dma source(%arg8 : memref<128x128xf32, #tpu.memory_space<vmem>>) target(%dma_start3A_15 : memref<128x128xf32, #tpu.memory_space<vmem_shared>>) target_semaphore(%arg11 : memref<!tpu.dma_semaphore, #tpu.memory_space<semaphore_mem>>)
    %add3A_16 = arith.constant 256 : i32
    %add3A_17 = arith.addi %mul3A_5, %add3A_16 : i32
    %dma_start3A_18 = arith.constant 0 : i32
    %dma_start3A_19 = tpu.memref_slice %arg10[%add3A_17, %dma_start3A_18] : memref<10112x128xf32, #tpu.memory_space<vmem_shared>> -> memref<128x128xf32, #tpu.memory_space<vmem_shared>>
    %dma_start3A_20 = arith.constant 0 : i32
    %dma_start3A_21 = tpu.memref_slice %arg10[%add3A_17, %dma_start3A_20] : memref<10112x128xf32, #tpu.memory_space<vmem_shared>> -> memref<128x128xf32, #tpu.memory_space<vmem_shared>>
    tpu.enqueue_dma source(%arg8 : memref<128x128xf32, #tpu.memory_space<vmem>>) target(%dma_start3A_21 : memref<128x128xf32, #tpu.memory_space<vmem_shared>>) target_semaphore(%arg11 : memref<!tpu.dma_semaphore, #tpu.memory_space<semaphore_mem>>)
    %add3A_22 = arith.constant 384 : i32
    %add3A_23 = arith.addi %mul3A_5, %add3A_22 : i32
    %dma_start3A_24 = arith.constant 0 : i32
    %dma_start3A_25 = tpu.memref_slice %arg10[%add3A_23, %dma_start3A_24] : memref<10112x128xf32, #tpu.memory_space<vmem_shared>> -> memref<128x128xf32, #tpu.memory_space<vmem_shared>>
    %dma_start3A_26 = arith.constant 0 : i32
    %dma_start3A_27 = tpu.memref_slice %arg10[%add3A_23, %dma_start3A_26] : memref<10112x128xf32, #tpu.memory_space<vmem_shared>> -> memref<128x128xf32, #tpu.memory_space<vmem_shared>>
    tpu.enqueue_dma source(%arg8 : memref<128x128xf32, #tpu.memory_space<vmem>>) target(%dma_start3A_27 : memref<128x128xf32, #tpu.memory_space<vmem_shared>>) target_semaphore(%arg11 : memref<!tpu.dma_semaphore, #tpu.memory_space<semaphore_mem>>)
    %add3A_28 = arith.constant 632 : i32
    %add3A_29 = arith.addi %mul3A_5, %add3A_28 : i32
    %sub3A = arith.constant 120 : i32
    %sub3A_30 = arith.subi %add3A_29, %sub3A : i32
    %dma_start3A_31 = arith.constant 0 : i32
    %dma_start3A_32 = arith.constant 0 : i32
    %dma_start3A_33 = tpu.memref_slice %arg8[%dma_start3A_31, %dma_start3A_32] : memref<128x128xf32, #tpu.memory_space<vmem>> -> memref<120x128xf32, #tpu.memory_space<vmem>>
    %dma_start3A_34 = arith.constant 0 : i32
    %dma_start3A_35 = tpu.memref_slice %arg10[%sub3A_30, %dma_start3A_34] : memref<10112x128xf32, #tpu.memory_space<vmem_shared>> -> memref<120x128xf32, #tpu.memory_space<vmem_shared>>
    %dma_start3A_36 = arith.constant 0 : i32
    %dma_start3A_37 = tpu.memref_slice %arg10[%sub3A_30, %dma_start3A_36] : memref<10112x128xf32, #tpu.memory_space<vmem_shared>> -> memref<120x128xf32, #tpu.memory_space<vmem_shared>>
    %dma_start3A_38 = arith.constant 0 : i32
    %dma_start3A_39 = arith.constant 0 : i32
    %dma_start3A_40 = tpu.memref_slice %arg8[%dma_start3A_38, %dma_start3A_39] : memref<128x128xf32, #tpu.memory_space<vmem>> -> memref<120x128xf32, #tpu.memory_space<vmem>>
    tpu.enqueue_dma source(%dma_start3A_40 : memref<120x128xf32, #tpu.memory_space<vmem>>) target(%dma_start3A_37 : memref<120x128xf32, #tpu.memory_space<vmem_shared>>) target_semaphore(%arg11 : memref<!tpu.dma_semaphore, #tpu.memory_space<semaphore_mem>>)
    %add3A_41 = arith.constant 0 : i32
    %add3A_42 = arith.addi %mul3A_5, %add3A_41 : i32
    %dma_wait3A = arith.constant 0 : i32
    %dma_wait3A_43 = tpu.memref_slice %arg10[%add3A_42, %dma_wait3A] : memref<10112x128xf32, #tpu.memory_space<vmem_shared>> -> memref<128x128xf32, #tpu.memory_space<vmem_shared>>
    %dma_wait3A_44 = arith.constant 0 : i32
    %dma_wait3A_45 = tpu.memref_slice %arg10[%add3A_42, %dma_wait3A_44] : memref<10112x128xf32, #tpu.memory_space<vmem_shared>> -> memref<128x128xf32, #tpu.memory_space<vmem_shared>>
    tpu.wait_dma2 semaphore(%arg11 : memref<!tpu.dma_semaphore, #tpu.memory_space<semaphore_mem>>) src(%arg8 : memref<128x128xf32, #tpu.memory_space<vmem>>) dst(%dma_wait3A_45 : memref<128x128xf32, #tpu.memory_space<vmem_shared>>)
    %add3A_46 = arith.constant 128 : i32
    %add3A_47 = arith.addi %mul3A_5, %add3A_46 : i32
    %dma_wait3A_48 = arith.constant 0 : i32
    %dma_wait3A_49 = tpu.memref_slice %arg10[%add3A_47, %dma_wait3A_48] : memref<10112x128xf32, #tpu.memory_space<vmem_shared>> -> memref<128x128xf32, #tpu.memory_space<vmem_shared>>
    %dma_wait3A_50 = arith.constant 0 : i32
    %dma_wait3A_51 = tpu.memref_slice %arg10[%add3A_47, %dma_wait3A_50] : memref<10112x128xf32, #tpu.memory_space<vmem_shared>> -> memref<128x128xf32, #tpu.memory_space<vmem_shared>>
    tpu.wait_dma2 semaphore(%arg11 : memref<!tpu.dma_semaphore, #tpu.memory_space<semaphore_mem>>) src(%arg8 : memref<128x128xf32, #tpu.memory_space<vmem>>) dst(%dma_wait3A_51 : memref<128x128xf32, #tpu.memory_space<vmem_shared>>)
    %add3A_52 = arith.constant 256 : i32
    %add3A_53 = arith.addi %mul3A_5, %add3A_52 : i32
    %dma_wait3A_54 = arith.constant 0 : i32
    %dma_wait3A_55 = tpu.memref_slice %arg10[%add3A_53, %dma_wait3A_54] : memref<10112x128xf32, #tpu.memory_space<vmem_shared>> -> memref<128x128xf32, #tpu.memory_space<vmem_shared>>
    %dma_wait3A_56 = arith.constant 0 : i32
    %dma_wait3A_57 = tpu.memref_slice %arg10[%add3A_53, %dma_wait3A_56] : memref<10112x128xf32, #tpu.memory_space<vmem_shared>> -> memref<128x128xf32, #tpu.memory_space<vmem_shared>>
    tpu.wait_dma2 semaphore(%arg11 : memref<!tpu.dma_semaphore, #tpu.memory_space<semaphore_mem>>) src(%arg8 : memref<128x128xf32, #tpu.memory_space<vmem>>) dst(%dma_wait3A_57 : memref<128x128xf32, #tpu.memory_space<vmem_shared>>)
    %add3A_58 = arith.constant 384 : i32
    %add3A_59 = arith.addi %mul3A_5, %add3A_58 : i32
    %dma_wait3A_60 = arith.constant 0 : i32
    %dma_wait3A_61 = tpu.memref_slice %arg10[%add3A_59, %dma_wait3A_60] : memref<10112x128xf32, #tpu.memory_space<vmem_shared>> -> memref<128x128xf32, #tpu.memory_space<vmem_shared>>
    %dma_wait3A_62 = arith.constant 0 : i32
    %dma_wait3A_63 = tpu.memref_slice %arg10[%add3A_59, %dma_wait3A_62] : memref<10112x128xf32, #tpu.memory_space<vmem_shared>> -> memref<128x128xf32, #tpu.memory_space<vmem_shared>>
    tpu.wait_dma2 semaphore(%arg11 : memref<!tpu.dma_semaphore, #tpu.memory_space<semaphore_mem>>) src(%arg8 : memref<128x128xf32, #tpu.memory_space<vmem>>) dst(%dma_wait3A_63 : memref<128x128xf32, #tpu.memory_space<vmem_shared>>)
    %add3A_64 = arith.constant 632 : i32
    %add3A_65 = arith.addi %mul3A_5, %add3A_64 : i32
    %sub3A_66 = arith.constant 120 : i32
    %sub3A_67 = arith.subi %add3A_65, %sub3A_66 : i32
    %dma_wait3A_68 = arith.constant 0 : i32
    %dma_wait3A_69 = arith.constant 0 : i32
    %dma_wait3A_70 = tpu.memref_slice %arg8[%dma_wait3A_68, %dma_wait3A_69] : memref<128x128xf32, #tpu.memory_space<vmem>> -> memref<120x128xf32, #tpu.memory_space<vmem>>
    %dma_wait3A_71 = arith.constant 0 : i32
    %dma_wait3A_72 = tpu.memref_slice %arg10[%sub3A_67, %dma_wait3A_71] : memref<10112x128xf32, #tpu.memory_space<vmem_shared>> -> memref<120x128xf32, #tpu.memory_space<vmem_shared>>
    %dma_wait3A_73 = arith.constant 0 : i32
    %dma_wait3A_74 = tpu.memref_slice %arg10[%sub3A_67, %dma_wait3A_73] : memref<10112x128xf32, #tpu.memory_space<vmem_shared>> -> memref<120x128xf32, #tpu.memory_space<vmem_shared>>
    %dma_wait3A_75 = arith.constant 0 : i32
    %dma_wait3A_76 = arith.constant 0 : i32
    %dma_wait3A_77 = tpu.memref_slice %arg8[%dma_wait3A_75, %dma_wait3A_76] : memref<128x128xf32, #tpu.memory_space<vmem>> -> memref<120x128xf32, #tpu.memory_space<vmem>>
    tpu.wait_dma2 semaphore(%arg11 : memref<!tpu.dma_semaphore, #tpu.memory_space<semaphore_mem>>) src(%dma_wait3A_77 : memref<120x128xf32, #tpu.memory_space<vmem>>) dst(%dma_wait3A_74 : memref<120x128xf32, #tpu.memory_space<vmem_shared>>)
    %barrier3A = arith.constant 0 : index
    tpu.barrier barrier_id(%barrier3A)
    %eq3A = arith.constant 0 : i32
    %eq3A_78 = arith.cmpi eq, %arg0, %eq3A : i32
    %mul3A_79 = arith.constant 128 : i32
    %mul3A_80 = arith.muli %arg1, %mul3A_79 : i32
    %mul3A_81 = arith.constant 32 : i32
    %mul3A_82 = arith.muli %arg1, %mul3A_81 : i32
    %add3A_83 = arith.constant 2048 : i32
    %add3A_84 = arith.addi %add3A_83, %mul3A_82 : i32
    %select_n3A = arith.select %eq3A_78, %mul3A_80, %add3A_84 : i32
    %eq3A_85 = arith.constant 0 : i32
    %eq3A_86 = arith.cmpi eq, %arg0, %eq3A_85 : i32
    %jit3A = arith.constant 64 : i32
    %jit3A_87 = arith.constant 16 : i32
    %select_n3A_88 = arith.select %eq3A_86, %jit3A, %jit3A_87 : i32
    %mul3A_89 = arith.constant 0 : i32
    %mul3A_90 = arith.muli %mul3A_89, %select_n3A_88 : i32
    %add3A_91 = arith.addi %select_n3A, %mul3A_90 : i32
    %dma_start3A_92 = arith.constant 0 : i32
    %dma_start3A_93 = tpu.memref_slice %arg3[%add3A_91, %dma_start3A_92] : memref<2624x128xi32, #tpu.memory_space<hbm>> -> memref<64x128xi32, #tpu.memory_space<hbm>>
    %dma_start3A_94 = arith.constant 0 : i32
    %dma_start3A_95 = tpu.memref_slice %arg3[%add3A_91, %dma_start3A_94] : memref<2624x128xi32, #tpu.memory_space<hbm>> -> memref<64x128xi32, #tpu.memory_space<hbm>>
    tpu.enqueue_dma source(%dma_start3A_95 : memref<64x128xi32, #tpu.memory_space<hbm>>) target(%arg6 : memref<64x128xi32, #tpu.memory_space<vmem>>) target_semaphore(%arg11 : memref<!tpu.dma_semaphore, #tpu.memory_space<semaphore_mem>>)
    %dma_start3A_96 = arith.constant 0 : i32
    %dma_start3A_97 = tpu.memref_slice %arg4[%add3A_91, %dma_start3A_96] : memref<2624x128xi32, #tpu.memory_space<hbm>> -> memref<64x128xi32, #tpu.memory_space<hbm>>
    %dma_start3A_98 = arith.constant 0 : i32
    %dma_start3A_99 = tpu.memref_slice %arg4[%add3A_91, %dma_start3A_98] : memref<2624x128xi32, #tpu.memory_space<hbm>> -> memref<64x128xi32, #tpu.memory_space<hbm>>
    tpu.enqueue_dma source(%dma_start3A_99 : memref<64x128xi32, #tpu.memory_space<hbm>>) target(%arg7 : memref<64x128xi32, #tpu.memory_space<vmem>>) target_semaphore(%arg11 : memref<!tpu.dma_semaphore, #tpu.memory_space<semaphore_mem>>)
    %dma_wait3A_100 = arith.constant 0 : i32
    %dma_wait3A_101 = tpu.memref_slice %arg3[%add3A_91, %dma_wait3A_100] : memref<2624x128xi32, #tpu.memory_space<hbm>> -> memref<64x128xi32, #tpu.memory_space<hbm>>
    %dma_wait3A_102 = arith.constant 0 : i32
    %dma_wait3A_103 = tpu.memref_slice %arg3[%add3A_91, %dma_wait3A_102] : memref<2624x128xi32, #tpu.memory_space<hbm>> -> memref<64x128xi32, #tpu.memory_space<hbm>>
    tpu.wait_dma2 semaphore(%arg11 : memref<!tpu.dma_semaphore, #tpu.memory_space<semaphore_mem>>) src(%dma_wait3A_103 : memref<64x128xi32, #tpu.memory_space<hbm>>) dst(%arg6 : memref<64x128xi32, #tpu.memory_space<vmem>>)
    %dma_wait3A_104 = arith.constant 0 : i32
    %dma_wait3A_105 = tpu.memref_slice %arg4[%add3A_91, %dma_wait3A_104] : memref<2624x128xi32, #tpu.memory_space<hbm>> -> memref<64x128xi32, #tpu.memory_space<hbm>>
    %dma_wait3A_106 = arith.constant 0 : i32
    %dma_wait3A_107 = tpu.memref_slice %arg4[%add3A_91, %dma_wait3A_106] : memref<2624x128xi32, #tpu.memory_space<hbm>> -> memref<64x128xi32, #tpu.memory_space<hbm>>
    tpu.wait_dma2 semaphore(%arg11 : memref<!tpu.dma_semaphore, #tpu.memory_space<semaphore_mem>>) src(%dma_wait3A_107 : memref<64x128xi32, #tpu.memory_space<hbm>>) dst(%arg7 : memref<64x128xi32, #tpu.memory_space<vmem>>)
    %dma_start3A_108 = arith.constant 0 : i32
    %dma_start3A_109 = arith.constant 0 : i32
    %dma_start3A_110 = tpu.memref_slice %arg6[%dma_start3A_108, %dma_start3A_109] : memref<64x128xi32, #tpu.memory_space<vmem>> -> memref<1x128xi32, #tpu.memory_space<vmem>>
    %dma_start3A_111 = tpu.memref_squeeze %dma_start3A_110 : memref<1x128xi32, #tpu.memory_space<vmem>> -> memref<128xi32, #tpu.memory_space<vmem>>
    %dma_start3A_112 = arith.constant 0 : i32
    %dma_start3A_113 = arith.constant 0 : i32
    %dma_start3A_114 = tpu.memref_slice %arg2[%dma_start3A_112, %dma_start3A_113] : memref<10000x128xf32, #tpu.memory_space<hbm>> -> memref<10000x128xf32, #tpu.memory_space<hbm>>
    tpu.enqueue_indirect_dma source(%dma_start3A_114 : memref<10000x128xf32, #tpu.memory_space<hbm>>) target(%arg8 : memref<128x128xf32, #tpu.memory_space<vmem>>) offsets(%dma_start3A_111 : memref<128xi32, #tpu.memory_space<vmem>>) semaphore(%arg11 : memref<!tpu.dma_semaphore, #tpu.memory_space<semaphore_mem>>)
    %dma_start3A_115 = arith.constant 1 : i32
    %dma_start3A_116 = arith.constant 0 : i32
    %dma_start3A_117 = tpu.memref_slice %arg6[%dma_start3A_115, %dma_start3A_116] : memref<64x128xi32, #tpu.memory_space<vmem>> -> memref<1x128xi32, #tpu.memory_space<vmem>>
    %dma_start3A_118 = tpu.memref_squeeze %dma_start3A_117 : memref<1x128xi32, #tpu.memory_space<vmem>> -> memref<128xi32, #tpu.memory_space<vmem>>
    %dma_start3A_119 = arith.constant 0 : i32
    %dma_start3A_120 = arith.constant 0 : i32
    %dma_start3A_121 = tpu.memref_slice %arg2[%dma_start3A_119, %dma_start3A_120] : memref<10000x128xf32, #tpu.memory_space<hbm>> -> memref<10000x128xf32, #tpu.memory_space<hbm>>
    tpu.enqueue_indirect_dma source(%dma_start3A_121 : memref<10000x128xf32, #tpu.memory_space<hbm>>) target(%arg9 : memref<128x128xf32, #tpu.memory_space<vmem>>) offsets(%dma_start3A_118 : memref<128xi32, #tpu.memory_space<vmem>>) semaphore(%arg11 : memref<!tpu.dma_semaphore, #tpu.memory_space<semaphore_mem>>)
    %jit3A_122 = arith.constant 2 : i32
    %div3A = arith.divsi %select_n3A_88, %jit3A_122 : i32
    %sign3A = arith.constant 0 : i32
    %sign3A_123 = arith.cmpi sgt, %select_n3A_88, %sign3A : i32
    %sign3A_124 = arith.extui %sign3A_123 : i1 to i32
    %sign3A_125 = arith.constant 0 : i32
    %sign3A_126 = arith.cmpi slt, %select_n3A_88, %sign3A_125 : i32
    %sign3A_127 = arith.extui %sign3A_126 : i1 to i32
    %sign3A_128 = arith.subi %sign3A_124, %sign3A_127 : i32
    %sign3A_129 = arith.constant 0 : i32
    %sign3A_130 = arith.cmpi sgt, %jit3A_122, %sign3A_129 : i32
    %sign3A_131 = arith.extui %sign3A_130 : i1 to i32
    %sign3A_132 = arith.constant 0 : i32
    %sign3A_133 = arith.cmpi slt, %jit3A_122, %sign3A_132 : i32
    %sign3A_134 = arith.extui %sign3A_133 : i1 to i32
    %sign3A_135 = arith.subi %sign3A_131, %sign3A_134 : i32
    %ne3A = arith.cmpi ne, %sign3A_128, %sign3A_135 : i32
    %rem3A = arith.remsi %select_n3A_88, %jit3A_122 : i32
    %ne3A_136 = arith.constant 0 : i32
    %ne3A_137 = arith.cmpi ne, %rem3A, %ne3A_136 : i32
    %and3A = arith.andi %ne3A, %ne3A_137 : i1
    %sub3A_138 = arith.constant 1 : i32
    %sub3A_139 = arith.subi %div3A, %sub3A_138 : i32
    %select_n3A_140 = arith.select %and3A, %sub3A_139, %div3A : i32
    %sub3A_141 = arith.constant 1 : i32
    %sub3A_142 = arith.subi %select_n3A_140, %sub3A_141 : i32
    %while3A = arith.constant 0 : i32
    %while3A_143 = arith.constant 0 : i32
    %while3A_144 = arith.subi %sub3A_142, %while3A_143 : i32
    %while3A_145 = arith.addi %while3A_143, %while3A_144 : i32
    %while3A_146 = arith.constant 1 : i32
    %while3A_147 = arith.divsi %while3A_144, %while3A_146 : i32
    %while3A_148 = arith.muli %while3A_147, %while3A_146 : i32
    %while3A_149 = arith.addi %while3A_143, %while3A_148 : i32
    %while3A_150 = arith.constant 1 : i32
    scf.for %while3A_258 = %while3A_143 to %while3A_149 step %while3A_150  : i32 {
      %mul3A_259 = arith.constant 2 : i32
      %mul3A_260 = arith.muli %mul3A_259, %while3A_258 : i32
      %dma_wait3A_261 = arith.constant 0 : i32
      %dma_wait3A_262 = tpu.memref_slice %arg6[%mul3A_260, %dma_wait3A_261] : memref<64x128xi32, #tpu.memory_space<vmem>> -> memref<1x128xi32, #tpu.memory_space<vmem>>
      %dma_wait3A_263 = tpu.memref_squeeze %dma_wait3A_262 : memref<1x128xi32, #tpu.memory_space<vmem>> -> memref<128xi32, #tpu.memory_space<vmem>>
      %dma_wait3A_264 = arith.constant 0 : i32
      %dma_wait3A_265 = arith.constant 0 : i32
      %dma_wait3A_266 = tpu.memref_slice %arg2[%dma_wait3A_264, %dma_wait3A_265] : memref<10000x128xf32, #tpu.memory_space<hbm>> -> memref<10000x128xf32, #tpu.memory_space<hbm>>
      tpu.wait_indirect_dma semaphore(%arg11 : memref<!tpu.dma_semaphore, #tpu.memory_space<semaphore_mem>>) src(%dma_wait3A_266 : memref<10000x128xf32, #tpu.memory_space<hbm>>) dst(%arg8 : memref<128x128xf32, #tpu.memory_space<vmem>>)
      %add3A_267 = arith.constant 1 : i32
      %add3A_268 = arith.addi %mul3A_260, %add3A_267 : i32
      %dma_wait3A_269 = arith.constant 0 : i32
      %dma_wait3A_270 = tpu.memref_slice %arg6[%add3A_268, %dma_wait3A_269] : memref<64x128xi32, #tpu.memory_space<vmem>> -> memref<1x128xi32, #tpu.memory_space<vmem>>
      %dma_wait3A_271 = tpu.memref_squeeze %dma_wait3A_270 : memref<1x128xi32, #tpu.memory_space<vmem>> -> memref<128xi32, #tpu.memory_space<vmem>>
      %dma_wait3A_272 = arith.constant 0 : i32
      %dma_wait3A_273 = arith.constant 0 : i32
      %dma_wait3A_274 = tpu.memref_slice %arg2[%dma_wait3A_272, %dma_wait3A_273] : memref<10000x128xf32, #tpu.memory_space<hbm>> -> memref<10000x128xf32, #tpu.memory_space<hbm>>
      tpu.wait_indirect_dma semaphore(%arg11 : memref<!tpu.dma_semaphore, #tpu.memory_space<semaphore_mem>>) src(%dma_wait3A_274 : memref<10000x128xf32, #tpu.memory_space<hbm>>) dst(%arg9 : memref<128x128xf32, #tpu.memory_space<vmem>>)
      "tpu.region"() ({
        %run_scoped3A = tpu.sem_alloc : memref<!tpu.dma_semaphore, #tpu.memory_space<semaphore_mem>>
        %dma_start3A_293 = arith.constant 0 : i32
        %dma_start3A_294 = tpu.memref_slice %arg7[%mul3A_260, %dma_start3A_293] : memref<64x128xi32, #tpu.memory_space<vmem>> -> memref<1x128xi32, #tpu.memory_space<vmem>>
        %dma_start3A_295 = tpu.memref_squeeze %dma_start3A_294 : memref<1x128xi32, #tpu.memory_space<vmem>> -> memref<128xi32, #tpu.memory_space<vmem>>
        %dma_start3A_296 = arith.constant 0 : i32
        %dma_start3A_297 = arith.constant 0 : i32
        %dma_start3A_298 = tpu.memref_slice %arg10[%dma_start3A_296, %dma_start3A_297] : memref<10112x128xf32, #tpu.memory_space<vmem_shared>> -> memref<10112x128xf32, #tpu.memory_space<vmem_shared>>
        tpu.enqueue_indirect_dma source(%arg8 : memref<128x128xf32, #tpu.memory_space<vmem>>) target(%dma_start3A_298 : memref<10112x128xf32, #tpu.memory_space<vmem_shared>>) offsets(%dma_start3A_295 : memref<128xi32, #tpu.memory_space<vmem>>) semaphore(%run_scoped3A : memref<!tpu.dma_semaphore, #tpu.memory_space<semaphore_mem>>) {add = true}
        %dma_wait3A_299 = arith.constant 0 : i32
        %dma_wait3A_300 = tpu.memref_slice %arg7[%mul3A_260, %dma_wait3A_299] : memref<64x128xi32, #tpu.memory_space<vmem>> -> memref<1x128xi32, #tpu.memory_space<vmem>>
        %dma_wait3A_301 = tpu.memref_squeeze %dma_wait3A_300 : memref<1x128xi32, #tpu.memory_space<vmem>> -> memref<128xi32, #tpu.memory_space<vmem>>
        %dma_wait3A_302 = arith.constant 0 : i32
        %dma_wait3A_303 = arith.constant 0 : i32
        %dma_wait3A_304 = tpu.memref_slice %arg10[%dma_wait3A_302, %dma_wait3A_303] : memref<10112x128xf32, #tpu.memory_space<vmem_shared>> -> memref<10112x128xf32, #tpu.memory_space<vmem_shared>>
        tpu.wait_indirect_dma semaphore(%run_scoped3A : memref<!tpu.dma_semaphore, #tpu.memory_space<semaphore_mem>>) src(%arg8 : memref<128x128xf32, #tpu.memory_space<vmem>>) dst(%dma_wait3A_304 : memref<10112x128xf32, #tpu.memory_space<vmem_shared>>)
        tpu.yield
      }) : () -> ()
      %add3A_275 = arith.constant 1 : i32
      %add3A_276 = arith.addi %mul3A_260, %add3A_275 : i32
      "tpu.region"() ({
        %run_scoped3A = tpu.sem_alloc : memref<!tpu.dma_semaphore, #tpu.memory_space<semaphore_mem>>
        %dma_start3A_293 = arith.constant 0 : i32
        %dma_start3A_294 = tpu.memref_slice %arg7[%add3A_276, %dma_start3A_293] : memref<64x128xi32, #tpu.memory_space<vmem>> -> memref<1x128xi32, #tpu.memory_space<vmem>>
        %dma_start3A_295 = tpu.memref_squeeze %dma_start3A_294 : memref<1x128xi32, #tpu.memory_space<vmem>> -> memref<128xi32, #tpu.memory_space<vmem>>
        %dma_start3A_296 = arith.constant 0 : i32
        %dma_start3A_297 = arith.constant 0 : i32
        %dma_start3A_298 = tpu.memref_slice %arg10[%dma_start3A_296, %dma_start3A_297] : memref<10112x128xf32, #tpu.memory_space<vmem_shared>> -> memref<10112x128xf32, #tpu.memory_space<vmem_shared>>
        tpu.enqueue_indirect_dma source(%arg9 : memref<128x128xf32, #tpu.memory_space<vmem>>) target(%dma_start3A_298 : memref<10112x128xf32, #tpu.memory_space<vmem_shared>>) offsets(%dma_start3A_295 : memref<128xi32, #tpu.memory_space<vmem>>) semaphore(%run_scoped3A : memref<!tpu.dma_semaphore, #tpu.memory_space<semaphore_mem>>) {add = true}
        %dma_wait3A_299 = arith.constant 0 : i32
        %dma_wait3A_300 = tpu.memref_slice %arg7[%add3A_276, %dma_wait3A_299] : memref<64x128xi32, #tpu.memory_space<vmem>> -> memref<1x128xi32, #tpu.memory_space<vmem>>
        %dma_wait3A_301 = tpu.memref_squeeze %dma_wait3A_300 : memref<1x128xi32, #tpu.memory_space<vmem>> -> memref<128xi32, #tpu.memory_space<vmem>>
        %dma_wait3A_302 = arith.constant 0 : i32
        %dma_wait3A_303 = arith.constant 0 : i32
        %dma_wait3A_304 = tpu.memref_slice %arg10[%dma_wait3A_302, %dma_wait3A_303] : memref<10112x128xf32, #tpu.memory_space<vmem_shared>> -> memref<10112x128xf32, #tpu.memory_space<vmem_shared>>
        tpu.wait_indirect_dma semaphore(%run_scoped3A : memref<!tpu.dma_semaphore, #tpu.memory_space<semaphore_mem>>) src(%arg9 : memref<128x128xf32, #tpu.memory_space<vmem>>) dst(%dma_wait3A_304 : memref<10112x128xf32, #tpu.memory_space<vmem_shared>>)
        tpu.yield
      }) : () -> ()
      %add3A_277 = arith.constant 2 : i32
      %add3A_278 = arith.addi %mul3A_260, %add3A_277 : i32
      %dma_start3A_279 = arith.constant 0 : i32
      %dma_start3A_280 = tpu.memref_slice %arg6[%add3A_278, %dma_start3A_279] : memref<64x128xi32, #tpu.memory_space<vmem>> -> memref<1x128xi32, #tpu.memory_space<vmem>>
      %dma_start3A_281 = tpu.memref_squeeze %dma_start3A_280 : memref<1x128xi32, #tpu.memory_space<vmem>> -> memref<128xi32, #tpu.memory_space<vmem>>
      %dma_start3A_282 = arith.constant 0 : i32
      %dma_start3A_283 = arith.constant 0 : i32
      %dma_start3A_284 = tpu.memref_slice %arg2[%dma_start3A_282, %dma_start3A_283] : memref<10000x128xf32, #tpu.memory_space<hbm>> -> memref<10000x128xf32, #tpu.memory_space<hbm>>
      tpu.enqueue_indirect_dma source(%dma_start3A_284 : memref<10000x128xf32, #tpu.memory_space<hbm>>) target(%arg8 : memref<128x128xf32, #tpu.memory_space<vmem>>) offsets(%dma_start3A_281 : memref<128xi32, #tpu.memory_space<vmem>>) semaphore(%arg11 : memref<!tpu.dma_semaphore, #tpu.memory_space<semaphore_mem>>)
      %add3A_285 = arith.constant 3 : i32
      %add3A_286 = arith.addi %mul3A_260, %add3A_285 : i32
      %dma_start3A_287 = arith.constant 0 : i32
      %dma_start3A_288 = tpu.memref_slice %arg6[%add3A_286, %dma_start3A_287] : memref<64x128xi32, #tpu.memory_space<vmem>> -> memref<1x128xi32, #tpu.memory_space<vmem>>
      %dma_start3A_289 = tpu.memref_squeeze %dma_start3A_288 : memref<1x128xi32, #tpu.memory_space<vmem>> -> memref<128xi32, #tpu.memory_space<vmem>>
      %dma_start3A_290 = arith.constant 0 : i32
      %dma_start3A_291 = arith.constant 0 : i32
      %dma_start3A_292 = tpu.memref_slice %arg2[%dma_start3A_290, %dma_start3A_291] : memref<10000x128xf32, #tpu.memory_space<hbm>> -> memref<10000x128xf32, #tpu.memory_space<hbm>>
      tpu.enqueue_indirect_dma source(%dma_start3A_292 : memref<10000x128xf32, #tpu.memory_space<hbm>>) target(%arg9 : memref<128x128xf32, #tpu.memory_space<vmem>>) offsets(%dma_start3A_289 : memref<128xi32, #tpu.memory_space<vmem>>) semaphore(%arg11 : memref<!tpu.dma_semaphore, #tpu.memory_space<semaphore_mem>>)
    }
    %while3A_151 = arith.constant 1 : i32
    scf.for %while3A_258 = %while3A_149 to %while3A_145 step %while3A_151  : i32 {
      %mul3A_259 = arith.constant 2 : i32
      %mul3A_260 = arith.muli %mul3A_259, %while3A_258 : i32
      %dma_wait3A_261 = arith.constant 0 : i32
      %dma_wait3A_262 = tpu.memref_slice %arg6[%mul3A_260, %dma_wait3A_261] : memref<64x128xi32, #tpu.memory_space<vmem>> -> memref<1x128xi32, #tpu.memory_space<vmem>>
      %dma_wait3A_263 = tpu.memref_squeeze %dma_wait3A_262 : memref<1x128xi32, #tpu.memory_space<vmem>> -> memref<128xi32, #tpu.memory_space<vmem>>
      %dma_wait3A_264 = arith.constant 0 : i32
      %dma_wait3A_265 = arith.constant 0 : i32
      %dma_wait3A_266 = tpu.memref_slice %arg2[%dma_wait3A_264, %dma_wait3A_265] : memref<10000x128xf32, #tpu.memory_space<hbm>> -> memref<10000x128xf32, #tpu.memory_space<hbm>>
      tpu.wait_indirect_dma semaphore(%arg11 : memref<!tpu.dma_semaphore, #tpu.memory_space<semaphore_mem>>) src(%dma_wait3A_266 : memref<10000x128xf32, #tpu.memory_space<hbm>>) dst(%arg8 : memref<128x128xf32, #tpu.memory_space<vmem>>)
      %add3A_267 = arith.constant 1 : i32
      %add3A_268 = arith.addi %mul3A_260, %add3A_267 : i32
      %dma_wait3A_269 = arith.constant 0 : i32
      %dma_wait3A_270 = tpu.memref_slice %arg6[%add3A_268, %dma_wait3A_269] : memref<64x128xi32, #tpu.memory_space<vmem>> -> memref<1x128xi32, #tpu.memory_space<vmem>>
      %dma_wait3A_271 = tpu.memref_squeeze %dma_wait3A_270 : memref<1x128xi32, #tpu.memory_space<vmem>> -> memref<128xi32, #tpu.memory_space<vmem>>
      %dma_wait3A_272 = arith.constant 0 : i32
      %dma_wait3A_273 = arith.constant 0 : i32
      %dma_wait3A_274 = tpu.memref_slice %arg2[%dma_wait3A_272, %dma_wait3A_273] : memref<10000x128xf32, #tpu.memory_space<hbm>> -> memref<10000x128xf32, #tpu.memory_space<hbm>>
      tpu.wait_indirect_dma semaphore(%arg11 : memref<!tpu.dma_semaphore, #tpu.memory_space<semaphore_mem>>) src(%dma_wait3A_274 : memref<10000x128xf32, #tpu.memory_space<hbm>>) dst(%arg9 : memref<128x128xf32, #tpu.memory_space<vmem>>)
      "tpu.region"() ({
        %run_scoped3A = tpu.sem_alloc : memref<!tpu.dma_semaphore, #tpu.memory_space<semaphore_mem>>
        %dma_start3A_293 = arith.constant 0 : i32
        %dma_start3A_294 = tpu.memref_slice %arg7[%mul3A_260, %dma_start3A_293] : memref<64x128xi32, #tpu.memory_space<vmem>> -> memref<1x128xi32, #tpu.memory_space<vmem>>
        %dma_start3A_295 = tpu.memref_squeeze %dma_start3A_294 : memref<1x128xi32, #tpu.memory_space<vmem>> -> memref<128xi32, #tpu.memory_space<vmem>>
        %dma_start3A_296 = arith.constant 0 : i32
        %dma_start3A_297 = arith.constant 0 : i32
        %dma_start3A_298 = tpu.memref_slice %arg10[%dma_start3A_296, %dma_start3A_297] : memref<10112x128xf32, #tpu.memory_space<vmem_shared>> -> memref<10112x128xf32, #tpu.memory_space<vmem_shared>>
        tpu.enqueue_indirect_dma source(%arg8 : memref<128x128xf32, #tpu.memory_space<vmem>>) target(%dma_start3A_298 : memref<10112x128xf32, #tpu.memory_space<vmem_shared>>) offsets(%dma_start3A_295 : memref<128xi32, #tpu.memory_space<vmem>>) semaphore(%run_scoped3A : memref<!tpu.dma_semaphore, #tpu.memory_space<semaphore_mem>>) {add = true}
        %dma_wait3A_299 = arith.constant 0 : i32
        %dma_wait3A_300 = tpu.memref_slice %arg7[%mul3A_260, %dma_wait3A_299] : memref<64x128xi32, #tpu.memory_space<vmem>> -> memref<1x128xi32, #tpu.memory_space<vmem>>
        %dma_wait3A_301 = tpu.memref_squeeze %dma_wait3A_300 : memref<1x128xi32, #tpu.memory_space<vmem>> -> memref<128xi32, #tpu.memory_space<vmem>>
        %dma_wait3A_302 = arith.constant 0 : i32
        %dma_wait3A_303 = arith.constant 0 : i32
        %dma_wait3A_304 = tpu.memref_slice %arg10[%dma_wait3A_302, %dma_wait3A_303] : memref<10112x128xf32, #tpu.memory_space<vmem_shared>> -> memref<10112x128xf32, #tpu.memory_space<vmem_shared>>
        tpu.wait_indirect_dma semaphore(%run_scoped3A : memref<!tpu.dma_semaphore, #tpu.memory_space<semaphore_mem>>) src(%arg8 : memref<128x128xf32, #tpu.memory_space<vmem>>) dst(%dma_wait3A_304 : memref<10112x128xf32, #tpu.memory_space<vmem_shared>>)
        tpu.yield
      }) : () -> ()
      %add3A_275 = arith.constant 1 : i32
      %add3A_276 = arith.addi %mul3A_260, %add3A_275 : i32
      "tpu.region"() ({
        %run_scoped3A = tpu.sem_alloc : memref<!tpu.dma_semaphore, #tpu.memory_space<semaphore_mem>>
        %dma_start3A_293 = arith.constant 0 : i32
        %dma_start3A_294 = tpu.memref_slice %arg7[%add3A_276, %dma_start3A_293] : memref<64x128xi32, #tpu.memory_space<vmem>> -> memref<1x128xi32, #tpu.memory_space<vmem>>
        %dma_start3A_295 = tpu.memref_squeeze %dma_start3A_294 : memref<1x128xi32, #tpu.memory_space<vmem>> -> memref<128xi32, #tpu.memory_space<vmem>>
        %dma_start3A_296 = arith.constant 0 : i32
        %dma_start3A_297 = arith.constant 0 : i32
        %dma_start3A_298 = tpu.memref_slice %arg10[%dma_start3A_296, %dma_start3A_297] : memref<10112x128xf32, #tpu.memory_space<vmem_shared>> -> memref<10112x128xf32, #tpu.memory_space<vmem_shared>>
        tpu.enqueue_indirect_dma source(%arg9 : memref<128x128xf32, #tpu.memory_space<vmem>>) target(%dma_start3A_298 : memref<10112x128xf32, #tpu.memory_space<vmem_shared>>) offsets(%dma_start3A_295 : memref<128xi32, #tpu.memory_space<vmem>>) semaphore(%run_scoped3A : memref<!tpu.dma_semaphore, #tpu.memory_space<semaphore_mem>>) {add = true}
        %dma_wait3A_299 = arith.constant 0 : i32
        %dma_wait3A_300 = tpu.memref_slice %arg7[%add3A_276, %dma_wait3A_299] : memref<64x128xi32, #tpu.memory_space<vmem>> -> memref<1x128xi32, #tpu.memory_space<vmem>>
        %dma_wait3A_301 = tpu.memref_squeeze %dma_wait3A_300 : memref<1x128xi32, #tpu.memory_space<vmem>> -> memref<128xi32, #tpu.memory_space<vmem>>
        %dma_wait3A_302 = arith.constant 0 : i32
        %dma_wait3A_303 = arith.constant 0 : i32
        %dma_wait3A_304 = tpu.memref_slice %arg10[%dma_wait3A_302, %dma_wait3A_303] : memref<10112x128xf32, #tpu.memory_space<vmem_shared>> -> memref<10112x128xf32, #tpu.memory_space<vmem_shared>>
        tpu.wait_indirect_dma semaphore(%run_scoped3A : memref<!tpu.dma_semaphore, #tpu.memory_space<semaphore_mem>>) src(%arg9 : memref<128x128xf32, #tpu.memory_space<vmem>>) dst(%dma_wait3A_304 : memref<10112x128xf32, #tpu.memory_space<vmem_shared>>)
        tpu.yield
      }) : () -> ()
      %add3A_277 = arith.constant 2 : i32
      %add3A_278 = arith.addi %mul3A_260, %add3A_277 : i32
      %dma_start3A_279 = arith.constant 0 : i32
      %dma_start3A_280 = tpu.memref_slice %arg6[%add3A_278, %dma_start3A_279] : memref<64x128xi32, #tpu.memory_space<vmem>> -> memref<1x128xi32, #tpu.memory_space<vmem>>
      %dma_start3A_281 = tpu.memref_squeeze %dma_start3A_280 : memref<1x128xi32, #tpu.memory_space<vmem>> -> memref<128xi32, #tpu.memory_space<vmem>>
      %dma_start3A_282 = arith.constant 0 : i32
      %dma_start3A_283 = arith.constant 0 : i32
      %dma_start3A_284 = tpu.memref_slice %arg2[%dma_start3A_282, %dma_start3A_283] : memref<10000x128xf32, #tpu.memory_space<hbm>> -> memref<10000x128xf32, #tpu.memory_space<hbm>>
      tpu.enqueue_indirect_dma source(%dma_start3A_284 : memref<10000x128xf32, #tpu.memory_space<hbm>>) target(%arg8 : memref<128x128xf32, #tpu.memory_space<vmem>>) offsets(%dma_start3A_281 : memref<128xi32, #tpu.memory_space<vmem>>) semaphore(%arg11 : memref<!tpu.dma_semaphore, #tpu.memory_space<semaphore_mem>>)
      %add3A_285 = arith.constant 3 : i32
      %add3A_286 = arith.addi %mul3A_260, %add3A_285 : i32
      %dma_start3A_287 = arith.constant 0 : i32
      %dma_start3A_288 = tpu.memref_slice %arg6[%add3A_286, %dma_start3A_287] : memref<64x128xi32, #tpu.memory_space<vmem>> -> memref<1x128xi32, #tpu.memory_space<vmem>>
      %dma_start3A_289 = tpu.memref_squeeze %dma_start3A_288 : memref<1x128xi32, #tpu.memory_space<vmem>> -> memref<128xi32, #tpu.memory_space<vmem>>
      %dma_start3A_290 = arith.constant 0 : i32
      %dma_start3A_291 = arith.constant 0 : i32
      %dma_start3A_292 = tpu.memref_slice %arg2[%dma_start3A_290, %dma_start3A_291] : memref<10000x128xf32, #tpu.memory_space<hbm>> -> memref<10000x128xf32, #tpu.memory_space<hbm>>
      tpu.enqueue_indirect_dma source(%dma_start3A_292 : memref<10000x128xf32, #tpu.memory_space<hbm>>) target(%arg9 : memref<128x128xf32, #tpu.memory_space<vmem>>) offsets(%dma_start3A_289 : memref<128xi32, #tpu.memory_space<vmem>>) semaphore(%arg11 : memref<!tpu.dma_semaphore, #tpu.memory_space<semaphore_mem>>)
    }
    %sub3A_152 = arith.constant 2 : i32
    %sub3A_153 = arith.subi %select_n3A_88, %sub3A_152 : i32
    %dma_wait3A_154 = arith.constant 0 : i32
    %dma_wait3A_155 = tpu.memref_slice %arg6[%sub3A_153, %dma_wait3A_154] : memref<64x128xi32, #tpu.memory_space<vmem>> -> memref<1x128xi32, #tpu.memory_space<vmem>>
    %dma_wait3A_156 = tpu.memref_squeeze %dma_wait3A_155 : memref<1x128xi32, #tpu.memory_space<vmem>> -> memref<128xi32, #tpu.memory_space<vmem>>
    %dma_wait3A_157 = arith.constant 0 : i32
    %dma_wait3A_158 = arith.constant 0 : i32
    %dma_wait3A_159 = tpu.memref_slice %arg2[%dma_wait3A_157, %dma_wait3A_158] : memref<10000x128xf32, #tpu.memory_space<hbm>> -> memref<10000x128xf32, #tpu.memory_space<hbm>>
    tpu.wait_indirect_dma semaphore(%arg11 : memref<!tpu.dma_semaphore, #tpu.memory_space<semaphore_mem>>) src(%dma_wait3A_159 : memref<10000x128xf32, #tpu.memory_space<hbm>>) dst(%arg8 : memref<128x128xf32, #tpu.memory_space<vmem>>)
    %add3A_160 = arith.constant 1 : i32
    %add3A_161 = arith.addi %sub3A_153, %add3A_160 : i32
    %dma_wait3A_162 = arith.constant 0 : i32
    %dma_wait3A_163 = tpu.memref_slice %arg6[%add3A_161, %dma_wait3A_162] : memref<64x128xi32, #tpu.memory_space<vmem>> -> memref<1x128xi32, #tpu.memory_space<vmem>>
    %dma_wait3A_164 = tpu.memref_squeeze %dma_wait3A_163 : memref<1x128xi32, #tpu.memory_space<vmem>> -> memref<128xi32, #tpu.memory_space<vmem>>
    %dma_wait3A_165 = arith.constant 0 : i32
    %dma_wait3A_166 = arith.constant 0 : i32
    %dma_wait3A_167 = tpu.memref_slice %arg2[%dma_wait3A_165, %dma_wait3A_166] : memref<10000x128xf32, #tpu.memory_space<hbm>> -> memref<10000x128xf32, #tpu.memory_space<hbm>>
    tpu.wait_indirect_dma semaphore(%arg11 : memref<!tpu.dma_semaphore, #tpu.memory_space<semaphore_mem>>) src(%dma_wait3A_167 : memref<10000x128xf32, #tpu.memory_space<hbm>>) dst(%arg9 : memref<128x128xf32, #tpu.memory_space<vmem>>)
    "tpu.region"() ({
      %run_scoped3A = tpu.sem_alloc : memref<!tpu.dma_semaphore, #tpu.memory_space<semaphore_mem>>
      %dma_start3A_258 = arith.constant 0 : i32
      %dma_start3A_259 = tpu.memref_slice %arg7[%sub3A_153, %dma_start3A_258] : memref<64x128xi32, #tpu.memory_space<vmem>> -> memref<1x128xi32, #tpu.memory_space<vmem>>
      %dma_start3A_260 = tpu.memref_squeeze %dma_start3A_259 : memref<1x128xi32, #tpu.memory_space<vmem>> -> memref<128xi32, #tpu.memory_space<vmem>>
      %dma_start3A_261 = arith.constant 0 : i32
      %dma_start3A_262 = arith.constant 0 : i32
      %dma_start3A_263 = tpu.memref_slice %arg10[%dma_start3A_261, %dma_start3A_262] : memref<10112x128xf32, #tpu.memory_space<vmem_shared>> -> memref<10112x128xf32, #tpu.memory_space<vmem_shared>>
      tpu.enqueue_indirect_dma source(%arg8 : memref<128x128xf32, #tpu.memory_space<vmem>>) target(%dma_start3A_263 : memref<10112x128xf32, #tpu.memory_space<vmem_shared>>) offsets(%dma_start3A_260 : memref<128xi32, #tpu.memory_space<vmem>>) semaphore(%run_scoped3A : memref<!tpu.dma_semaphore, #tpu.memory_space<semaphore_mem>>) {add = true}
      %dma_wait3A_264 = arith.constant 0 : i32
      %dma_wait3A_265 = tpu.memref_slice %arg7[%sub3A_153, %dma_wait3A_264] : memref<64x128xi32, #tpu.memory_space<vmem>> -> memref<1x128xi32, #tpu.memory_space<vmem>>
      %dma_wait3A_266 = tpu.memref_squeeze %dma_wait3A_265 : memref<1x128xi32, #tpu.memory_space<vmem>> -> memref<128xi32, #tpu.memory_space<vmem>>
      %dma_wait3A_267 = arith.constant 0 : i32
      %dma_wait3A_268 = arith.constant 0 : i32
      %dma_wait3A_269 = tpu.memref_slice %arg10[%dma_wait3A_267, %dma_wait3A_268] : memref<10112x128xf32, #tpu.memory_space<vmem_shared>> -> memref<10112x128xf32, #tpu.memory_space<vmem_shared>>
      tpu.wait_indirect_dma semaphore(%run_scoped3A : memref<!tpu.dma_semaphore, #tpu.memory_space<semaphore_mem>>) src(%arg8 : memref<128x128xf32, #tpu.memory_space<vmem>>) dst(%dma_wait3A_269 : memref<10112x128xf32, #tpu.memory_space<vmem_shared>>)
      tpu.yield
    }) : () -> ()
    %add3A_168 = arith.constant 1 : i32
    %add3A_169 = arith.addi %sub3A_153, %add3A_168 : i32
    "tpu.region"() ({
      %run_scoped3A = tpu.sem_alloc : memref<!tpu.dma_semaphore, #tpu.memory_space<semaphore_mem>>
      %dma_start3A_258 = arith.constant 0 : i32
      %dma_start3A_259 = tpu.memref_slice %arg7[%add3A_169, %dma_start3A_258] : memref<64x128xi32, #tpu.memory_space<vmem>> -> memref<1x128xi32, #tpu.memory_space<vmem>>
      %dma_start3A_260 = tpu.memref_squeeze %dma_start3A_259 : memref<1x128xi32, #tpu.memory_space<vmem>> -> memref<128xi32, #tpu.memory_space<vmem>>
      %dma_start3A_261 = arith.constant 0 : i32
      %dma_start3A_262 = arith.constant 0 : i32
      %dma_start3A_263 = tpu.memref_slice %arg10[%dma_start3A_261, %dma_start3A_262] : memref<10112x128xf32, #tpu.memory_space<vmem_shared>> -> memref<10112x128xf32, #tpu.memory_space<vmem_shared>>
      tpu.enqueue_indirect_dma source(%arg9 : memref<128x128xf32, #tpu.memory_space<vmem>>) target(%dma_start3A_263 : memref<10112x128xf32, #tpu.memory_space<vmem_shared>>) offsets(%dma_start3A_260 : memref<128xi32, #tpu.memory_space<vmem>>) semaphore(%run_scoped3A : memref<!tpu.dma_semaphore, #tpu.memory_space<semaphore_mem>>) {add = true}
      %dma_wait3A_264 = arith.constant 0 : i32
      %dma_wait3A_265 = tpu.memref_slice %arg7[%add3A_169, %dma_wait3A_264] : memref<64x128xi32, #tpu.memory_space<vmem>> -> memref<1x128xi32, #tpu.memory_space<vmem>>
      %dma_wait3A_266 = tpu.memref_squeeze %dma_wait3A_265 : memref<1x128xi32, #tpu.memory_space<vmem>> -> memref<128xi32, #tpu.memory_space<vmem>>
      %dma_wait3A_267 = arith.constant 0 : i32
      %dma_wait3A_268 = arith.constant 0 : i32
      %dma_wait3A_269 = tpu.memref_slice %arg10[%dma_wait3A_267, %dma_wait3A_268] : memref<10112x128xf32, #tpu.memory_space<vmem_shared>> -> memref<10112x128xf32, #tpu.memory_space<vmem_shared>>
      tpu.wait_indirect_dma semaphore(%run_scoped3A : memref<!tpu.dma_semaphore, #tpu.memory_space<semaphore_mem>>) src(%arg9 : memref<128x128xf32, #tpu.memory_space<vmem>>) dst(%dma_wait3A_269 : memref<10112x128xf32, #tpu.memory_space<vmem_shared>>)
      tpu.yield
    }) : () -> ()
    %mul3A_170 = arith.constant 1 : i32
    %mul3A_171 = arith.muli %mul3A_170, %select_n3A_88 : i32
    %add3A_172 = arith.addi %select_n3A, %mul3A_171 : i32
    %dma_start3A_173 = arith.constant 0 : i32
    %dma_start3A_174 = tpu.memref_slice %arg3[%add3A_172, %dma_start3A_173] : memref<2624x128xi32, #tpu.memory_space<hbm>> -> memref<64x128xi32, #tpu.memory_space<hbm>>
    %dma_start3A_175 = arith.constant 0 : i32
    %dma_start3A_176 = tpu.memref_slice %arg3[%add3A_172, %dma_start3A_175] : memref<2624x128xi32, #tpu.memory_space<hbm>> -> memref<64x128xi32, #tpu.memory_space<hbm>>
    tpu.enqueue_dma source(%dma_start3A_176 : memref<64x128xi32, #tpu.memory_space<hbm>>) target(%arg6 : memref<64x128xi32, #tpu.memory_space<vmem>>) target_semaphore(%arg11 : memref<!tpu.dma_semaphore, #tpu.memory_space<semaphore_mem>>)
    %dma_start3A_177 = arith.constant 0 : i32
    %dma_start3A_178 = tpu.memref_slice %arg4[%add3A_172, %dma_start3A_177] : memref<2624x128xi32, #tpu.memory_space<hbm>> -> memref<64x128xi32, #tpu.memory_space<hbm>>
    %dma_start3A_179 = arith.constant 0 : i32
    %dma_start3A_180 = tpu.memref_slice %arg4[%add3A_172, %dma_start3A_179] : memref<2624x128xi32, #tpu.memory_space<hbm>> -> memref<64x128xi32, #tpu.memory_space<hbm>>
    tpu.enqueue_dma source(%dma_start3A_180 : memref<64x128xi32, #tpu.memory_space<hbm>>) target(%arg7 : memref<64x128xi32, #tpu.memory_space<vmem>>) target_semaphore(%arg11 : memref<!tpu.dma_semaphore, #tpu.memory_space<semaphore_mem>>)
    %dma_wait3A_181 = arith.constant 0 : i32
    %dma_wait3A_182 = tpu.memref_slice %arg3[%add3A_172, %dma_wait3A_181] : memref<2624x128xi32, #tpu.memory_space<hbm>> -> memref<64x128xi32, #tpu.memory_space<hbm>>
    %dma_wait3A_183 = arith.constant 0 : i32
    %dma_wait3A_184 = tpu.memref_slice %arg3[%add3A_172, %dma_wait3A_183] : memref<2624x128xi32, #tpu.memory_space<hbm>> -> memref<64x128xi32, #tpu.memory_space<hbm>>
    tpu.wait_dma2 semaphore(%arg11 : memref<!tpu.dma_semaphore, #tpu.memory_space<semaphore_mem>>) src(%dma_wait3A_184 : memref<64x128xi32, #tpu.memory_space<hbm>>) dst(%arg6 : memref<64x128xi32, #tpu.memory_space<vmem>>)
    %dma_wait3A_185 = arith.constant 0 : i32
    %dma_wait3A_186 = tpu.memref_slice %arg4[%add3A_172, %dma_wait3A_185] : memref<2624x128xi32, #tpu.memory_space<hbm>> -> memref<64x128xi32, #tpu.memory_space<hbm>>
    %dma_wait3A_187 = arith.constant 0 : i32
    %dma_wait3A_188 = tpu.memref_slice %arg4[%add3A_172, %dma_wait3A_187] : memref<2624x128xi32, #tpu.memory_space<hbm>> -> memref<64x128xi32, #tpu.memory_space<hbm>>
    tpu.wait_dma2 semaphore(%arg11 : memref<!tpu.dma_semaphore, #tpu.memory_space<semaphore_mem>>) src(%dma_wait3A_188 : memref<64x128xi32, #tpu.memory_space<hbm>>) dst(%arg7 : memref<64x128xi32, #tpu.memory_space<vmem>>)
    %dma_start3A_189 = arith.constant 0 : i32
    %dma_start3A_190 = arith.constant 0 : i32
    %dma_start3A_191 = tpu.memref_slice %arg6[%dma_start3A_189, %dma_start3A_190] : memref<64x128xi32, #tpu.memory_space<vmem>> -> memref<1x128xi32, #tpu.memory_space<vmem>>
    %dma_start3A_192 = tpu.memref_squeeze %dma_start3A_191 : memref<1x128xi32, #tpu.memory_space<vmem>> -> memref<128xi32, #tpu.memory_space<vmem>>
    %dma_start3A_193 = arith.constant 0 : i32
    %dma_start3A_194 = arith.constant 0 : i32
    %dma_start3A_195 = tpu.memref_slice %arg2[%dma_start3A_193, %dma_start3A_194] : memref<10000x128xf32, #tpu.memory_space<hbm>> -> memref<10000x128xf32, #tpu.memory_space<hbm>>
    tpu.enqueue_indirect_dma source(%dma_start3A_195 : memref<10000x128xf32, #tpu.memory_space<hbm>>) target(%arg8 : memref<128x128xf32, #tpu.memory_space<vmem>>) offsets(%dma_start3A_192 : memref<128xi32, #tpu.memory_space<vmem>>) semaphore(%arg11 : memref<!tpu.dma_semaphore, #tpu.memory_space<semaphore_mem>>)
    %dma_start3A_196 = arith.constant 1 : i32
    %dma_start3A_197 = arith.constant 0 : i32
    %dma_start3A_198 = tpu.memref_slice %arg6[%dma_start3A_196, %dma_start3A_197] : memref<64x128xi32, #tpu.memory_space<vmem>> -> memref<1x128xi32, #tpu.memory_space<vmem>>
    %dma_start3A_199 = tpu.memref_squeeze %dma_start3A_198 : memref<1x128xi32, #tpu.memory_space<vmem>> -> memref<128xi32, #tpu.memory_space<vmem>>
    %dma_start3A_200 = arith.constant 0 : i32
    %dma_start3A_201 = arith.constant 0 : i32
    %dma_start3A_202 = tpu.memref_slice %arg2[%dma_start3A_200, %dma_start3A_201] : memref<10000x128xf32, #tpu.memory_space<hbm>> -> memref<10000x128xf32, #tpu.memory_space<hbm>>
    tpu.enqueue_indirect_dma source(%dma_start3A_202 : memref<10000x128xf32, #tpu.memory_space<hbm>>) target(%arg9 : memref<128x128xf32, #tpu.memory_space<vmem>>) offsets(%dma_start3A_199 : memref<128xi32, #tpu.memory_space<vmem>>) semaphore(%arg11 : memref<!tpu.dma_semaphore, #tpu.memory_space<semaphore_mem>>)
    %jit3A_203 = arith.constant 2 : i32
    %div3A_204 = arith.divsi %select_n3A_88, %jit3A_203 : i32
    %sign3A_205 = arith.constant 0 : i32
    %sign3A_206 = arith.cmpi sgt, %select_n3A_88, %sign3A_205 : i32
    %sign3A_207 = arith.extui %sign3A_206 : i1 to i32
    %sign3A_208 = arith.constant 0 : i32
    %sign3A_209 = arith.cmpi slt, %select_n3A_88, %sign3A_208 : i32
    %sign3A_210 = arith.extui %sign3A_209 : i1 to i32
    %sign3A_211 = arith.subi %sign3A_207, %sign3A_210 : i32
    %sign3A_212 = arith.constant 0 : i32
    %sign3A_213 = arith.cmpi sgt, %jit3A_203, %sign3A_212 : i32
    %sign3A_214 = arith.extui %sign3A_213 : i1 to i32
    %sign3A_215 = arith.constant 0 : i32
    %sign3A_216 = arith.cmpi slt, %jit3A_203, %sign3A_215 : i32
    %sign3A_217 = arith.extui %sign3A_216 : i1 to i32
    %sign3A_218 = arith.subi %sign3A_214, %sign3A_217 : i32
    %ne3A_219 = arith.cmpi ne, %sign3A_211, %sign3A_218 : i32
    %rem3A_220 = arith.remsi %select_n3A_88, %jit3A_203 : i32
    %ne3A_221 = arith.constant 0 : i32
    %ne3A_222 = arith.cmpi ne, %rem3A_220, %ne3A_221 : i32
    %and3A_223 = arith.andi %ne3A_219, %ne3A_222 : i1
    %sub3A_224 = arith.constant 1 : i32
    %sub3A_225 = arith.subi %div3A_204, %sub3A_224 : i32
    %select_n3A_226 = arith.select %and3A_223, %sub3A_225, %div3A_204 : i32
    %sub3A_227 = arith.constant 1 : i32
    %sub3A_228 = arith.subi %select_n3A_226, %sub3A_227 : i32
    %while3A_229 = arith.constant 0 : i32
    %while3A_230 = arith.constant 0 : i32
    %while3A_231 = arith.subi %sub3A_228, %while3A_230 : i32
    %while3A_232 = arith.addi %while3A_230, %while3A_231 : i32
    %while3A_233 = arith.constant 1 : i32
    %while3A_234 = arith.divsi %while3A_231, %while3A_233 : i32
    %while3A_235 = arith.muli %while3A_234, %while3A_233 : i32
    %while3A_236 = arith.addi %while3A_230, %while3A_235 : i32
    %while3A_237 = arith.constant 1 : i32
    scf.for %while3A_258 = %while3A_230 to %while3A_236 step %while3A_237  : i32 {
      %mul3A_259 = arith.constant 2 : i32
      %mul3A_260 = arith.muli %mul3A_259, %while3A_258 : i32
      %dma_wait3A_261 = arith.constant 0 : i32
      %dma_wait3A_262 = tpu.memref_slice %arg6[%mul3A_260, %dma_wait3A_261] : memref<64x128xi32, #tpu.memory_space<vmem>> -> memref<1x128xi32, #tpu.memory_space<vmem>>
      %dma_wait3A_263 = tpu.memref_squeeze %dma_wait3A_262 : memref<1x128xi32, #tpu.memory_space<vmem>> -> memref<128xi32, #tpu.memory_space<vmem>>
      %dma_wait3A_264 = arith.constant 0 : i32
      %dma_wait3A_265 = arith.constant 0 : i32
      %dma_wait3A_266 = tpu.memref_slice %arg2[%dma_wait3A_264, %dma_wait3A_265] : memref<10000x128xf32, #tpu.memory_space<hbm>> -> memref<10000x128xf32, #tpu.memory_space<hbm>>
      tpu.wait_indirect_dma semaphore(%arg11 : memref<!tpu.dma_semaphore, #tpu.memory_space<semaphore_mem>>) src(%dma_wait3A_266 : memref<10000x128xf32, #tpu.memory_space<hbm>>) dst(%arg8 : memref<128x128xf32, #tpu.memory_space<vmem>>)
      %add3A_267 = arith.constant 1 : i32
      %add3A_268 = arith.addi %mul3A_260, %add3A_267 : i32
      %dma_wait3A_269 = arith.constant 0 : i32
      %dma_wait3A_270 = tpu.memref_slice %arg6[%add3A_268, %dma_wait3A_269] : memref<64x128xi32, #tpu.memory_space<vmem>> -> memref<1x128xi32, #tpu.memory_space<vmem>>
      %dma_wait3A_271 = tpu.memref_squeeze %dma_wait3A_270 : memref<1x128xi32, #tpu.memory_space<vmem>> -> memref<128xi32, #tpu.memory_space<vmem>>
      %dma_wait3A_272 = arith.constant 0 : i32
      %dma_wait3A_273 = arith.constant 0 : i32
      %dma_wait3A_274 = tpu.memref_slice %arg2[%dma_wait3A_272, %dma_wait3A_273] : memref<10000x128xf32, #tpu.memory_space<hbm>> -> memref<10000x128xf32, #tpu.memory_space<hbm>>
      tpu.wait_indirect_dma semaphore(%arg11 : memref<!tpu.dma_semaphore, #tpu.memory_space<semaphore_mem>>) src(%dma_wait3A_274 : memref<10000x128xf32, #tpu.memory_space<hbm>>) dst(%arg9 : memref<128x128xf32, #tpu.memory_space<vmem>>)
      "tpu.region"() ({
        %run_scoped3A = tpu.sem_alloc : memref<!tpu.dma_semaphore, #tpu.memory_space<semaphore_mem>>
        %dma_start3A_293 = arith.constant 0 : i32
        %dma_start3A_294 = tpu.memref_slice %arg7[%mul3A_260, %dma_start3A_293] : memref<64x128xi32, #tpu.memory_space<vmem>> -> memref<1x128xi32, #tpu.memory_space<vmem>>
        %dma_start3A_295 = tpu.memref_squeeze %dma_start3A_294 : memref<1x128xi32, #tpu.memory_space<vmem>> -> memref<128xi32, #tpu.memory_space<vmem>>
        %dma_start3A_296 = arith.constant 0 : i32
        %dma_start3A_297 = arith.constant 0 : i32
        %dma_start3A_298 = tpu.memref_slice %arg10[%dma_start3A_296, %dma_start3A_297] : memref<10112x128xf32, #tpu.memory_space<vmem_shared>> -> memref<10112x128xf32, #tpu.memory_space<vmem_shared>>
        tpu.enqueue_indirect_dma source(%arg8 : memref<128x128xf32, #tpu.memory_space<vmem>>) target(%dma_start3A_298 : memref<10112x128xf32, #tpu.memory_space<vmem_shared>>) offsets(%dma_start3A_295 : memref<128xi32, #tpu.memory_space<vmem>>) semaphore(%run_scoped3A : memref<!tpu.dma_semaphore, #tpu.memory_space<semaphore_mem>>) {add = true}
        %dma_wait3A_299 = arith.constant 0 : i32
        %dma_wait3A_300 = tpu.memref_slice %arg7[%mul3A_260, %dma_wait3A_299] : memref<64x128xi32, #tpu.memory_space<vmem>> -> memref<1x128xi32, #tpu.memory_space<vmem>>
        %dma_wait3A_301 = tpu.memref_squeeze %dma_wait3A_300 : memref<1x128xi32, #tpu.memory_space<vmem>> -> memref<128xi32, #tpu.memory_space<vmem>>
        %dma_wait3A_302 = arith.constant 0 : i32
        %dma_wait3A_303 = arith.constant 0 : i32
        %dma_wait3A_304 = tpu.memref_slice %arg10[%dma_wait3A_302, %dma_wait3A_303] : memref<10112x128xf32, #tpu.memory_space<vmem_shared>> -> memref<10112x128xf32, #tpu.memory_space<vmem_shared>>
        tpu.wait_indirect_dma semaphore(%run_scoped3A : memref<!tpu.dma_semaphore, #tpu.memory_space<semaphore_mem>>) src(%arg8 : memref<128x128xf32, #tpu.memory_space<vmem>>) dst(%dma_wait3A_304 : memref<10112x128xf32, #tpu.memory_space<vmem_shared>>)
        tpu.yield
      }) : () -> ()
      %add3A_275 = arith.constant 1 : i32
      %add3A_276 = arith.addi %mul3A_260, %add3A_275 : i32
      "tpu.region"() ({
        %run_scoped3A = tpu.sem_alloc : memref<!tpu.dma_semaphore, #tpu.memory_space<semaphore_mem>>
        %dma_start3A_293 = arith.constant 0 : i32
        %dma_start3A_294 = tpu.memref_slice %arg7[%add3A_276, %dma_start3A_293] : memref<64x128xi32, #tpu.memory_space<vmem>> -> memref<1x128xi32, #tpu.memory_space<vmem>>
        %dma_start3A_295 = tpu.memref_squeeze %dma_start3A_294 : memref<1x128xi32, #tpu.memory_space<vmem>> -> memref<128xi32, #tpu.memory_space<vmem>>
        %dma_start3A_296 = arith.constant 0 : i32
        %dma_start3A_297 = arith.constant 0 : i32
        %dma_start3A_298 = tpu.memref_slice %arg10[%dma_start3A_296, %dma_start3A_297] : memref<10112x128xf32, #tpu.memory_space<vmem_shared>> -> memref<10112x128xf32, #tpu.memory_space<vmem_shared>>
        tpu.enqueue_indirect_dma source(%arg9 : memref<128x128xf32, #tpu.memory_space<vmem>>) target(%dma_start3A_298 : memref<10112x128xf32, #tpu.memory_space<vmem_shared>>) offsets(%dma_start3A_295 : memref<128xi32, #tpu.memory_space<vmem>>) semaphore(%run_scoped3A : memref<!tpu.dma_semaphore, #tpu.memory_space<semaphore_mem>>) {add = true}
        %dma_wait3A_299 = arith.constant 0 : i32
        %dma_wait3A_300 = tpu.memref_slice %arg7[%add3A_276, %dma_wait3A_299] : memref<64x128xi32, #tpu.memory_space<vmem>> -> memref<1x128xi32, #tpu.memory_space<vmem>>
        %dma_wait3A_301 = tpu.memref_squeeze %dma_wait3A_300 : memref<1x128xi32, #tpu.memory_space<vmem>> -> memref<128xi32, #tpu.memory_space<vmem>>
        %dma_wait3A_302 = arith.constant 0 : i32
        %dma_wait3A_303 = arith.constant 0 : i32
        %dma_wait3A_304 = tpu.memref_slice %arg10[%dma_wait3A_302, %dma_wait3A_303] : memref<10112x128xf32, #tpu.memory_space<vmem_shared>> -> memref<10112x128xf32, #tpu.memory_space<vmem_shared>>
        tpu.wait_indirect_dma semaphore(%run_scoped3A : memref<!tpu.dma_semaphore, #tpu.memory_space<semaphore_mem>>) src(%arg9 : memref<128x128xf32, #tpu.memory_space<vmem>>) dst(%dma_wait3A_304 : memref<10112x128xf32, #tpu.memory_space<vmem_shared>>)
        tpu.yield
      }) : () -> ()
      %add3A_277 = arith.constant 2 : i32
      %add3A_278 = arith.addi %mul3A_260, %add3A_277 : i32
      %dma_start3A_279 = arith.constant 0 : i32
      %dma_start3A_280 = tpu.memref_slice %arg6[%add3A_278, %dma_start3A_279] : memref<64x128xi32, #tpu.memory_space<vmem>> -> memref<1x128xi32, #tpu.memory_space<vmem>>
      %dma_start3A_281 = tpu.memref_squeeze %dma_start3A_280 : memref<1x128xi32, #tpu.memory_space<vmem>> -> memref<128xi32, #tpu.memory_space<vmem>>
      %dma_start3A_282 = arith.constant 0 : i32
      %dma_start3A_283 = arith.constant 0 : i32
      %dma_start3A_284 = tpu.memref_slice %arg2[%dma_start3A_282, %dma_start3A_283] : memref<10000x128xf32, #tpu.memory_space<hbm>> -> memref<10000x128xf32, #tpu.memory_space<hbm>>
      tpu.enqueue_indirect_dma source(%dma_start3A_284 : memref<10000x128xf32, #tpu.memory_space<hbm>>) target(%arg8 : memref<128x128xf32, #tpu.memory_space<vmem>>) offsets(%dma_start3A_281 : memref<128xi32, #tpu.memory_space<vmem>>) semaphore(%arg11 : memref<!tpu.dma_semaphore, #tpu.memory_space<semaphore_mem>>)
      %add3A_285 = arith.constant 3 : i32
      %add3A_286 = arith.addi %mul3A_260, %add3A_285 : i32
      %dma_start3A_287 = arith.constant 0 : i32
      %dma_start3A_288 = tpu.memref_slice %arg6[%add3A_286, %dma_start3A_287] : memref<64x128xi32, #tpu.memory_space<vmem>> -> memref<1x128xi32, #tpu.memory_space<vmem>>
      %dma_start3A_289 = tpu.memref_squeeze %dma_start3A_288 : memref<1x128xi32, #tpu.memory_space<vmem>> -> memref<128xi32, #tpu.memory_space<vmem>>
      %dma_start3A_290 = arith.constant 0 : i32
      %dma_start3A_291 = arith.constant 0 : i32
      %dma_start3A_292 = tpu.memref_slice %arg2[%dma_start3A_290, %dma_start3A_291] : memref<10000x128xf32, #tpu.memory_space<hbm>> -> memref<10000x128xf32, #tpu.memory_space<hbm>>
      tpu.enqueue_indirect_dma source(%dma_start3A_292 : memref<10000x128xf32, #tpu.memory_space<hbm>>) target(%arg9 : memref<128x128xf32, #tpu.memory_space<vmem>>) offsets(%dma_start3A_289 : memref<128xi32, #tpu.memory_space<vmem>>) semaphore(%arg11 : memref<!tpu.dma_semaphore, #tpu.memory_space<semaphore_mem>>)
    }
    %while3A_238 = arith.constant 1 : i32
    scf.for %while3A_258 = %while3A_236 to %while3A_232 step %while3A_238  : i32 {
      %mul3A_259 = arith.constant 2 : i32
      %mul3A_260 = arith.muli %mul3A_259, %while3A_258 : i32
      %dma_wait3A_261 = arith.constant 0 : i32
      %dma_wait3A_262 = tpu.memref_slice %arg6[%mul3A_260, %dma_wait3A_261] : memref<64x128xi32, #tpu.memory_space<vmem>> -> memref<1x128xi32, #tpu.memory_space<vmem>>
      %dma_wait3A_263 = tpu.memref_squeeze %dma_wait3A_262 : memref<1x128xi32, #tpu.memory_space<vmem>> -> memref<128xi32, #tpu.memory_space<vmem>>
      %dma_wait3A_264 = arith.constant 0 : i32
      %dma_wait3A_265 = arith.constant 0 : i32
      %dma_wait3A_266 = tpu.memref_slice %arg2[%dma_wait3A_264, %dma_wait3A_265] : memref<10000x128xf32, #tpu.memory_space<hbm>> -> memref<10000x128xf32, #tpu.memory_space<hbm>>
      tpu.wait_indirect_dma semaphore(%arg11 : memref<!tpu.dma_semaphore, #tpu.memory_space<semaphore_mem>>) src(%dma_wait3A_266 : memref<10000x128xf32, #tpu.memory_space<hbm>>) dst(%arg8 : memref<128x128xf32, #tpu.memory_space<vmem>>)
      %add3A_267 = arith.constant 1 : i32
      %add3A_268 = arith.addi %mul3A_260, %add3A_267 : i32
      %dma_wait3A_269 = arith.constant 0 : i32
      %dma_wait3A_270 = tpu.memref_slice %arg6[%add3A_268, %dma_wait3A_269] : memref<64x128xi32, #tpu.memory_space<vmem>> -> memref<1x128xi32, #tpu.memory_space<vmem>>
      %dma_wait3A_271 = tpu.memref_squeeze %dma_wait3A_270 : memref<1x128xi32, #tpu.memory_space<vmem>> -> memref<128xi32, #tpu.memory_space<vmem>>
      %dma_wait3A_272 = arith.constant 0 : i32
      %dma_wait3A_273 = arith.constant 0 : i32
      %dma_wait3A_274 = tpu.memref_slice %arg2[%dma_wait3A_272, %dma_wait3A_273] : memref<10000x128xf32, #tpu.memory_space<hbm>> -> memref<10000x128xf32, #tpu.memory_space<hbm>>
      tpu.wait_indirect_dma semaphore(%arg11 : memref<!tpu.dma_semaphore, #tpu.memory_space<semaphore_mem>>) src(%dma_wait3A_274 : memref<10000x128xf32, #tpu.memory_space<hbm>>) dst(%arg9 : memref<128x128xf32, #tpu.memory_space<vmem>>)
      "tpu.region"() ({
        %run_scoped3A = tpu.sem_alloc : memref<!tpu.dma_semaphore, #tpu.memory_space<semaphore_mem>>
        %dma_start3A_293 = arith.constant 0 : i32
        %dma_start3A_294 = tpu.memref_slice %arg7[%mul3A_260, %dma_start3A_293] : memref<64x128xi32, #tpu.memory_space<vmem>> -> memref<1x128xi32, #tpu.memory_space<vmem>>
        %dma_start3A_295 = tpu.memref_squeeze %dma_start3A_294 : memref<1x128xi32, #tpu.memory_space<vmem>> -> memref<128xi32, #tpu.memory_space<vmem>>
        %dma_start3A_296 = arith.constant 0 : i32
        %dma_start3A_297 = arith.constant 0 : i32
        %dma_start3A_298 = tpu.memref_slice %arg10[%dma_start3A_296, %dma_start3A_297] : memref<10112x128xf32, #tpu.memory_space<vmem_shared>> -> memref<10112x128xf32, #tpu.memory_space<vmem_shared>>
        tpu.enqueue_indirect_dma source(%arg8 : memref<128x128xf32, #tpu.memory_space<vmem>>) target(%dma_start3A_298 : memref<10112x128xf32, #tpu.memory_space<vmem_shared>>) offsets(%dma_start3A_295 : memref<128xi32, #tpu.memory_space<vmem>>) semaphore(%run_scoped3A : memref<!tpu.dma_semaphore, #tpu.memory_space<semaphore_mem>>) {add = true}
        %dma_wait3A_299 = arith.constant 0 : i32
        %dma_wait3A_300 = tpu.memref_slice %arg7[%mul3A_260, %dma_wait3A_299] : memref<64x128xi32, #tpu.memory_space<vmem>> -> memref<1x128xi32, #tpu.memory_space<vmem>>
        %dma_wait3A_301 = tpu.memref_squeeze %dma_wait3A_300 : memref<1x128xi32, #tpu.memory_space<vmem>> -> memref<128xi32, #tpu.memory_space<vmem>>
        %dma_wait3A_302 = arith.constant 0 : i32
        %dma_wait3A_303 = arith.constant 0 : i32
        %dma_wait3A_304 = tpu.memref_slice %arg10[%dma_wait3A_302, %dma_wait3A_303] : memref<10112x128xf32, #tpu.memory_space<vmem_shared>> -> memref<10112x128xf32, #tpu.memory_space<vmem_shared>>
        tpu.wait_indirect_dma semaphore(%run_scoped3A : memref<!tpu.dma_semaphore, #tpu.memory_space<semaphore_mem>>) src(%arg8 : memref<128x128xf32, #tpu.memory_space<vmem>>) dst(%dma_wait3A_304 : memref<10112x128xf32, #tpu.memory_space<vmem_shared>>)
        tpu.yield
      }) : () -> ()
      %add3A_275 = arith.constant 1 : i32
      %add3A_276 = arith.addi %mul3A_260, %add3A_275 : i32
      "tpu.region"() ({
        %run_scoped3A = tpu.sem_alloc : memref<!tpu.dma_semaphore, #tpu.memory_space<semaphore_mem>>
        %dma_start3A_293 = arith.constant 0 : i32
        %dma_start3A_294 = tpu.memref_slice %arg7[%add3A_276, %dma_start3A_293] : memref<64x128xi32, #tpu.memory_space<vmem>> -> memref<1x128xi32, #tpu.memory_space<vmem>>
        %dma_start3A_295 = tpu.memref_squeeze %dma_start3A_294 : memref<1x128xi32, #tpu.memory_space<vmem>> -> memref<128xi32, #tpu.memory_space<vmem>>
        %dma_start3A_296 = arith.constant 0 : i32
        %dma_start3A_297 = arith.constant 0 : i32
        %dma_start3A_298 = tpu.memref_slice %arg10[%dma_start3A_296, %dma_start3A_297] : memref<10112x128xf32, #tpu.memory_space<vmem_shared>> -> memref<10112x128xf32, #tpu.memory_space<vmem_shared>>
        tpu.enqueue_indirect_dma source(%arg9 : memref<128x128xf32, #tpu.memory_space<vmem>>) target(%dma_start3A_298 : memref<10112x128xf32, #tpu.memory_space<vmem_shared>>) offsets(%dma_start3A_295 : memref<128xi32, #tpu.memory_space<vmem>>) semaphore(%run_scoped3A : memref<!tpu.dma_semaphore, #tpu.memory_space<semaphore_mem>>) {add = true}
        %dma_wait3A_299 = arith.constant 0 : i32
        %dma_wait3A_300 = tpu.memref_slice %arg7[%add3A_276, %dma_wait3A_299] : memref<64x128xi32, #tpu.memory_space<vmem>> -> memref<1x128xi32, #tpu.memory_space<vmem>>
        %dma_wait3A_301 = tpu.memref_squeeze %dma_wait3A_300 : memref<1x128xi32, #tpu.memory_space<vmem>> -> memref<128xi32, #tpu.memory_space<vmem>>
        %dma_wait3A_302 = arith.constant 0 : i32
        %dma_wait3A_303 = arith.constant 0 : i32
        %dma_wait3A_304 = tpu.memref_slice %arg10[%dma_wait3A_302, %dma_wait3A_303] : memref<10112x128xf32, #tpu.memory_space<vmem_shared>> -> memref<10112x128xf32, #tpu.memory_space<vmem_shared>>
        tpu.wait_indirect_dma semaphore(%run_scoped3A : memref<!tpu.dma_semaphore, #tpu.memory_space<semaphore_mem>>) src(%arg9 : memref<128x128xf32, #tpu.memory_space<vmem>>) dst(%dma_wait3A_304 : memref<10112x128xf32, #tpu.memory_space<vmem_shared>>)
        tpu.yield
      }) : () -> ()
      %add3A_277 = arith.constant 2 : i32
      %add3A_278 = arith.addi %mul3A_260, %add3A_277 : i32
      %dma_start3A_279 = arith.constant 0 : i32
      %dma_start3A_280 = tpu.memref_slice %arg6[%add3A_278, %dma_start3A_279] : memref<64x128xi32, #tpu.memory_space<vmem>> -> memref<1x128xi32, #tpu.memory_space<vmem>>
      %dma_start3A_281 = tpu.memref_squeeze %dma_start3A_280 : memref<1x128xi32, #tpu.memory_space<vmem>> -> memref<128xi32, #tpu.memory_space<vmem>>
      %dma_start3A_282 = arith.constant 0 : i32
      %dma_start3A_283 = arith.constant 0 : i32
      %dma_start3A_284 = tpu.memref_slice %arg2[%dma_start3A_282, %dma_start3A_283] : memref<10000x128xf32, #tpu.memory_space<hbm>> -> memref<10000x128xf32, #tpu.memory_space<hbm>>
      tpu.enqueue_indirect_dma source(%dma_start3A_284 : memref<10000x128xf32, #tpu.memory_space<hbm>>) target(%arg8 : memref<128x128xf32, #tpu.memory_space<vmem>>) offsets(%dma_start3A_281 : memref<128xi32, #tpu.memory_space<vmem>>) semaphore(%arg11 : memref<!tpu.dma_semaphore, #tpu.memory_space<semaphore_mem>>)
      %add3A_285 = arith.constant 3 : i32
      %add3A_286 = arith.addi %mul3A_260, %add3A_285 : i32
      %dma_start3A_287 = arith.constant 0 : i32
      %dma_start3A_288 = tpu.memref_slice %arg6[%add3A_286, %dma_start3A_287] : memref<64x128xi32, #tpu.memory_space<vmem>> -> memref<1x128xi32, #tpu.memory_space<vmem>>
      %dma_start3A_289 = tpu.memref_squeeze %dma_start3A_288 : memref<1x128xi32, #tpu.memory_space<vmem>> -> memref<128xi32, #tpu.memory_space<vmem>>
      %dma_start3A_290 = arith.constant 0 : i32
      %dma_start3A_291 = arith.constant 0 : i32
      %dma_start3A_292 = tpu.memref_slice %arg2[%dma_start3A_290, %dma_start3A_291] : memref<10000x128xf32, #tpu.memory_space<hbm>> -> memref<10000x128xf32, #tpu.memory_space<hbm>>
      tpu.enqueue_indirect_dma source(%dma_start3A_292 : memref<10000x128xf32, #tpu.memory_space<hbm>>) target(%arg9 : memref<128x128xf32, #tpu.memory_space<vmem>>) offsets(%dma_start3A_289 : memref<128xi32, #tpu.memory_space<vmem>>) semaphore(%arg11 : memref<!tpu.dma_semaphore, #tpu.memory_space<semaphore_mem>>)
    }
    %sub3A_239 = arith.constant 2 : i32
    %sub3A_240 = arith.subi %select_n3A_88, %sub3A_239 : i32
    %dma_wait3A_241 = arith.constant 0 : i32
    %dma_wait3A_242 = tpu.memref_slice %arg6[%sub3A_240, %dma_wait3A_241] : memref<64x128xi32, #tpu.memory_space<vmem>> -> memref<1x128xi32, #tpu.memory_space<vmem>>
    %dma_wait3A_243 = tpu.memref_squeeze %dma_wait3A_242 : memref<1x128xi32, #tpu.memory_space<vmem>> -> memref<128xi32, #tpu.memory_space<vmem>>
    %dma_wait3A_244 = arith.constant 0 : i32
    %dma_wait3A_245 = arith.constant 0 : i32
    %dma_wait3A_246 = tpu.memref_slice %arg2[%dma_wait3A_244, %dma_wait3A_245] : memref<10000x128xf32, #tpu.memory_space<hbm>> -> memref<10000x128xf32, #tpu.memory_space<hbm>>
    tpu.wait_indirect_dma semaphore(%arg11 : memref<!tpu.dma_semaphore, #tpu.memory_space<semaphore_mem>>) src(%dma_wait3A_246 : memref<10000x128xf32, #tpu.memory_space<hbm>>) dst(%arg8 : memref<128x128xf32, #tpu.memory_space<vmem>>)
    %add3A_247 = arith.constant 1 : i32
    %add3A_248 = arith.addi %sub3A_240, %add3A_247 : i32
    %dma_wait3A_249 = arith.constant 0 : i32
    %dma_wait3A_250 = tpu.memref_slice %arg6[%add3A_248, %dma_wait3A_249] : memref<64x128xi32, #tpu.memory_space<vmem>> -> memref<1x128xi32, #tpu.memory_space<vmem>>
    %dma_wait3A_251 = tpu.memref_squeeze %dma_wait3A_250 : memref<1x128xi32, #tpu.memory_space<vmem>> -> memref<128xi32, #tpu.memory_space<vmem>>
    %dma_wait3A_252 = arith.constant 0 : i32
    %dma_wait3A_253 = arith.constant 0 : i32
    %dma_wait3A_254 = tpu.memref_slice %arg2[%dma_wait3A_252, %dma_wait3A_253] : memref<10000x128xf32, #tpu.memory_space<hbm>> -> memref<10000x128xf32, #tpu.memory_space<hbm>>
    tpu.wait_indirect_dma semaphore(%arg11 : memref<!tpu.dma_semaphore, #tpu.memory_space<semaphore_mem>>) src(%dma_wait3A_254 : memref<10000x128xf32, #tpu.memory_space<hbm>>) dst(%arg9 : memref<128x128xf32, #tpu.memory_space<vmem>>)
    "tpu.region"() ({
      %run_scoped3A = tpu.sem_alloc : memref<!tpu.dma_semaphore, #tpu.memory_space<semaphore_mem>>
      %dma_start3A_258 = arith.constant 0 : i32
      %dma_start3A_259 = tpu.memref_slice %arg7[%sub3A_240, %dma_start3A_258] : memref<64x128xi32, #tpu.memory_space<vmem>> -> memref<1x128xi32, #tpu.memory_space<vmem>>
      %dma_start3A_260 = tpu.memref_squeeze %dma_start3A_259 : memref<1x128xi32, #tpu.memory_space<vmem>> -> memref<128xi32, #tpu.memory_space<vmem>>
      %dma_start3A_261 = arith.constant 0 : i32
      %dma_start3A_262 = arith.constant 0 : i32
      %dma_start3A_263 = tpu.memref_slice %arg10[%dma_start3A_261, %dma_start3A_262] : memref<10112x128xf32, #tpu.memory_space<vmem_shared>> -> memref<10112x128xf32, #tpu.memory_space<vmem_shared>>
      tpu.enqueue_indirect_dma source(%arg8 : memref<128x128xf32, #tpu.memory_space<vmem>>) target(%dma_start3A_263 : memref<10112x128xf32, #tpu.memory_space<vmem_shared>>) offsets(%dma_start3A_260 : memref<128xi32, #tpu.memory_space<vmem>>) semaphore(%run_scoped3A : memref<!tpu.dma_semaphore, #tpu.memory_space<semaphore_mem>>) {add = true}
      %dma_wait3A_264 = arith.constant 0 : i32
      %dma_wait3A_265 = tpu.memref_slice %arg7[%sub3A_240, %dma_wait3A_264] : memref<64x128xi32, #tpu.memory_space<vmem>> -> memref<1x128xi32, #tpu.memory_space<vmem>>
      %dma_wait3A_266 = tpu.memref_squeeze %dma_wait3A_265 : memref<1x128xi32, #tpu.memory_space<vmem>> -> memref<128xi32, #tpu.memory_space<vmem>>
      %dma_wait3A_267 = arith.constant 0 : i32
      %dma_wait3A_268 = arith.constant 0 : i32
      %dma_wait3A_269 = tpu.memref_slice %arg10[%dma_wait3A_267, %dma_wait3A_268] : memref<10112x128xf32, #tpu.memory_space<vmem_shared>> -> memref<10112x128xf32, #tpu.memory_space<vmem_shared>>
      tpu.wait_indirect_dma semaphore(%run_scoped3A : memref<!tpu.dma_semaphore, #tpu.memory_space<semaphore_mem>>) src(%arg8 : memref<128x128xf32, #tpu.memory_space<vmem>>) dst(%dma_wait3A_269 : memref<10112x128xf32, #tpu.memory_space<vmem_shared>>)
      tpu.yield
    }) : () -> ()
    %add3A_255 = arith.constant 1 : i32
    %add3A_256 = arith.addi %sub3A_240, %add3A_255 : i32
    "tpu.region"() ({
      %run_scoped3A = tpu.sem_alloc : memref<!tpu.dma_semaphore, #tpu.memory_space<semaphore_mem>>
      %dma_start3A_258 = arith.constant 0 : i32
      %dma_start3A_259 = tpu.memref_slice %arg7[%add3A_256, %dma_start3A_258] : memref<64x128xi32, #tpu.memory_space<vmem>> -> memref<1x128xi32, #tpu.memory_space<vmem>>
      %dma_start3A_260 = tpu.memref_squeeze %dma_start3A_259 : memref<1x128xi32, #tpu.memory_space<vmem>> -> memref<128xi32, #tpu.memory_space<vmem>>
      %dma_start3A_261 = arith.constant 0 : i32
      %dma_start3A_262 = arith.constant 0 : i32
      %dma_start3A_263 = tpu.memref_slice %arg10[%dma_start3A_261, %dma_start3A_262] : memref<10112x128xf32, #tpu.memory_space<vmem_shared>> -> memref<10112x128xf32, #tpu.memory_space<vmem_shared>>
      tpu.enqueue_indirect_dma source(%arg9 : memref<128x128xf32, #tpu.memory_space<vmem>>) target(%dma_start3A_263 : memref<10112x128xf32, #tpu.memory_space<vmem_shared>>) offsets(%dma_start3A_260 : memref<128xi32, #tpu.memory_space<vmem>>) semaphore(%run_scoped3A : memref<!tpu.dma_semaphore, #tpu.memory_space<semaphore_mem>>) {add = true}
      %dma_wait3A_264 = arith.constant 0 : i32
      %dma_wait3A_265 = tpu.memref_slice %arg7[%add3A_256, %dma_wait3A_264] : memref<64x128xi32, #tpu.memory_space<vmem>> -> memref<1x128xi32, #tpu.memory_space<vmem>>
      %dma_wait3A_266 = tpu.memref_squeeze %dma_wait3A_265 : memref<1x128xi32, #tpu.memory_space<vmem>> -> memref<128xi32, #tpu.memory_space<vmem>>
      %dma_wait3A_267 = arith.constant 0 : i32
      %dma_wait3A_268 = arith.constant 0 : i32
      %dma_wait3A_269 = tpu.memref_slice %arg10[%dma_wait3A_267, %dma_wait3A_268] : memref<10112x128xf32, #tpu.memory_space<vmem_shared>> -> memref<10112x128xf32, #tpu.memory_space<vmem_shared>>
      tpu.wait_indirect_dma semaphore(%run_scoped3A : memref<!tpu.dma_semaphore, #tpu.memory_space<semaphore_mem>>) src(%arg9 : memref<128x128xf32, #tpu.memory_space<vmem>>) dst(%dma_wait3A_269 : memref<10112x128xf32, #tpu.memory_space<vmem_shared>>)
      tpu.yield
    }) : () -> ()
    %barrier3A_257 = arith.constant 0 : index
    tpu.barrier barrier_id(%barrier3A_257)
    "tpu.region"() ({
      %run_scoped3A = tpu.sem_alloc : memref<!tpu.dma_semaphore, #tpu.memory_space<semaphore_mem>>
      %dma_start3A_258 = arith.constant 0 : i32
      %dma_start3A_259 = arith.constant 0 : i32
      %dma_start3A_260 = tpu.memref_slice %arg5[%arg0, %dma_start3A_258, %dma_start3A_259] : memref<2x10112x128xf32, #tpu.memory_space<hbm>> -> memref<1x10112x128xf32, #tpu.memory_space<hbm>>
      %dma_start3A_261 = tpu.memref_squeeze %dma_start3A_260 : memref<1x10112x128xf32, #tpu.memory_space<hbm>> -> memref<10112x128xf32, #tpu.memory_space<hbm>>
      %dma_start3A_262 = arith.constant 0 : i32
      %dma_start3A_263 = tpu.memref_slice %dma_start3A_261[%mul3A_5, %dma_start3A_262] : memref<10112x128xf32, #tpu.memory_space<hbm>> -> memref<632x128xf32, #tpu.memory_space<hbm>>
      %dma_start3A_264 = arith.constant 0 : i32
      %dma_start3A_265 = tpu.memref_slice %arg10[%mul3A_5, %dma_start3A_264] : memref<10112x128xf32, #tpu.memory_space<vmem_shared>> -> memref<632x128xf32, #tpu.memory_space<vmem_shared>>
      tpu.enqueue_dma source(%dma_start3A_265 : memref<632x128xf32, #tpu.memory_space<vmem_shared>>) target(%dma_start3A_263 : memref<632x128xf32, #tpu.memory_space<hbm>>) target_semaphore(%run_scoped3A : memref<!tpu.dma_semaphore, #tpu.memory_space<semaphore_mem>>)
      %dma_wait3A_266 = arith.constant 0 : i32
      %dma_wait3A_267 = arith.constant 0 : i32
      %dma_wait3A_268 = tpu.memref_slice %arg5[%arg0, %dma_wait3A_266, %dma_wait3A_267] : memref<2x10112x128xf32, #tpu.memory_space<hbm>> -> memref<1x10112x128xf32, #tpu.memory_space<hbm>>
      %dma_wait3A_269 = tpu.memref_squeeze %dma_wait3A_268 : memref<1x10112x128xf32, #tpu.memory_space<hbm>> -> memref<10112x128xf32, #tpu.memory_space<hbm>>
      %dma_wait3A_270 = arith.constant 0 : i32
      %dma_wait3A_271 = tpu.memref_slice %dma_wait3A_269[%mul3A_5, %dma_wait3A_270] : memref<10112x128xf32, #tpu.memory_space<hbm>> -> memref<632x128xf32, #tpu.memory_space<hbm>>
      %dma_wait3A_272 = arith.constant 0 : i32
      %dma_wait3A_273 = tpu.memref_slice %arg10[%mul3A_5, %dma_wait3A_272] : memref<10112x128xf32, #tpu.memory_space<vmem_shared>> -> memref<632x128xf32, #tpu.memory_space<vmem_shared>>
      tpu.wait_dma2 semaphore(%run_scoped3A : memref<!tpu.dma_semaphore, #tpu.memory_space<semaphore_mem>>) src(%dma_wait3A_273 : memref<632x128xf32, #tpu.memory_space<vmem_shared>>) dst(%dma_wait3A_271 : memref<632x128xf32, #tpu.memory_space<hbm>>)
      tpu.yield
    }) : () -> ()
    return
  }
}

#map = affine_map<(d0, d1) -> (0, 0)>
#map1 = affine_map<(d0, d1) -> (0, 0, 0)>
module attributes {stable_mosaic.version = 14 : i64} {
  func.func @_sc_agg_body(%arg0: i32, %arg1: i32, %arg2: memref<10000x128xf32, #tpu.memory_space<hbm>>, %arg3: memref<2624x128xi32, #tpu.memory_space<hbm>>, %arg4: memref<2624x128xi32, #tpu.memory_space<hbm>>, %arg5: memref<2x10112x128xf32, #tpu.memory_space<hbm>>, %arg6: memref<2x10240xf32, #tpu.memory_space<hbm>>, %arg7: memref<64x128xi32, #tpu.memory_space<vmem>>, %arg8: memref<64x128xi32, #tpu.memory_space<vmem>>, %arg9: memref<128x128xf32, #tpu.memory_space<vmem>>, %arg10: memref<128x128xf32, #tpu.memory_space<vmem>>, %arg11: memref<128xf32, #tpu.memory_space<vmem>>, %arg12: memref<10112x128xf32, #tpu.memory_space<vmem_shared>>, %arg13: memref<10240xf32, #tpu.memory_space<vmem_shared>>, %arg14: memref<!tpu.dma_semaphore, #tpu.memory_space<semaphore_mem>>) attributes {dimension_semantics = [#tpu.dimension_semantics<core_parallel>, #tpu.dimension_semantics<subcore_parallel>], iteration_bounds = array<i64: 2, 16>, scalar_prefetch = 0 : i64, scratch_operands = 8 : i64, tpu.core_type = #tpu.core_type<sc_vector_subcore>, window_params = [{transform_indices = #map}, {transform_indices = #map}, {transform_indices = #map}, {transform_indices = #map1}, {transform_indices = #map}]} {
    %scan3A = arith.constant 0 : i32
    %scan3A_0 = arith.constant 0 : i32
    %scan3A_1 = arith.constant 128 : i32
    %scan3A_2 = arith.addi %scan3A_0, %scan3A_1 : i32
    %scan3A_3 = arith.constant 1 : i32
    scf.for %scan3A_442 = %scan3A_0 to %scan3A_2 step %scan3A_3  : i32 {
      %broadcast_in_dim3A_443 = arith.constant 0.000000e+00 : f32
      %broadcast_in_dim3A_444 = vector.broadcast %broadcast_in_dim3A_443 : f32 to vector<16xf32>
      %swap3A_445 = arith.index_cast %scan3A_442 : i32 to index
      %swap3A_446 = arith.constant 0 : index
      %swap3A_447 = tpu.vector_load %arg9[%swap3A_445, %swap3A_446] {strides = array<i32>} : memref<128x128xf32, #tpu.memory_space<vmem>>, vector<1x16xf32>,
      %swap3A_448 = vector.shape_cast %swap3A_447 : vector<1x16xf32> to vector<16xf32>
      %swap3A_449 = vector.shape_cast %broadcast_in_dim3A_444 : vector<16xf32> to vector<1x16xf32>
      tpu.vector_store %arg9[%swap3A_445, %swap3A_446], %swap3A_449 {strides = array<i32>} : memref<128x128xf32, #tpu.memory_space<vmem>>, vector<1x16xf32>,
      %broadcast_in_dim3A_450 = arith.constant 0.000000e+00 : f32
      %broadcast_in_dim3A_451 = vector.broadcast %broadcast_in_dim3A_450 : f32 to vector<16xf32>
      %swap3A_452 = arith.index_cast %scan3A_442 : i32 to index
      %swap3A_453 = arith.constant 16 : index
      %swap3A_454 = tpu.vector_load %arg9[%swap3A_452, %swap3A_453] {strides = array<i32>} : memref<128x128xf32, #tpu.memory_space<vmem>>, vector<1x16xf32>,
      %swap3A_455 = vector.shape_cast %swap3A_454 : vector<1x16xf32> to vector<16xf32>
      %swap3A_456 = vector.shape_cast %broadcast_in_dim3A_451 : vector<16xf32> to vector<1x16xf32>
      tpu.vector_store %arg9[%swap3A_452, %swap3A_453], %swap3A_456 {strides = array<i32>} : memref<128x128xf32, #tpu.memory_space<vmem>>, vector<1x16xf32>,
      %broadcast_in_dim3A_457 = arith.constant 0.000000e+00 : f32
      %broadcast_in_dim3A_458 = vector.broadcast %broadcast_in_dim3A_457 : f32 to vector<16xf32>
      %swap3A_459 = arith.index_cast %scan3A_442 : i32 to index
      %swap3A_460 = arith.constant 32 : index
      %swap3A_461 = tpu.vector_load %arg9[%swap3A_459, %swap3A_460] {strides = array<i32>} : memref<128x128xf32, #tpu.memory_space<vmem>>, vector<1x16xf32>,
      %swap3A_462 = vector.shape_cast %swap3A_461 : vector<1x16xf32> to vector<16xf32>
      %swap3A_463 = vector.shape_cast %broadcast_in_dim3A_458 : vector<16xf32> to vector<1x16xf32>
      tpu.vector_store %arg9[%swap3A_459, %swap3A_460], %swap3A_463 {strides = array<i32>} : memref<128x128xf32, #tpu.memory_space<vmem>>, vector<1x16xf32>,
      %broadcast_in_dim3A_464 = arith.constant 0.000000e+00 : f32
      %broadcast_in_dim3A_465 = vector.broadcast %broadcast_in_dim3A_464 : f32 to vector<16xf32>
      %swap3A_466 = arith.index_cast %scan3A_442 : i32 to index
      %swap3A_467 = arith.constant 48 : index
      %swap3A_468 = tpu.vector_load %arg9[%swap3A_466, %swap3A_467] {strides = array<i32>} : memref<128x128xf32, #tpu.memory_space<vmem>>, vector<1x16xf32>,
      %swap3A_469 = vector.shape_cast %swap3A_468 : vector<1x16xf32> to vector<16xf32>
      %swap3A_470 = vector.shape_cast %broadcast_in_dim3A_465 : vector<16xf32> to vector<1x16xf32>
      tpu.vector_store %arg9[%swap3A_466, %swap3A_467], %swap3A_470 {strides = array<i32>} : memref<128x128xf32, #tpu.memory_space<vmem>>, vector<1x16xf32>,
      %broadcast_in_dim3A_471 = arith.constant 0.000000e+00 : f32
      %broadcast_in_dim3A_472 = vector.broadcast %broadcast_in_dim3A_471 : f32 to vector<16xf32>
      %swap3A_473 = arith.index_cast %scan3A_442 : i32 to index
      %swap3A_474 = arith.constant 64 : index
      %swap3A_475 = tpu.vector_load %arg9[%swap3A_473, %swap3A_474] {strides = array<i32>} : memref<128x128xf32, #tpu.memory_space<vmem>>, vector<1x16xf32>,
      %swap3A_476 = vector.shape_cast %swap3A_475 : vector<1x16xf32> to vector<16xf32>
      %swap3A_477 = vector.shape_cast %broadcast_in_dim3A_472 : vector<16xf32> to vector<1x16xf32>
      tpu.vector_store %arg9[%swap3A_473, %swap3A_474], %swap3A_477 {strides = array<i32>} : memref<128x128xf32, #tpu.memory_space<vmem>>, vector<1x16xf32>,
      %broadcast_in_dim3A_478 = arith.constant 0.000000e+00 : f32
      %broadcast_in_dim3A_479 = vector.broadcast %broadcast_in_dim3A_478 : f32 to vector<16xf32>
      %swap3A_480 = arith.index_cast %scan3A_442 : i32 to index
      %swap3A_481 = arith.constant 80 : index
      %swap3A_482 = tpu.vector_load %arg9[%swap3A_480, %swap3A_481] {strides = array<i32>} : memref<128x128xf32, #tpu.memory_space<vmem>>, vector<1x16xf32>,
      %swap3A_483 = vector.shape_cast %swap3A_482 : vector<1x16xf32> to vector<16xf32>
      %swap3A_484 = vector.shape_cast %broadcast_in_dim3A_479 : vector<16xf32> to vector<1x16xf32>
      tpu.vector_store %arg9[%swap3A_480, %swap3A_481], %swap3A_484 {strides = array<i32>} : memref<128x128xf32, #tpu.memory_space<vmem>>, vector<1x16xf32>,
      %broadcast_in_dim3A_485 = arith.constant 0.000000e+00 : f32
      %broadcast_in_dim3A_486 = vector.broadcast %broadcast_in_dim3A_485 : f32 to vector<16xf32>
      %swap3A_487 = arith.index_cast %scan3A_442 : i32 to index
      %swap3A_488 = arith.constant 96 : index
      %swap3A_489 = tpu.vector_load %arg9[%swap3A_487, %swap3A_488] {strides = array<i32>} : memref<128x128xf32, #tpu.memory_space<vmem>>, vector<1x16xf32>,
      %swap3A_490 = vector.shape_cast %swap3A_489 : vector<1x16xf32> to vector<16xf32>
      %swap3A_491 = vector.shape_cast %broadcast_in_dim3A_486 : vector<16xf32> to vector<1x16xf32>
      tpu.vector_store %arg9[%swap3A_487, %swap3A_488], %swap3A_491 {strides = array<i32>} : memref<128x128xf32, #tpu.memory_space<vmem>>, vector<1x16xf32>,
      %broadcast_in_dim3A_492 = arith.constant 0.000000e+00 : f32
      %broadcast_in_dim3A_493 = vector.broadcast %broadcast_in_dim3A_492 : f32 to vector<16xf32>
      %swap3A_494 = arith.index_cast %scan3A_442 : i32 to index
      %swap3A_495 = arith.constant 112 : index
      %swap3A_496 = tpu.vector_load %arg9[%swap3A_494, %swap3A_495] {strides = array<i32>} : memref<128x128xf32, #tpu.memory_space<vmem>>, vector<1x16xf32>,
      %swap3A_497 = vector.shape_cast %swap3A_496 : vector<1x16xf32> to vector<16xf32>
      %swap3A_498 = vector.shape_cast %broadcast_in_dim3A_493 : vector<16xf32> to vector<1x16xf32>
      tpu.vector_store %arg9[%swap3A_494, %swap3A_495], %swap3A_498 {strides = array<i32>} : memref<128x128xf32, #tpu.memory_space<vmem>>, vector<1x16xf32>,
    }
    %scan3A_4 = arith.constant 128 : i32
    %broadcast_in_dim3A = arith.constant 1.000000e+00 : f32
    %broadcast_in_dim3A_5 = vector.broadcast %broadcast_in_dim3A : f32 to vector<16xf32>
    %swap3A = arith.constant 0 : index
    %swap3A_6 = tpu.vector_load %arg11[%swap3A] {strides = array<i32>} : memref<128xf32, #tpu.memory_space<vmem>>, vector<16xf32>,
    %swap3A_7 = vector.shape_cast %swap3A_6 : vector<16xf32> to vector<16xf32>
    %swap3A_8 = vector.shape_cast %broadcast_in_dim3A_5 : vector<16xf32> to vector<16xf32>
    tpu.vector_store %arg11[%swap3A], %swap3A_8 {strides = array<i32>} : memref<128xf32, #tpu.memory_space<vmem>>, vector<16xf32>,
    %broadcast_in_dim3A_9 = arith.constant 1.000000e+00 : f32
    %broadcast_in_dim3A_10 = vector.broadcast %broadcast_in_dim3A_9 : f32 to vector<16xf32>
    %swap3A_11 = arith.constant 16 : index
    %swap3A_12 = tpu.vector_load %arg11[%swap3A_11] {strides = array<i32>} : memref<128xf32, #tpu.memory_space<vmem>>, vector<16xf32>,
    %swap3A_13 = vector.shape_cast %swap3A_12 : vector<16xf32> to vector<16xf32>
    %swap3A_14 = vector.shape_cast %broadcast_in_dim3A_10 : vector<16xf32> to vector<16xf32>
    tpu.vector_store %arg11[%swap3A_11], %swap3A_14 {strides = array<i32>} : memref<128xf32, #tpu.memory_space<vmem>>, vector<16xf32>,
    %broadcast_in_dim3A_15 = arith.constant 1.000000e+00 : f32
    %broadcast_in_dim3A_16 = vector.broadcast %broadcast_in_dim3A_15 : f32 to vector<16xf32>
    %swap3A_17 = arith.constant 32 : index
    %swap3A_18 = tpu.vector_load %arg11[%swap3A_17] {strides = array<i32>} : memref<128xf32, #tpu.memory_space<vmem>>, vector<16xf32>,
    %swap3A_19 = vector.shape_cast %swap3A_18 : vector<16xf32> to vector<16xf32>
    %swap3A_20 = vector.shape_cast %broadcast_in_dim3A_16 : vector<16xf32> to vector<16xf32>
    tpu.vector_store %arg11[%swap3A_17], %swap3A_20 {strides = array<i32>} : memref<128xf32, #tpu.memory_space<vmem>>, vector<16xf32>,
    %broadcast_in_dim3A_21 = arith.constant 1.000000e+00 : f32
    %broadcast_in_dim3A_22 = vector.broadcast %broadcast_in_dim3A_21 : f32 to vector<16xf32>
    %swap3A_23 = arith.constant 48 : index
    %swap3A_24 = tpu.vector_load %arg11[%swap3A_23] {strides = array<i32>} : memref<128xf32, #tpu.memory_space<vmem>>, vector<16xf32>,
    %swap3A_25 = vector.shape_cast %swap3A_24 : vector<16xf32> to vector<16xf32>
    %swap3A_26 = vector.shape_cast %broadcast_in_dim3A_22 : vector<16xf32> to vector<16xf32>
    tpu.vector_store %arg11[%swap3A_23], %swap3A_26 {strides = array<i32>} : memref<128xf32, #tpu.memory_space<vmem>>, vector<16xf32>,
    %broadcast_in_dim3A_27 = arith.constant 1.000000e+00 : f32
    %broadcast_in_dim3A_28 = vector.broadcast %broadcast_in_dim3A_27 : f32 to vector<16xf32>
    %swap3A_29 = arith.constant 64 : index
    %swap3A_30 = tpu.vector_load %arg11[%swap3A_29] {strides = array<i32>} : memref<128xf32, #tpu.memory_space<vmem>>, vector<16xf32>,
    %swap3A_31 = vector.shape_cast %swap3A_30 : vector<16xf32> to vector<16xf32>
    %swap3A_32 = vector.shape_cast %broadcast_in_dim3A_28 : vector<16xf32> to vector<16xf32>
    tpu.vector_store %arg11[%swap3A_29], %swap3A_32 {strides = array<i32>} : memref<128xf32, #tpu.memory_space<vmem>>, vector<16xf32>,
    %broadcast_in_dim3A_33 = arith.constant 1.000000e+00 : f32
    %broadcast_in_dim3A_34 = vector.broadcast %broadcast_in_dim3A_33 : f32 to vector<16xf32>
    %swap3A_35 = arith.constant 80 : index
    %swap3A_36 = tpu.vector_load %arg11[%swap3A_35] {strides = array<i32>} : memref<128xf32, #tpu.memory_space<vmem>>, vector<16xf32>,
    %swap3A_37 = vector.shape_cast %swap3A_36 : vector<16xf32> to vector<16xf32>
    %swap3A_38 = vector.shape_cast %broadcast_in_dim3A_34 : vector<16xf32> to vector<16xf32>
    tpu.vector_store %arg11[%swap3A_35], %swap3A_38 {strides = array<i32>} : memref<128xf32, #tpu.memory_space<vmem>>, vector<16xf32>,
    %broadcast_in_dim3A_39 = arith.constant 1.000000e+00 : f32
    %broadcast_in_dim3A_40 = vector.broadcast %broadcast_in_dim3A_39 : f32 to vector<16xf32>
    %swap3A_41 = arith.constant 96 : index
    %swap3A_42 = tpu.vector_load %arg11[%swap3A_41] {strides = array<i32>} : memref<128xf32, #tpu.memory_space<vmem>>, vector<16xf32>,
    %swap3A_43 = vector.shape_cast %swap3A_42 : vector<16xf32> to vector<16xf32>
    %swap3A_44 = vector.shape_cast %broadcast_in_dim3A_40 : vector<16xf32> to vector<16xf32>
    tpu.vector_store %arg11[%swap3A_41], %swap3A_44 {strides = array<i32>} : memref<128xf32, #tpu.memory_space<vmem>>, vector<16xf32>,
    %broadcast_in_dim3A_45 = arith.constant 1.000000e+00 : f32
    %broadcast_in_dim3A_46 = vector.broadcast %broadcast_in_dim3A_45 : f32 to vector<16xf32>
    %swap3A_47 = arith.constant 112 : index
    %swap3A_48 = tpu.vector_load %arg11[%swap3A_47] {strides = array<i32>} : memref<128xf32, #tpu.memory_space<vmem>>, vector<16xf32>,
    %swap3A_49 = vector.shape_cast %swap3A_48 : vector<16xf32> to vector<16xf32>
    %swap3A_50 = vector.shape_cast %broadcast_in_dim3A_46 : vector<16xf32> to vector<16xf32>
    tpu.vector_store %arg11[%swap3A_47], %swap3A_50 {strides = array<i32>} : memref<128xf32, #tpu.memory_space<vmem>>, vector<16xf32>,
    %mul3A = arith.constant 632 : i32
    %mul3A_51 = arith.muli %arg1, %mul3A : i32
    %add3A = arith.constant 0 : i32
    %add3A_52 = arith.addi %mul3A_51, %add3A : i32
    %dma_start3A = arith.constant 0 : i32
    %dma_start3A_53 = tpu.memref_slice %arg12[%add3A_52, %dma_start3A] : memref<10112x128xf32, #tpu.memory_space<vmem_shared>> -> memref<128x128xf32, #tpu.memory_space<vmem_shared>>
    %dma_start3A_54 = arith.constant 0 : i32
    %dma_start3A_55 = tpu.memref_slice %arg12[%add3A_52, %dma_start3A_54] : memref<10112x128xf32, #tpu.memory_space<vmem_shared>> -> memref<128x128xf32, #tpu.memory_space<vmem_shared>>
    tpu.enqueue_dma source(%arg9 : memref<128x128xf32, #tpu.memory_space<vmem>>) target(%dma_start3A_55 : memref<128x128xf32, #tpu.memory_space<vmem_shared>>) target_semaphore(%arg14 : memref<!tpu.dma_semaphore, #tpu.memory_space<semaphore_mem>>)
    %add3A_56 = arith.constant 128 : i32
    %add3A_57 = arith.addi %mul3A_51, %add3A_56 : i32
    %dma_start3A_58 = arith.constant 0 : i32
    %dma_start3A_59 = tpu.memref_slice %arg12[%add3A_57, %dma_start3A_58] : memref<10112x128xf32, #tpu.memory_space<vmem_shared>> -> memref<128x128xf32, #tpu.memory_space<vmem_shared>>
    %dma_start3A_60 = arith.constant 0 : i32
    %dma_start3A_61 = tpu.memref_slice %arg12[%add3A_57, %dma_start3A_60] : memref<10112x128xf32, #tpu.memory_space<vmem_shared>> -> memref<128x128xf32, #tpu.memory_space<vmem_shared>>
    tpu.enqueue_dma source(%arg9 : memref<128x128xf32, #tpu.memory_space<vmem>>) target(%dma_start3A_61 : memref<128x128xf32, #tpu.memory_space<vmem_shared>>) target_semaphore(%arg14 : memref<!tpu.dma_semaphore, #tpu.memory_space<semaphore_mem>>)
    %add3A_62 = arith.constant 256 : i32
    %add3A_63 = arith.addi %mul3A_51, %add3A_62 : i32
    %dma_start3A_64 = arith.constant 0 : i32
    %dma_start3A_65 = tpu.memref_slice %arg12[%add3A_63, %dma_start3A_64] : memref<10112x128xf32, #tpu.memory_space<vmem_shared>> -> memref<128x128xf32, #tpu.memory_space<vmem_shared>>
    %dma_start3A_66 = arith.constant 0 : i32
    %dma_start3A_67 = tpu.memref_slice %arg12[%add3A_63, %dma_start3A_66] : memref<10112x128xf32, #tpu.memory_space<vmem_shared>> -> memref<128x128xf32, #tpu.memory_space<vmem_shared>>
    tpu.enqueue_dma source(%arg9 : memref<128x128xf32, #tpu.memory_space<vmem>>) target(%dma_start3A_67 : memref<128x128xf32, #tpu.memory_space<vmem_shared>>) target_semaphore(%arg14 : memref<!tpu.dma_semaphore, #tpu.memory_space<semaphore_mem>>)
    %add3A_68 = arith.constant 384 : i32
    %add3A_69 = arith.addi %mul3A_51, %add3A_68 : i32
    %dma_start3A_70 = arith.constant 0 : i32
    %dma_start3A_71 = tpu.memref_slice %arg12[%add3A_69, %dma_start3A_70] : memref<10112x128xf32, #tpu.memory_space<vmem_shared>> -> memref<128x128xf32, #tpu.memory_space<vmem_shared>>
    %dma_start3A_72 = arith.constant 0 : i32
    %dma_start3A_73 = tpu.memref_slice %arg12[%add3A_69, %dma_start3A_72] : memref<10112x128xf32, #tpu.memory_space<vmem_shared>> -> memref<128x128xf32, #tpu.memory_space<vmem_shared>>
    tpu.enqueue_dma source(%arg9 : memref<128x128xf32, #tpu.memory_space<vmem>>) target(%dma_start3A_73 : memref<128x128xf32, #tpu.memory_space<vmem_shared>>) target_semaphore(%arg14 : memref<!tpu.dma_semaphore, #tpu.memory_space<semaphore_mem>>)
    %add3A_74 = arith.constant 632 : i32
    %add3A_75 = arith.addi %mul3A_51, %add3A_74 : i32
    %sub3A = arith.constant 120 : i32
    %sub3A_76 = arith.subi %add3A_75, %sub3A : i32
    %dma_start3A_77 = arith.constant 0 : i32
    %dma_start3A_78 = arith.constant 0 : i32
    %dma_start3A_79 = tpu.memref_slice %arg9[%dma_start3A_77, %dma_start3A_78] : memref<128x128xf32, #tpu.memory_space<vmem>> -> memref<120x128xf32, #tpu.memory_space<vmem>>
    %dma_start3A_80 = arith.constant 0 : i32
    %dma_start3A_81 = tpu.memref_slice %arg12[%sub3A_76, %dma_start3A_80] : memref<10112x128xf32, #tpu.memory_space<vmem_shared>> -> memref<120x128xf32, #tpu.memory_space<vmem_shared>>
    %dma_start3A_82 = arith.constant 0 : i32
    %dma_start3A_83 = tpu.memref_slice %arg12[%sub3A_76, %dma_start3A_82] : memref<10112x128xf32, #tpu.memory_space<vmem_shared>> -> memref<120x128xf32, #tpu.memory_space<vmem_shared>>
    %dma_start3A_84 = arith.constant 0 : i32
    %dma_start3A_85 = arith.constant 0 : i32
    %dma_start3A_86 = tpu.memref_slice %arg9[%dma_start3A_84, %dma_start3A_85] : memref<128x128xf32, #tpu.memory_space<vmem>> -> memref<120x128xf32, #tpu.memory_space<vmem>>
    tpu.enqueue_dma source(%dma_start3A_86 : memref<120x128xf32, #tpu.memory_space<vmem>>) target(%dma_start3A_83 : memref<120x128xf32, #tpu.memory_space<vmem_shared>>) target_semaphore(%arg14 : memref<!tpu.dma_semaphore, #tpu.memory_space<semaphore_mem>>)
    %mul3A_87 = arith.constant 640 : i32
    %mul3A_88 = arith.muli %arg1, %mul3A_87 : i32
    %add3A_89 = arith.constant 0 : i32
    %add3A_90 = arith.addi %mul3A_88, %add3A_89 : i32
    %dma_start3A_91 = arith.constant 0 : i32
    %dma_start3A_92 = arith.constant 0 : i32
    %dma_start3A_93 = tpu.memref_slice %arg9[%dma_start3A_91, %dma_start3A_92] : memref<128x128xf32, #tpu.memory_space<vmem>> -> memref<1x128xf32, #tpu.memory_space<vmem>>
    %dma_start3A_94 = tpu.memref_squeeze %dma_start3A_93 : memref<1x128xf32, #tpu.memory_space<vmem>> -> memref<128xf32, #tpu.memory_space<vmem>>
    %dma_start3A_95 = tpu.memref_slice %arg13[%add3A_90] : memref<10240xf32, #tpu.memory_space<vmem_shared>> -> memref<128xf32, #tpu.memory_space<vmem_shared>>
    %dma_start3A_96 = tpu.memref_slice %arg13[%add3A_90] : memref<10240xf32, #tpu.memory_space<vmem_shared>> -> memref<128xf32, #tpu.memory_space<vmem_shared>>
    %dma_start3A_97 = arith.constant 0 : i32
    %dma_start3A_98 = tpu.memref_slice %arg9[%dma_start3A_91, %dma_start3A_97] : memref<128x128xf32, #tpu.memory_space<vmem>> -> memref<1x128xf32, #tpu.memory_space<vmem>>
    %dma_start3A_99 = tpu.memref_squeeze %dma_start3A_98 : memref<1x128xf32, #tpu.memory_space<vmem>> -> memref<128xf32, #tpu.memory_space<vmem>>
    tpu.enqueue_dma source(%dma_start3A_99 : memref<128xf32, #tpu.memory_space<vmem>>) target(%dma_start3A_96 : memref<128xf32, #tpu.memory_space<vmem_shared>>) target_semaphore(%arg14 : memref<!tpu.dma_semaphore, #tpu.memory_space<semaphore_mem>>)
    %mul3A_100 = arith.constant 640 : i32
    %mul3A_101 = arith.muli %arg1, %mul3A_100 : i32
    %add3A_102 = arith.constant 128 : i32
    %add3A_103 = arith.addi %mul3A_101, %add3A_102 : i32
    %dma_start3A_104 = arith.constant 0 : i32
    %dma_start3A_105 = arith.constant 0 : i32
    %dma_start3A_106 = tpu.memref_slice %arg9[%dma_start3A_104, %dma_start3A_105] : memref<128x128xf32, #tpu.memory_space<vmem>> -> memref<1x128xf32, #tpu.memory_space<vmem>>
    %dma_start3A_107 = tpu.memref_squeeze %dma_start3A_106 : memref<1x128xf32, #tpu.memory_space<vmem>> -> memref<128xf32, #tpu.memory_space<vmem>>
    %dma_start3A_108 = tpu.memref_slice %arg13[%add3A_103] : memref<10240xf32, #tpu.memory_space<vmem_shared>> -> memref<128xf32, #tpu.memory_space<vmem_shared>>
    %dma_start3A_109 = tpu.memref_slice %arg13[%add3A_103] : memref<10240xf32, #tpu.memory_space<vmem_shared>> -> memref<128xf32, #tpu.memory_space<vmem_shared>>
    %dma_start3A_110 = arith.constant 0 : i32
    %dma_start3A_111 = tpu.memref_slice %arg9[%dma_start3A_104, %dma_start3A_110] : memref<128x128xf32, #tpu.memory_space<vmem>> -> memref<1x128xf32, #tpu.memory_space<vmem>>
    %dma_start3A_112 = tpu.memref_squeeze %dma_start3A_111 : memref<1x128xf32, #tpu.memory_space<vmem>> -> memref<128xf32, #tpu.memory_space<vmem>>
    tpu.enqueue_dma source(%dma_start3A_112 : memref<128xf32, #tpu.memory_space<vmem>>) target(%dma_start3A_109 : memref<128xf32, #tpu.memory_space<vmem_shared>>) target_semaphore(%arg14 : memref<!tpu.dma_semaphore, #tpu.memory_space<semaphore_mem>>)
    %mul3A_113 = arith.constant 640 : i32
    %mul3A_114 = arith.muli %arg1, %mul3A_113 : i32
    %add3A_115 = arith.constant 256 : i32
    %add3A_116 = arith.addi %mul3A_114, %add3A_115 : i32
    %dma_start3A_117 = arith.constant 0 : i32
    %dma_start3A_118 = arith.constant 0 : i32
    %dma_start3A_119 = tpu.memref_slice %arg9[%dma_start3A_117, %dma_start3A_118] : memref<128x128xf32, #tpu.memory_space<vmem>> -> memref<1x128xf32, #tpu.memory_space<vmem>>
    %dma_start3A_120 = tpu.memref_squeeze %dma_start3A_119 : memref<1x128xf32, #tpu.memory_space<vmem>> -> memref<128xf32, #tpu.memory_space<vmem>>
    %dma_start3A_121 = tpu.memref_slice %arg13[%add3A_116] : memref<10240xf32, #tpu.memory_space<vmem_shared>> -> memref<128xf32, #tpu.memory_space<vmem_shared>>
    %dma_start3A_122 = tpu.memref_slice %arg13[%add3A_116] : memref<10240xf32, #tpu.memory_space<vmem_shared>> -> memref<128xf32, #tpu.memory_space<vmem_shared>>
    %dma_start3A_123 = arith.constant 0 : i32
    %dma_start3A_124 = tpu.memref_slice %arg9[%dma_start3A_117, %dma_start3A_123] : memref<128x128xf32, #tpu.memory_space<vmem>> -> memref<1x128xf32, #tpu.memory_space<vmem>>
    %dma_start3A_125 = tpu.memref_squeeze %dma_start3A_124 : memref<1x128xf32, #tpu.memory_space<vmem>> -> memref<128xf32, #tpu.memory_space<vmem>>
    tpu.enqueue_dma source(%dma_start3A_125 : memref<128xf32, #tpu.memory_space<vmem>>) target(%dma_start3A_122 : memref<128xf32, #tpu.memory_space<vmem_shared>>) target_semaphore(%arg14 : memref<!tpu.dma_semaphore, #tpu.memory_space<semaphore_mem>>)
    %mul3A_126 = arith.constant 640 : i32
    %mul3A_127 = arith.muli %arg1, %mul3A_126 : i32
    %add3A_128 = arith.constant 384 : i32
    %add3A_129 = arith.addi %mul3A_127, %add3A_128 : i32
    %dma_start3A_130 = arith.constant 0 : i32
    %dma_start3A_131 = arith.constant 0 : i32
    %dma_start3A_132 = tpu.memref_slice %arg9[%dma_start3A_130, %dma_start3A_131] : memref<128x128xf32, #tpu.memory_space<vmem>> -> memref<1x128xf32, #tpu.memory_space<vmem>>
    %dma_start3A_133 = tpu.memref_squeeze %dma_start3A_132 : memref<1x128xf32, #tpu.memory_space<vmem>> -> memref<128xf32, #tpu.memory_space<vmem>>
    %dma_start3A_134 = tpu.memref_slice %arg13[%add3A_129] : memref<10240xf32, #tpu.memory_space<vmem_shared>> -> memref<128xf32, #tpu.memory_space<vmem_shared>>
    %dma_start3A_135 = tpu.memref_slice %arg13[%add3A_129] : memref<10240xf32, #tpu.memory_space<vmem_shared>> -> memref<128xf32, #tpu.memory_space<vmem_shared>>
    %dma_start3A_136 = arith.constant 0 : i32
    %dma_start3A_137 = tpu.memref_slice %arg9[%dma_start3A_130, %dma_start3A_136] : memref<128x128xf32, #tpu.memory_space<vmem>> -> memref<1x128xf32, #tpu.memory_space<vmem>>
    %dma_start3A_138 = tpu.memref_squeeze %dma_start3A_137 : memref<1x128xf32, #tpu.memory_space<vmem>> -> memref<128xf32, #tpu.memory_space<vmem>>
    tpu.enqueue_dma source(%dma_start3A_138 : memref<128xf32, #tpu.memory_space<vmem>>) target(%dma_start3A_135 : memref<128xf32, #tpu.memory_space<vmem_shared>>) target_semaphore(%arg14 : memref<!tpu.dma_semaphore, #tpu.memory_space<semaphore_mem>>)
    %mul3A_139 = arith.constant 640 : i32
    %mul3A_140 = arith.muli %arg1, %mul3A_139 : i32
    %add3A_141 = arith.constant 512 : i32
    %add3A_142 = arith.addi %mul3A_140, %add3A_141 : i32
    %dma_start3A_143 = arith.constant 0 : i32
    %dma_start3A_144 = arith.constant 0 : i32
    %dma_start3A_145 = tpu.memref_slice %arg9[%dma_start3A_143, %dma_start3A_144] : memref<128x128xf32, #tpu.memory_space<vmem>> -> memref<1x128xf32, #tpu.memory_space<vmem>>
    %dma_start3A_146 = tpu.memref_squeeze %dma_start3A_145 : memref<1x128xf32, #tpu.memory_space<vmem>> -> memref<128xf32, #tpu.memory_space<vmem>>
    %dma_start3A_147 = tpu.memref_slice %arg13[%add3A_142] : memref<10240xf32, #tpu.memory_space<vmem_shared>> -> memref<128xf32, #tpu.memory_space<vmem_shared>>
    %dma_start3A_148 = tpu.memref_slice %arg13[%add3A_142] : memref<10240xf32, #tpu.memory_space<vmem_shared>> -> memref<128xf32, #tpu.memory_space<vmem_shared>>
    %dma_start3A_149 = arith.constant 0 : i32
    %dma_start3A_150 = tpu.memref_slice %arg9[%dma_start3A_143, %dma_start3A_149] : memref<128x128xf32, #tpu.memory_space<vmem>> -> memref<1x128xf32, #tpu.memory_space<vmem>>
    %dma_start3A_151 = tpu.memref_squeeze %dma_start3A_150 : memref<1x128xf32, #tpu.memory_space<vmem>> -> memref<128xf32, #tpu.memory_space<vmem>>
    tpu.enqueue_dma source(%dma_start3A_151 : memref<128xf32, #tpu.memory_space<vmem>>) target(%dma_start3A_148 : memref<128xf32, #tpu.memory_space<vmem_shared>>) target_semaphore(%arg14 : memref<!tpu.dma_semaphore, #tpu.memory_space<semaphore_mem>>)
    %add3A_152 = arith.constant 0 : i32
    %add3A_153 = arith.addi %mul3A_51, %add3A_152 : i32
    %dma_wait3A = arith.constant 0 : i32
    %dma_wait3A_154 = tpu.memref_slice %arg12[%add3A_153, %dma_wait3A] : memref<10112x128xf32, #tpu.memory_space<vmem_shared>> -> memref<128x128xf32, #tpu.memory_space<vmem_shared>>
    %dma_wait3A_155 = arith.constant 0 : i32
    %dma_wait3A_156 = tpu.memref_slice %arg12[%add3A_153, %dma_wait3A_155] : memref<10112x128xf32, #tpu.memory_space<vmem_shared>> -> memref<128x128xf32, #tpu.memory_space<vmem_shared>>
    tpu.wait_dma2 semaphore(%arg14 : memref<!tpu.dma_semaphore, #tpu.memory_space<semaphore_mem>>) src(%arg9 : memref<128x128xf32, #tpu.memory_space<vmem>>) dst(%dma_wait3A_156 : memref<128x128xf32, #tpu.memory_space<vmem_shared>>)
    %add3A_157 = arith.constant 128 : i32
    %add3A_158 = arith.addi %mul3A_51, %add3A_157 : i32
    %dma_wait3A_159 = arith.constant 0 : i32
    %dma_wait3A_160 = tpu.memref_slice %arg12[%add3A_158, %dma_wait3A_159] : memref<10112x128xf32, #tpu.memory_space<vmem_shared>> -> memref<128x128xf32, #tpu.memory_space<vmem_shared>>
    %dma_wait3A_161 = arith.constant 0 : i32
    %dma_wait3A_162 = tpu.memref_slice %arg12[%add3A_158, %dma_wait3A_161] : memref<10112x128xf32, #tpu.memory_space<vmem_shared>> -> memref<128x128xf32, #tpu.memory_space<vmem_shared>>
    tpu.wait_dma2 semaphore(%arg14 : memref<!tpu.dma_semaphore, #tpu.memory_space<semaphore_mem>>) src(%arg9 : memref<128x128xf32, #tpu.memory_space<vmem>>) dst(%dma_wait3A_162 : memref<128x128xf32, #tpu.memory_space<vmem_shared>>)
    %add3A_163 = arith.constant 256 : i32
    %add3A_164 = arith.addi %mul3A_51, %add3A_163 : i32
    %dma_wait3A_165 = arith.constant 0 : i32
    %dma_wait3A_166 = tpu.memref_slice %arg12[%add3A_164, %dma_wait3A_165] : memref<10112x128xf32, #tpu.memory_space<vmem_shared>> -> memref<128x128xf32, #tpu.memory_space<vmem_shared>>
    %dma_wait3A_167 = arith.constant 0 : i32
    %dma_wait3A_168 = tpu.memref_slice %arg12[%add3A_164, %dma_wait3A_167] : memref<10112x128xf32, #tpu.memory_space<vmem_shared>> -> memref<128x128xf32, #tpu.memory_space<vmem_shared>>
    tpu.wait_dma2 semaphore(%arg14 : memref<!tpu.dma_semaphore, #tpu.memory_space<semaphore_mem>>) src(%arg9 : memref<128x128xf32, #tpu.memory_space<vmem>>) dst(%dma_wait3A_168 : memref<128x128xf32, #tpu.memory_space<vmem_shared>>)
    %add3A_169 = arith.constant 384 : i32
    %add3A_170 = arith.addi %mul3A_51, %add3A_169 : i32
    %dma_wait3A_171 = arith.constant 0 : i32
    %dma_wait3A_172 = tpu.memref_slice %arg12[%add3A_170, %dma_wait3A_171] : memref<10112x128xf32, #tpu.memory_space<vmem_shared>> -> memref<128x128xf32, #tpu.memory_space<vmem_shared>>
    %dma_wait3A_173 = arith.constant 0 : i32
    %dma_wait3A_174 = tpu.memref_slice %arg12[%add3A_170, %dma_wait3A_173] : memref<10112x128xf32, #tpu.memory_space<vmem_shared>> -> memref<128x128xf32, #tpu.memory_space<vmem_shared>>
    tpu.wait_dma2 semaphore(%arg14 : memref<!tpu.dma_semaphore, #tpu.memory_space<semaphore_mem>>) src(%arg9 : memref<128x128xf32, #tpu.memory_space<vmem>>) dst(%dma_wait3A_174 : memref<128x128xf32, #tpu.memory_space<vmem_shared>>)
    %add3A_175 = arith.constant 632 : i32
    %add3A_176 = arith.addi %mul3A_51, %add3A_175 : i32
    %sub3A_177 = arith.constant 120 : i32
    %sub3A_178 = arith.subi %add3A_176, %sub3A_177 : i32
    %dma_wait3A_179 = arith.constant 0 : i32
    %dma_wait3A_180 = arith.constant 0 : i32
    %dma_wait3A_181 = tpu.memref_slice %arg9[%dma_wait3A_179, %dma_wait3A_180] : memref<128x128xf32, #tpu.memory_space<vmem>> -> memref<120x128xf32, #tpu.memory_space<vmem>>
    %dma_wait3A_182 = arith.constant 0 : i32
    %dma_wait3A_183 = tpu.memref_slice %arg12[%sub3A_178, %dma_wait3A_182] : memref<10112x128xf32, #tpu.memory_space<vmem_shared>> -> memref<120x128xf32, #tpu.memory_space<vmem_shared>>
    %dma_wait3A_184 = arith.constant 0 : i32
    %dma_wait3A_185 = tpu.memref_slice %arg12[%sub3A_178, %dma_wait3A_184] : memref<10112x128xf32, #tpu.memory_space<vmem_shared>> -> memref<120x128xf32, #tpu.memory_space<vmem_shared>>
    %dma_wait3A_186 = arith.constant 0 : i32
    %dma_wait3A_187 = arith.constant 0 : i32
    %dma_wait3A_188 = tpu.memref_slice %arg9[%dma_wait3A_186, %dma_wait3A_187] : memref<128x128xf32, #tpu.memory_space<vmem>> -> memref<120x128xf32, #tpu.memory_space<vmem>>
    tpu.wait_dma2 semaphore(%arg14 : memref<!tpu.dma_semaphore, #tpu.memory_space<semaphore_mem>>) src(%dma_wait3A_188 : memref<120x128xf32, #tpu.memory_space<vmem>>) dst(%dma_wait3A_185 : memref<120x128xf32, #tpu.memory_space<vmem_shared>>)
    %mul3A_189 = arith.constant 640 : i32
    %mul3A_190 = arith.muli %arg1, %mul3A_189 : i32
    %add3A_191 = arith.constant 0 : i32
    %add3A_192 = arith.addi %mul3A_190, %add3A_191 : i32
    %dma_wait3A_193 = arith.constant 0 : i32
    %dma_wait3A_194 = arith.constant 0 : i32
    %dma_wait3A_195 = tpu.memref_slice %arg9[%dma_wait3A_193, %dma_wait3A_194] : memref<128x128xf32, #tpu.memory_space<vmem>> -> memref<1x128xf32, #tpu.memory_space<vmem>>
    %dma_wait3A_196 = tpu.memref_squeeze %dma_wait3A_195 : memref<1x128xf32, #tpu.memory_space<vmem>> -> memref<128xf32, #tpu.memory_space<vmem>>
    %dma_wait3A_197 = tpu.memref_slice %arg13[%add3A_192] : memref<10240xf32, #tpu.memory_space<vmem_shared>> -> memref<128xf32, #tpu.memory_space<vmem_shared>>
    %dma_wait3A_198 = tpu.memref_slice %arg13[%add3A_192] : memref<10240xf32, #tpu.memory_space<vmem_shared>> -> memref<128xf32, #tpu.memory_space<vmem_shared>>
    %dma_wait3A_199 = arith.constant 0 : i32
    %dma_wait3A_200 = tpu.memref_slice %arg9[%dma_wait3A_193, %dma_wait3A_199] : memref<128x128xf32, #tpu.memory_space<vmem>> -> memref<1x128xf32, #tpu.memory_space<vmem>>
    %dma_wait3A_201 = tpu.memref_squeeze %dma_wait3A_200 : memref<1x128xf32, #tpu.memory_space<vmem>> -> memref<128xf32, #tpu.memory_space<vmem>>
    tpu.wait_dma2 semaphore(%arg14 : memref<!tpu.dma_semaphore, #tpu.memory_space<semaphore_mem>>) src(%dma_wait3A_201 : memref<128xf32, #tpu.memory_space<vmem>>) dst(%dma_wait3A_198 : memref<128xf32, #tpu.memory_space<vmem_shared>>)
    %mul3A_202 = arith.constant 640 : i32
    %mul3A_203 = arith.muli %arg1, %mul3A_202 : i32
    %add3A_204 = arith.constant 128 : i32
    %add3A_205 = arith.addi %mul3A_203, %add3A_204 : i32
    %dma_wait3A_206 = arith.constant 0 : i32
    %dma_wait3A_207 = arith.constant 0 : i32
    %dma_wait3A_208 = tpu.memref_slice %arg9[%dma_wait3A_206, %dma_wait3A_207] : memref<128x128xf32, #tpu.memory_space<vmem>> -> memref<1x128xf32, #tpu.memory_space<vmem>>
    %dma_wait3A_209 = tpu.memref_squeeze %dma_wait3A_208 : memref<1x128xf32, #tpu.memory_space<vmem>> -> memref<128xf32, #tpu.memory_space<vmem>>
    %dma_wait3A_210 = tpu.memref_slice %arg13[%add3A_205] : memref<10240xf32, #tpu.memory_space<vmem_shared>> -> memref<128xf32, #tpu.memory_space<vmem_shared>>
    %dma_wait3A_211 = tpu.memref_slice %arg13[%add3A_205] : memref<10240xf32, #tpu.memory_space<vmem_shared>> -> memref<128xf32, #tpu.memory_space<vmem_shared>>
    %dma_wait3A_212 = arith.constant 0 : i32
    %dma_wait3A_213 = tpu.memref_slice %arg9[%dma_wait3A_206, %dma_wait3A_212] : memref<128x128xf32, #tpu.memory_space<vmem>> -> memref<1x128xf32, #tpu.memory_space<vmem>>
    %dma_wait3A_214 = tpu.memref_squeeze %dma_wait3A_213 : memref<1x128xf32, #tpu.memory_space<vmem>> -> memref<128xf32, #tpu.memory_space<vmem>>
    tpu.wait_dma2 semaphore(%arg14 : memref<!tpu.dma_semaphore, #tpu.memory_space<semaphore_mem>>) src(%dma_wait3A_214 : memref<128xf32, #tpu.memory_space<vmem>>) dst(%dma_wait3A_211 : memref<128xf32, #tpu.memory_space<vmem_shared>>)
    %mul3A_215 = arith.constant 640 : i32
    %mul3A_216 = arith.muli %arg1, %mul3A_215 : i32
    %add3A_217 = arith.constant 256 : i32
    %add3A_218 = arith.addi %mul3A_216, %add3A_217 : i32
    %dma_wait3A_219 = arith.constant 0 : i32
    %dma_wait3A_220 = arith.constant 0 : i32
    %dma_wait3A_221 = tpu.memref_slice %arg9[%dma_wait3A_219, %dma_wait3A_220] : memref<128x128xf32, #tpu.memory_space<vmem>> -> memref<1x128xf32, #tpu.memory_space<vmem>>
    %dma_wait3A_222 = tpu.memref_squeeze %dma_wait3A_221 : memref<1x128xf32, #tpu.memory_space<vmem>> -> memref<128xf32, #tpu.memory_space<vmem>>
    %dma_wait3A_223 = tpu.memref_slice %arg13[%add3A_218] : memref<10240xf32, #tpu.memory_space<vmem_shared>> -> memref<128xf32, #tpu.memory_space<vmem_shared>>
    %dma_wait3A_224 = tpu.memref_slice %arg13[%add3A_218] : memref<10240xf32, #tpu.memory_space<vmem_shared>> -> memref<128xf32, #tpu.memory_space<vmem_shared>>
    %dma_wait3A_225 = arith.constant 0 : i32
    %dma_wait3A_226 = tpu.memref_slice %arg9[%dma_wait3A_219, %dma_wait3A_225] : memref<128x128xf32, #tpu.memory_space<vmem>> -> memref<1x128xf32, #tpu.memory_space<vmem>>
    %dma_wait3A_227 = tpu.memref_squeeze %dma_wait3A_226 : memref<1x128xf32, #tpu.memory_space<vmem>> -> memref<128xf32, #tpu.memory_space<vmem>>
    tpu.wait_dma2 semaphore(%arg14 : memref<!tpu.dma_semaphore, #tpu.memory_space<semaphore_mem>>) src(%dma_wait3A_227 : memref<128xf32, #tpu.memory_space<vmem>>) dst(%dma_wait3A_224 : memref<128xf32, #tpu.memory_space<vmem_shared>>)
    %mul3A_228 = arith.constant 640 : i32
    %mul3A_229 = arith.muli %arg1, %mul3A_228 : i32
    %add3A_230 = arith.constant 384 : i32
    %add3A_231 = arith.addi %mul3A_229, %add3A_230 : i32
    %dma_wait3A_232 = arith.constant 0 : i32
    %dma_wait3A_233 = arith.constant 0 : i32
    %dma_wait3A_234 = tpu.memref_slice %arg9[%dma_wait3A_232, %dma_wait3A_233] : memref<128x128xf32, #tpu.memory_space<vmem>> -> memref<1x128xf32, #tpu.memory_space<vmem>>
    %dma_wait3A_235 = tpu.memref_squeeze %dma_wait3A_234 : memref<1x128xf32, #tpu.memory_space<vmem>> -> memref<128xf32, #tpu.memory_space<vmem>>
    %dma_wait3A_236 = tpu.memref_slice %arg13[%add3A_231] : memref<10240xf32, #tpu.memory_space<vmem_shared>> -> memref<128xf32, #tpu.memory_space<vmem_shared>>
    %dma_wait3A_237 = tpu.memref_slice %arg13[%add3A_231] : memref<10240xf32, #tpu.memory_space<vmem_shared>> -> memref<128xf32, #tpu.memory_space<vmem_shared>>
    %dma_wait3A_238 = arith.constant 0 : i32
    %dma_wait3A_239 = tpu.memref_slice %arg9[%dma_wait3A_232, %dma_wait3A_238] : memref<128x128xf32, #tpu.memory_space<vmem>> -> memref<1x128xf32, #tpu.memory_space<vmem>>
    %dma_wait3A_240 = tpu.memref_squeeze %dma_wait3A_239 : memref<1x128xf32, #tpu.memory_space<vmem>> -> memref<128xf32, #tpu.memory_space<vmem>>
    tpu.wait_dma2 semaphore(%arg14 : memref<!tpu.dma_semaphore, #tpu.memory_space<semaphore_mem>>) src(%dma_wait3A_240 : memref<128xf32, #tpu.memory_space<vmem>>) dst(%dma_wait3A_237 : memref<128xf32, #tpu.memory_space<vmem_shared>>)
    %mul3A_241 = arith.constant 640 : i32
    %mul3A_242 = arith.muli %arg1, %mul3A_241 : i32
    %add3A_243 = arith.constant 512 : i32
    %add3A_244 = arith.addi %mul3A_242, %add3A_243 : i32
    %dma_wait3A_245 = arith.constant 0 : i32
    %dma_wait3A_246 = arith.constant 0 : i32
    %dma_wait3A_247 = tpu.memref_slice %arg9[%dma_wait3A_245, %dma_wait3A_246] : memref<128x128xf32, #tpu.memory_space<vmem>> -> memref<1x128xf32, #tpu.memory_space<vmem>>
    %dma_wait3A_248 = tpu.memref_squeeze %dma_wait3A_247 : memref<1x128xf32, #tpu.memory_space<vmem>> -> memref<128xf32, #tpu.memory_space<vmem>>
    %dma_wait3A_249 = tpu.memref_slice %arg13[%add3A_244] : memref<10240xf32, #tpu.memory_space<vmem_shared>> -> memref<128xf32, #tpu.memory_space<vmem_shared>>
    %dma_wait3A_250 = tpu.memref_slice %arg13[%add3A_244] : memref<10240xf32, #tpu.memory_space<vmem_shared>> -> memref<128xf32, #tpu.memory_space<vmem_shared>>
    %dma_wait3A_251 = arith.constant 0 : i32
    %dma_wait3A_252 = tpu.memref_slice %arg9[%dma_wait3A_245, %dma_wait3A_251] : memref<128x128xf32, #tpu.memory_space<vmem>> -> memref<1x128xf32, #tpu.memory_space<vmem>>
    %dma_wait3A_253 = tpu.memref_squeeze %dma_wait3A_252 : memref<1x128xf32, #tpu.memory_space<vmem>> -> memref<128xf32, #tpu.memory_space<vmem>>
    tpu.wait_dma2 semaphore(%arg14 : memref<!tpu.dma_semaphore, #tpu.memory_space<semaphore_mem>>) src(%dma_wait3A_253 : memref<128xf32, #tpu.memory_space<vmem>>) dst(%dma_wait3A_250 : memref<128xf32, #tpu.memory_space<vmem_shared>>)
    %barrier3A = arith.constant 0 : index
    tpu.barrier barrier_id(%barrier3A)
    %eq3A = arith.constant 0 : i32
    %eq3A_254 = arith.cmpi eq, %arg0, %eq3A : i32
    %mul3A_255 = arith.constant 128 : i32
    %mul3A_256 = arith.muli %arg1, %mul3A_255 : i32
    %mul3A_257 = arith.constant 32 : i32
    %mul3A_258 = arith.muli %arg1, %mul3A_257 : i32
    %add3A_259 = arith.constant 2048 : i32
    %add3A_260 = arith.addi %add3A_259, %mul3A_258 : i32
    %select_n3A = arith.select %eq3A_254, %mul3A_256, %add3A_260 : i32
    %eq3A_261 = arith.constant 0 : i32
    %eq3A_262 = arith.cmpi eq, %arg0, %eq3A_261 : i32
    %jit3A = arith.constant 64 : i32
    %jit3A_263 = arith.constant 16 : i32
    %select_n3A_264 = arith.select %eq3A_262, %jit3A, %jit3A_263 : i32
    %mul3A_265 = arith.constant 0 : i32
    %mul3A_266 = arith.muli %mul3A_265, %select_n3A_264 : i32
    %add3A_267 = arith.addi %select_n3A, %mul3A_266 : i32
    %dma_start3A_268 = arith.constant 0 : i32
    %dma_start3A_269 = tpu.memref_slice %arg3[%add3A_267, %dma_start3A_268] : memref<2624x128xi32, #tpu.memory_space<hbm>> -> memref<64x128xi32, #tpu.memory_space<hbm>>
    %dma_start3A_270 = arith.constant 0 : i32
    %dma_start3A_271 = tpu.memref_slice %arg3[%add3A_267, %dma_start3A_270] : memref<2624x128xi32, #tpu.memory_space<hbm>> -> memref<64x128xi32, #tpu.memory_space<hbm>>
    tpu.enqueue_dma source(%dma_start3A_271 : memref<64x128xi32, #tpu.memory_space<hbm>>) target(%arg7 : memref<64x128xi32, #tpu.memory_space<vmem>>) target_semaphore(%arg14 : memref<!tpu.dma_semaphore, #tpu.memory_space<semaphore_mem>>)
    %dma_start3A_272 = arith.constant 0 : i32
    %dma_start3A_273 = tpu.memref_slice %arg4[%add3A_267, %dma_start3A_272] : memref<2624x128xi32, #tpu.memory_space<hbm>> -> memref<64x128xi32, #tpu.memory_space<hbm>>
    %dma_start3A_274 = arith.constant 0 : i32
    %dma_start3A_275 = tpu.memref_slice %arg4[%add3A_267, %dma_start3A_274] : memref<2624x128xi32, #tpu.memory_space<hbm>> -> memref<64x128xi32, #tpu.memory_space<hbm>>
    tpu.enqueue_dma source(%dma_start3A_275 : memref<64x128xi32, #tpu.memory_space<hbm>>) target(%arg8 : memref<64x128xi32, #tpu.memory_space<vmem>>) target_semaphore(%arg14 : memref<!tpu.dma_semaphore, #tpu.memory_space<semaphore_mem>>)
    %dma_wait3A_276 = arith.constant 0 : i32
    %dma_wait3A_277 = tpu.memref_slice %arg3[%add3A_267, %dma_wait3A_276] : memref<2624x128xi32, #tpu.memory_space<hbm>> -> memref<64x128xi32, #tpu.memory_space<hbm>>
    %dma_wait3A_278 = arith.constant 0 : i32
    %dma_wait3A_279 = tpu.memref_slice %arg3[%add3A_267, %dma_wait3A_278] : memref<2624x128xi32, #tpu.memory_space<hbm>> -> memref<64x128xi32, #tpu.memory_space<hbm>>
    tpu.wait_dma2 semaphore(%arg14 : memref<!tpu.dma_semaphore, #tpu.memory_space<semaphore_mem>>) src(%dma_wait3A_279 : memref<64x128xi32, #tpu.memory_space<hbm>>) dst(%arg7 : memref<64x128xi32, #tpu.memory_space<vmem>>)
    %dma_wait3A_280 = arith.constant 0 : i32
    %dma_wait3A_281 = tpu.memref_slice %arg4[%add3A_267, %dma_wait3A_280] : memref<2624x128xi32, #tpu.memory_space<hbm>> -> memref<64x128xi32, #tpu.memory_space<hbm>>
    %dma_wait3A_282 = arith.constant 0 : i32
    %dma_wait3A_283 = tpu.memref_slice %arg4[%add3A_267, %dma_wait3A_282] : memref<2624x128xi32, #tpu.memory_space<hbm>> -> memref<64x128xi32, #tpu.memory_space<hbm>>
    tpu.wait_dma2 semaphore(%arg14 : memref<!tpu.dma_semaphore, #tpu.memory_space<semaphore_mem>>) src(%dma_wait3A_283 : memref<64x128xi32, #tpu.memory_space<hbm>>) dst(%arg8 : memref<64x128xi32, #tpu.memory_space<vmem>>)
    %dma_start3A_284 = arith.constant 0 : i32
    %dma_start3A_285 = arith.constant 0 : i32
    %dma_start3A_286 = tpu.memref_slice %arg7[%dma_start3A_284, %dma_start3A_285] : memref<64x128xi32, #tpu.memory_space<vmem>> -> memref<1x128xi32, #tpu.memory_space<vmem>>
    %dma_start3A_287 = tpu.memref_squeeze %dma_start3A_286 : memref<1x128xi32, #tpu.memory_space<vmem>> -> memref<128xi32, #tpu.memory_space<vmem>>
    %dma_start3A_288 = arith.constant 0 : i32
    %dma_start3A_289 = arith.constant 0 : i32
    %dma_start3A_290 = tpu.memref_slice %arg2[%dma_start3A_288, %dma_start3A_289] : memref<10000x128xf32, #tpu.memory_space<hbm>> -> memref<10000x128xf32, #tpu.memory_space<hbm>>
    tpu.enqueue_indirect_dma source(%dma_start3A_290 : memref<10000x128xf32, #tpu.memory_space<hbm>>) target(%arg9 : memref<128x128xf32, #tpu.memory_space<vmem>>) offsets(%dma_start3A_287 : memref<128xi32, #tpu.memory_space<vmem>>) semaphore(%arg14 : memref<!tpu.dma_semaphore, #tpu.memory_space<semaphore_mem>>)
    %dma_start3A_291 = arith.constant 1 : i32
    %dma_start3A_292 = arith.constant 0 : i32
    %dma_start3A_293 = tpu.memref_slice %arg7[%dma_start3A_291, %dma_start3A_292] : memref<64x128xi32, #tpu.memory_space<vmem>> -> memref<1x128xi32, #tpu.memory_space<vmem>>
    %dma_start3A_294 = tpu.memref_squeeze %dma_start3A_293 : memref<1x128xi32, #tpu.memory_space<vmem>> -> memref<128xi32, #tpu.memory_space<vmem>>
    %dma_start3A_295 = arith.constant 0 : i32
    %dma_start3A_296 = arith.constant 0 : i32
    %dma_start3A_297 = tpu.memref_slice %arg2[%dma_start3A_295, %dma_start3A_296] : memref<10000x128xf32, #tpu.memory_space<hbm>> -> memref<10000x128xf32, #tpu.memory_space<hbm>>
    tpu.enqueue_indirect_dma source(%dma_start3A_297 : memref<10000x128xf32, #tpu.memory_space<hbm>>) target(%arg10 : memref<128x128xf32, #tpu.memory_space<vmem>>) offsets(%dma_start3A_294 : memref<128xi32, #tpu.memory_space<vmem>>) semaphore(%arg14 : memref<!tpu.dma_semaphore, #tpu.memory_space<semaphore_mem>>)
    %jit3A_298 = arith.constant 2 : i32
    %div3A = arith.divsi %select_n3A_264, %jit3A_298 : i32
    %sign3A = arith.constant 0 : i32
    %sign3A_299 = arith.cmpi sgt, %select_n3A_264, %sign3A : i32
    %sign3A_300 = arith.extui %sign3A_299 : i1 to i32
    %sign3A_301 = arith.constant 0 : i32
    %sign3A_302 = arith.cmpi slt, %select_n3A_264, %sign3A_301 : i32
    %sign3A_303 = arith.extui %sign3A_302 : i1 to i32
    %sign3A_304 = arith.subi %sign3A_300, %sign3A_303 : i32
    %sign3A_305 = arith.constant 0 : i32
    %sign3A_306 = arith.cmpi sgt, %jit3A_298, %sign3A_305 : i32
    %sign3A_307 = arith.extui %sign3A_306 : i1 to i32
    %sign3A_308 = arith.constant 0 : i32
    %sign3A_309 = arith.cmpi slt, %jit3A_298, %sign3A_308 : i32
    %sign3A_310 = arith.extui %sign3A_309 : i1 to i32
    %sign3A_311 = arith.subi %sign3A_307, %sign3A_310 : i32
    %ne3A = arith.cmpi ne, %sign3A_304, %sign3A_311 : i32
    %rem3A = arith.remsi %select_n3A_264, %jit3A_298 : i32
    %ne3A_312 = arith.constant 0 : i32
    %ne3A_313 = arith.cmpi ne, %rem3A, %ne3A_312 : i32
    %and3A = arith.andi %ne3A, %ne3A_313 : i1
    %sub3A_314 = arith.constant 1 : i32
    %sub3A_315 = arith.subi %div3A, %sub3A_314 : i32
    %select_n3A_316 = arith.select %and3A, %sub3A_315, %div3A : i32
    %sub3A_317 = arith.constant 1 : i32
    %sub3A_318 = arith.subi %select_n3A_316, %sub3A_317 : i32
    %while3A = arith.constant 0 : i32
    %while3A_319 = arith.constant 0 : i32
    %while3A_320 = arith.subi %sub3A_318, %while3A_319 : i32
    %while3A_321 = arith.addi %while3A_319, %while3A_320 : i32
    %while3A_322 = arith.constant 1 : i32
    %while3A_323 = arith.divsi %while3A_320, %while3A_322 : i32
    %while3A_324 = arith.muli %while3A_323, %while3A_322 : i32
    %while3A_325 = arith.addi %while3A_319, %while3A_324 : i32
    %while3A_326 = arith.constant 1 : i32
    scf.for %while3A_442 = %while3A_319 to %while3A_325 step %while3A_326  : i32 {
      %mul3A_443 = arith.constant 2 : i32
      %mul3A_444 = arith.muli %mul3A_443, %while3A_442 : i32
      %dma_wait3A_445 = arith.constant 0 : i32
      %dma_wait3A_446 = tpu.memref_slice %arg7[%mul3A_444, %dma_wait3A_445] : memref<64x128xi32, #tpu.memory_space<vmem>> -> memref<1x128xi32, #tpu.memory_space<vmem>>
      %dma_wait3A_447 = tpu.memref_squeeze %dma_wait3A_446 : memref<1x128xi32, #tpu.memory_space<vmem>> -> memref<128xi32, #tpu.memory_space<vmem>>
      %dma_wait3A_448 = arith.constant 0 : i32
      %dma_wait3A_449 = arith.constant 0 : i32
      %dma_wait3A_450 = tpu.memref_slice %arg2[%dma_wait3A_448, %dma_wait3A_449] : memref<10000x128xf32, #tpu.memory_space<hbm>> -> memref<10000x128xf32, #tpu.memory_space<hbm>>
      tpu.wait_indirect_dma semaphore(%arg14 : memref<!tpu.dma_semaphore, #tpu.memory_space<semaphore_mem>>) src(%dma_wait3A_450 : memref<10000x128xf32, #tpu.memory_space<hbm>>) dst(%arg9 : memref<128x128xf32, #tpu.memory_space<vmem>>)
      %add3A_451 = arith.constant 1 : i32
      %add3A_452 = arith.addi %mul3A_444, %add3A_451 : i32
      %dma_wait3A_453 = arith.constant 0 : i32
      %dma_wait3A_454 = tpu.memref_slice %arg7[%add3A_452, %dma_wait3A_453] : memref<64x128xi32, #tpu.memory_space<vmem>> -> memref<1x128xi32, #tpu.memory_space<vmem>>
      %dma_wait3A_455 = tpu.memref_squeeze %dma_wait3A_454 : memref<1x128xi32, #tpu.memory_space<vmem>> -> memref<128xi32, #tpu.memory_space<vmem>>
      %dma_wait3A_456 = arith.constant 0 : i32
      %dma_wait3A_457 = arith.constant 0 : i32
      %dma_wait3A_458 = tpu.memref_slice %arg2[%dma_wait3A_456, %dma_wait3A_457] : memref<10000x128xf32, #tpu.memory_space<hbm>> -> memref<10000x128xf32, #tpu.memory_space<hbm>>
      tpu.wait_indirect_dma semaphore(%arg14 : memref<!tpu.dma_semaphore, #tpu.memory_space<semaphore_mem>>) src(%dma_wait3A_458 : memref<10000x128xf32, #tpu.memory_space<hbm>>) dst(%arg10 : memref<128x128xf32, #tpu.memory_space<vmem>>)
      "tpu.region"() ({
        %run_scoped3A = tpu.sem_alloc : memref<!tpu.dma_semaphore, #tpu.memory_space<semaphore_mem>>
        %dma_start3A_479 = arith.constant 0 : i32
        %dma_start3A_480 = tpu.memref_slice %arg8[%mul3A_444, %dma_start3A_479] : memref<64x128xi32, #tpu.memory_space<vmem>> -> memref<1x128xi32, #tpu.memory_space<vmem>>
        %dma_start3A_481 = tpu.memref_squeeze %dma_start3A_480 : memref<1x128xi32, #tpu.memory_space<vmem>> -> memref<128xi32, #tpu.memory_space<vmem>>
        %dma_start3A_482 = arith.constant 0 : i32
        %dma_start3A_483 = arith.constant 0 : i32
        %dma_start3A_484 = tpu.memref_slice %arg12[%dma_start3A_482, %dma_start3A_483] : memref<10112x128xf32, #tpu.memory_space<vmem_shared>> -> memref<10112x128xf32, #tpu.memory_space<vmem_shared>>
        tpu.enqueue_indirect_dma source(%arg9 : memref<128x128xf32, #tpu.memory_space<vmem>>) target(%dma_start3A_484 : memref<10112x128xf32, #tpu.memory_space<vmem_shared>>) offsets(%dma_start3A_481 : memref<128xi32, #tpu.memory_space<vmem>>) semaphore(%run_scoped3A : memref<!tpu.dma_semaphore, #tpu.memory_space<semaphore_mem>>) {add = true}
        %dma_wait3A_485 = arith.constant 0 : i32
        %dma_wait3A_486 = tpu.memref_slice %arg8[%mul3A_444, %dma_wait3A_485] : memref<64x128xi32, #tpu.memory_space<vmem>> -> memref<1x128xi32, #tpu.memory_space<vmem>>
        %dma_wait3A_487 = tpu.memref_squeeze %dma_wait3A_486 : memref<1x128xi32, #tpu.memory_space<vmem>> -> memref<128xi32, #tpu.memory_space<vmem>>
        %dma_wait3A_488 = arith.constant 0 : i32
        %dma_wait3A_489 = arith.constant 0 : i32
        %dma_wait3A_490 = tpu.memref_slice %arg12[%dma_wait3A_488, %dma_wait3A_489] : memref<10112x128xf32, #tpu.memory_space<vmem_shared>> -> memref<10112x128xf32, #tpu.memory_space<vmem_shared>>
        tpu.wait_indirect_dma semaphore(%run_scoped3A : memref<!tpu.dma_semaphore, #tpu.memory_space<semaphore_mem>>) src(%arg9 : memref<128x128xf32, #tpu.memory_space<vmem>>) dst(%dma_wait3A_490 : memref<10112x128xf32, #tpu.memory_space<vmem_shared>>)
        tpu.yield
      }) : () -> ()
      %add3A_459 = arith.constant 1 : i32
      %add3A_460 = arith.addi %mul3A_444, %add3A_459 : i32
      "tpu.region"() ({
        %run_scoped3A = tpu.sem_alloc : memref<!tpu.dma_semaphore, #tpu.memory_space<semaphore_mem>>
        %dma_start3A_479 = arith.constant 0 : i32
        %dma_start3A_480 = tpu.memref_slice %arg8[%add3A_460, %dma_start3A_479] : memref<64x128xi32, #tpu.memory_space<vmem>> -> memref<1x128xi32, #tpu.memory_space<vmem>>
        %dma_start3A_481 = tpu.memref_squeeze %dma_start3A_480 : memref<1x128xi32, #tpu.memory_space<vmem>> -> memref<128xi32, #tpu.memory_space<vmem>>
        %dma_start3A_482 = arith.constant 0 : i32
        %dma_start3A_483 = arith.constant 0 : i32
        %dma_start3A_484 = tpu.memref_slice %arg12[%dma_start3A_482, %dma_start3A_483] : memref<10112x128xf32, #tpu.memory_space<vmem_shared>> -> memref<10112x128xf32, #tpu.memory_space<vmem_shared>>
        tpu.enqueue_indirect_dma source(%arg10 : memref<128x128xf32, #tpu.memory_space<vmem>>) target(%dma_start3A_484 : memref<10112x128xf32, #tpu.memory_space<vmem_shared>>) offsets(%dma_start3A_481 : memref<128xi32, #tpu.memory_space<vmem>>) semaphore(%run_scoped3A : memref<!tpu.dma_semaphore, #tpu.memory_space<semaphore_mem>>) {add = true}
        %dma_wait3A_485 = arith.constant 0 : i32
        %dma_wait3A_486 = tpu.memref_slice %arg8[%add3A_460, %dma_wait3A_485] : memref<64x128xi32, #tpu.memory_space<vmem>> -> memref<1x128xi32, #tpu.memory_space<vmem>>
        %dma_wait3A_487 = tpu.memref_squeeze %dma_wait3A_486 : memref<1x128xi32, #tpu.memory_space<vmem>> -> memref<128xi32, #tpu.memory_space<vmem>>
        %dma_wait3A_488 = arith.constant 0 : i32
        %dma_wait3A_489 = arith.constant 0 : i32
        %dma_wait3A_490 = tpu.memref_slice %arg12[%dma_wait3A_488, %dma_wait3A_489] : memref<10112x128xf32, #tpu.memory_space<vmem_shared>> -> memref<10112x128xf32, #tpu.memory_space<vmem_shared>>
        tpu.wait_indirect_dma semaphore(%run_scoped3A : memref<!tpu.dma_semaphore, #tpu.memory_space<semaphore_mem>>) src(%arg10 : memref<128x128xf32, #tpu.memory_space<vmem>>) dst(%dma_wait3A_490 : memref<10112x128xf32, #tpu.memory_space<vmem_shared>>)
        tpu.yield
      }) : () -> ()
      "tpu.region"() ({
        %run_scoped3A = tpu.sem_alloc : memref<!tpu.dma_semaphore, #tpu.memory_space<semaphore_mem>>
        %dma_start3A_479 = arith.constant 0 : i32
        %dma_start3A_480 = tpu.memref_slice %arg8[%mul3A_444, %dma_start3A_479] : memref<64x128xi32, #tpu.memory_space<vmem>> -> memref<1x128xi32, #tpu.memory_space<vmem>>
        %dma_start3A_481 = tpu.memref_squeeze %dma_start3A_480 : memref<1x128xi32, #tpu.memory_space<vmem>> -> memref<128xi32, #tpu.memory_space<vmem>>
        %dma_start3A_482 = arith.constant 0 : i32
        %dma_start3A_483 = tpu.memref_slice %arg13[%dma_start3A_482] : memref<10240xf32, #tpu.memory_space<vmem_shared>> -> memref<10240xf32, #tpu.memory_space<vmem_shared>>
        tpu.enqueue_indirect_dma source(%arg11 : memref<128xf32, #tpu.memory_space<vmem>>) target(%dma_start3A_483 : memref<10240xf32, #tpu.memory_space<vmem_shared>>) offsets(%dma_start3A_481 : memref<128xi32, #tpu.memory_space<vmem>>) semaphore(%run_scoped3A : memref<!tpu.dma_semaphore, #tpu.memory_space<semaphore_mem>>) {add = true}
        %dma_wait3A_484 = arith.constant 0 : i32
        %dma_wait3A_485 = tpu.memref_slice %arg8[%mul3A_444, %dma_wait3A_484] : memref<64x128xi32, #tpu.memory_space<vmem>> -> memref<1x128xi32, #tpu.memory_space<vmem>>
        %dma_wait3A_486 = tpu.memref_squeeze %dma_wait3A_485 : memref<1x128xi32, #tpu.memory_space<vmem>> -> memref<128xi32, #tpu.memory_space<vmem>>
        %dma_wait3A_487 = arith.constant 0 : i32
        %dma_wait3A_488 = tpu.memref_slice %arg13[%dma_wait3A_487] : memref<10240xf32, #tpu.memory_space<vmem_shared>> -> memref<10240xf32, #tpu.memory_space<vmem_shared>>
        tpu.wait_indirect_dma semaphore(%run_scoped3A : memref<!tpu.dma_semaphore, #tpu.memory_space<semaphore_mem>>) src(%arg11 : memref<128xf32, #tpu.memory_space<vmem>>) dst(%dma_wait3A_488 : memref<10240xf32, #tpu.memory_space<vmem_shared>>)
        tpu.yield
      }) : () -> ()
      %add3A_461 = arith.constant 1 : i32
      %add3A_462 = arith.addi %mul3A_444, %add3A_461 : i32
      "tpu.region"() ({
        %run_scoped3A = tpu.sem_alloc : memref<!tpu.dma_semaphore, #tpu.memory_space<semaphore_mem>>
        %dma_start3A_479 = arith.constant 0 : i32
        %dma_start3A_480 = tpu.memref_slice %arg8[%add3A_462, %dma_start3A_479] : memref<64x128xi32, #tpu.memory_space<vmem>> -> memref<1x128xi32, #tpu.memory_space<vmem>>
        %dma_start3A_481 = tpu.memref_squeeze %dma_start3A_480 : memref<1x128xi32, #tpu.memory_space<vmem>> -> memref<128xi32, #tpu.memory_space<vmem>>
        %dma_start3A_482 = arith.constant 0 : i32
        %dma_start3A_483 = tpu.memref_slice %arg13[%dma_start3A_482] : memref<10240xf32, #tpu.memory_space<vmem_shared>> -> memref<10240xf32, #tpu.memory_space<vmem_shared>>
        tpu.enqueue_indirect_dma source(%arg11 : memref<128xf32, #tpu.memory_space<vmem>>) target(%dma_start3A_483 : memref<10240xf32, #tpu.memory_space<vmem_shared>>) offsets(%dma_start3A_481 : memref<128xi32, #tpu.memory_space<vmem>>) semaphore(%run_scoped3A : memref<!tpu.dma_semaphore, #tpu.memory_space<semaphore_mem>>) {add = true}
        %dma_wait3A_484 = arith.constant 0 : i32
        %dma_wait3A_485 = tpu.memref_slice %arg8[%add3A_462, %dma_wait3A_484] : memref<64x128xi32, #tpu.memory_space<vmem>> -> memref<1x128xi32, #tpu.memory_space<vmem>>
        %dma_wait3A_486 = tpu.memref_squeeze %dma_wait3A_485 : memref<1x128xi32, #tpu.memory_space<vmem>> -> memref<128xi32, #tpu.memory_space<vmem>>
        %dma_wait3A_487 = arith.constant 0 : i32
        %dma_wait3A_488 = tpu.memref_slice %arg13[%dma_wait3A_487] : memref<10240xf32, #tpu.memory_space<vmem_shared>> -> memref<10240xf32, #tpu.memory_space<vmem_shared>>
        tpu.wait_indirect_dma semaphore(%run_scoped3A : memref<!tpu.dma_semaphore, #tpu.memory_space<semaphore_mem>>) src(%arg11 : memref<128xf32, #tpu.memory_space<vmem>>) dst(%dma_wait3A_488 : memref<10240xf32, #tpu.memory_space<vmem_shared>>)
        tpu.yield
      }) : () -> ()
      %add3A_463 = arith.constant 2 : i32
      %add3A_464 = arith.addi %mul3A_444, %add3A_463 : i32
      %dma_start3A_465 = arith.constant 0 : i32
      %dma_start3A_466 = tpu.memref_slice %arg7[%add3A_464, %dma_start3A_465] : memref<64x128xi32, #tpu.memory_space<vmem>> -> memref<1x128xi32, #tpu.memory_space<vmem>>
      %dma_start3A_467 = tpu.memref_squeeze %dma_start3A_466 : memref<1x128xi32, #tpu.memory_space<vmem>> -> memref<128xi32, #tpu.memory_space<vmem>>
      %dma_start3A_468 = arith.constant 0 : i32
      %dma_start3A_469 = arith.constant 0 : i32
      %dma_start3A_470 = tpu.memref_slice %arg2[%dma_start3A_468, %dma_start3A_469] : memref<10000x128xf32, #tpu.memory_space<hbm>> -> memref<10000x128xf32, #tpu.memory_space<hbm>>
      tpu.enqueue_indirect_dma source(%dma_start3A_470 : memref<10000x128xf32, #tpu.memory_space<hbm>>) target(%arg9 : memref<128x128xf32, #tpu.memory_space<vmem>>) offsets(%dma_start3A_467 : memref<128xi32, #tpu.memory_space<vmem>>) semaphore(%arg14 : memref<!tpu.dma_semaphore, #tpu.memory_space<semaphore_mem>>)
      %add3A_471 = arith.constant 3 : i32
      %add3A_472 = arith.addi %mul3A_444, %add3A_471 : i32
      %dma_start3A_473 = arith.constant 0 : i32
      %dma_start3A_474 = tpu.memref_slice %arg7[%add3A_472, %dma_start3A_473] : memref<64x128xi32, #tpu.memory_space<vmem>> -> memref<1x128xi32, #tpu.memory_space<vmem>>
      %dma_start3A_475 = tpu.memref_squeeze %dma_start3A_474 : memref<1x128xi32, #tpu.memory_space<vmem>> -> memref<128xi32, #tpu.memory_space<vmem>>
      %dma_start3A_476 = arith.constant 0 : i32
      %dma_start3A_477 = arith.constant 0 : i32
      %dma_start3A_478 = tpu.memref_slice %arg2[%dma_start3A_476, %dma_start3A_477] : memref<10000x128xf32, #tpu.memory_space<hbm>> -> memref<10000x128xf32, #tpu.memory_space<hbm>>
      tpu.enqueue_indirect_dma source(%dma_start3A_478 : memref<10000x128xf32, #tpu.memory_space<hbm>>) target(%arg10 : memref<128x128xf32, #tpu.memory_space<vmem>>) offsets(%dma_start3A_475 : memref<128xi32, #tpu.memory_space<vmem>>) semaphore(%arg14 : memref<!tpu.dma_semaphore, #tpu.memory_space<semaphore_mem>>)
    }
    %while3A_327 = arith.constant 1 : i32
    scf.for %while3A_442 = %while3A_325 to %while3A_321 step %while3A_327  : i32 {
      %mul3A_443 = arith.constant 2 : i32
      %mul3A_444 = arith.muli %mul3A_443, %while3A_442 : i32
      %dma_wait3A_445 = arith.constant 0 : i32
      %dma_wait3A_446 = tpu.memref_slice %arg7[%mul3A_444, %dma_wait3A_445] : memref<64x128xi32, #tpu.memory_space<vmem>> -> memref<1x128xi32, #tpu.memory_space<vmem>>
      %dma_wait3A_447 = tpu.memref_squeeze %dma_wait3A_446 : memref<1x128xi32, #tpu.memory_space<vmem>> -> memref<128xi32, #tpu.memory_space<vmem>>
      %dma_wait3A_448 = arith.constant 0 : i32
      %dma_wait3A_449 = arith.constant 0 : i32
      %dma_wait3A_450 = tpu.memref_slice %arg2[%dma_wait3A_448, %dma_wait3A_449] : memref<10000x128xf32, #tpu.memory_space<hbm>> -> memref<10000x128xf32, #tpu.memory_space<hbm>>
      tpu.wait_indirect_dma semaphore(%arg14 : memref<!tpu.dma_semaphore, #tpu.memory_space<semaphore_mem>>) src(%dma_wait3A_450 : memref<10000x128xf32, #tpu.memory_space<hbm>>) dst(%arg9 : memref<128x128xf32, #tpu.memory_space<vmem>>)
      %add3A_451 = arith.constant 1 : i32
      %add3A_452 = arith.addi %mul3A_444, %add3A_451 : i32
      %dma_wait3A_453 = arith.constant 0 : i32
      %dma_wait3A_454 = tpu.memref_slice %arg7[%add3A_452, %dma_wait3A_453] : memref<64x128xi32, #tpu.memory_space<vmem>> -> memref<1x128xi32, #tpu.memory_space<vmem>>
      %dma_wait3A_455 = tpu.memref_squeeze %dma_wait3A_454 : memref<1x128xi32, #tpu.memory_space<vmem>> -> memref<128xi32, #tpu.memory_space<vmem>>
      %dma_wait3A_456 = arith.constant 0 : i32
      %dma_wait3A_457 = arith.constant 0 : i32
      %dma_wait3A_458 = tpu.memref_slice %arg2[%dma_wait3A_456, %dma_wait3A_457] : memref<10000x128xf32, #tpu.memory_space<hbm>> -> memref<10000x128xf32, #tpu.memory_space<hbm>>
      tpu.wait_indirect_dma semaphore(%arg14 : memref<!tpu.dma_semaphore, #tpu.memory_space<semaphore_mem>>) src(%dma_wait3A_458 : memref<10000x128xf32, #tpu.memory_space<hbm>>) dst(%arg10 : memref<128x128xf32, #tpu.memory_space<vmem>>)
      "tpu.region"() ({
        %run_scoped3A = tpu.sem_alloc : memref<!tpu.dma_semaphore, #tpu.memory_space<semaphore_mem>>
        %dma_start3A_479 = arith.constant 0 : i32
        %dma_start3A_480 = tpu.memref_slice %arg8[%mul3A_444, %dma_start3A_479] : memref<64x128xi32, #tpu.memory_space<vmem>> -> memref<1x128xi32, #tpu.memory_space<vmem>>
        %dma_start3A_481 = tpu.memref_squeeze %dma_start3A_480 : memref<1x128xi32, #tpu.memory_space<vmem>> -> memref<128xi32, #tpu.memory_space<vmem>>
        %dma_start3A_482 = arith.constant 0 : i32
        %dma_start3A_483 = arith.constant 0 : i32
        %dma_start3A_484 = tpu.memref_slice %arg12[%dma_start3A_482, %dma_start3A_483] : memref<10112x128xf32, #tpu.memory_space<vmem_shared>> -> memref<10112x128xf32, #tpu.memory_space<vmem_shared>>
        tpu.enqueue_indirect_dma source(%arg9 : memref<128x128xf32, #tpu.memory_space<vmem>>) target(%dma_start3A_484 : memref<10112x128xf32, #tpu.memory_space<vmem_shared>>) offsets(%dma_start3A_481 : memref<128xi32, #tpu.memory_space<vmem>>) semaphore(%run_scoped3A : memref<!tpu.dma_semaphore, #tpu.memory_space<semaphore_mem>>) {add = true}
        %dma_wait3A_485 = arith.constant 0 : i32
        %dma_wait3A_486 = tpu.memref_slice %arg8[%mul3A_444, %dma_wait3A_485] : memref<64x128xi32, #tpu.memory_space<vmem>> -> memref<1x128xi32, #tpu.memory_space<vmem>>
        %dma_wait3A_487 = tpu.memref_squeeze %dma_wait3A_486 : memref<1x128xi32, #tpu.memory_space<vmem>> -> memref<128xi32, #tpu.memory_space<vmem>>
        %dma_wait3A_488 = arith.constant 0 : i32
        %dma_wait3A_489 = arith.constant 0 : i32
        %dma_wait3A_490 = tpu.memref_slice %arg12[%dma_wait3A_488, %dma_wait3A_489] : memref<10112x128xf32, #tpu.memory_space<vmem_shared>> -> memref<10112x128xf32, #tpu.memory_space<vmem_shared>>
        tpu.wait_indirect_dma semaphore(%run_scoped3A : memref<!tpu.dma_semaphore, #tpu.memory_space<semaphore_mem>>) src(%arg9 : memref<128x128xf32, #tpu.memory_space<vmem>>) dst(%dma_wait3A_490 : memref<10112x128xf32, #tpu.memory_space<vmem_shared>>)
        tpu.yield
      }) : () -> ()
      %add3A_459 = arith.constant 1 : i32
      %add3A_460 = arith.addi %mul3A_444, %add3A_459 : i32
      "tpu.region"() ({
        %run_scoped3A = tpu.sem_alloc : memref<!tpu.dma_semaphore, #tpu.memory_space<semaphore_mem>>
        %dma_start3A_479 = arith.constant 0 : i32
        %dma_start3A_480 = tpu.memref_slice %arg8[%add3A_460, %dma_start3A_479] : memref<64x128xi32, #tpu.memory_space<vmem>> -> memref<1x128xi32, #tpu.memory_space<vmem>>
        %dma_start3A_481 = tpu.memref_squeeze %dma_start3A_480 : memref<1x128xi32, #tpu.memory_space<vmem>> -> memref<128xi32, #tpu.memory_space<vmem>>
        %dma_start3A_482 = arith.constant 0 : i32
        %dma_start3A_483 = arith.constant 0 : i32
        %dma_start3A_484 = tpu.memref_slice %arg12[%dma_start3A_482, %dma_start3A_483] : memref<10112x128xf32, #tpu.memory_space<vmem_shared>> -> memref<10112x128xf32, #tpu.memory_space<vmem_shared>>
        tpu.enqueue_indirect_dma source(%arg10 : memref<128x128xf32, #tpu.memory_space<vmem>>) target(%dma_start3A_484 : memref<10112x128xf32, #tpu.memory_space<vmem_shared>>) offsets(%dma_start3A_481 : memref<128xi32, #tpu.memory_space<vmem>>) semaphore(%run_scoped3A : memref<!tpu.dma_semaphore, #tpu.memory_space<semaphore_mem>>) {add = true}
        %dma_wait3A_485 = arith.constant 0 : i32
        %dma_wait3A_486 = tpu.memref_slice %arg8[%add3A_460, %dma_wait3A_485] : memref<64x128xi32, #tpu.memory_space<vmem>> -> memref<1x128xi32, #tpu.memory_space<vmem>>
        %dma_wait3A_487 = tpu.memref_squeeze %dma_wait3A_486 : memref<1x128xi32, #tpu.memory_space<vmem>> -> memref<128xi32, #tpu.memory_space<vmem>>
        %dma_wait3A_488 = arith.constant 0 : i32
        %dma_wait3A_489 = arith.constant 0 : i32
        %dma_wait3A_490 = tpu.memref_slice %arg12[%dma_wait3A_488, %dma_wait3A_489] : memref<10112x128xf32, #tpu.memory_space<vmem_shared>> -> memref<10112x128xf32, #tpu.memory_space<vmem_shared>>
        tpu.wait_indirect_dma semaphore(%run_scoped3A : memref<!tpu.dma_semaphore, #tpu.memory_space<semaphore_mem>>) src(%arg10 : memref<128x128xf32, #tpu.memory_space<vmem>>) dst(%dma_wait3A_490 : memref<10112x128xf32, #tpu.memory_space<vmem_shared>>)
        tpu.yield
      }) : () -> ()
      "tpu.region"() ({
        %run_scoped3A = tpu.sem_alloc : memref<!tpu.dma_semaphore, #tpu.memory_space<semaphore_mem>>
        %dma_start3A_479 = arith.constant 0 : i32
        %dma_start3A_480 = tpu.memref_slice %arg8[%mul3A_444, %dma_start3A_479] : memref<64x128xi32, #tpu.memory_space<vmem>> -> memref<1x128xi32, #tpu.memory_space<vmem>>
        %dma_start3A_481 = tpu.memref_squeeze %dma_start3A_480 : memref<1x128xi32, #tpu.memory_space<vmem>> -> memref<128xi32, #tpu.memory_space<vmem>>
        %dma_start3A_482 = arith.constant 0 : i32
        %dma_start3A_483 = tpu.memref_slice %arg13[%dma_start3A_482] : memref<10240xf32, #tpu.memory_space<vmem_shared>> -> memref<10240xf32, #tpu.memory_space<vmem_shared>>
        tpu.enqueue_indirect_dma source(%arg11 : memref<128xf32, #tpu.memory_space<vmem>>) target(%dma_start3A_483 : memref<10240xf32, #tpu.memory_space<vmem_shared>>) offsets(%dma_start3A_481 : memref<128xi32, #tpu.memory_space<vmem>>) semaphore(%run_scoped3A : memref<!tpu.dma_semaphore, #tpu.memory_space<semaphore_mem>>) {add = true}
        %dma_wait3A_484 = arith.constant 0 : i32
        %dma_wait3A_485 = tpu.memref_slice %arg8[%mul3A_444, %dma_wait3A_484] : memref<64x128xi32, #tpu.memory_space<vmem>> -> memref<1x128xi32, #tpu.memory_space<vmem>>
        %dma_wait3A_486 = tpu.memref_squeeze %dma_wait3A_485 : memref<1x128xi32, #tpu.memory_space<vmem>> -> memref<128xi32, #tpu.memory_space<vmem>>
        %dma_wait3A_487 = arith.constant 0 : i32
        %dma_wait3A_488 = tpu.memref_slice %arg13[%dma_wait3A_487] : memref<10240xf32, #tpu.memory_space<vmem_shared>> -> memref<10240xf32, #tpu.memory_space<vmem_shared>>
        tpu.wait_indirect_dma semaphore(%run_scoped3A : memref<!tpu.dma_semaphore, #tpu.memory_space<semaphore_mem>>) src(%arg11 : memref<128xf32, #tpu.memory_space<vmem>>) dst(%dma_wait3A_488 : memref<10240xf32, #tpu.memory_space<vmem_shared>>)
        tpu.yield
      }) : () -> ()
      %add3A_461 = arith.constant 1 : i32
      %add3A_462 = arith.addi %mul3A_444, %add3A_461 : i32
      "tpu.region"() ({
        %run_scoped3A = tpu.sem_alloc : memref<!tpu.dma_semaphore, #tpu.memory_space<semaphore_mem>>
        %dma_start3A_479 = arith.constant 0 : i32
        %dma_start3A_480 = tpu.memref_slice %arg8[%add3A_462, %dma_start3A_479] : memref<64x128xi32, #tpu.memory_space<vmem>> -> memref<1x128xi32, #tpu.memory_space<vmem>>
        %dma_start3A_481 = tpu.memref_squeeze %dma_start3A_480 : memref<1x128xi32, #tpu.memory_space<vmem>> -> memref<128xi32, #tpu.memory_space<vmem>>
        %dma_start3A_482 = arith.constant 0 : i32
        %dma_start3A_483 = tpu.memref_slice %arg13[%dma_start3A_482] : memref<10240xf32, #tpu.memory_space<vmem_shared>> -> memref<10240xf32, #tpu.memory_space<vmem_shared>>
        tpu.enqueue_indirect_dma source(%arg11 : memref<128xf32, #tpu.memory_space<vmem>>) target(%dma_start3A_483 : memref<10240xf32, #tpu.memory_space<vmem_shared>>) offsets(%dma_start3A_481 : memref<128xi32, #tpu.memory_space<vmem>>) semaphore(%run_scoped3A : memref<!tpu.dma_semaphore, #tpu.memory_space<semaphore_mem>>) {add = true}
        %dma_wait3A_484 = arith.constant 0 : i32
        %dma_wait3A_485 = tpu.memref_slice %arg8[%add3A_462, %dma_wait3A_484] : memref<64x128xi32, #tpu.memory_space<vmem>> -> memref<1x128xi32, #tpu.memory_space<vmem>>
        %dma_wait3A_486 = tpu.memref_squeeze %dma_wait3A_485 : memref<1x128xi32, #tpu.memory_space<vmem>> -> memref<128xi32, #tpu.memory_space<vmem>>
        %dma_wait3A_487 = arith.constant 0 : i32
        %dma_wait3A_488 = tpu.memref_slice %arg13[%dma_wait3A_487] : memref<10240xf32, #tpu.memory_space<vmem_shared>> -> memref<10240xf32, #tpu.memory_space<vmem_shared>>
        tpu.wait_indirect_dma semaphore(%run_scoped3A : memref<!tpu.dma_semaphore, #tpu.memory_space<semaphore_mem>>) src(%arg11 : memref<128xf32, #tpu.memory_space<vmem>>) dst(%dma_wait3A_488 : memref<10240xf32, #tpu.memory_space<vmem_shared>>)
        tpu.yield
      }) : () -> ()
      %add3A_463 = arith.constant 2 : i32
      %add3A_464 = arith.addi %mul3A_444, %add3A_463 : i32
      %dma_start3A_465 = arith.constant 0 : i32
      %dma_start3A_466 = tpu.memref_slice %arg7[%add3A_464, %dma_start3A_465] : memref<64x128xi32, #tpu.memory_space<vmem>> -> memref<1x128xi32, #tpu.memory_space<vmem>>
      %dma_start3A_467 = tpu.memref_squeeze %dma_start3A_466 : memref<1x128xi32, #tpu.memory_space<vmem>> -> memref<128xi32, #tpu.memory_space<vmem>>
      %dma_start3A_468 = arith.constant 0 : i32
      %dma_start3A_469 = arith.constant 0 : i32
      %dma_start3A_470 = tpu.memref_slice %arg2[%dma_start3A_468, %dma_start3A_469] : memref<10000x128xf32, #tpu.memory_space<hbm>> -> memref<10000x128xf32, #tpu.memory_space<hbm>>
      tpu.enqueue_indirect_dma source(%dma_start3A_470 : memref<10000x128xf32, #tpu.memory_space<hbm>>) target(%arg9 : memref<128x128xf32, #tpu.memory_space<vmem>>) offsets(%dma_start3A_467 : memref<128xi32, #tpu.memory_space<vmem>>) semaphore(%arg14 : memref<!tpu.dma_semaphore, #tpu.memory_space<semaphore_mem>>)
      %add3A_471 = arith.constant 3 : i32
      %add3A_472 = arith.addi %mul3A_444, %add3A_471 : i32
      %dma_start3A_473 = arith.constant 0 : i32
      %dma_start3A_474 = tpu.memref_slice %arg7[%add3A_472, %dma_start3A_473] : memref<64x128xi32, #tpu.memory_space<vmem>> -> memref<1x128xi32, #tpu.memory_space<vmem>>
      %dma_start3A_475 = tpu.memref_squeeze %dma_start3A_474 : memref<1x128xi32, #tpu.memory_space<vmem>> -> memref<128xi32, #tpu.memory_space<vmem>>
      %dma_start3A_476 = arith.constant 0 : i32
      %dma_start3A_477 = arith.constant 0 : i32
      %dma_start3A_478 = tpu.memref_slice %arg2[%dma_start3A_476, %dma_start3A_477] : memref<10000x128xf32, #tpu.memory_space<hbm>> -> memref<10000x128xf32, #tpu.memory_space<hbm>>
      tpu.enqueue_indirect_dma source(%dma_start3A_478 : memref<10000x128xf32, #tpu.memory_space<hbm>>) target(%arg10 : memref<128x128xf32, #tpu.memory_space<vmem>>) offsets(%dma_start3A_475 : memref<128xi32, #tpu.memory_space<vmem>>) semaphore(%arg14 : memref<!tpu.dma_semaphore, #tpu.memory_space<semaphore_mem>>)
    }
    %sub3A_328 = arith.constant 2 : i32
    %sub3A_329 = arith.subi %select_n3A_264, %sub3A_328 : i32
    %dma_wait3A_330 = arith.constant 0 : i32
    %dma_wait3A_331 = tpu.memref_slice %arg7[%sub3A_329, %dma_wait3A_330] : memref<64x128xi32, #tpu.memory_space<vmem>> -> memref<1x128xi32, #tpu.memory_space<vmem>>
    %dma_wait3A_332 = tpu.memref_squeeze %dma_wait3A_331 : memref<1x128xi32, #tpu.memory_space<vmem>> -> memref<128xi32, #tpu.memory_space<vmem>>
    %dma_wait3A_333 = arith.constant 0 : i32
    %dma_wait3A_334 = arith.constant 0 : i32
    %dma_wait3A_335 = tpu.memref_slice %arg2[%dma_wait3A_333, %dma_wait3A_334] : memref<10000x128xf32, #tpu.memory_space<hbm>> -> memref<10000x128xf32, #tpu.memory_space<hbm>>
    tpu.wait_indirect_dma semaphore(%arg14 : memref<!tpu.dma_semaphore, #tpu.memory_space<semaphore_mem>>) src(%dma_wait3A_335 : memref<10000x128xf32, #tpu.memory_space<hbm>>) dst(%arg9 : memref<128x128xf32, #tpu.memory_space<vmem>>)
    %add3A_336 = arith.constant 1 : i32
    %add3A_337 = arith.addi %sub3A_329, %add3A_336 : i32
    %dma_wait3A_338 = arith.constant 0 : i32
    %dma_wait3A_339 = tpu.memref_slice %arg7[%add3A_337, %dma_wait3A_338] : memref<64x128xi32, #tpu.memory_space<vmem>> -> memref<1x128xi32, #tpu.memory_space<vmem>>
    %dma_wait3A_340 = tpu.memref_squeeze %dma_wait3A_339 : memref<1x128xi32, #tpu.memory_space<vmem>> -> memref<128xi32, #tpu.memory_space<vmem>>
    %dma_wait3A_341 = arith.constant 0 : i32
    %dma_wait3A_342 = arith.constant 0 : i32
    %dma_wait3A_343 = tpu.memref_slice %arg2[%dma_wait3A_341, %dma_wait3A_342] : memref<10000x128xf32, #tpu.memory_space<hbm>> -> memref<10000x128xf32, #tpu.memory_space<hbm>>
    tpu.wait_indirect_dma semaphore(%arg14 : memref<!tpu.dma_semaphore, #tpu.memory_space<semaphore_mem>>) src(%dma_wait3A_343 : memref<10000x128xf32, #tpu.memory_space<hbm>>) dst(%arg10 : memref<128x128xf32, #tpu.memory_space<vmem>>)
    "tpu.region"() ({
      %run_scoped3A = tpu.sem_alloc : memref<!tpu.dma_semaphore, #tpu.memory_space<semaphore_mem>>
      %dma_start3A_442 = arith.constant 0 : i32
      %dma_start3A_443 = tpu.memref_slice %arg8[%sub3A_329, %dma_start3A_442] : memref<64x128xi32, #tpu.memory_space<vmem>> -> memref<1x128xi32, #tpu.memory_space<vmem>>
      %dma_start3A_444 = tpu.memref_squeeze %dma_start3A_443 : memref<1x128xi32, #tpu.memory_space<vmem>> -> memref<128xi32, #tpu.memory_space<vmem>>
      %dma_start3A_445 = arith.constant 0 : i32
      %dma_start3A_446 = arith.constant 0 : i32
      %dma_start3A_447 = tpu.memref_slice %arg12[%dma_start3A_445, %dma_start3A_446] : memref<10112x128xf32, #tpu.memory_space<vmem_shared>> -> memref<10112x128xf32, #tpu.memory_space<vmem_shared>>
      tpu.enqueue_indirect_dma source(%arg9 : memref<128x128xf32, #tpu.memory_space<vmem>>) target(%dma_start3A_447 : memref<10112x128xf32, #tpu.memory_space<vmem_shared>>) offsets(%dma_start3A_444 : memref<128xi32, #tpu.memory_space<vmem>>) semaphore(%run_scoped3A : memref<!tpu.dma_semaphore, #tpu.memory_space<semaphore_mem>>) {add = true}
      %dma_wait3A_448 = arith.constant 0 : i32
      %dma_wait3A_449 = tpu.memref_slice %arg8[%sub3A_329, %dma_wait3A_448] : memref<64x128xi32, #tpu.memory_space<vmem>> -> memref<1x128xi32, #tpu.memory_space<vmem>>
      %dma_wait3A_450 = tpu.memref_squeeze %dma_wait3A_449 : memref<1x128xi32, #tpu.memory_space<vmem>> -> memref<128xi32, #tpu.memory_space<vmem>>
      %dma_wait3A_451 = arith.constant 0 : i32
      %dma_wait3A_452 = arith.constant 0 : i32
      %dma_wait3A_453 = tpu.memref_slice %arg12[%dma_wait3A_451, %dma_wait3A_452] : memref<10112x128xf32, #tpu.memory_space<vmem_shared>> -> memref<10112x128xf32, #tpu.memory_space<vmem_shared>>
      tpu.wait_indirect_dma semaphore(%run_scoped3A : memref<!tpu.dma_semaphore, #tpu.memory_space<semaphore_mem>>) src(%arg9 : memref<128x128xf32, #tpu.memory_space<vmem>>) dst(%dma_wait3A_453 : memref<10112x128xf32, #tpu.memory_space<vmem_shared>>)
      tpu.yield
    }) : () -> ()
    %add3A_344 = arith.constant 1 : i32
    %add3A_345 = arith.addi %sub3A_329, %add3A_344 : i32
    "tpu.region"() ({
      %run_scoped3A = tpu.sem_alloc : memref<!tpu.dma_semaphore, #tpu.memory_space<semaphore_mem>>
      %dma_start3A_442 = arith.constant 0 : i32
      %dma_start3A_443 = tpu.memref_slice %arg8[%add3A_345, %dma_start3A_442] : memref<64x128xi32, #tpu.memory_space<vmem>> -> memref<1x128xi32, #tpu.memory_space<vmem>>
      %dma_start3A_444 = tpu.memref_squeeze %dma_start3A_443 : memref<1x128xi32, #tpu.memory_space<vmem>> -> memref<128xi32, #tpu.memory_space<vmem>>
      %dma_start3A_445 = arith.constant 0 : i32
      %dma_start3A_446 = arith.constant 0 : i32
      %dma_start3A_447 = tpu.memref_slice %arg12[%dma_start3A_445, %dma_start3A_446] : memref<10112x128xf32, #tpu.memory_space<vmem_shared>> -> memref<10112x128xf32, #tpu.memory_space<vmem_shared>>
      tpu.enqueue_indirect_dma source(%arg10 : memref<128x128xf32, #tpu.memory_space<vmem>>) target(%dma_start3A_447 : memref<10112x128xf32, #tpu.memory_space<vmem_shared>>) offsets(%dma_start3A_444 : memref<128xi32, #tpu.memory_space<vmem>>) semaphore(%run_scoped3A : memref<!tpu.dma_semaphore, #tpu.memory_space<semaphore_mem>>) {add = true}
      %dma_wait3A_448 = arith.constant 0 : i32
      %dma_wait3A_449 = tpu.memref_slice %arg8[%add3A_345, %dma_wait3A_448] : memref<64x128xi32, #tpu.memory_space<vmem>> -> memref<1x128xi32, #tpu.memory_space<vmem>>
      %dma_wait3A_450 = tpu.memref_squeeze %dma_wait3A_449 : memref<1x128xi32, #tpu.memory_space<vmem>> -> memref<128xi32, #tpu.memory_space<vmem>>
      %dma_wait3A_451 = arith.constant 0 : i32
      %dma_wait3A_452 = arith.constant 0 : i32
      %dma_wait3A_453 = tpu.memref_slice %arg12[%dma_wait3A_451, %dma_wait3A_452] : memref<10112x128xf32, #tpu.memory_space<vmem_shared>> -> memref<10112x128xf32, #tpu.memory_space<vmem_shared>>
      tpu.wait_indirect_dma semaphore(%run_scoped3A : memref<!tpu.dma_semaphore, #tpu.memory_space<semaphore_mem>>) src(%arg10 : memref<128x128xf32, #tpu.memory_space<vmem>>) dst(%dma_wait3A_453 : memref<10112x128xf32, #tpu.memory_space<vmem_shared>>)
      tpu.yield
    }) : () -> ()
    "tpu.region"() ({
      %run_scoped3A = tpu.sem_alloc : memref<!tpu.dma_semaphore, #tpu.memory_space<semaphore_mem>>
      %dma_start3A_442 = arith.constant 0 : i32
      %dma_start3A_443 = tpu.memref_slice %arg8[%sub3A_329, %dma_start3A_442] : memref<64x128xi32, #tpu.memory_space<vmem>> -> memref<1x128xi32, #tpu.memory_space<vmem>>
      %dma_start3A_444 = tpu.memref_squeeze %dma_start3A_443 : memref<1x128xi32, #tpu.memory_space<vmem>> -> memref<128xi32, #tpu.memory_space<vmem>>
      %dma_start3A_445 = arith.constant 0 : i32
      %dma_start3A_446 = tpu.memref_slice %arg13[%dma_start3A_445] : memref<10240xf32, #tpu.memory_space<vmem_shared>> -> memref<10240xf32, #tpu.memory_space<vmem_shared>>
      tpu.enqueue_indirect_dma source(%arg11 : memref<128xf32, #tpu.memory_space<vmem>>) target(%dma_start3A_446 : memref<10240xf32, #tpu.memory_space<vmem_shared>>) offsets(%dma_start3A_444 : memref<128xi32, #tpu.memory_space<vmem>>) semaphore(%run_scoped3A : memref<!tpu.dma_semaphore, #tpu.memory_space<semaphore_mem>>) {add = true}
      %dma_wait3A_447 = arith.constant 0 : i32
      %dma_wait3A_448 = tpu.memref_slice %arg8[%sub3A_329, %dma_wait3A_447] : memref<64x128xi32, #tpu.memory_space<vmem>> -> memref<1x128xi32, #tpu.memory_space<vmem>>
      %dma_wait3A_449 = tpu.memref_squeeze %dma_wait3A_448 : memref<1x128xi32, #tpu.memory_space<vmem>> -> memref<128xi32, #tpu.memory_space<vmem>>
      %dma_wait3A_450 = arith.constant 0 : i32
      %dma_wait3A_451 = tpu.memref_slice %arg13[%dma_wait3A_450] : memref<10240xf32, #tpu.memory_space<vmem_shared>> -> memref<10240xf32, #tpu.memory_space<vmem_shared>>
      tpu.wait_indirect_dma semaphore(%run_scoped3A : memref<!tpu.dma_semaphore, #tpu.memory_space<semaphore_mem>>) src(%arg11 : memref<128xf32, #tpu.memory_space<vmem>>) dst(%dma_wait3A_451 : memref<10240xf32, #tpu.memory_space<vmem_shared>>)
      tpu.yield
    }) : () -> ()
    %add3A_346 = arith.constant 1 : i32
    %add3A_347 = arith.addi %sub3A_329, %add3A_346 : i32
    "tpu.region"() ({
      %run_scoped3A = tpu.sem_alloc : memref<!tpu.dma_semaphore, #tpu.memory_space<semaphore_mem>>
      %dma_start3A_442 = arith.constant 0 : i32
      %dma_start3A_443 = tpu.memref_slice %arg8[%add3A_347, %dma_start3A_442] : memref<64x128xi32, #tpu.memory_space<vmem>> -> memref<1x128xi32, #tpu.memory_space<vmem>>
      %dma_start3A_444 = tpu.memref_squeeze %dma_start3A_443 : memref<1x128xi32, #tpu.memory_space<vmem>> -> memref<128xi32, #tpu.memory_space<vmem>>
      %dma_start3A_445 = arith.constant 0 : i32
      %dma_start3A_446 = tpu.memref_slice %arg13[%dma_start3A_445] : memref<10240xf32, #tpu.memory_space<vmem_shared>> -> memref<10240xf32, #tpu.memory_space<vmem_shared>>
      tpu.enqueue_indirect_dma source(%arg11 : memref<128xf32, #tpu.memory_space<vmem>>) target(%dma_start3A_446 : memref<10240xf32, #tpu.memory_space<vmem_shared>>) offsets(%dma_start3A_444 : memref<128xi32, #tpu.memory_space<vmem>>) semaphore(%run_scoped3A : memref<!tpu.dma_semaphore, #tpu.memory_space<semaphore_mem>>) {add = true}
      %dma_wait3A_447 = arith.constant 0 : i32
      %dma_wait3A_448 = tpu.memref_slice %arg8[%add3A_347, %dma_wait3A_447] : memref<64x128xi32, #tpu.memory_space<vmem>> -> memref<1x128xi32, #tpu.memory_space<vmem>>
      %dma_wait3A_449 = tpu.memref_squeeze %dma_wait3A_448 : memref<1x128xi32, #tpu.memory_space<vmem>> -> memref<128xi32, #tpu.memory_space<vmem>>
      %dma_wait3A_450 = arith.constant 0 : i32
      %dma_wait3A_451 = tpu.memref_slice %arg13[%dma_wait3A_450] : memref<10240xf32, #tpu.memory_space<vmem_shared>> -> memref<10240xf32, #tpu.memory_space<vmem_shared>>
      tpu.wait_indirect_dma semaphore(%run_scoped3A : memref<!tpu.dma_semaphore, #tpu.memory_space<semaphore_mem>>) src(%arg11 : memref<128xf32, #tpu.memory_space<vmem>>) dst(%dma_wait3A_451 : memref<10240xf32, #tpu.memory_space<vmem_shared>>)
      tpu.yield
    }) : () -> ()
    %mul3A_348 = arith.constant 1 : i32
    %mul3A_349 = arith.muli %mul3A_348, %select_n3A_264 : i32
    %add3A_350 = arith.addi %select_n3A, %mul3A_349 : i32
    %dma_start3A_351 = arith.constant 0 : i32
    %dma_start3A_352 = tpu.memref_slice %arg3[%add3A_350, %dma_start3A_351] : memref<2624x128xi32, #tpu.memory_space<hbm>> -> memref<64x128xi32, #tpu.memory_space<hbm>>
    %dma_start3A_353 = arith.constant 0 : i32
    %dma_start3A_354 = tpu.memref_slice %arg3[%add3A_350, %dma_start3A_353] : memref<2624x128xi32, #tpu.memory_space<hbm>> -> memref<64x128xi32, #tpu.memory_space<hbm>>
    tpu.enqueue_dma source(%dma_start3A_354 : memref<64x128xi32, #tpu.memory_space<hbm>>) target(%arg7 : memref<64x128xi32, #tpu.memory_space<vmem>>) target_semaphore(%arg14 : memref<!tpu.dma_semaphore, #tpu.memory_space<semaphore_mem>>)
    %dma_start3A_355 = arith.constant 0 : i32
    %dma_start3A_356 = tpu.memref_slice %arg4[%add3A_350, %dma_start3A_355] : memref<2624x128xi32, #tpu.memory_space<hbm>> -> memref<64x128xi32, #tpu.memory_space<hbm>>
    %dma_start3A_357 = arith.constant 0 : i32
    %dma_start3A_358 = tpu.memref_slice %arg4[%add3A_350, %dma_start3A_357] : memref<2624x128xi32, #tpu.memory_space<hbm>> -> memref<64x128xi32, #tpu.memory_space<hbm>>
    tpu.enqueue_dma source(%dma_start3A_358 : memref<64x128xi32, #tpu.memory_space<hbm>>) target(%arg8 : memref<64x128xi32, #tpu.memory_space<vmem>>) target_semaphore(%arg14 : memref<!tpu.dma_semaphore, #tpu.memory_space<semaphore_mem>>)
    %dma_wait3A_359 = arith.constant 0 : i32
    %dma_wait3A_360 = tpu.memref_slice %arg3[%add3A_350, %dma_wait3A_359] : memref<2624x128xi32, #tpu.memory_space<hbm>> -> memref<64x128xi32, #tpu.memory_space<hbm>>
    %dma_wait3A_361 = arith.constant 0 : i32
    %dma_wait3A_362 = tpu.memref_slice %arg3[%add3A_350, %dma_wait3A_361] : memref<2624x128xi32, #tpu.memory_space<hbm>> -> memref<64x128xi32, #tpu.memory_space<hbm>>
    tpu.wait_dma2 semaphore(%arg14 : memref<!tpu.dma_semaphore, #tpu.memory_space<semaphore_mem>>) src(%dma_wait3A_362 : memref<64x128xi32, #tpu.memory_space<hbm>>) dst(%arg7 : memref<64x128xi32, #tpu.memory_space<vmem>>)
    %dma_wait3A_363 = arith.constant 0 : i32
    %dma_wait3A_364 = tpu.memref_slice %arg4[%add3A_350, %dma_wait3A_363] : memref<2624x128xi32, #tpu.memory_space<hbm>> -> memref<64x128xi32, #tpu.memory_space<hbm>>
    %dma_wait3A_365 = arith.constant 0 : i32
    %dma_wait3A_366 = tpu.memref_slice %arg4[%add3A_350, %dma_wait3A_365] : memref<2624x128xi32, #tpu.memory_space<hbm>> -> memref<64x128xi32, #tpu.memory_space<hbm>>
    tpu.wait_dma2 semaphore(%arg14 : memref<!tpu.dma_semaphore, #tpu.memory_space<semaphore_mem>>) src(%dma_wait3A_366 : memref<64x128xi32, #tpu.memory_space<hbm>>) dst(%arg8 : memref<64x128xi32, #tpu.memory_space<vmem>>)
    %dma_start3A_367 = arith.constant 0 : i32
    %dma_start3A_368 = arith.constant 0 : i32
    %dma_start3A_369 = tpu.memref_slice %arg7[%dma_start3A_367, %dma_start3A_368] : memref<64x128xi32, #tpu.memory_space<vmem>> -> memref<1x128xi32, #tpu.memory_space<vmem>>
    %dma_start3A_370 = tpu.memref_squeeze %dma_start3A_369 : memref<1x128xi32, #tpu.memory_space<vmem>> -> memref<128xi32, #tpu.memory_space<vmem>>
    %dma_start3A_371 = arith.constant 0 : i32
    %dma_start3A_372 = arith.constant 0 : i32
    %dma_start3A_373 = tpu.memref_slice %arg2[%dma_start3A_371, %dma_start3A_372] : memref<10000x128xf32, #tpu.memory_space<hbm>> -> memref<10000x128xf32, #tpu.memory_space<hbm>>
    tpu.enqueue_indirect_dma source(%dma_start3A_373 : memref<10000x128xf32, #tpu.memory_space<hbm>>) target(%arg9 : memref<128x128xf32, #tpu.memory_space<vmem>>) offsets(%dma_start3A_370 : memref<128xi32, #tpu.memory_space<vmem>>) semaphore(%arg14 : memref<!tpu.dma_semaphore, #tpu.memory_space<semaphore_mem>>)
    %dma_start3A_374 = arith.constant 1 : i32
    %dma_start3A_375 = arith.constant 0 : i32
    %dma_start3A_376 = tpu.memref_slice %arg7[%dma_start3A_374, %dma_start3A_375] : memref<64x128xi32, #tpu.memory_space<vmem>> -> memref<1x128xi32, #tpu.memory_space<vmem>>
    %dma_start3A_377 = tpu.memref_squeeze %dma_start3A_376 : memref<1x128xi32, #tpu.memory_space<vmem>> -> memref<128xi32, #tpu.memory_space<vmem>>
    %dma_start3A_378 = arith.constant 0 : i32
    %dma_start3A_379 = arith.constant 0 : i32
    %dma_start3A_380 = tpu.memref_slice %arg2[%dma_start3A_378, %dma_start3A_379] : memref<10000x128xf32, #tpu.memory_space<hbm>> -> memref<10000x128xf32, #tpu.memory_space<hbm>>
    tpu.enqueue_indirect_dma source(%dma_start3A_380 : memref<10000x128xf32, #tpu.memory_space<hbm>>) target(%arg10 : memref<128x128xf32, #tpu.memory_space<vmem>>) offsets(%dma_start3A_377 : memref<128xi32, #tpu.memory_space<vmem>>) semaphore(%arg14 : memref<!tpu.dma_semaphore, #tpu.memory_space<semaphore_mem>>)
    %jit3A_381 = arith.constant 2 : i32
    %div3A_382 = arith.divsi %select_n3A_264, %jit3A_381 : i32
    %sign3A_383 = arith.constant 0 : i32
    %sign3A_384 = arith.cmpi sgt, %select_n3A_264, %sign3A_383 : i32
    %sign3A_385 = arith.extui %sign3A_384 : i1 to i32
    %sign3A_386 = arith.constant 0 : i32
    %sign3A_387 = arith.cmpi slt, %select_n3A_264, %sign3A_386 : i32
    %sign3A_388 = arith.extui %sign3A_387 : i1 to i32
    %sign3A_389 = arith.subi %sign3A_385, %sign3A_388 : i32
    %sign3A_390 = arith.constant 0 : i32
    %sign3A_391 = arith.cmpi sgt, %jit3A_381, %sign3A_390 : i32
    %sign3A_392 = arith.extui %sign3A_391 : i1 to i32
    %sign3A_393 = arith.constant 0 : i32
    %sign3A_394 = arith.cmpi slt, %jit3A_381, %sign3A_393 : i32
    %sign3A_395 = arith.extui %sign3A_394 : i1 to i32
    %sign3A_396 = arith.subi %sign3A_392, %sign3A_395 : i32
    %ne3A_397 = arith.cmpi ne, %sign3A_389, %sign3A_396 : i32
    %rem3A_398 = arith.remsi %select_n3A_264, %jit3A_381 : i32
    %ne3A_399 = arith.constant 0 : i32
    %ne3A_400 = arith.cmpi ne, %rem3A_398, %ne3A_399 : i32
    %and3A_401 = arith.andi %ne3A_397, %ne3A_400 : i1
    %sub3A_402 = arith.constant 1 : i32
    %sub3A_403 = arith.subi %div3A_382, %sub3A_402 : i32
    %select_n3A_404 = arith.select %and3A_401, %sub3A_403, %div3A_382 : i32
    %sub3A_405 = arith.constant 1 : i32
    %sub3A_406 = arith.subi %select_n3A_404, %sub3A_405 : i32
    %while3A_407 = arith.constant 0 : i32
    %while3A_408 = arith.constant 0 : i32
    %while3A_409 = arith.subi %sub3A_406, %while3A_408 : i32
    %while3A_410 = arith.addi %while3A_408, %while3A_409 : i32
    %while3A_411 = arith.constant 1 : i32
    %while3A_412 = arith.divsi %while3A_409, %while3A_411 : i32
    %while3A_413 = arith.muli %while3A_412, %while3A_411 : i32
    %while3A_414 = arith.addi %while3A_408, %while3A_413 : i32
    %while3A_415 = arith.constant 1 : i32
    scf.for %while3A_442 = %while3A_408 to %while3A_414 step %while3A_415  : i32 {
      %mul3A_443 = arith.constant 2 : i32
      %mul3A_444 = arith.muli %mul3A_443, %while3A_442 : i32
      %dma_wait3A_445 = arith.constant 0 : i32
      %dma_wait3A_446 = tpu.memref_slice %arg7[%mul3A_444, %dma_wait3A_445] : memref<64x128xi32, #tpu.memory_space<vmem>> -> memref<1x128xi32, #tpu.memory_space<vmem>>
      %dma_wait3A_447 = tpu.memref_squeeze %dma_wait3A_446 : memref<1x128xi32, #tpu.memory_space<vmem>> -> memref<128xi32, #tpu.memory_space<vmem>>
      %dma_wait3A_448 = arith.constant 0 : i32
      %dma_wait3A_449 = arith.constant 0 : i32
      %dma_wait3A_450 = tpu.memref_slice %arg2[%dma_wait3A_448, %dma_wait3A_449] : memref<10000x128xf32, #tpu.memory_space<hbm>> -> memref<10000x128xf32, #tpu.memory_space<hbm>>
      tpu.wait_indirect_dma semaphore(%arg14 : memref<!tpu.dma_semaphore, #tpu.memory_space<semaphore_mem>>) src(%dma_wait3A_450 : memref<10000x128xf32, #tpu.memory_space<hbm>>) dst(%arg9 : memref<128x128xf32, #tpu.memory_space<vmem>>)
      %add3A_451 = arith.constant 1 : i32
      %add3A_452 = arith.addi %mul3A_444, %add3A_451 : i32
      %dma_wait3A_453 = arith.constant 0 : i32
      %dma_wait3A_454 = tpu.memref_slice %arg7[%add3A_452, %dma_wait3A_453] : memref<64x128xi32, #tpu.memory_space<vmem>> -> memref<1x128xi32, #tpu.memory_space<vmem>>
      %dma_wait3A_455 = tpu.memref_squeeze %dma_wait3A_454 : memref<1x128xi32, #tpu.memory_space<vmem>> -> memref<128xi32, #tpu.memory_space<vmem>>
      %dma_wait3A_456 = arith.constant 0 : i32
      %dma_wait3A_457 = arith.constant 0 : i32
      %dma_wait3A_458 = tpu.memref_slice %arg2[%dma_wait3A_456, %dma_wait3A_457] : memref<10000x128xf32, #tpu.memory_space<hbm>> -> memref<10000x128xf32, #tpu.memory_space<hbm>>
      tpu.wait_indirect_dma semaphore(%arg14 : memref<!tpu.dma_semaphore, #tpu.memory_space<semaphore_mem>>) src(%dma_wait3A_458 : memref<10000x128xf32, #tpu.memory_space<hbm>>) dst(%arg10 : memref<128x128xf32, #tpu.memory_space<vmem>>)
      "tpu.region"() ({
        %run_scoped3A = tpu.sem_alloc : memref<!tpu.dma_semaphore, #tpu.memory_space<semaphore_mem>>
        %dma_start3A_479 = arith.constant 0 : i32
        %dma_start3A_480 = tpu.memref_slice %arg8[%mul3A_444, %dma_start3A_479] : memref<64x128xi32, #tpu.memory_space<vmem>> -> memref<1x128xi32, #tpu.memory_space<vmem>>
        %dma_start3A_481 = tpu.memref_squeeze %dma_start3A_480 : memref<1x128xi32, #tpu.memory_space<vmem>> -> memref<128xi32, #tpu.memory_space<vmem>>
        %dma_start3A_482 = arith.constant 0 : i32
        %dma_start3A_483 = arith.constant 0 : i32
        %dma_start3A_484 = tpu.memref_slice %arg12[%dma_start3A_482, %dma_start3A_483] : memref<10112x128xf32, #tpu.memory_space<vmem_shared>> -> memref<10112x128xf32, #tpu.memory_space<vmem_shared>>
        tpu.enqueue_indirect_dma source(%arg9 : memref<128x128xf32, #tpu.memory_space<vmem>>) target(%dma_start3A_484 : memref<10112x128xf32, #tpu.memory_space<vmem_shared>>) offsets(%dma_start3A_481 : memref<128xi32, #tpu.memory_space<vmem>>) semaphore(%run_scoped3A : memref<!tpu.dma_semaphore, #tpu.memory_space<semaphore_mem>>) {add = true}
        %dma_wait3A_485 = arith.constant 0 : i32
        %dma_wait3A_486 = tpu.memref_slice %arg8[%mul3A_444, %dma_wait3A_485] : memref<64x128xi32, #tpu.memory_space<vmem>> -> memref<1x128xi32, #tpu.memory_space<vmem>>
        %dma_wait3A_487 = tpu.memref_squeeze %dma_wait3A_486 : memref<1x128xi32, #tpu.memory_space<vmem>> -> memref<128xi32, #tpu.memory_space<vmem>>
        %dma_wait3A_488 = arith.constant 0 : i32
        %dma_wait3A_489 = arith.constant 0 : i32
        %dma_wait3A_490 = tpu.memref_slice %arg12[%dma_wait3A_488, %dma_wait3A_489] : memref<10112x128xf32, #tpu.memory_space<vmem_shared>> -> memref<10112x128xf32, #tpu.memory_space<vmem_shared>>
        tpu.wait_indirect_dma semaphore(%run_scoped3A : memref<!tpu.dma_semaphore, #tpu.memory_space<semaphore_mem>>) src(%arg9 : memref<128x128xf32, #tpu.memory_space<vmem>>) dst(%dma_wait3A_490 : memref<10112x128xf32, #tpu.memory_space<vmem_shared>>)
        tpu.yield
      }) : () -> ()
      %add3A_459 = arith.constant 1 : i32
      %add3A_460 = arith.addi %mul3A_444, %add3A_459 : i32
      "tpu.region"() ({
        %run_scoped3A = tpu.sem_alloc : memref<!tpu.dma_semaphore, #tpu.memory_space<semaphore_mem>>
        %dma_start3A_479 = arith.constant 0 : i32
        %dma_start3A_480 = tpu.memref_slice %arg8[%add3A_460, %dma_start3A_479] : memref<64x128xi32, #tpu.memory_space<vmem>> -> memref<1x128xi32, #tpu.memory_space<vmem>>
        %dma_start3A_481 = tpu.memref_squeeze %dma_start3A_480 : memref<1x128xi32, #tpu.memory_space<vmem>> -> memref<128xi32, #tpu.memory_space<vmem>>
        %dma_start3A_482 = arith.constant 0 : i32
        %dma_start3A_483 = arith.constant 0 : i32
        %dma_start3A_484 = tpu.memref_slice %arg12[%dma_start3A_482, %dma_start3A_483] : memref<10112x128xf32, #tpu.memory_space<vmem_shared>> -> memref<10112x128xf32, #tpu.memory_space<vmem_shared>>
        tpu.enqueue_indirect_dma source(%arg10 : memref<128x128xf32, #tpu.memory_space<vmem>>) target(%dma_start3A_484 : memref<10112x128xf32, #tpu.memory_space<vmem_shared>>) offsets(%dma_start3A_481 : memref<128xi32, #tpu.memory_space<vmem>>) semaphore(%run_scoped3A : memref<!tpu.dma_semaphore, #tpu.memory_space<semaphore_mem>>) {add = true}
        %dma_wait3A_485 = arith.constant 0 : i32
        %dma_wait3A_486 = tpu.memref_slice %arg8[%add3A_460, %dma_wait3A_485] : memref<64x128xi32, #tpu.memory_space<vmem>> -> memref<1x128xi32, #tpu.memory_space<vmem>>
        %dma_wait3A_487 = tpu.memref_squeeze %dma_wait3A_486 : memref<1x128xi32, #tpu.memory_space<vmem>> -> memref<128xi32, #tpu.memory_space<vmem>>
        %dma_wait3A_488 = arith.constant 0 : i32
        %dma_wait3A_489 = arith.constant 0 : i32
        %dma_wait3A_490 = tpu.memref_slice %arg12[%dma_wait3A_488, %dma_wait3A_489] : memref<10112x128xf32, #tpu.memory_space<vmem_shared>> -> memref<10112x128xf32, #tpu.memory_space<vmem_shared>>
        tpu.wait_indirect_dma semaphore(%run_scoped3A : memref<!tpu.dma_semaphore, #tpu.memory_space<semaphore_mem>>) src(%arg10 : memref<128x128xf32, #tpu.memory_space<vmem>>) dst(%dma_wait3A_490 : memref<10112x128xf32, #tpu.memory_space<vmem_shared>>)
        tpu.yield
      }) : () -> ()
      "tpu.region"() ({
        %run_scoped3A = tpu.sem_alloc : memref<!tpu.dma_semaphore, #tpu.memory_space<semaphore_mem>>
        %dma_start3A_479 = arith.constant 0 : i32
        %dma_start3A_480 = tpu.memref_slice %arg8[%mul3A_444, %dma_start3A_479] : memref<64x128xi32, #tpu.memory_space<vmem>> -> memref<1x128xi32, #tpu.memory_space<vmem>>
        %dma_start3A_481 = tpu.memref_squeeze %dma_start3A_480 : memref<1x128xi32, #tpu.memory_space<vmem>> -> memref<128xi32, #tpu.memory_space<vmem>>
        %dma_start3A_482 = arith.constant 0 : i32
        %dma_start3A_483 = tpu.memref_slice %arg13[%dma_start3A_482] : memref<10240xf32, #tpu.memory_space<vmem_shared>> -> memref<10240xf32, #tpu.memory_space<vmem_shared>>
        tpu.enqueue_indirect_dma source(%arg11 : memref<128xf32, #tpu.memory_space<vmem>>) target(%dma_start3A_483 : memref<10240xf32, #tpu.memory_space<vmem_shared>>) offsets(%dma_start3A_481 : memref<128xi32, #tpu.memory_space<vmem>>) semaphore(%run_scoped3A : memref<!tpu.dma_semaphore, #tpu.memory_space<semaphore_mem>>) {add = true}
        %dma_wait3A_484 = arith.constant 0 : i32
        %dma_wait3A_485 = tpu.memref_slice %arg8[%mul3A_444, %dma_wait3A_484] : memref<64x128xi32, #tpu.memory_space<vmem>> -> memref<1x128xi32, #tpu.memory_space<vmem>>
        %dma_wait3A_486 = tpu.memref_squeeze %dma_wait3A_485 : memref<1x128xi32, #tpu.memory_space<vmem>> -> memref<128xi32, #tpu.memory_space<vmem>>
        %dma_wait3A_487 = arith.constant 0 : i32
        %dma_wait3A_488 = tpu.memref_slice %arg13[%dma_wait3A_487] : memref<10240xf32, #tpu.memory_space<vmem_shared>> -> memref<10240xf32, #tpu.memory_space<vmem_shared>>
        tpu.wait_indirect_dma semaphore(%run_scoped3A : memref<!tpu.dma_semaphore, #tpu.memory_space<semaphore_mem>>) src(%arg11 : memref<128xf32, #tpu.memory_space<vmem>>) dst(%dma_wait3A_488 : memref<10240xf32, #tpu.memory_space<vmem_shared>>)
        tpu.yield
      }) : () -> ()
      %add3A_461 = arith.constant 1 : i32
      %add3A_462 = arith.addi %mul3A_444, %add3A_461 : i32
      "tpu.region"() ({
        %run_scoped3A = tpu.sem_alloc : memref<!tpu.dma_semaphore, #tpu.memory_space<semaphore_mem>>
        %dma_start3A_479 = arith.constant 0 : i32
        %dma_start3A_480 = tpu.memref_slice %arg8[%add3A_462, %dma_start3A_479] : memref<64x128xi32, #tpu.memory_space<vmem>> -> memref<1x128xi32, #tpu.memory_space<vmem>>
        %dma_start3A_481 = tpu.memref_squeeze %dma_start3A_480 : memref<1x128xi32, #tpu.memory_space<vmem>> -> memref<128xi32, #tpu.memory_space<vmem>>
        %dma_start3A_482 = arith.constant 0 : i32
        %dma_start3A_483 = tpu.memref_slice %arg13[%dma_start3A_482] : memref<10240xf32, #tpu.memory_space<vmem_shared>> -> memref<10240xf32, #tpu.memory_space<vmem_shared>>
        tpu.enqueue_indirect_dma source(%arg11 : memref<128xf32, #tpu.memory_space<vmem>>) target(%dma_start3A_483 : memref<10240xf32, #tpu.memory_space<vmem_shared>>) offsets(%dma_start3A_481 : memref<128xi32, #tpu.memory_space<vmem>>) semaphore(%run_scoped3A : memref<!tpu.dma_semaphore, #tpu.memory_space<semaphore_mem>>) {add = true}
        %dma_wait3A_484 = arith.constant 0 : i32
        %dma_wait3A_485 = tpu.memref_slice %arg8[%add3A_462, %dma_wait3A_484] : memref<64x128xi32, #tpu.memory_space<vmem>> -> memref<1x128xi32, #tpu.memory_space<vmem>>
        %dma_wait3A_486 = tpu.memref_squeeze %dma_wait3A_485 : memref<1x128xi32, #tpu.memory_space<vmem>> -> memref<128xi32, #tpu.memory_space<vmem>>
        %dma_wait3A_487 = arith.constant 0 : i32
        %dma_wait3A_488 = tpu.memref_slice %arg13[%dma_wait3A_487] : memref<10240xf32, #tpu.memory_space<vmem_shared>> -> memref<10240xf32, #tpu.memory_space<vmem_shared>>
        tpu.wait_indirect_dma semaphore(%run_scoped3A : memref<!tpu.dma_semaphore, #tpu.memory_space<semaphore_mem>>) src(%arg11 : memref<128xf32, #tpu.memory_space<vmem>>) dst(%dma_wait3A_488 : memref<10240xf32, #tpu.memory_space<vmem_shared>>)
        tpu.yield
      }) : () -> ()
      %add3A_463 = arith.constant 2 : i32
      %add3A_464 = arith.addi %mul3A_444, %add3A_463 : i32
      %dma_start3A_465 = arith.constant 0 : i32
      %dma_start3A_466 = tpu.memref_slice %arg7[%add3A_464, %dma_start3A_465] : memref<64x128xi32, #tpu.memory_space<vmem>> -> memref<1x128xi32, #tpu.memory_space<vmem>>
      %dma_start3A_467 = tpu.memref_squeeze %dma_start3A_466 : memref<1x128xi32, #tpu.memory_space<vmem>> -> memref<128xi32, #tpu.memory_space<vmem>>
      %dma_start3A_468 = arith.constant 0 : i32
      %dma_start3A_469 = arith.constant 0 : i32
      %dma_start3A_470 = tpu.memref_slice %arg2[%dma_start3A_468, %dma_start3A_469] : memref<10000x128xf32, #tpu.memory_space<hbm>> -> memref<10000x128xf32, #tpu.memory_space<hbm>>
      tpu.enqueue_indirect_dma source(%dma_start3A_470 : memref<10000x128xf32, #tpu.memory_space<hbm>>) target(%arg9 : memref<128x128xf32, #tpu.memory_space<vmem>>) offsets(%dma_start3A_467 : memref<128xi32, #tpu.memory_space<vmem>>) semaphore(%arg14 : memref<!tpu.dma_semaphore, #tpu.memory_space<semaphore_mem>>)
      %add3A_471 = arith.constant 3 : i32
      %add3A_472 = arith.addi %mul3A_444, %add3A_471 : i32
      %dma_start3A_473 = arith.constant 0 : i32
      %dma_start3A_474 = tpu.memref_slice %arg7[%add3A_472, %dma_start3A_473] : memref<64x128xi32, #tpu.memory_space<vmem>> -> memref<1x128xi32, #tpu.memory_space<vmem>>
      %dma_start3A_475 = tpu.memref_squeeze %dma_start3A_474 : memref<1x128xi32, #tpu.memory_space<vmem>> -> memref<128xi32, #tpu.memory_space<vmem>>
      %dma_start3A_476 = arith.constant 0 : i32
      %dma_start3A_477 = arith.constant 0 : i32
      %dma_start3A_478 = tpu.memref_slice %arg2[%dma_start3A_476, %dma_start3A_477] : memref<10000x128xf32, #tpu.memory_space<hbm>> -> memref<10000x128xf32, #tpu.memory_space<hbm>>
      tpu.enqueue_indirect_dma source(%dma_start3A_478 : memref<10000x128xf32, #tpu.memory_space<hbm>>) target(%arg10 : memref<128x128xf32, #tpu.memory_space<vmem>>) offsets(%dma_start3A_475 : memref<128xi32, #tpu.memory_space<vmem>>) semaphore(%arg14 : memref<!tpu.dma_semaphore, #tpu.memory_space<semaphore_mem>>)
    }
    %while3A_416 = arith.constant 1 : i32
    scf.for %while3A_442 = %while3A_414 to %while3A_410 step %while3A_416  : i32 {
      %mul3A_443 = arith.constant 2 : i32
      %mul3A_444 = arith.muli %mul3A_443, %while3A_442 : i32
      %dma_wait3A_445 = arith.constant 0 : i32
      %dma_wait3A_446 = tpu.memref_slice %arg7[%mul3A_444, %dma_wait3A_445] : memref<64x128xi32, #tpu.memory_space<vmem>> -> memref<1x128xi32, #tpu.memory_space<vmem>>
      %dma_wait3A_447 = tpu.memref_squeeze %dma_wait3A_446 : memref<1x128xi32, #tpu.memory_space<vmem>> -> memref<128xi32, #tpu.memory_space<vmem>>
      %dma_wait3A_448 = arith.constant 0 : i32
      %dma_wait3A_449 = arith.constant 0 : i32
      %dma_wait3A_450 = tpu.memref_slice %arg2[%dma_wait3A_448, %dma_wait3A_449] : memref<10000x128xf32, #tpu.memory_space<hbm>> -> memref<10000x128xf32, #tpu.memory_space<hbm>>
      tpu.wait_indirect_dma semaphore(%arg14 : memref<!tpu.dma_semaphore, #tpu.memory_space<semaphore_mem>>) src(%dma_wait3A_450 : memref<10000x128xf32, #tpu.memory_space<hbm>>) dst(%arg9 : memref<128x128xf32, #tpu.memory_space<vmem>>)
      %add3A_451 = arith.constant 1 : i32
      %add3A_452 = arith.addi %mul3A_444, %add3A_451 : i32
      %dma_wait3A_453 = arith.constant 0 : i32
      %dma_wait3A_454 = tpu.memref_slice %arg7[%add3A_452, %dma_wait3A_453] : memref<64x128xi32, #tpu.memory_space<vmem>> -> memref<1x128xi32, #tpu.memory_space<vmem>>
      %dma_wait3A_455 = tpu.memref_squeeze %dma_wait3A_454 : memref<1x128xi32, #tpu.memory_space<vmem>> -> memref<128xi32, #tpu.memory_space<vmem>>
      %dma_wait3A_456 = arith.constant 0 : i32
      %dma_wait3A_457 = arith.constant 0 : i32
      %dma_wait3A_458 = tpu.memref_slice %arg2[%dma_wait3A_456, %dma_wait3A_457] : memref<10000x128xf32, #tpu.memory_space<hbm>> -> memref<10000x128xf32, #tpu.memory_space<hbm>>
      tpu.wait_indirect_dma semaphore(%arg14 : memref<!tpu.dma_semaphore, #tpu.memory_space<semaphore_mem>>) src(%dma_wait3A_458 : memref<10000x128xf32, #tpu.memory_space<hbm>>) dst(%arg10 : memref<128x128xf32, #tpu.memory_space<vmem>>)
      "tpu.region"() ({
        %run_scoped3A = tpu.sem_alloc : memref<!tpu.dma_semaphore, #tpu.memory_space<semaphore_mem>>
        %dma_start3A_479 = arith.constant 0 : i32
        %dma_start3A_480 = tpu.memref_slice %arg8[%mul3A_444, %dma_start3A_479] : memref<64x128xi32, #tpu.memory_space<vmem>> -> memref<1x128xi32, #tpu.memory_space<vmem>>
        %dma_start3A_481 = tpu.memref_squeeze %dma_start3A_480 : memref<1x128xi32, #tpu.memory_space<vmem>> -> memref<128xi32, #tpu.memory_space<vmem>>
        %dma_start3A_482 = arith.constant 0 : i32
        %dma_start3A_483 = arith.constant 0 : i32
        %dma_start3A_484 = tpu.memref_slice %arg12[%dma_start3A_482, %dma_start3A_483] : memref<10112x128xf32, #tpu.memory_space<vmem_shared>> -> memref<10112x128xf32, #tpu.memory_space<vmem_shared>>
        tpu.enqueue_indirect_dma source(%arg9 : memref<128x128xf32, #tpu.memory_space<vmem>>) target(%dma_start3A_484 : memref<10112x128xf32, #tpu.memory_space<vmem_shared>>) offsets(%dma_start3A_481 : memref<128xi32, #tpu.memory_space<vmem>>) semaphore(%run_scoped3A : memref<!tpu.dma_semaphore, #tpu.memory_space<semaphore_mem>>) {add = true}
        %dma_wait3A_485 = arith.constant 0 : i32
        %dma_wait3A_486 = tpu.memref_slice %arg8[%mul3A_444, %dma_wait3A_485] : memref<64x128xi32, #tpu.memory_space<vmem>> -> memref<1x128xi32, #tpu.memory_space<vmem>>
        %dma_wait3A_487 = tpu.memref_squeeze %dma_wait3A_486 : memref<1x128xi32, #tpu.memory_space<vmem>> -> memref<128xi32, #tpu.memory_space<vmem>>
        %dma_wait3A_488 = arith.constant 0 : i32
        %dma_wait3A_489 = arith.constant 0 : i32
        %dma_wait3A_490 = tpu.memref_slice %arg12[%dma_wait3A_488, %dma_wait3A_489] : memref<10112x128xf32, #tpu.memory_space<vmem_shared>> -> memref<10112x128xf32, #tpu.memory_space<vmem_shared>>
        tpu.wait_indirect_dma semaphore(%run_scoped3A : memref<!tpu.dma_semaphore, #tpu.memory_space<semaphore_mem>>) src(%arg9 : memref<128x128xf32, #tpu.memory_space<vmem>>) dst(%dma_wait3A_490 : memref<10112x128xf32, #tpu.memory_space<vmem_shared>>)
        tpu.yield
      }) : () -> ()
      %add3A_459 = arith.constant 1 : i32
      %add3A_460 = arith.addi %mul3A_444, %add3A_459 : i32
      "tpu.region"() ({
        %run_scoped3A = tpu.sem_alloc : memref<!tpu.dma_semaphore, #tpu.memory_space<semaphore_mem>>
        %dma_start3A_479 = arith.constant 0 : i32
        %dma_start3A_480 = tpu.memref_slice %arg8[%add3A_460, %dma_start3A_479] : memref<64x128xi32, #tpu.memory_space<vmem>> -> memref<1x128xi32, #tpu.memory_space<vmem>>
        %dma_start3A_481 = tpu.memref_squeeze %dma_start3A_480 : memref<1x128xi32, #tpu.memory_space<vmem>> -> memref<128xi32, #tpu.memory_space<vmem>>
        %dma_start3A_482 = arith.constant 0 : i32
        %dma_start3A_483 = arith.constant 0 : i32
        %dma_start3A_484 = tpu.memref_slice %arg12[%dma_start3A_482, %dma_start3A_483] : memref<10112x128xf32, #tpu.memory_space<vmem_shared>> -> memref<10112x128xf32, #tpu.memory_space<vmem_shared>>
        tpu.enqueue_indirect_dma source(%arg10 : memref<128x128xf32, #tpu.memory_space<vmem>>) target(%dma_start3A_484 : memref<10112x128xf32, #tpu.memory_space<vmem_shared>>) offsets(%dma_start3A_481 : memref<128xi32, #tpu.memory_space<vmem>>) semaphore(%run_scoped3A : memref<!tpu.dma_semaphore, #tpu.memory_space<semaphore_mem>>) {add = true}
        %dma_wait3A_485 = arith.constant 0 : i32
        %dma_wait3A_486 = tpu.memref_slice %arg8[%add3A_460, %dma_wait3A_485] : memref<64x128xi32, #tpu.memory_space<vmem>> -> memref<1x128xi32, #tpu.memory_space<vmem>>
        %dma_wait3A_487 = tpu.memref_squeeze %dma_wait3A_486 : memref<1x128xi32, #tpu.memory_space<vmem>> -> memref<128xi32, #tpu.memory_space<vmem>>
        %dma_wait3A_488 = arith.constant 0 : i32
        %dma_wait3A_489 = arith.constant 0 : i32
        %dma_wait3A_490 = tpu.memref_slice %arg12[%dma_wait3A_488, %dma_wait3A_489] : memref<10112x128xf32, #tpu.memory_space<vmem_shared>> -> memref<10112x128xf32, #tpu.memory_space<vmem_shared>>
        tpu.wait_indirect_dma semaphore(%run_scoped3A : memref<!tpu.dma_semaphore, #tpu.memory_space<semaphore_mem>>) src(%arg10 : memref<128x128xf32, #tpu.memory_space<vmem>>) dst(%dma_wait3A_490 : memref<10112x128xf32, #tpu.memory_space<vmem_shared>>)
        tpu.yield
      }) : () -> ()
      "tpu.region"() ({
        %run_scoped3A = tpu.sem_alloc : memref<!tpu.dma_semaphore, #tpu.memory_space<semaphore_mem>>
        %dma_start3A_479 = arith.constant 0 : i32
        %dma_start3A_480 = tpu.memref_slice %arg8[%mul3A_444, %dma_start3A_479] : memref<64x128xi32, #tpu.memory_space<vmem>> -> memref<1x128xi32, #tpu.memory_space<vmem>>
        %dma_start3A_481 = tpu.memref_squeeze %dma_start3A_480 : memref<1x128xi32, #tpu.memory_space<vmem>> -> memref<128xi32, #tpu.memory_space<vmem>>
        %dma_start3A_482 = arith.constant 0 : i32
        %dma_start3A_483 = tpu.memref_slice %arg13[%dma_start3A_482] : memref<10240xf32, #tpu.memory_space<vmem_shared>> -> memref<10240xf32, #tpu.memory_space<vmem_shared>>
        tpu.enqueue_indirect_dma source(%arg11 : memref<128xf32, #tpu.memory_space<vmem>>) target(%dma_start3A_483 : memref<10240xf32, #tpu.memory_space<vmem_shared>>) offsets(%dma_start3A_481 : memref<128xi32, #tpu.memory_space<vmem>>) semaphore(%run_scoped3A : memref<!tpu.dma_semaphore, #tpu.memory_space<semaphore_mem>>) {add = true}
        %dma_wait3A_484 = arith.constant 0 : i32
        %dma_wait3A_485 = tpu.memref_slice %arg8[%mul3A_444, %dma_wait3A_484] : memref<64x128xi32, #tpu.memory_space<vmem>> -> memref<1x128xi32, #tpu.memory_space<vmem>>
        %dma_wait3A_486 = tpu.memref_squeeze %dma_wait3A_485 : memref<1x128xi32, #tpu.memory_space<vmem>> -> memref<128xi32, #tpu.memory_space<vmem>>
        %dma_wait3A_487 = arith.constant 0 : i32
        %dma_wait3A_488 = tpu.memref_slice %arg13[%dma_wait3A_487] : memref<10240xf32, #tpu.memory_space<vmem_shared>> -> memref<10240xf32, #tpu.memory_space<vmem_shared>>
        tpu.wait_indirect_dma semaphore(%run_scoped3A : memref<!tpu.dma_semaphore, #tpu.memory_space<semaphore_mem>>) src(%arg11 : memref<128xf32, #tpu.memory_space<vmem>>) dst(%dma_wait3A_488 : memref<10240xf32, #tpu.memory_space<vmem_shared>>)
        tpu.yield
      }) : () -> ()
      %add3A_461 = arith.constant 1 : i32
      %add3A_462 = arith.addi %mul3A_444, %add3A_461 : i32
      "tpu.region"() ({
        %run_scoped3A = tpu.sem_alloc : memref<!tpu.dma_semaphore, #tpu.memory_space<semaphore_mem>>
        %dma_start3A_479 = arith.constant 0 : i32
        %dma_start3A_480 = tpu.memref_slice %arg8[%add3A_462, %dma_start3A_479] : memref<64x128xi32, #tpu.memory_space<vmem>> -> memref<1x128xi32, #tpu.memory_space<vmem>>
        %dma_start3A_481 = tpu.memref_squeeze %dma_start3A_480 : memref<1x128xi32, #tpu.memory_space<vmem>> -> memref<128xi32, #tpu.memory_space<vmem>>
        %dma_start3A_482 = arith.constant 0 : i32
        %dma_start3A_483 = tpu.memref_slice %arg13[%dma_start3A_482] : memref<10240xf32, #tpu.memory_space<vmem_shared>> -> memref<10240xf32, #tpu.memory_space<vmem_shared>>
        tpu.enqueue_indirect_dma source(%arg11 : memref<128xf32, #tpu.memory_space<vmem>>) target(%dma_start3A_483 : memref<10240xf32, #tpu.memory_space<vmem_shared>>) offsets(%dma_start3A_481 : memref<128xi32, #tpu.memory_space<vmem>>) semaphore(%run_scoped3A : memref<!tpu.dma_semaphore, #tpu.memory_space<semaphore_mem>>) {add = true}
        %dma_wait3A_484 = arith.constant 0 : i32
        %dma_wait3A_485 = tpu.memref_slice %arg8[%add3A_462, %dma_wait3A_484] : memref<64x128xi32, #tpu.memory_space<vmem>> -> memref<1x128xi32, #tpu.memory_space<vmem>>
        %dma_wait3A_486 = tpu.memref_squeeze %dma_wait3A_485 : memref<1x128xi32, #tpu.memory_space<vmem>> -> memref<128xi32, #tpu.memory_space<vmem>>
        %dma_wait3A_487 = arith.constant 0 : i32
        %dma_wait3A_488 = tpu.memref_slice %arg13[%dma_wait3A_487] : memref<10240xf32, #tpu.memory_space<vmem_shared>> -> memref<10240xf32, #tpu.memory_space<vmem_shared>>
        tpu.wait_indirect_dma semaphore(%run_scoped3A : memref<!tpu.dma_semaphore, #tpu.memory_space<semaphore_mem>>) src(%arg11 : memref<128xf32, #tpu.memory_space<vmem>>) dst(%dma_wait3A_488 : memref<10240xf32, #tpu.memory_space<vmem_shared>>)
        tpu.yield
      }) : () -> ()
      %add3A_463 = arith.constant 2 : i32
      %add3A_464 = arith.addi %mul3A_444, %add3A_463 : i32
      %dma_start3A_465 = arith.constant 0 : i32
      %dma_start3A_466 = tpu.memref_slice %arg7[%add3A_464, %dma_start3A_465] : memref<64x128xi32, #tpu.memory_space<vmem>> -> memref<1x128xi32, #tpu.memory_space<vmem>>
      %dma_start3A_467 = tpu.memref_squeeze %dma_start3A_466 : memref<1x128xi32, #tpu.memory_space<vmem>> -> memref<128xi32, #tpu.memory_space<vmem>>
      %dma_start3A_468 = arith.constant 0 : i32
      %dma_start3A_469 = arith.constant 0 : i32
      %dma_start3A_470 = tpu.memref_slice %arg2[%dma_start3A_468, %dma_start3A_469] : memref<10000x128xf32, #tpu.memory_space<hbm>> -> memref<10000x128xf32, #tpu.memory_space<hbm>>
      tpu.enqueue_indirect_dma source(%dma_start3A_470 : memref<10000x128xf32, #tpu.memory_space<hbm>>) target(%arg9 : memref<128x128xf32, #tpu.memory_space<vmem>>) offsets(%dma_start3A_467 : memref<128xi32, #tpu.memory_space<vmem>>) semaphore(%arg14 : memref<!tpu.dma_semaphore, #tpu.memory_space<semaphore_mem>>)
      %add3A_471 = arith.constant 3 : i32
      %add3A_472 = arith.addi %mul3A_444, %add3A_471 : i32
      %dma_start3A_473 = arith.constant 0 : i32
      %dma_start3A_474 = tpu.memref_slice %arg7[%add3A_472, %dma_start3A_473] : memref<64x128xi32, #tpu.memory_space<vmem>> -> memref<1x128xi32, #tpu.memory_space<vmem>>
      %dma_start3A_475 = tpu.memref_squeeze %dma_start3A_474 : memref<1x128xi32, #tpu.memory_space<vmem>> -> memref<128xi32, #tpu.memory_space<vmem>>
      %dma_start3A_476 = arith.constant 0 : i32
      %dma_start3A_477 = arith.constant 0 : i32
      %dma_start3A_478 = tpu.memref_slice %arg2[%dma_start3A_476, %dma_start3A_477] : memref<10000x128xf32, #tpu.memory_space<hbm>> -> memref<10000x128xf32, #tpu.memory_space<hbm>>
      tpu.enqueue_indirect_dma source(%dma_start3A_478 : memref<10000x128xf32, #tpu.memory_space<hbm>>) target(%arg10 : memref<128x128xf32, #tpu.memory_space<vmem>>) offsets(%dma_start3A_475 : memref<128xi32, #tpu.memory_space<vmem>>) semaphore(%arg14 : memref<!tpu.dma_semaphore, #tpu.memory_space<semaphore_mem>>)
    }
    %sub3A_417 = arith.constant 2 : i32
    %sub3A_418 = arith.subi %select_n3A_264, %sub3A_417 : i32
    %dma_wait3A_419 = arith.constant 0 : i32
    %dma_wait3A_420 = tpu.memref_slice %arg7[%sub3A_418, %dma_wait3A_419] : memref<64x128xi32, #tpu.memory_space<vmem>> -> memref<1x128xi32, #tpu.memory_space<vmem>>
    %dma_wait3A_421 = tpu.memref_squeeze %dma_wait3A_420 : memref<1x128xi32, #tpu.memory_space<vmem>> -> memref<128xi32, #tpu.memory_space<vmem>>
    %dma_wait3A_422 = arith.constant 0 : i32
    %dma_wait3A_423 = arith.constant 0 : i32
    %dma_wait3A_424 = tpu.memref_slice %arg2[%dma_wait3A_422, %dma_wait3A_423] : memref<10000x128xf32, #tpu.memory_space<hbm>> -> memref<10000x128xf32, #tpu.memory_space<hbm>>
    tpu.wait_indirect_dma semaphore(%arg14 : memref<!tpu.dma_semaphore, #tpu.memory_space<semaphore_mem>>) src(%dma_wait3A_424 : memref<10000x128xf32, #tpu.memory_space<hbm>>) dst(%arg9 : memref<128x128xf32, #tpu.memory_space<vmem>>)
    %add3A_425 = arith.constant 1 : i32
    %add3A_426 = arith.addi %sub3A_418, %add3A_425 : i32
    %dma_wait3A_427 = arith.constant 0 : i32
    %dma_wait3A_428 = tpu.memref_slice %arg7[%add3A_426, %dma_wait3A_427] : memref<64x128xi32, #tpu.memory_space<vmem>> -> memref<1x128xi32, #tpu.memory_space<vmem>>
    %dma_wait3A_429 = tpu.memref_squeeze %dma_wait3A_428 : memref<1x128xi32, #tpu.memory_space<vmem>> -> memref<128xi32, #tpu.memory_space<vmem>>
    %dma_wait3A_430 = arith.constant 0 : i32
    %dma_wait3A_431 = arith.constant 0 : i32
    %dma_wait3A_432 = tpu.memref_slice %arg2[%dma_wait3A_430, %dma_wait3A_431] : memref<10000x128xf32, #tpu.memory_space<hbm>> -> memref<10000x128xf32, #tpu.memory_space<hbm>>
    tpu.wait_indirect_dma semaphore(%arg14 : memref<!tpu.dma_semaphore, #tpu.memory_space<semaphore_mem>>) src(%dma_wait3A_432 : memref<10000x128xf32, #tpu.memory_space<hbm>>) dst(%arg10 : memref<128x128xf32, #tpu.memory_space<vmem>>)
    "tpu.region"() ({
      %run_scoped3A = tpu.sem_alloc : memref<!tpu.dma_semaphore, #tpu.memory_space<semaphore_mem>>
      %dma_start3A_442 = arith.constant 0 : i32
      %dma_start3A_443 = tpu.memref_slice %arg8[%sub3A_418, %dma_start3A_442] : memref<64x128xi32, #tpu.memory_space<vmem>> -> memref<1x128xi32, #tpu.memory_space<vmem>>
      %dma_start3A_444 = tpu.memref_squeeze %dma_start3A_443 : memref<1x128xi32, #tpu.memory_space<vmem>> -> memref<128xi32, #tpu.memory_space<vmem>>
      %dma_start3A_445 = arith.constant 0 : i32
      %dma_start3A_446 = arith.constant 0 : i32
      %dma_start3A_447 = tpu.memref_slice %arg12[%dma_start3A_445, %dma_start3A_446] : memref<10112x128xf32, #tpu.memory_space<vmem_shared>> -> memref<10112x128xf32, #tpu.memory_space<vmem_shared>>
      tpu.enqueue_indirect_dma source(%arg9 : memref<128x128xf32, #tpu.memory_space<vmem>>) target(%dma_start3A_447 : memref<10112x128xf32, #tpu.memory_space<vmem_shared>>) offsets(%dma_start3A_444 : memref<128xi32, #tpu.memory_space<vmem>>) semaphore(%run_scoped3A : memref<!tpu.dma_semaphore, #tpu.memory_space<semaphore_mem>>) {add = true}
      %dma_wait3A_448 = arith.constant 0 : i32
      %dma_wait3A_449 = tpu.memref_slice %arg8[%sub3A_418, %dma_wait3A_448] : memref<64x128xi32, #tpu.memory_space<vmem>> -> memref<1x128xi32, #tpu.memory_space<vmem>>
      %dma_wait3A_450 = tpu.memref_squeeze %dma_wait3A_449 : memref<1x128xi32, #tpu.memory_space<vmem>> -> memref<128xi32, #tpu.memory_space<vmem>>
      %dma_wait3A_451 = arith.constant 0 : i32
      %dma_wait3A_452 = arith.constant 0 : i32
      %dma_wait3A_453 = tpu.memref_slice %arg12[%dma_wait3A_451, %dma_wait3A_452] : memref<10112x128xf32, #tpu.memory_space<vmem_shared>> -> memref<10112x128xf32, #tpu.memory_space<vmem_shared>>
      tpu.wait_indirect_dma semaphore(%run_scoped3A : memref<!tpu.dma_semaphore, #tpu.memory_space<semaphore_mem>>) src(%arg9 : memref<128x128xf32, #tpu.memory_space<vmem>>) dst(%dma_wait3A_453 : memref<10112x128xf32, #tpu.memory_space<vmem_shared>>)
      tpu.yield
    }) : () -> ()
    %add3A_433 = arith.constant 1 : i32
    %add3A_434 = arith.addi %sub3A_418, %add3A_433 : i32
    "tpu.region"() ({
      %run_scoped3A = tpu.sem_alloc : memref<!tpu.dma_semaphore, #tpu.memory_space<semaphore_mem>>
      %dma_start3A_442 = arith.constant 0 : i32
      %dma_start3A_443 = tpu.memref_slice %arg8[%add3A_434, %dma_start3A_442] : memref<64x128xi32, #tpu.memory_space<vmem>> -> memref<1x128xi32, #tpu.memory_space<vmem>>
      %dma_start3A_444 = tpu.memref_squeeze %dma_start3A_443 : memref<1x128xi32, #tpu.memory_space<vmem>> -> memref<128xi32, #tpu.memory_space<vmem>>
      %dma_start3A_445 = arith.constant 0 : i32
      %dma_start3A_446 = arith.constant 0 : i32
      %dma_start3A_447 = tpu.memref_slice %arg12[%dma_start3A_445, %dma_start3A_446] : memref<10112x128xf32, #tpu.memory_space<vmem_shared>> -> memref<10112x128xf32, #tpu.memory_space<vmem_shared>>
      tpu.enqueue_indirect_dma source(%arg10 : memref<128x128xf32, #tpu.memory_space<vmem>>) target(%dma_start3A_447 : memref<10112x128xf32, #tpu.memory_space<vmem_shared>>) offsets(%dma_start3A_444 : memref<128xi32, #tpu.memory_space<vmem>>) semaphore(%run_scoped3A : memref<!tpu.dma_semaphore, #tpu.memory_space<semaphore_mem>>) {add = true}
      %dma_wait3A_448 = arith.constant 0 : i32
      %dma_wait3A_449 = tpu.memref_slice %arg8[%add3A_434, %dma_wait3A_448] : memref<64x128xi32, #tpu.memory_space<vmem>> -> memref<1x128xi32, #tpu.memory_space<vmem>>
      %dma_wait3A_450 = tpu.memref_squeeze %dma_wait3A_449 : memref<1x128xi32, #tpu.memory_space<vmem>> -> memref<128xi32, #tpu.memory_space<vmem>>
      %dma_wait3A_451 = arith.constant 0 : i32
      %dma_wait3A_452 = arith.constant 0 : i32
      %dma_wait3A_453 = tpu.memref_slice %arg12[%dma_wait3A_451, %dma_wait3A_452] : memref<10112x128xf32, #tpu.memory_space<vmem_shared>> -> memref<10112x128xf32, #tpu.memory_space<vmem_shared>>
      tpu.wait_indirect_dma semaphore(%run_scoped3A : memref<!tpu.dma_semaphore, #tpu.memory_space<semaphore_mem>>) src(%arg10 : memref<128x128xf32, #tpu.memory_space<vmem>>) dst(%dma_wait3A_453 : memref<10112x128xf32, #tpu.memory_space<vmem_shared>>)
      tpu.yield
    }) : () -> ()
    "tpu.region"() ({
      %run_scoped3A = tpu.sem_alloc : memref<!tpu.dma_semaphore, #tpu.memory_space<semaphore_mem>>
      %dma_start3A_442 = arith.constant 0 : i32
      %dma_start3A_443 = tpu.memref_slice %arg8[%sub3A_418, %dma_start3A_442] : memref<64x128xi32, #tpu.memory_space<vmem>> -> memref<1x128xi32, #tpu.memory_space<vmem>>
      %dma_start3A_444 = tpu.memref_squeeze %dma_start3A_443 : memref<1x128xi32, #tpu.memory_space<vmem>> -> memref<128xi32, #tpu.memory_space<vmem>>
      %dma_start3A_445 = arith.constant 0 : i32
      %dma_start3A_446 = tpu.memref_slice %arg13[%dma_start3A_445] : memref<10240xf32, #tpu.memory_space<vmem_shared>> -> memref<10240xf32, #tpu.memory_space<vmem_shared>>
      tpu.enqueue_indirect_dma source(%arg11 : memref<128xf32, #tpu.memory_space<vmem>>) target(%dma_start3A_446 : memref<10240xf32, #tpu.memory_space<vmem_shared>>) offsets(%dma_start3A_444 : memref<128xi32, #tpu.memory_space<vmem>>) semaphore(%run_scoped3A : memref<!tpu.dma_semaphore, #tpu.memory_space<semaphore_mem>>) {add = true}
      %dma_wait3A_447 = arith.constant 0 : i32
      %dma_wait3A_448 = tpu.memref_slice %arg8[%sub3A_418, %dma_wait3A_447] : memref<64x128xi32, #tpu.memory_space<vmem>> -> memref<1x128xi32, #tpu.memory_space<vmem>>
      %dma_wait3A_449 = tpu.memref_squeeze %dma_wait3A_448 : memref<1x128xi32, #tpu.memory_space<vmem>> -> memref<128xi32, #tpu.memory_space<vmem>>
      %dma_wait3A_450 = arith.constant 0 : i32
      %dma_wait3A_451 = tpu.memref_slice %arg13[%dma_wait3A_450] : memref<10240xf32, #tpu.memory_space<vmem_shared>> -> memref<10240xf32, #tpu.memory_space<vmem_shared>>
      tpu.wait_indirect_dma semaphore(%run_scoped3A : memref<!tpu.dma_semaphore, #tpu.memory_space<semaphore_mem>>) src(%arg11 : memref<128xf32, #tpu.memory_space<vmem>>) dst(%dma_wait3A_451 : memref<10240xf32, #tpu.memory_space<vmem_shared>>)
      tpu.yield
    }) : () -> ()
    %add3A_435 = arith.constant 1 : i32
    %add3A_436 = arith.addi %sub3A_418, %add3A_435 : i32
    "tpu.region"() ({
      %run_scoped3A = tpu.sem_alloc : memref<!tpu.dma_semaphore, #tpu.memory_space<semaphore_mem>>
      %dma_start3A_442 = arith.constant 0 : i32
      %dma_start3A_443 = tpu.memref_slice %arg8[%add3A_436, %dma_start3A_442] : memref<64x128xi32, #tpu.memory_space<vmem>> -> memref<1x128xi32, #tpu.memory_space<vmem>>
      %dma_start3A_444 = tpu.memref_squeeze %dma_start3A_443 : memref<1x128xi32, #tpu.memory_space<vmem>> -> memref<128xi32, #tpu.memory_space<vmem>>
      %dma_start3A_445 = arith.constant 0 : i32
      %dma_start3A_446 = tpu.memref_slice %arg13[%dma_start3A_445] : memref<10240xf32, #tpu.memory_space<vmem_shared>> -> memref<10240xf32, #tpu.memory_space<vmem_shared>>
      tpu.enqueue_indirect_dma source(%arg11 : memref<128xf32, #tpu.memory_space<vmem>>) target(%dma_start3A_446 : memref<10240xf32, #tpu.memory_space<vmem_shared>>) offsets(%dma_start3A_444 : memref<128xi32, #tpu.memory_space<vmem>>) semaphore(%run_scoped3A : memref<!tpu.dma_semaphore, #tpu.memory_space<semaphore_mem>>) {add = true}
      %dma_wait3A_447 = arith.constant 0 : i32
      %dma_wait3A_448 = tpu.memref_slice %arg8[%add3A_436, %dma_wait3A_447] : memref<64x128xi32, #tpu.memory_space<vmem>> -> memref<1x128xi32, #tpu.memory_space<vmem>>
      %dma_wait3A_449 = tpu.memref_squeeze %dma_wait3A_448 : memref<1x128xi32, #tpu.memory_space<vmem>> -> memref<128xi32, #tpu.memory_space<vmem>>
      %dma_wait3A_450 = arith.constant 0 : i32
      %dma_wait3A_451 = tpu.memref_slice %arg13[%dma_wait3A_450] : memref<10240xf32, #tpu.memory_space<vmem_shared>> -> memref<10240xf32, #tpu.memory_space<vmem_shared>>
      tpu.wait_indirect_dma semaphore(%run_scoped3A : memref<!tpu.dma_semaphore, #tpu.memory_space<semaphore_mem>>) src(%arg11 : memref<128xf32, #tpu.memory_space<vmem>>) dst(%dma_wait3A_451 : memref<10240xf32, #tpu.memory_space<vmem_shared>>)
      tpu.yield
    }) : () -> ()
    %barrier3A_437 = arith.constant 0 : index
    tpu.barrier barrier_id(%barrier3A_437)
    "tpu.region"() ({
      %run_scoped3A = tpu.sem_alloc : memref<!tpu.dma_semaphore, #tpu.memory_space<semaphore_mem>>
      %dma_start3A_442 = arith.constant 0 : i32
      %dma_start3A_443 = arith.constant 0 : i32
      %dma_start3A_444 = tpu.memref_slice %arg5[%arg0, %dma_start3A_442, %dma_start3A_443] : memref<2x10112x128xf32, #tpu.memory_space<hbm>> -> memref<1x10112x128xf32, #tpu.memory_space<hbm>>
      %dma_start3A_445 = tpu.memref_squeeze %dma_start3A_444 : memref<1x10112x128xf32, #tpu.memory_space<hbm>> -> memref<10112x128xf32, #tpu.memory_space<hbm>>
      %dma_start3A_446 = arith.constant 0 : i32
      %dma_start3A_447 = tpu.memref_slice %dma_start3A_445[%mul3A_51, %dma_start3A_446] : memref<10112x128xf32, #tpu.memory_space<hbm>> -> memref<632x128xf32, #tpu.memory_space<hbm>>
      %dma_start3A_448 = arith.constant 0 : i32
      %dma_start3A_449 = tpu.memref_slice %arg12[%mul3A_51, %dma_start3A_448] : memref<10112x128xf32, #tpu.memory_space<vmem_shared>> -> memref<632x128xf32, #tpu.memory_space<vmem_shared>>
      tpu.enqueue_dma source(%dma_start3A_449 : memref<632x128xf32, #tpu.memory_space<vmem_shared>>) target(%dma_start3A_447 : memref<632x128xf32, #tpu.memory_space<hbm>>) target_semaphore(%run_scoped3A : memref<!tpu.dma_semaphore, #tpu.memory_space<semaphore_mem>>)
      %dma_wait3A_450 = arith.constant 0 : i32
      %dma_wait3A_451 = arith.constant 0 : i32
      %dma_wait3A_452 = tpu.memref_slice %arg5[%arg0, %dma_wait3A_450, %dma_wait3A_451] : memref<2x10112x128xf32, #tpu.memory_space<hbm>> -> memref<1x10112x128xf32, #tpu.memory_space<hbm>>
      %dma_wait3A_453 = tpu.memref_squeeze %dma_wait3A_452 : memref<1x10112x128xf32, #tpu.memory_space<hbm>> -> memref<10112x128xf32, #tpu.memory_space<hbm>>
      %dma_wait3A_454 = arith.constant 0 : i32
      %dma_wait3A_455 = tpu.memref_slice %dma_wait3A_453[%mul3A_51, %dma_wait3A_454] : memref<10112x128xf32, #tpu.memory_space<hbm>> -> memref<632x128xf32, #tpu.memory_space<hbm>>
      %dma_wait3A_456 = arith.constant 0 : i32
      %dma_wait3A_457 = tpu.memref_slice %arg12[%mul3A_51, %dma_wait3A_456] : memref<10112x128xf32, #tpu.memory_space<vmem_shared>> -> memref<632x128xf32, #tpu.memory_space<vmem_shared>>
      tpu.wait_dma2 semaphore(%run_scoped3A : memref<!tpu.dma_semaphore, #tpu.memory_space<semaphore_mem>>) src(%dma_wait3A_457 : memref<632x128xf32, #tpu.memory_space<vmem_shared>>) dst(%dma_wait3A_455 : memref<632x128xf32, #tpu.memory_space<hbm>>)
      tpu.yield
    }) : () -> ()
    %mul3A_438 = arith.constant 640 : i32
    %mul3A_439 = arith.muli %arg1, %mul3A_438 : i32
    %mul3A_440 = arith.constant 640 : i32
    %mul3A_441 = arith.muli %arg1, %mul3A_440 : i32
    "tpu.region"() ({
      %run_scoped3A = tpu.sem_alloc : memref<!tpu.dma_semaphore, #tpu.memory_space<semaphore_mem>>
      %dma_start3A_442 = arith.constant 0 : i32
      %dma_start3A_443 = tpu.memref_slice %arg6[%arg0, %dma_start3A_442] : memref<2x10240xf32, #tpu.memory_space<hbm>> -> memref<1x10240xf32, #tpu.memory_space<hbm>>
      %dma_start3A_444 = tpu.memref_squeeze %dma_start3A_443 : memref<1x10240xf32, #tpu.memory_space<hbm>> -> memref<10240xf32, #tpu.memory_space<hbm>>
      %dma_start3A_445 = tpu.memref_slice %dma_start3A_444[%mul3A_441] : memref<10240xf32, #tpu.memory_space<hbm>> -> memref<640xf32, #tpu.memory_space<hbm>>
      %dma_start3A_446 = tpu.memref_slice %arg13[%mul3A_439] : memref<10240xf32, #tpu.memory_space<vmem_shared>> -> memref<640xf32, #tpu.memory_space<vmem_shared>>
      tpu.enqueue_dma source(%dma_start3A_446 : memref<640xf32, #tpu.memory_space<vmem_shared>>) target(%dma_start3A_445 : memref<640xf32, #tpu.memory_space<hbm>>) target_semaphore(%run_scoped3A : memref<!tpu.dma_semaphore, #tpu.memory_space<semaphore_mem>>)
      %dma_wait3A_447 = arith.constant 0 : i32
      %dma_wait3A_448 = tpu.memref_slice %arg6[%arg0, %dma_wait3A_447] : memref<2x10240xf32, #tpu.memory_space<hbm>> -> memref<1x10240xf32, #tpu.memory_space<hbm>>
      %dma_wait3A_449 = tpu.memref_squeeze %dma_wait3A_448 : memref<1x10240xf32, #tpu.memory_space<hbm>> -> memref<10240xf32, #tpu.memory_space<hbm>>
      %dma_wait3A_450 = tpu.memref_slice %dma_wait3A_449[%mul3A_441] : memref<10240xf32, #tpu.memory_space<hbm>> -> memref<640xf32, #tpu.memory_space<hbm>>
      %dma_wait3A_451 = tpu.memref_slice %arg13[%mul3A_439] : memref<10240xf32, #tpu.memory_space<vmem_shared>> -> memref<640xf32, #tpu.memory_space<vmem_shared>>
      tpu.wait_dma2 semaphore(%run_scoped3A : memref<!tpu.dma_semaphore, #tpu.memory_space<semaphore_mem>>) src(%dma_wait3A_451 : memref<640xf32, #tpu.memory_space<vmem_shared>>) dst(%dma_wait3A_450 : memref<640xf32, #tpu.memory_space<hbm>>)
      tpu.yield
    }) : () -> ()
    return
  }
}

#map = affine_map<(d0, d1) -> (0, 0)>
#map1 = affine_map<(d0, d1) -> (0, 0, 0)>
module attributes {stable_mosaic.version = 14 : i64} {
  func.func @_sc_agg_body(%arg0: i32, %arg1: i32, %arg2: memref<10000x128xf32, #tpu.memory_space<hbm>>, %arg3: memref<2624x128xi32, #tpu.memory_space<hbm>>, %arg4: memref<2624x128xi32, #tpu.memory_space<hbm>>, %arg5: memref<2x10112x128xf32, #tpu.memory_space<hbm>>, %arg6: memref<64x128xi32, #tpu.memory_space<vmem>>, %arg7: memref<64x128xi32, #tpu.memory_space<vmem>>, %arg8: memref<128x128xf32, #tpu.memory_space<vmem>>, %arg9: memref<128x128xf32, #tpu.memory_space<vmem>>, %arg10: memref<10112x128xf32, #tpu.memory_space<vmem_shared>>, %arg11: memref<!tpu.dma_semaphore, #tpu.memory_space<semaphore_mem>>) attributes {dimension_semantics = [#tpu.dimension_semantics<core_parallel>, #tpu.dimension_semantics<subcore_parallel>], iteration_bounds = array<i64: 2, 16>, scalar_prefetch = 0 : i64, scratch_operands = 6 : i64, tpu.core_type = #tpu.core_type<sc_vector_subcore>, window_params = [{transform_indices = #map}, {transform_indices = #map}, {transform_indices = #map}, {transform_indices = #map1}]} {
    %scan3A = arith.constant 0 : i32
    %scan3A_0 = arith.constant 0 : i32
    %scan3A_1 = arith.constant 128 : i32
    %scan3A_2 = arith.addi %scan3A_0, %scan3A_1 : i32
    %scan3A_3 = arith.constant 1 : i32
    scf.for %scan3A_258 = %scan3A_0 to %scan3A_2 step %scan3A_3  : i32 {
      %broadcast_in_dim3A = arith.constant 0.000000e+00 : f32
      %broadcast_in_dim3A_259 = vector.broadcast %broadcast_in_dim3A : f32 to vector<16xf32>
      %swap3A = arith.index_cast %scan3A_258 : i32 to index
      %swap3A_260 = arith.constant 0 : index
      %swap3A_261 = tpu.vector_load %arg8[%swap3A, %swap3A_260] {strides = array<i32>} : memref<128x128xf32, #tpu.memory_space<vmem>>, vector<1x16xf32>,
      %swap3A_262 = vector.shape_cast %swap3A_261 : vector<1x16xf32> to vector<16xf32>
      %swap3A_263 = vector.shape_cast %broadcast_in_dim3A_259 : vector<16xf32> to vector<1x16xf32>
      tpu.vector_store %arg8[%swap3A, %swap3A_260], %swap3A_263 {strides = array<i32>} : memref<128x128xf32, #tpu.memory_space<vmem>>, vector<1x16xf32>,
      %broadcast_in_dim3A_264 = arith.constant 0.000000e+00 : f32
      %broadcast_in_dim3A_265 = vector.broadcast %broadcast_in_dim3A_264 : f32 to vector<16xf32>
      %swap3A_266 = arith.index_cast %scan3A_258 : i32 to index
      %swap3A_267 = arith.constant 16 : index
      %swap3A_268 = tpu.vector_load %arg8[%swap3A_266, %swap3A_267] {strides = array<i32>} : memref<128x128xf32, #tpu.memory_space<vmem>>, vector<1x16xf32>,
      %swap3A_269 = vector.shape_cast %swap3A_268 : vector<1x16xf32> to vector<16xf32>
      %swap3A_270 = vector.shape_cast %broadcast_in_dim3A_265 : vector<16xf32> to vector<1x16xf32>
      tpu.vector_store %arg8[%swap3A_266, %swap3A_267], %swap3A_270 {strides = array<i32>} : memref<128x128xf32, #tpu.memory_space<vmem>>, vector<1x16xf32>,
      %broadcast_in_dim3A_271 = arith.constant 0.000000e+00 : f32
      %broadcast_in_dim3A_272 = vector.broadcast %broadcast_in_dim3A_271 : f32 to vector<16xf32>
      %swap3A_273 = arith.index_cast %scan3A_258 : i32 to index
      %swap3A_274 = arith.constant 32 : index
      %swap3A_275 = tpu.vector_load %arg8[%swap3A_273, %swap3A_274] {strides = array<i32>} : memref<128x128xf32, #tpu.memory_space<vmem>>, vector<1x16xf32>,
      %swap3A_276 = vector.shape_cast %swap3A_275 : vector<1x16xf32> to vector<16xf32>
      %swap3A_277 = vector.shape_cast %broadcast_in_dim3A_272 : vector<16xf32> to vector<1x16xf32>
      tpu.vector_store %arg8[%swap3A_273, %swap3A_274], %swap3A_277 {strides = array<i32>} : memref<128x128xf32, #tpu.memory_space<vmem>>, vector<1x16xf32>,
      %broadcast_in_dim3A_278 = arith.constant 0.000000e+00 : f32
      %broadcast_in_dim3A_279 = vector.broadcast %broadcast_in_dim3A_278 : f32 to vector<16xf32>
      %swap3A_280 = arith.index_cast %scan3A_258 : i32 to index
      %swap3A_281 = arith.constant 48 : index
      %swap3A_282 = tpu.vector_load %arg8[%swap3A_280, %swap3A_281] {strides = array<i32>} : memref<128x128xf32, #tpu.memory_space<vmem>>, vector<1x16xf32>,
      %swap3A_283 = vector.shape_cast %swap3A_282 : vector<1x16xf32> to vector<16xf32>
      %swap3A_284 = vector.shape_cast %broadcast_in_dim3A_279 : vector<16xf32> to vector<1x16xf32>
      tpu.vector_store %arg8[%swap3A_280, %swap3A_281], %swap3A_284 {strides = array<i32>} : memref<128x128xf32, #tpu.memory_space<vmem>>, vector<1x16xf32>,
      %broadcast_in_dim3A_285 = arith.constant 0.000000e+00 : f32
      %broadcast_in_dim3A_286 = vector.broadcast %broadcast_in_dim3A_285 : f32 to vector<16xf32>
      %swap3A_287 = arith.index_cast %scan3A_258 : i32 to index
      %swap3A_288 = arith.constant 64 : index
      %swap3A_289 = tpu.vector_load %arg8[%swap3A_287, %swap3A_288] {strides = array<i32>} : memref<128x128xf32, #tpu.memory_space<vmem>>, vector<1x16xf32>,
      %swap3A_290 = vector.shape_cast %swap3A_289 : vector<1x16xf32> to vector<16xf32>
      %swap3A_291 = vector.shape_cast %broadcast_in_dim3A_286 : vector<16xf32> to vector<1x16xf32>
      tpu.vector_store %arg8[%swap3A_287, %swap3A_288], %swap3A_291 {strides = array<i32>} : memref<128x128xf32, #tpu.memory_space<vmem>>, vector<1x16xf32>,
      %broadcast_in_dim3A_292 = arith.constant 0.000000e+00 : f32
      %broadcast_in_dim3A_293 = vector.broadcast %broadcast_in_dim3A_292 : f32 to vector<16xf32>
      %swap3A_294 = arith.index_cast %scan3A_258 : i32 to index
      %swap3A_295 = arith.constant 80 : index
      %swap3A_296 = tpu.vector_load %arg8[%swap3A_294, %swap3A_295] {strides = array<i32>} : memref<128x128xf32, #tpu.memory_space<vmem>>, vector<1x16xf32>,
      %swap3A_297 = vector.shape_cast %swap3A_296 : vector<1x16xf32> to vector<16xf32>
      %swap3A_298 = vector.shape_cast %broadcast_in_dim3A_293 : vector<16xf32> to vector<1x16xf32>
      tpu.vector_store %arg8[%swap3A_294, %swap3A_295], %swap3A_298 {strides = array<i32>} : memref<128x128xf32, #tpu.memory_space<vmem>>, vector<1x16xf32>,
      %broadcast_in_dim3A_299 = arith.constant 0.000000e+00 : f32
      %broadcast_in_dim3A_300 = vector.broadcast %broadcast_in_dim3A_299 : f32 to vector<16xf32>
      %swap3A_301 = arith.index_cast %scan3A_258 : i32 to index
      %swap3A_302 = arith.constant 96 : index
      %swap3A_303 = tpu.vector_load %arg8[%swap3A_301, %swap3A_302] {strides = array<i32>} : memref<128x128xf32, #tpu.memory_space<vmem>>, vector<1x16xf32>,
      %swap3A_304 = vector.shape_cast %swap3A_303 : vector<1x16xf32> to vector<16xf32>
      %swap3A_305 = vector.shape_cast %broadcast_in_dim3A_300 : vector<16xf32> to vector<1x16xf32>
      tpu.vector_store %arg8[%swap3A_301, %swap3A_302], %swap3A_305 {strides = array<i32>} : memref<128x128xf32, #tpu.memory_space<vmem>>, vector<1x16xf32>,
      %broadcast_in_dim3A_306 = arith.constant 0.000000e+00 : f32
      %broadcast_in_dim3A_307 = vector.broadcast %broadcast_in_dim3A_306 : f32 to vector<16xf32>
      %swap3A_308 = arith.index_cast %scan3A_258 : i32 to index
      %swap3A_309 = arith.constant 112 : index
      %swap3A_310 = tpu.vector_load %arg8[%swap3A_308, %swap3A_309] {strides = array<i32>} : memref<128x128xf32, #tpu.memory_space<vmem>>, vector<1x16xf32>,
      %swap3A_311 = vector.shape_cast %swap3A_310 : vector<1x16xf32> to vector<16xf32>
      %swap3A_312 = vector.shape_cast %broadcast_in_dim3A_307 : vector<16xf32> to vector<1x16xf32>
      tpu.vector_store %arg8[%swap3A_308, %swap3A_309], %swap3A_312 {strides = array<i32>} : memref<128x128xf32, #tpu.memory_space<vmem>>, vector<1x16xf32>,
    }
    %scan3A_4 = arith.constant 128 : i32
    %mul3A = arith.constant 632 : i32
    %mul3A_5 = arith.muli %arg1, %mul3A : i32
    %add3A = arith.constant 0 : i32
    %add3A_6 = arith.addi %mul3A_5, %add3A : i32
    %dma_start3A = arith.constant 0 : i32
    %dma_start3A_7 = tpu.memref_slice %arg10[%add3A_6, %dma_start3A] : memref<10112x128xf32, #tpu.memory_space<vmem_shared>> -> memref<128x128xf32, #tpu.memory_space<vmem_shared>>
    %dma_start3A_8 = arith.constant 0 : i32
    %dma_start3A_9 = tpu.memref_slice %arg10[%add3A_6, %dma_start3A_8] : memref<10112x128xf32, #tpu.memory_space<vmem_shared>> -> memref<128x128xf32, #tpu.memory_space<vmem_shared>>
    tpu.enqueue_dma source(%arg8 : memref<128x128xf32, #tpu.memory_space<vmem>>) target(%dma_start3A_9 : memref<128x128xf32, #tpu.memory_space<vmem_shared>>) target_semaphore(%arg11 : memref<!tpu.dma_semaphore, #tpu.memory_space<semaphore_mem>>)
    %add3A_10 = arith.constant 128 : i32
    %add3A_11 = arith.addi %mul3A_5, %add3A_10 : i32
    %dma_start3A_12 = arith.constant 0 : i32
    %dma_start3A_13 = tpu.memref_slice %arg10[%add3A_11, %dma_start3A_12] : memref<10112x128xf32, #tpu.memory_space<vmem_shared>> -> memref<128x128xf32, #tpu.memory_space<vmem_shared>>
    %dma_start3A_14 = arith.constant 0 : i32
    %dma_start3A_15 = tpu.memref_slice %arg10[%add3A_11, %dma_start3A_14] : memref<10112x128xf32, #tpu.memory_space<vmem_shared>> -> memref<128x128xf32, #tpu.memory_space<vmem_shared>>
    tpu.enqueue_dma source(%arg8 : memref<128x128xf32, #tpu.memory_space<vmem>>) target(%dma_start3A_15 : memref<128x128xf32, #tpu.memory_space<vmem_shared>>) target_semaphore(%arg11 : memref<!tpu.dma_semaphore, #tpu.memory_space<semaphore_mem>>)
    %add3A_16 = arith.constant 256 : i32
    %add3A_17 = arith.addi %mul3A_5, %add3A_16 : i32
    %dma_start3A_18 = arith.constant 0 : i32
    %dma_start3A_19 = tpu.memref_slice %arg10[%add3A_17, %dma_start3A_18] : memref<10112x128xf32, #tpu.memory_space<vmem_shared>> -> memref<128x128xf32, #tpu.memory_space<vmem_shared>>
    %dma_start3A_20 = arith.constant 0 : i32
    %dma_start3A_21 = tpu.memref_slice %arg10[%add3A_17, %dma_start3A_20] : memref<10112x128xf32, #tpu.memory_space<vmem_shared>> -> memref<128x128xf32, #tpu.memory_space<vmem_shared>>
    tpu.enqueue_dma source(%arg8 : memref<128x128xf32, #tpu.memory_space<vmem>>) target(%dma_start3A_21 : memref<128x128xf32, #tpu.memory_space<vmem_shared>>) target_semaphore(%arg11 : memref<!tpu.dma_semaphore, #tpu.memory_space<semaphore_mem>>)
    %add3A_22 = arith.constant 384 : i32
    %add3A_23 = arith.addi %mul3A_5, %add3A_22 : i32
    %dma_start3A_24 = arith.constant 0 : i32
    %dma_start3A_25 = tpu.memref_slice %arg10[%add3A_23, %dma_start3A_24] : memref<10112x128xf32, #tpu.memory_space<vmem_shared>> -> memref<128x128xf32, #tpu.memory_space<vmem_shared>>
    %dma_start3A_26 = arith.constant 0 : i32
    %dma_start3A_27 = tpu.memref_slice %arg10[%add3A_23, %dma_start3A_26] : memref<10112x128xf32, #tpu.memory_space<vmem_shared>> -> memref<128x128xf32, #tpu.memory_space<vmem_shared>>
    tpu.enqueue_dma source(%arg8 : memref<128x128xf32, #tpu.memory_space<vmem>>) target(%dma_start3A_27 : memref<128x128xf32, #tpu.memory_space<vmem_shared>>) target_semaphore(%arg11 : memref<!tpu.dma_semaphore, #tpu.memory_space<semaphore_mem>>)
    %add3A_28 = arith.constant 632 : i32
    %add3A_29 = arith.addi %mul3A_5, %add3A_28 : i32
    %sub3A = arith.constant 120 : i32
    %sub3A_30 = arith.subi %add3A_29, %sub3A : i32
    %dma_start3A_31 = arith.constant 0 : i32
    %dma_start3A_32 = arith.constant 0 : i32
    %dma_start3A_33 = tpu.memref_slice %arg8[%dma_start3A_31, %dma_start3A_32] : memref<128x128xf32, #tpu.memory_space<vmem>> -> memref<120x128xf32, #tpu.memory_space<vmem>>
    %dma_start3A_34 = arith.constant 0 : i32
    %dma_start3A_35 = tpu.memref_slice %arg10[%sub3A_30, %dma_start3A_34] : memref<10112x128xf32, #tpu.memory_space<vmem_shared>> -> memref<120x128xf32, #tpu.memory_space<vmem_shared>>
    %dma_start3A_36 = arith.constant 0 : i32
    %dma_start3A_37 = tpu.memref_slice %arg10[%sub3A_30, %dma_start3A_36] : memref<10112x128xf32, #tpu.memory_space<vmem_shared>> -> memref<120x128xf32, #tpu.memory_space<vmem_shared>>
    %dma_start3A_38 = arith.constant 0 : i32
    %dma_start3A_39 = arith.constant 0 : i32
    %dma_start3A_40 = tpu.memref_slice %arg8[%dma_start3A_38, %dma_start3A_39] : memref<128x128xf32, #tpu.memory_space<vmem>> -> memref<120x128xf32, #tpu.memory_space<vmem>>
    tpu.enqueue_dma source(%dma_start3A_40 : memref<120x128xf32, #tpu.memory_space<vmem>>) target(%dma_start3A_37 : memref<120x128xf32, #tpu.memory_space<vmem_shared>>) target_semaphore(%arg11 : memref<!tpu.dma_semaphore, #tpu.memory_space<semaphore_mem>>)
    %add3A_41 = arith.constant 0 : i32
    %add3A_42 = arith.addi %mul3A_5, %add3A_41 : i32
    %dma_wait3A = arith.constant 0 : i32
    %dma_wait3A_43 = tpu.memref_slice %arg10[%add3A_42, %dma_wait3A] : memref<10112x128xf32, #tpu.memory_space<vmem_shared>> -> memref<128x128xf32, #tpu.memory_space<vmem_shared>>
    %dma_wait3A_44 = arith.constant 0 : i32
    %dma_wait3A_45 = tpu.memref_slice %arg10[%add3A_42, %dma_wait3A_44] : memref<10112x128xf32, #tpu.memory_space<vmem_shared>> -> memref<128x128xf32, #tpu.memory_space<vmem_shared>>
    tpu.wait_dma2 semaphore(%arg11 : memref<!tpu.dma_semaphore, #tpu.memory_space<semaphore_mem>>) src(%arg8 : memref<128x128xf32, #tpu.memory_space<vmem>>) dst(%dma_wait3A_45 : memref<128x128xf32, #tpu.memory_space<vmem_shared>>)
    %add3A_46 = arith.constant 128 : i32
    %add3A_47 = arith.addi %mul3A_5, %add3A_46 : i32
    %dma_wait3A_48 = arith.constant 0 : i32
    %dma_wait3A_49 = tpu.memref_slice %arg10[%add3A_47, %dma_wait3A_48] : memref<10112x128xf32, #tpu.memory_space<vmem_shared>> -> memref<128x128xf32, #tpu.memory_space<vmem_shared>>
    %dma_wait3A_50 = arith.constant 0 : i32
    %dma_wait3A_51 = tpu.memref_slice %arg10[%add3A_47, %dma_wait3A_50] : memref<10112x128xf32, #tpu.memory_space<vmem_shared>> -> memref<128x128xf32, #tpu.memory_space<vmem_shared>>
    tpu.wait_dma2 semaphore(%arg11 : memref<!tpu.dma_semaphore, #tpu.memory_space<semaphore_mem>>) src(%arg8 : memref<128x128xf32, #tpu.memory_space<vmem>>) dst(%dma_wait3A_51 : memref<128x128xf32, #tpu.memory_space<vmem_shared>>)
    %add3A_52 = arith.constant 256 : i32
    %add3A_53 = arith.addi %mul3A_5, %add3A_52 : i32
    %dma_wait3A_54 = arith.constant 0 : i32
    %dma_wait3A_55 = tpu.memref_slice %arg10[%add3A_53, %dma_wait3A_54] : memref<10112x128xf32, #tpu.memory_space<vmem_shared>> -> memref<128x128xf32, #tpu.memory_space<vmem_shared>>
    %dma_wait3A_56 = arith.constant 0 : i32
    %dma_wait3A_57 = tpu.memref_slice %arg10[%add3A_53, %dma_wait3A_56] : memref<10112x128xf32, #tpu.memory_space<vmem_shared>> -> memref<128x128xf32, #tpu.memory_space<vmem_shared>>
    tpu.wait_dma2 semaphore(%arg11 : memref<!tpu.dma_semaphore, #tpu.memory_space<semaphore_mem>>) src(%arg8 : memref<128x128xf32, #tpu.memory_space<vmem>>) dst(%dma_wait3A_57 : memref<128x128xf32, #tpu.memory_space<vmem_shared>>)
    %add3A_58 = arith.constant 384 : i32
    %add3A_59 = arith.addi %mul3A_5, %add3A_58 : i32
    %dma_wait3A_60 = arith.constant 0 : i32
    %dma_wait3A_61 = tpu.memref_slice %arg10[%add3A_59, %dma_wait3A_60] : memref<10112x128xf32, #tpu.memory_space<vmem_shared>> -> memref<128x128xf32, #tpu.memory_space<vmem_shared>>
    %dma_wait3A_62 = arith.constant 0 : i32
    %dma_wait3A_63 = tpu.memref_slice %arg10[%add3A_59, %dma_wait3A_62] : memref<10112x128xf32, #tpu.memory_space<vmem_shared>> -> memref<128x128xf32, #tpu.memory_space<vmem_shared>>
    tpu.wait_dma2 semaphore(%arg11 : memref<!tpu.dma_semaphore, #tpu.memory_space<semaphore_mem>>) src(%arg8 : memref<128x128xf32, #tpu.memory_space<vmem>>) dst(%dma_wait3A_63 : memref<128x128xf32, #tpu.memory_space<vmem_shared>>)
    %add3A_64 = arith.constant 632 : i32
    %add3A_65 = arith.addi %mul3A_5, %add3A_64 : i32
    %sub3A_66 = arith.constant 120 : i32
    %sub3A_67 = arith.subi %add3A_65, %sub3A_66 : i32
    %dma_wait3A_68 = arith.constant 0 : i32
    %dma_wait3A_69 = arith.constant 0 : i32
    %dma_wait3A_70 = tpu.memref_slice %arg8[%dma_wait3A_68, %dma_wait3A_69] : memref<128x128xf32, #tpu.memory_space<vmem>> -> memref<120x128xf32, #tpu.memory_space<vmem>>
    %dma_wait3A_71 = arith.constant 0 : i32
    %dma_wait3A_72 = tpu.memref_slice %arg10[%sub3A_67, %dma_wait3A_71] : memref<10112x128xf32, #tpu.memory_space<vmem_shared>> -> memref<120x128xf32, #tpu.memory_space<vmem_shared>>
    %dma_wait3A_73 = arith.constant 0 : i32
    %dma_wait3A_74 = tpu.memref_slice %arg10[%sub3A_67, %dma_wait3A_73] : memref<10112x128xf32, #tpu.memory_space<vmem_shared>> -> memref<120x128xf32, #tpu.memory_space<vmem_shared>>
    %dma_wait3A_75 = arith.constant 0 : i32
    %dma_wait3A_76 = arith.constant 0 : i32
    %dma_wait3A_77 = tpu.memref_slice %arg8[%dma_wait3A_75, %dma_wait3A_76] : memref<128x128xf32, #tpu.memory_space<vmem>> -> memref<120x128xf32, #tpu.memory_space<vmem>>
    tpu.wait_dma2 semaphore(%arg11 : memref<!tpu.dma_semaphore, #tpu.memory_space<semaphore_mem>>) src(%dma_wait3A_77 : memref<120x128xf32, #tpu.memory_space<vmem>>) dst(%dma_wait3A_74 : memref<120x128xf32, #tpu.memory_space<vmem_shared>>)
    %barrier3A = arith.constant 0 : index
    tpu.barrier barrier_id(%barrier3A)
    %eq3A = arith.constant 0 : i32
    %eq3A_78 = arith.cmpi eq, %arg0, %eq3A : i32
    %mul3A_79 = arith.constant 128 : i32
    %mul3A_80 = arith.muli %arg1, %mul3A_79 : i32
    %mul3A_81 = arith.constant 32 : i32
    %mul3A_82 = arith.muli %arg1, %mul3A_81 : i32
    %add3A_83 = arith.constant 2048 : i32
    %add3A_84 = arith.addi %add3A_83, %mul3A_82 : i32
    %select_n3A = arith.select %eq3A_78, %mul3A_80, %add3A_84 : i32
    %eq3A_85 = arith.constant 0 : i32
    %eq3A_86 = arith.cmpi eq, %arg0, %eq3A_85 : i32
    %jit3A = arith.constant 64 : i32
    %jit3A_87 = arith.constant 16 : i32
    %select_n3A_88 = arith.select %eq3A_86, %jit3A, %jit3A_87 : i32
    %mul3A_89 = arith.constant 0 : i32
    %mul3A_90 = arith.muli %mul3A_89, %select_n3A_88 : i32
    %add3A_91 = arith.addi %select_n3A, %mul3A_90 : i32
    %dma_start3A_92 = arith.constant 0 : i32
    %dma_start3A_93 = tpu.memref_slice %arg3[%add3A_91, %dma_start3A_92] : memref<2624x128xi32, #tpu.memory_space<hbm>> -> memref<64x128xi32, #tpu.memory_space<hbm>>
    %dma_start3A_94 = arith.constant 0 : i32
    %dma_start3A_95 = tpu.memref_slice %arg3[%add3A_91, %dma_start3A_94] : memref<2624x128xi32, #tpu.memory_space<hbm>> -> memref<64x128xi32, #tpu.memory_space<hbm>>
    tpu.enqueue_dma source(%dma_start3A_95 : memref<64x128xi32, #tpu.memory_space<hbm>>) target(%arg6 : memref<64x128xi32, #tpu.memory_space<vmem>>) target_semaphore(%arg11 : memref<!tpu.dma_semaphore, #tpu.memory_space<semaphore_mem>>)
    %dma_start3A_96 = arith.constant 0 : i32
    %dma_start3A_97 = tpu.memref_slice %arg4[%add3A_91, %dma_start3A_96] : memref<2624x128xi32, #tpu.memory_space<hbm>> -> memref<64x128xi32, #tpu.memory_space<hbm>>
    %dma_start3A_98 = arith.constant 0 : i32
    %dma_start3A_99 = tpu.memref_slice %arg4[%add3A_91, %dma_start3A_98] : memref<2624x128xi32, #tpu.memory_space<hbm>> -> memref<64x128xi32, #tpu.memory_space<hbm>>
    tpu.enqueue_dma source(%dma_start3A_99 : memref<64x128xi32, #tpu.memory_space<hbm>>) target(%arg7 : memref<64x128xi32, #tpu.memory_space<vmem>>) target_semaphore(%arg11 : memref<!tpu.dma_semaphore, #tpu.memory_space<semaphore_mem>>)
    %dma_wait3A_100 = arith.constant 0 : i32
    %dma_wait3A_101 = tpu.memref_slice %arg3[%add3A_91, %dma_wait3A_100] : memref<2624x128xi32, #tpu.memory_space<hbm>> -> memref<64x128xi32, #tpu.memory_space<hbm>>
    %dma_wait3A_102 = arith.constant 0 : i32
    %dma_wait3A_103 = tpu.memref_slice %arg3[%add3A_91, %dma_wait3A_102] : memref<2624x128xi32, #tpu.memory_space<hbm>> -> memref<64x128xi32, #tpu.memory_space<hbm>>
    tpu.wait_dma2 semaphore(%arg11 : memref<!tpu.dma_semaphore, #tpu.memory_space<semaphore_mem>>) src(%dma_wait3A_103 : memref<64x128xi32, #tpu.memory_space<hbm>>) dst(%arg6 : memref<64x128xi32, #tpu.memory_space<vmem>>)
    %dma_wait3A_104 = arith.constant 0 : i32
    %dma_wait3A_105 = tpu.memref_slice %arg4[%add3A_91, %dma_wait3A_104] : memref<2624x128xi32, #tpu.memory_space<hbm>> -> memref<64x128xi32, #tpu.memory_space<hbm>>
    %dma_wait3A_106 = arith.constant 0 : i32
    %dma_wait3A_107 = tpu.memref_slice %arg4[%add3A_91, %dma_wait3A_106] : memref<2624x128xi32, #tpu.memory_space<hbm>> -> memref<64x128xi32, #tpu.memory_space<hbm>>
    tpu.wait_dma2 semaphore(%arg11 : memref<!tpu.dma_semaphore, #tpu.memory_space<semaphore_mem>>) src(%dma_wait3A_107 : memref<64x128xi32, #tpu.memory_space<hbm>>) dst(%arg7 : memref<64x128xi32, #tpu.memory_space<vmem>>)
    %dma_start3A_108 = arith.constant 0 : i32
    %dma_start3A_109 = arith.constant 0 : i32
    %dma_start3A_110 = tpu.memref_slice %arg6[%dma_start3A_108, %dma_start3A_109] : memref<64x128xi32, #tpu.memory_space<vmem>> -> memref<1x128xi32, #tpu.memory_space<vmem>>
    %dma_start3A_111 = tpu.memref_squeeze %dma_start3A_110 : memref<1x128xi32, #tpu.memory_space<vmem>> -> memref<128xi32, #tpu.memory_space<vmem>>
    %dma_start3A_112 = arith.constant 0 : i32
    %dma_start3A_113 = arith.constant 0 : i32
    %dma_start3A_114 = tpu.memref_slice %arg2[%dma_start3A_112, %dma_start3A_113] : memref<10000x128xf32, #tpu.memory_space<hbm>> -> memref<10000x128xf32, #tpu.memory_space<hbm>>
    tpu.enqueue_indirect_dma source(%dma_start3A_114 : memref<10000x128xf32, #tpu.memory_space<hbm>>) target(%arg8 : memref<128x128xf32, #tpu.memory_space<vmem>>) offsets(%dma_start3A_111 : memref<128xi32, #tpu.memory_space<vmem>>) semaphore(%arg11 : memref<!tpu.dma_semaphore, #tpu.memory_space<semaphore_mem>>)
    %dma_start3A_115 = arith.constant 1 : i32
    %dma_start3A_116 = arith.constant 0 : i32
    %dma_start3A_117 = tpu.memref_slice %arg6[%dma_start3A_115, %dma_start3A_116] : memref<64x128xi32, #tpu.memory_space<vmem>> -> memref<1x128xi32, #tpu.memory_space<vmem>>
    %dma_start3A_118 = tpu.memref_squeeze %dma_start3A_117 : memref<1x128xi32, #tpu.memory_space<vmem>> -> memref<128xi32, #tpu.memory_space<vmem>>
    %dma_start3A_119 = arith.constant 0 : i32
    %dma_start3A_120 = arith.constant 0 : i32
    %dma_start3A_121 = tpu.memref_slice %arg2[%dma_start3A_119, %dma_start3A_120] : memref<10000x128xf32, #tpu.memory_space<hbm>> -> memref<10000x128xf32, #tpu.memory_space<hbm>>
    tpu.enqueue_indirect_dma source(%dma_start3A_121 : memref<10000x128xf32, #tpu.memory_space<hbm>>) target(%arg9 : memref<128x128xf32, #tpu.memory_space<vmem>>) offsets(%dma_start3A_118 : memref<128xi32, #tpu.memory_space<vmem>>) semaphore(%arg11 : memref<!tpu.dma_semaphore, #tpu.memory_space<semaphore_mem>>)
    %jit3A_122 = arith.constant 2 : i32
    %div3A = arith.divsi %select_n3A_88, %jit3A_122 : i32
    %sign3A = arith.constant 0 : i32
    %sign3A_123 = arith.cmpi sgt, %select_n3A_88, %sign3A : i32
    %sign3A_124 = arith.extui %sign3A_123 : i1 to i32
    %sign3A_125 = arith.constant 0 : i32
    %sign3A_126 = arith.cmpi slt, %select_n3A_88, %sign3A_125 : i32
    %sign3A_127 = arith.extui %sign3A_126 : i1 to i32
    %sign3A_128 = arith.subi %sign3A_124, %sign3A_127 : i32
    %sign3A_129 = arith.constant 0 : i32
    %sign3A_130 = arith.cmpi sgt, %jit3A_122, %sign3A_129 : i32
    %sign3A_131 = arith.extui %sign3A_130 : i1 to i32
    %sign3A_132 = arith.constant 0 : i32
    %sign3A_133 = arith.cmpi slt, %jit3A_122, %sign3A_132 : i32
    %sign3A_134 = arith.extui %sign3A_133 : i1 to i32
    %sign3A_135 = arith.subi %sign3A_131, %sign3A_134 : i32
    %ne3A = arith.cmpi ne, %sign3A_128, %sign3A_135 : i32
    %rem3A = arith.remsi %select_n3A_88, %jit3A_122 : i32
    %ne3A_136 = arith.constant 0 : i32
    %ne3A_137 = arith.cmpi ne, %rem3A, %ne3A_136 : i32
    %and3A = arith.andi %ne3A, %ne3A_137 : i1
    %sub3A_138 = arith.constant 1 : i32
    %sub3A_139 = arith.subi %div3A, %sub3A_138 : i32
    %select_n3A_140 = arith.select %and3A, %sub3A_139, %div3A : i32
    %sub3A_141 = arith.constant 1 : i32
    %sub3A_142 = arith.subi %select_n3A_140, %sub3A_141 : i32
    %while3A = arith.constant 0 : i32
    %while3A_143 = arith.constant 0 : i32
    %while3A_144 = arith.subi %sub3A_142, %while3A_143 : i32
    %while3A_145 = arith.addi %while3A_143, %while3A_144 : i32
    %while3A_146 = arith.constant 1 : i32
    %while3A_147 = arith.divsi %while3A_144, %while3A_146 : i32
    %while3A_148 = arith.muli %while3A_147, %while3A_146 : i32
    %while3A_149 = arith.addi %while3A_143, %while3A_148 : i32
    %while3A_150 = arith.constant 1 : i32
    scf.for %while3A_258 = %while3A_143 to %while3A_149 step %while3A_150  : i32 {
      %mul3A_259 = arith.constant 2 : i32
      %mul3A_260 = arith.muli %mul3A_259, %while3A_258 : i32
      %dma_wait3A_261 = arith.constant 0 : i32
      %dma_wait3A_262 = tpu.memref_slice %arg6[%mul3A_260, %dma_wait3A_261] : memref<64x128xi32, #tpu.memory_space<vmem>> -> memref<1x128xi32, #tpu.memory_space<vmem>>
      %dma_wait3A_263 = tpu.memref_squeeze %dma_wait3A_262 : memref<1x128xi32, #tpu.memory_space<vmem>> -> memref<128xi32, #tpu.memory_space<vmem>>
      %dma_wait3A_264 = arith.constant 0 : i32
      %dma_wait3A_265 = arith.constant 0 : i32
      %dma_wait3A_266 = tpu.memref_slice %arg2[%dma_wait3A_264, %dma_wait3A_265] : memref<10000x128xf32, #tpu.memory_space<hbm>> -> memref<10000x128xf32, #tpu.memory_space<hbm>>
      tpu.wait_indirect_dma semaphore(%arg11 : memref<!tpu.dma_semaphore, #tpu.memory_space<semaphore_mem>>) src(%dma_wait3A_266 : memref<10000x128xf32, #tpu.memory_space<hbm>>) dst(%arg8 : memref<128x128xf32, #tpu.memory_space<vmem>>)
      %add3A_267 = arith.constant 1 : i32
      %add3A_268 = arith.addi %mul3A_260, %add3A_267 : i32
      %dma_wait3A_269 = arith.constant 0 : i32
      %dma_wait3A_270 = tpu.memref_slice %arg6[%add3A_268, %dma_wait3A_269] : memref<64x128xi32, #tpu.memory_space<vmem>> -> memref<1x128xi32, #tpu.memory_space<vmem>>
      %dma_wait3A_271 = tpu.memref_squeeze %dma_wait3A_270 : memref<1x128xi32, #tpu.memory_space<vmem>> -> memref<128xi32, #tpu.memory_space<vmem>>
      %dma_wait3A_272 = arith.constant 0 : i32
      %dma_wait3A_273 = arith.constant 0 : i32
      %dma_wait3A_274 = tpu.memref_slice %arg2[%dma_wait3A_272, %dma_wait3A_273] : memref<10000x128xf32, #tpu.memory_space<hbm>> -> memref<10000x128xf32, #tpu.memory_space<hbm>>
      tpu.wait_indirect_dma semaphore(%arg11 : memref<!tpu.dma_semaphore, #tpu.memory_space<semaphore_mem>>) src(%dma_wait3A_274 : memref<10000x128xf32, #tpu.memory_space<hbm>>) dst(%arg9 : memref<128x128xf32, #tpu.memory_space<vmem>>)
      "tpu.region"() ({
        %run_scoped3A = tpu.sem_alloc : memref<!tpu.dma_semaphore, #tpu.memory_space<semaphore_mem>>
        %dma_start3A_293 = arith.constant 0 : i32
        %dma_start3A_294 = tpu.memref_slice %arg7[%mul3A_260, %dma_start3A_293] : memref<64x128xi32, #tpu.memory_space<vmem>> -> memref<1x128xi32, #tpu.memory_space<vmem>>
        %dma_start3A_295 = tpu.memref_squeeze %dma_start3A_294 : memref<1x128xi32, #tpu.memory_space<vmem>> -> memref<128xi32, #tpu.memory_space<vmem>>
        %dma_start3A_296 = arith.constant 0 : i32
        %dma_start3A_297 = arith.constant 0 : i32
        %dma_start3A_298 = tpu.memref_slice %arg10[%dma_start3A_296, %dma_start3A_297] : memref<10112x128xf32, #tpu.memory_space<vmem_shared>> -> memref<10112x128xf32, #tpu.memory_space<vmem_shared>>
        tpu.enqueue_indirect_dma source(%arg8 : memref<128x128xf32, #tpu.memory_space<vmem>>) target(%dma_start3A_298 : memref<10112x128xf32, #tpu.memory_space<vmem_shared>>) offsets(%dma_start3A_295 : memref<128xi32, #tpu.memory_space<vmem>>) semaphore(%run_scoped3A : memref<!tpu.dma_semaphore, #tpu.memory_space<semaphore_mem>>) {add = true}
        %dma_wait3A_299 = arith.constant 0 : i32
        %dma_wait3A_300 = tpu.memref_slice %arg7[%mul3A_260, %dma_wait3A_299] : memref<64x128xi32, #tpu.memory_space<vmem>> -> memref<1x128xi32, #tpu.memory_space<vmem>>
        %dma_wait3A_301 = tpu.memref_squeeze %dma_wait3A_300 : memref<1x128xi32, #tpu.memory_space<vmem>> -> memref<128xi32, #tpu.memory_space<vmem>>
        %dma_wait3A_302 = arith.constant 0 : i32
        %dma_wait3A_303 = arith.constant 0 : i32
        %dma_wait3A_304 = tpu.memref_slice %arg10[%dma_wait3A_302, %dma_wait3A_303] : memref<10112x128xf32, #tpu.memory_space<vmem_shared>> -> memref<10112x128xf32, #tpu.memory_space<vmem_shared>>
        tpu.wait_indirect_dma semaphore(%run_scoped3A : memref<!tpu.dma_semaphore, #tpu.memory_space<semaphore_mem>>) src(%arg8 : memref<128x128xf32, #tpu.memory_space<vmem>>) dst(%dma_wait3A_304 : memref<10112x128xf32, #tpu.memory_space<vmem_shared>>)
        tpu.yield
      }) : () -> ()
      %add3A_275 = arith.constant 1 : i32
      %add3A_276 = arith.addi %mul3A_260, %add3A_275 : i32
      "tpu.region"() ({
        %run_scoped3A = tpu.sem_alloc : memref<!tpu.dma_semaphore, #tpu.memory_space<semaphore_mem>>
        %dma_start3A_293 = arith.constant 0 : i32
        %dma_start3A_294 = tpu.memref_slice %arg7[%add3A_276, %dma_start3A_293] : memref<64x128xi32, #tpu.memory_space<vmem>> -> memref<1x128xi32, #tpu.memory_space<vmem>>
        %dma_start3A_295 = tpu.memref_squeeze %dma_start3A_294 : memref<1x128xi32, #tpu.memory_space<vmem>> -> memref<128xi32, #tpu.memory_space<vmem>>
        %dma_start3A_296 = arith.constant 0 : i32
        %dma_start3A_297 = arith.constant 0 : i32
        %dma_start3A_298 = tpu.memref_slice %arg10[%dma_start3A_296, %dma_start3A_297] : memref<10112x128xf32, #tpu.memory_space<vmem_shared>> -> memref<10112x128xf32, #tpu.memory_space<vmem_shared>>
        tpu.enqueue_indirect_dma source(%arg9 : memref<128x128xf32, #tpu.memory_space<vmem>>) target(%dma_start3A_298 : memref<10112x128xf32, #tpu.memory_space<vmem_shared>>) offsets(%dma_start3A_295 : memref<128xi32, #tpu.memory_space<vmem>>) semaphore(%run_scoped3A : memref<!tpu.dma_semaphore, #tpu.memory_space<semaphore_mem>>) {add = true}
        %dma_wait3A_299 = arith.constant 0 : i32
        %dma_wait3A_300 = tpu.memref_slice %arg7[%add3A_276, %dma_wait3A_299] : memref<64x128xi32, #tpu.memory_space<vmem>> -> memref<1x128xi32, #tpu.memory_space<vmem>>
        %dma_wait3A_301 = tpu.memref_squeeze %dma_wait3A_300 : memref<1x128xi32, #tpu.memory_space<vmem>> -> memref<128xi32, #tpu.memory_space<vmem>>
        %dma_wait3A_302 = arith.constant 0 : i32
        %dma_wait3A_303 = arith.constant 0 : i32
        %dma_wait3A_304 = tpu.memref_slice %arg10[%dma_wait3A_302, %dma_wait3A_303] : memref<10112x128xf32, #tpu.memory_space<vmem_shared>> -> memref<10112x128xf32, #tpu.memory_space<vmem_shared>>
        tpu.wait_indirect_dma semaphore(%run_scoped3A : memref<!tpu.dma_semaphore, #tpu.memory_space<semaphore_mem>>) src(%arg9 : memref<128x128xf32, #tpu.memory_space<vmem>>) dst(%dma_wait3A_304 : memref<10112x128xf32, #tpu.memory_space<vmem_shared>>)
        tpu.yield
      }) : () -> ()
      %add3A_277 = arith.constant 2 : i32
      %add3A_278 = arith.addi %mul3A_260, %add3A_277 : i32
      %dma_start3A_279 = arith.constant 0 : i32
      %dma_start3A_280 = tpu.memref_slice %arg6[%add3A_278, %dma_start3A_279] : memref<64x128xi32, #tpu.memory_space<vmem>> -> memref<1x128xi32, #tpu.memory_space<vmem>>
      %dma_start3A_281 = tpu.memref_squeeze %dma_start3A_280 : memref<1x128xi32, #tpu.memory_space<vmem>> -> memref<128xi32, #tpu.memory_space<vmem>>
      %dma_start3A_282 = arith.constant 0 : i32
      %dma_start3A_283 = arith.constant 0 : i32
      %dma_start3A_284 = tpu.memref_slice %arg2[%dma_start3A_282, %dma_start3A_283] : memref<10000x128xf32, #tpu.memory_space<hbm>> -> memref<10000x128xf32, #tpu.memory_space<hbm>>
      tpu.enqueue_indirect_dma source(%dma_start3A_284 : memref<10000x128xf32, #tpu.memory_space<hbm>>) target(%arg8 : memref<128x128xf32, #tpu.memory_space<vmem>>) offsets(%dma_start3A_281 : memref<128xi32, #tpu.memory_space<vmem>>) semaphore(%arg11 : memref<!tpu.dma_semaphore, #tpu.memory_space<semaphore_mem>>)
      %add3A_285 = arith.constant 3 : i32
      %add3A_286 = arith.addi %mul3A_260, %add3A_285 : i32
      %dma_start3A_287 = arith.constant 0 : i32
      %dma_start3A_288 = tpu.memref_slice %arg6[%add3A_286, %dma_start3A_287] : memref<64x128xi32, #tpu.memory_space<vmem>> -> memref<1x128xi32, #tpu.memory_space<vmem>>
      %dma_start3A_289 = tpu.memref_squeeze %dma_start3A_288 : memref<1x128xi32, #tpu.memory_space<vmem>> -> memref<128xi32, #tpu.memory_space<vmem>>
      %dma_start3A_290 = arith.constant 0 : i32
      %dma_start3A_291 = arith.constant 0 : i32
      %dma_start3A_292 = tpu.memref_slice %arg2[%dma_start3A_290, %dma_start3A_291] : memref<10000x128xf32, #tpu.memory_space<hbm>> -> memref<10000x128xf32, #tpu.memory_space<hbm>>
      tpu.enqueue_indirect_dma source(%dma_start3A_292 : memref<10000x128xf32, #tpu.memory_space<hbm>>) target(%arg9 : memref<128x128xf32, #tpu.memory_space<vmem>>) offsets(%dma_start3A_289 : memref<128xi32, #tpu.memory_space<vmem>>) semaphore(%arg11 : memref<!tpu.dma_semaphore, #tpu.memory_space<semaphore_mem>>)
    }
    %while3A_151 = arith.constant 1 : i32
    scf.for %while3A_258 = %while3A_149 to %while3A_145 step %while3A_151  : i32 {
      %mul3A_259 = arith.constant 2 : i32
      %mul3A_260 = arith.muli %mul3A_259, %while3A_258 : i32
      %dma_wait3A_261 = arith.constant 0 : i32
      %dma_wait3A_262 = tpu.memref_slice %arg6[%mul3A_260, %dma_wait3A_261] : memref<64x128xi32, #tpu.memory_space<vmem>> -> memref<1x128xi32, #tpu.memory_space<vmem>>
      %dma_wait3A_263 = tpu.memref_squeeze %dma_wait3A_262 : memref<1x128xi32, #tpu.memory_space<vmem>> -> memref<128xi32, #tpu.memory_space<vmem>>
      %dma_wait3A_264 = arith.constant 0 : i32
      %dma_wait3A_265 = arith.constant 0 : i32
      %dma_wait3A_266 = tpu.memref_slice %arg2[%dma_wait3A_264, %dma_wait3A_265] : memref<10000x128xf32, #tpu.memory_space<hbm>> -> memref<10000x128xf32, #tpu.memory_space<hbm>>
      tpu.wait_indirect_dma semaphore(%arg11 : memref<!tpu.dma_semaphore, #tpu.memory_space<semaphore_mem>>) src(%dma_wait3A_266 : memref<10000x128xf32, #tpu.memory_space<hbm>>) dst(%arg8 : memref<128x128xf32, #tpu.memory_space<vmem>>)
      %add3A_267 = arith.constant 1 : i32
      %add3A_268 = arith.addi %mul3A_260, %add3A_267 : i32
      %dma_wait3A_269 = arith.constant 0 : i32
      %dma_wait3A_270 = tpu.memref_slice %arg6[%add3A_268, %dma_wait3A_269] : memref<64x128xi32, #tpu.memory_space<vmem>> -> memref<1x128xi32, #tpu.memory_space<vmem>>
      %dma_wait3A_271 = tpu.memref_squeeze %dma_wait3A_270 : memref<1x128xi32, #tpu.memory_space<vmem>> -> memref<128xi32, #tpu.memory_space<vmem>>
      %dma_wait3A_272 = arith.constant 0 : i32
      %dma_wait3A_273 = arith.constant 0 : i32
      %dma_wait3A_274 = tpu.memref_slice %arg2[%dma_wait3A_272, %dma_wait3A_273] : memref<10000x128xf32, #tpu.memory_space<hbm>> -> memref<10000x128xf32, #tpu.memory_space<hbm>>
      tpu.wait_indirect_dma semaphore(%arg11 : memref<!tpu.dma_semaphore, #tpu.memory_space<semaphore_mem>>) src(%dma_wait3A_274 : memref<10000x128xf32, #tpu.memory_space<hbm>>) dst(%arg9 : memref<128x128xf32, #tpu.memory_space<vmem>>)
      "tpu.region"() ({
        %run_scoped3A = tpu.sem_alloc : memref<!tpu.dma_semaphore, #tpu.memory_space<semaphore_mem>>
        %dma_start3A_293 = arith.constant 0 : i32
        %dma_start3A_294 = tpu.memref_slice %arg7[%mul3A_260, %dma_start3A_293] : memref<64x128xi32, #tpu.memory_space<vmem>> -> memref<1x128xi32, #tpu.memory_space<vmem>>
        %dma_start3A_295 = tpu.memref_squeeze %dma_start3A_294 : memref<1x128xi32, #tpu.memory_space<vmem>> -> memref<128xi32, #tpu.memory_space<vmem>>
        %dma_start3A_296 = arith.constant 0 : i32
        %dma_start3A_297 = arith.constant 0 : i32
        %dma_start3A_298 = tpu.memref_slice %arg10[%dma_start3A_296, %dma_start3A_297] : memref<10112x128xf32, #tpu.memory_space<vmem_shared>> -> memref<10112x128xf32, #tpu.memory_space<vmem_shared>>
        tpu.enqueue_indirect_dma source(%arg8 : memref<128x128xf32, #tpu.memory_space<vmem>>) target(%dma_start3A_298 : memref<10112x128xf32, #tpu.memory_space<vmem_shared>>) offsets(%dma_start3A_295 : memref<128xi32, #tpu.memory_space<vmem>>) semaphore(%run_scoped3A : memref<!tpu.dma_semaphore, #tpu.memory_space<semaphore_mem>>) {add = true}
        %dma_wait3A_299 = arith.constant 0 : i32
        %dma_wait3A_300 = tpu.memref_slice %arg7[%mul3A_260, %dma_wait3A_299] : memref<64x128xi32, #tpu.memory_space<vmem>> -> memref<1x128xi32, #tpu.memory_space<vmem>>
        %dma_wait3A_301 = tpu.memref_squeeze %dma_wait3A_300 : memref<1x128xi32, #tpu.memory_space<vmem>> -> memref<128xi32, #tpu.memory_space<vmem>>
        %dma_wait3A_302 = arith.constant 0 : i32
        %dma_wait3A_303 = arith.constant 0 : i32
        %dma_wait3A_304 = tpu.memref_slice %arg10[%dma_wait3A_302, %dma_wait3A_303] : memref<10112x128xf32, #tpu.memory_space<vmem_shared>> -> memref<10112x128xf32, #tpu.memory_space<vmem_shared>>
        tpu.wait_indirect_dma semaphore(%run_scoped3A : memref<!tpu.dma_semaphore, #tpu.memory_space<semaphore_mem>>) src(%arg8 : memref<128x128xf32, #tpu.memory_space<vmem>>) dst(%dma_wait3A_304 : memref<10112x128xf32, #tpu.memory_space<vmem_shared>>)
        tpu.yield
      }) : () -> ()
      %add3A_275 = arith.constant 1 : i32
      %add3A_276 = arith.addi %mul3A_260, %add3A_275 : i32
      "tpu.region"() ({
        %run_scoped3A = tpu.sem_alloc : memref<!tpu.dma_semaphore, #tpu.memory_space<semaphore_mem>>
        %dma_start3A_293 = arith.constant 0 : i32
        %dma_start3A_294 = tpu.memref_slice %arg7[%add3A_276, %dma_start3A_293] : memref<64x128xi32, #tpu.memory_space<vmem>> -> memref<1x128xi32, #tpu.memory_space<vmem>>
        %dma_start3A_295 = tpu.memref_squeeze %dma_start3A_294 : memref<1x128xi32, #tpu.memory_space<vmem>> -> memref<128xi32, #tpu.memory_space<vmem>>
        %dma_start3A_296 = arith.constant 0 : i32
        %dma_start3A_297 = arith.constant 0 : i32
        %dma_start3A_298 = tpu.memref_slice %arg10[%dma_start3A_296, %dma_start3A_297] : memref<10112x128xf32, #tpu.memory_space<vmem_shared>> -> memref<10112x128xf32, #tpu.memory_space<vmem_shared>>
        tpu.enqueue_indirect_dma source(%arg9 : memref<128x128xf32, #tpu.memory_space<vmem>>) target(%dma_start3A_298 : memref<10112x128xf32, #tpu.memory_space<vmem_shared>>) offsets(%dma_start3A_295 : memref<128xi32, #tpu.memory_space<vmem>>) semaphore(%run_scoped3A : memref<!tpu.dma_semaphore, #tpu.memory_space<semaphore_mem>>) {add = true}
        %dma_wait3A_299 = arith.constant 0 : i32
        %dma_wait3A_300 = tpu.memref_slice %arg7[%add3A_276, %dma_wait3A_299] : memref<64x128xi32, #tpu.memory_space<vmem>> -> memref<1x128xi32, #tpu.memory_space<vmem>>
        %dma_wait3A_301 = tpu.memref_squeeze %dma_wait3A_300 : memref<1x128xi32, #tpu.memory_space<vmem>> -> memref<128xi32, #tpu.memory_space<vmem>>
        %dma_wait3A_302 = arith.constant 0 : i32
        %dma_wait3A_303 = arith.constant 0 : i32
        %dma_wait3A_304 = tpu.memref_slice %arg10[%dma_wait3A_302, %dma_wait3A_303] : memref<10112x128xf32, #tpu.memory_space<vmem_shared>> -> memref<10112x128xf32, #tpu.memory_space<vmem_shared>>
        tpu.wait_indirect_dma semaphore(%run_scoped3A : memref<!tpu.dma_semaphore, #tpu.memory_space<semaphore_mem>>) src(%arg9 : memref<128x128xf32, #tpu.memory_space<vmem>>) dst(%dma_wait3A_304 : memref<10112x128xf32, #tpu.memory_space<vmem_shared>>)
        tpu.yield
      }) : () -> ()
      %add3A_277 = arith.constant 2 : i32
      %add3A_278 = arith.addi %mul3A_260, %add3A_277 : i32
      %dma_start3A_279 = arith.constant 0 : i32
      %dma_start3A_280 = tpu.memref_slice %arg6[%add3A_278, %dma_start3A_279] : memref<64x128xi32, #tpu.memory_space<vmem>> -> memref<1x128xi32, #tpu.memory_space<vmem>>
      %dma_start3A_281 = tpu.memref_squeeze %dma_start3A_280 : memref<1x128xi32, #tpu.memory_space<vmem>> -> memref<128xi32, #tpu.memory_space<vmem>>
      %dma_start3A_282 = arith.constant 0 : i32
      %dma_start3A_283 = arith.constant 0 : i32
      %dma_start3A_284 = tpu.memref_slice %arg2[%dma_start3A_282, %dma_start3A_283] : memref<10000x128xf32, #tpu.memory_space<hbm>> -> memref<10000x128xf32, #tpu.memory_space<hbm>>
      tpu.enqueue_indirect_dma source(%dma_start3A_284 : memref<10000x128xf32, #tpu.memory_space<hbm>>) target(%arg8 : memref<128x128xf32, #tpu.memory_space<vmem>>) offsets(%dma_start3A_281 : memref<128xi32, #tpu.memory_space<vmem>>) semaphore(%arg11 : memref<!tpu.dma_semaphore, #tpu.memory_space<semaphore_mem>>)
      %add3A_285 = arith.constant 3 : i32
      %add3A_286 = arith.addi %mul3A_260, %add3A_285 : i32
      %dma_start3A_287 = arith.constant 0 : i32
      %dma_start3A_288 = tpu.memref_slice %arg6[%add3A_286, %dma_start3A_287] : memref<64x128xi32, #tpu.memory_space<vmem>> -> memref<1x128xi32, #tpu.memory_space<vmem>>
      %dma_start3A_289 = tpu.memref_squeeze %dma_start3A_288 : memref<1x128xi32, #tpu.memory_space<vmem>> -> memref<128xi32, #tpu.memory_space<vmem>>
      %dma_start3A_290 = arith.constant 0 : i32
      %dma_start3A_291 = arith.constant 0 : i32
      %dma_start3A_292 = tpu.memref_slice %arg2[%dma_start3A_290, %dma_start3A_291] : memref<10000x128xf32, #tpu.memory_space<hbm>> -> memref<10000x128xf32, #tpu.memory_space<hbm>>
      tpu.enqueue_indirect_dma source(%dma_start3A_292 : memref<10000x128xf32, #tpu.memory_space<hbm>>) target(%arg9 : memref<128x128xf32, #tpu.memory_space<vmem>>) offsets(%dma_start3A_289 : memref<128xi32, #tpu.memory_space<vmem>>) semaphore(%arg11 : memref<!tpu.dma_semaphore, #tpu.memory_space<semaphore_mem>>)
    }
    %sub3A_152 = arith.constant 2 : i32
    %sub3A_153 = arith.subi %select_n3A_88, %sub3A_152 : i32
    %dma_wait3A_154 = arith.constant 0 : i32
    %dma_wait3A_155 = tpu.memref_slice %arg6[%sub3A_153, %dma_wait3A_154] : memref<64x128xi32, #tpu.memory_space<vmem>> -> memref<1x128xi32, #tpu.memory_space<vmem>>
    %dma_wait3A_156 = tpu.memref_squeeze %dma_wait3A_155 : memref<1x128xi32, #tpu.memory_space<vmem>> -> memref<128xi32, #tpu.memory_space<vmem>>
    %dma_wait3A_157 = arith.constant 0 : i32
    %dma_wait3A_158 = arith.constant 0 : i32
    %dma_wait3A_159 = tpu.memref_slice %arg2[%dma_wait3A_157, %dma_wait3A_158] : memref<10000x128xf32, #tpu.memory_space<hbm>> -> memref<10000x128xf32, #tpu.memory_space<hbm>>
    tpu.wait_indirect_dma semaphore(%arg11 : memref<!tpu.dma_semaphore, #tpu.memory_space<semaphore_mem>>) src(%dma_wait3A_159 : memref<10000x128xf32, #tpu.memory_space<hbm>>) dst(%arg8 : memref<128x128xf32, #tpu.memory_space<vmem>>)
    %add3A_160 = arith.constant 1 : i32
    %add3A_161 = arith.addi %sub3A_153, %add3A_160 : i32
    %dma_wait3A_162 = arith.constant 0 : i32
    %dma_wait3A_163 = tpu.memref_slice %arg6[%add3A_161, %dma_wait3A_162] : memref<64x128xi32, #tpu.memory_space<vmem>> -> memref<1x128xi32, #tpu.memory_space<vmem>>
    %dma_wait3A_164 = tpu.memref_squeeze %dma_wait3A_163 : memref<1x128xi32, #tpu.memory_space<vmem>> -> memref<128xi32, #tpu.memory_space<vmem>>
    %dma_wait3A_165 = arith.constant 0 : i32
    %dma_wait3A_166 = arith.constant 0 : i32
    %dma_wait3A_167 = tpu.memref_slice %arg2[%dma_wait3A_165, %dma_wait3A_166] : memref<10000x128xf32, #tpu.memory_space<hbm>> -> memref<10000x128xf32, #tpu.memory_space<hbm>>
    tpu.wait_indirect_dma semaphore(%arg11 : memref<!tpu.dma_semaphore, #tpu.memory_space<semaphore_mem>>) src(%dma_wait3A_167 : memref<10000x128xf32, #tpu.memory_space<hbm>>) dst(%arg9 : memref<128x128xf32, #tpu.memory_space<vmem>>)
    "tpu.region"() ({
      %run_scoped3A = tpu.sem_alloc : memref<!tpu.dma_semaphore, #tpu.memory_space<semaphore_mem>>
      %dma_start3A_258 = arith.constant 0 : i32
      %dma_start3A_259 = tpu.memref_slice %arg7[%sub3A_153, %dma_start3A_258] : memref<64x128xi32, #tpu.memory_space<vmem>> -> memref<1x128xi32, #tpu.memory_space<vmem>>
      %dma_start3A_260 = tpu.memref_squeeze %dma_start3A_259 : memref<1x128xi32, #tpu.memory_space<vmem>> -> memref<128xi32, #tpu.memory_space<vmem>>
      %dma_start3A_261 = arith.constant 0 : i32
      %dma_start3A_262 = arith.constant 0 : i32
      %dma_start3A_263 = tpu.memref_slice %arg10[%dma_start3A_261, %dma_start3A_262] : memref<10112x128xf32, #tpu.memory_space<vmem_shared>> -> memref<10112x128xf32, #tpu.memory_space<vmem_shared>>
      tpu.enqueue_indirect_dma source(%arg8 : memref<128x128xf32, #tpu.memory_space<vmem>>) target(%dma_start3A_263 : memref<10112x128xf32, #tpu.memory_space<vmem_shared>>) offsets(%dma_start3A_260 : memref<128xi32, #tpu.memory_space<vmem>>) semaphore(%run_scoped3A : memref<!tpu.dma_semaphore, #tpu.memory_space<semaphore_mem>>) {add = true}
      %dma_wait3A_264 = arith.constant 0 : i32
      %dma_wait3A_265 = tpu.memref_slice %arg7[%sub3A_153, %dma_wait3A_264] : memref<64x128xi32, #tpu.memory_space<vmem>> -> memref<1x128xi32, #tpu.memory_space<vmem>>
      %dma_wait3A_266 = tpu.memref_squeeze %dma_wait3A_265 : memref<1x128xi32, #tpu.memory_space<vmem>> -> memref<128xi32, #tpu.memory_space<vmem>>
      %dma_wait3A_267 = arith.constant 0 : i32
      %dma_wait3A_268 = arith.constant 0 : i32
      %dma_wait3A_269 = tpu.memref_slice %arg10[%dma_wait3A_267, %dma_wait3A_268] : memref<10112x128xf32, #tpu.memory_space<vmem_shared>> -> memref<10112x128xf32, #tpu.memory_space<vmem_shared>>
      tpu.wait_indirect_dma semaphore(%run_scoped3A : memref<!tpu.dma_semaphore, #tpu.memory_space<semaphore_mem>>) src(%arg8 : memref<128x128xf32, #tpu.memory_space<vmem>>) dst(%dma_wait3A_269 : memref<10112x128xf32, #tpu.memory_space<vmem_shared>>)
      tpu.yield
    }) : () -> ()
    %add3A_168 = arith.constant 1 : i32
    %add3A_169 = arith.addi %sub3A_153, %add3A_168 : i32
    "tpu.region"() ({
      %run_scoped3A = tpu.sem_alloc : memref<!tpu.dma_semaphore, #tpu.memory_space<semaphore_mem>>
      %dma_start3A_258 = arith.constant 0 : i32
      %dma_start3A_259 = tpu.memref_slice %arg7[%add3A_169, %dma_start3A_258] : memref<64x128xi32, #tpu.memory_space<vmem>> -> memref<1x128xi32, #tpu.memory_space<vmem>>
      %dma_start3A_260 = tpu.memref_squeeze %dma_start3A_259 : memref<1x128xi32, #tpu.memory_space<vmem>> -> memref<128xi32, #tpu.memory_space<vmem>>
      %dma_start3A_261 = arith.constant 0 : i32
      %dma_start3A_262 = arith.constant 0 : i32
      %dma_start3A_263 = tpu.memref_slice %arg10[%dma_start3A_261, %dma_start3A_262] : memref<10112x128xf32, #tpu.memory_space<vmem_shared>> -> memref<10112x128xf32, #tpu.memory_space<vmem_shared>>
      tpu.enqueue_indirect_dma source(%arg9 : memref<128x128xf32, #tpu.memory_space<vmem>>) target(%dma_start3A_263 : memref<10112x128xf32, #tpu.memory_space<vmem_shared>>) offsets(%dma_start3A_260 : memref<128xi32, #tpu.memory_space<vmem>>) semaphore(%run_scoped3A : memref<!tpu.dma_semaphore, #tpu.memory_space<semaphore_mem>>) {add = true}
      %dma_wait3A_264 = arith.constant 0 : i32
      %dma_wait3A_265 = tpu.memref_slice %arg7[%add3A_169, %dma_wait3A_264] : memref<64x128xi32, #tpu.memory_space<vmem>> -> memref<1x128xi32, #tpu.memory_space<vmem>>
      %dma_wait3A_266 = tpu.memref_squeeze %dma_wait3A_265 : memref<1x128xi32, #tpu.memory_space<vmem>> -> memref<128xi32, #tpu.memory_space<vmem>>
      %dma_wait3A_267 = arith.constant 0 : i32
      %dma_wait3A_268 = arith.constant 0 : i32
      %dma_wait3A_269 = tpu.memref_slice %arg10[%dma_wait3A_267, %dma_wait3A_268] : memref<10112x128xf32, #tpu.memory_space<vmem_shared>> -> memref<10112x128xf32, #tpu.memory_space<vmem_shared>>
      tpu.wait_indirect_dma semaphore(%run_scoped3A : memref<!tpu.dma_semaphore, #tpu.memory_space<semaphore_mem>>) src(%arg9 : memref<128x128xf32, #tpu.memory_space<vmem>>) dst(%dma_wait3A_269 : memref<10112x128xf32, #tpu.memory_space<vmem_shared>>)
      tpu.yield
    }) : () -> ()
    %mul3A_170 = arith.constant 1 : i32
    %mul3A_171 = arith.muli %mul3A_170, %select_n3A_88 : i32
    %add3A_172 = arith.addi %select_n3A, %mul3A_171 : i32
    %dma_start3A_173 = arith.constant 0 : i32
    %dma_start3A_174 = tpu.memref_slice %arg3[%add3A_172, %dma_start3A_173] : memref<2624x128xi32, #tpu.memory_space<hbm>> -> memref<64x128xi32, #tpu.memory_space<hbm>>
    %dma_start3A_175 = arith.constant 0 : i32
    %dma_start3A_176 = tpu.memref_slice %arg3[%add3A_172, %dma_start3A_175] : memref<2624x128xi32, #tpu.memory_space<hbm>> -> memref<64x128xi32, #tpu.memory_space<hbm>>
    tpu.enqueue_dma source(%dma_start3A_176 : memref<64x128xi32, #tpu.memory_space<hbm>>) target(%arg6 : memref<64x128xi32, #tpu.memory_space<vmem>>) target_semaphore(%arg11 : memref<!tpu.dma_semaphore, #tpu.memory_space<semaphore_mem>>)
    %dma_start3A_177 = arith.constant 0 : i32
    %dma_start3A_178 = tpu.memref_slice %arg4[%add3A_172, %dma_start3A_177] : memref<2624x128xi32, #tpu.memory_space<hbm>> -> memref<64x128xi32, #tpu.memory_space<hbm>>
    %dma_start3A_179 = arith.constant 0 : i32
    %dma_start3A_180 = tpu.memref_slice %arg4[%add3A_172, %dma_start3A_179] : memref<2624x128xi32, #tpu.memory_space<hbm>> -> memref<64x128xi32, #tpu.memory_space<hbm>>
    tpu.enqueue_dma source(%dma_start3A_180 : memref<64x128xi32, #tpu.memory_space<hbm>>) target(%arg7 : memref<64x128xi32, #tpu.memory_space<vmem>>) target_semaphore(%arg11 : memref<!tpu.dma_semaphore, #tpu.memory_space<semaphore_mem>>)
    %dma_wait3A_181 = arith.constant 0 : i32
    %dma_wait3A_182 = tpu.memref_slice %arg3[%add3A_172, %dma_wait3A_181] : memref<2624x128xi32, #tpu.memory_space<hbm>> -> memref<64x128xi32, #tpu.memory_space<hbm>>
    %dma_wait3A_183 = arith.constant 0 : i32
    %dma_wait3A_184 = tpu.memref_slice %arg3[%add3A_172, %dma_wait3A_183] : memref<2624x128xi32, #tpu.memory_space<hbm>> -> memref<64x128xi32, #tpu.memory_space<hbm>>
    tpu.wait_dma2 semaphore(%arg11 : memref<!tpu.dma_semaphore, #tpu.memory_space<semaphore_mem>>) src(%dma_wait3A_184 : memref<64x128xi32, #tpu.memory_space<hbm>>) dst(%arg6 : memref<64x128xi32, #tpu.memory_space<vmem>>)
    %dma_wait3A_185 = arith.constant 0 : i32
    %dma_wait3A_186 = tpu.memref_slice %arg4[%add3A_172, %dma_wait3A_185] : memref<2624x128xi32, #tpu.memory_space<hbm>> -> memref<64x128xi32, #tpu.memory_space<hbm>>
    %dma_wait3A_187 = arith.constant 0 : i32
    %dma_wait3A_188 = tpu.memref_slice %arg4[%add3A_172, %dma_wait3A_187] : memref<2624x128xi32, #tpu.memory_space<hbm>> -> memref<64x128xi32, #tpu.memory_space<hbm>>
    tpu.wait_dma2 semaphore(%arg11 : memref<!tpu.dma_semaphore, #tpu.memory_space<semaphore_mem>>) src(%dma_wait3A_188 : memref<64x128xi32, #tpu.memory_space<hbm>>) dst(%arg7 : memref<64x128xi32, #tpu.memory_space<vmem>>)
    %dma_start3A_189 = arith.constant 0 : i32
    %dma_start3A_190 = arith.constant 0 : i32
    %dma_start3A_191 = tpu.memref_slice %arg6[%dma_start3A_189, %dma_start3A_190] : memref<64x128xi32, #tpu.memory_space<vmem>> -> memref<1x128xi32, #tpu.memory_space<vmem>>
    %dma_start3A_192 = tpu.memref_squeeze %dma_start3A_191 : memref<1x128xi32, #tpu.memory_space<vmem>> -> memref<128xi32, #tpu.memory_space<vmem>>
    %dma_start3A_193 = arith.constant 0 : i32
    %dma_start3A_194 = arith.constant 0 : i32
    %dma_start3A_195 = tpu.memref_slice %arg2[%dma_start3A_193, %dma_start3A_194] : memref<10000x128xf32, #tpu.memory_space<hbm>> -> memref<10000x128xf32, #tpu.memory_space<hbm>>
    tpu.enqueue_indirect_dma source(%dma_start3A_195 : memref<10000x128xf32, #tpu.memory_space<hbm>>) target(%arg8 : memref<128x128xf32, #tpu.memory_space<vmem>>) offsets(%dma_start3A_192 : memref<128xi32, #tpu.memory_space<vmem>>) semaphore(%arg11 : memref<!tpu.dma_semaphore, #tpu.memory_space<semaphore_mem>>)
    %dma_start3A_196 = arith.constant 1 : i32
    %dma_start3A_197 = arith.constant 0 : i32
    %dma_start3A_198 = tpu.memref_slice %arg6[%dma_start3A_196, %dma_start3A_197] : memref<64x128xi32, #tpu.memory_space<vmem>> -> memref<1x128xi32, #tpu.memory_space<vmem>>
    %dma_start3A_199 = tpu.memref_squeeze %dma_start3A_198 : memref<1x128xi32, #tpu.memory_space<vmem>> -> memref<128xi32, #tpu.memory_space<vmem>>
    %dma_start3A_200 = arith.constant 0 : i32
    %dma_start3A_201 = arith.constant 0 : i32
    %dma_start3A_202 = tpu.memref_slice %arg2[%dma_start3A_200, %dma_start3A_201] : memref<10000x128xf32, #tpu.memory_space<hbm>> -> memref<10000x128xf32, #tpu.memory_space<hbm>>
    tpu.enqueue_indirect_dma source(%dma_start3A_202 : memref<10000x128xf32, #tpu.memory_space<hbm>>) target(%arg9 : memref<128x128xf32, #tpu.memory_space<vmem>>) offsets(%dma_start3A_199 : memref<128xi32, #tpu.memory_space<vmem>>) semaphore(%arg11 : memref<!tpu.dma_semaphore, #tpu.memory_space<semaphore_mem>>)
    %jit3A_203 = arith.constant 2 : i32
    %div3A_204 = arith.divsi %select_n3A_88, %jit3A_203 : i32
    %sign3A_205 = arith.constant 0 : i32
    %sign3A_206 = arith.cmpi sgt, %select_n3A_88, %sign3A_205 : i32
    %sign3A_207 = arith.extui %sign3A_206 : i1 to i32
    %sign3A_208 = arith.constant 0 : i32
    %sign3A_209 = arith.cmpi slt, %select_n3A_88, %sign3A_208 : i32
    %sign3A_210 = arith.extui %sign3A_209 : i1 to i32
    %sign3A_211 = arith.subi %sign3A_207, %sign3A_210 : i32
    %sign3A_212 = arith.constant 0 : i32
    %sign3A_213 = arith.cmpi sgt, %jit3A_203, %sign3A_212 : i32
    %sign3A_214 = arith.extui %sign3A_213 : i1 to i32
    %sign3A_215 = arith.constant 0 : i32
    %sign3A_216 = arith.cmpi slt, %jit3A_203, %sign3A_215 : i32
    %sign3A_217 = arith.extui %sign3A_216 : i1 to i32
    %sign3A_218 = arith.subi %sign3A_214, %sign3A_217 : i32
    %ne3A_219 = arith.cmpi ne, %sign3A_211, %sign3A_218 : i32
    %rem3A_220 = arith.remsi %select_n3A_88, %jit3A_203 : i32
    %ne3A_221 = arith.constant 0 : i32
    %ne3A_222 = arith.cmpi ne, %rem3A_220, %ne3A_221 : i32
    %and3A_223 = arith.andi %ne3A_219, %ne3A_222 : i1
    %sub3A_224 = arith.constant 1 : i32
    %sub3A_225 = arith.subi %div3A_204, %sub3A_224 : i32
    %select_n3A_226 = arith.select %and3A_223, %sub3A_225, %div3A_204 : i32
    %sub3A_227 = arith.constant 1 : i32
    %sub3A_228 = arith.subi %select_n3A_226, %sub3A_227 : i32
    %while3A_229 = arith.constant 0 : i32
    %while3A_230 = arith.constant 0 : i32
    %while3A_231 = arith.subi %sub3A_228, %while3A_230 : i32
    %while3A_232 = arith.addi %while3A_230, %while3A_231 : i32
    %while3A_233 = arith.constant 1 : i32
    %while3A_234 = arith.divsi %while3A_231, %while3A_233 : i32
    %while3A_235 = arith.muli %while3A_234, %while3A_233 : i32
    %while3A_236 = arith.addi %while3A_230, %while3A_235 : i32
    %while3A_237 = arith.constant 1 : i32
    scf.for %while3A_258 = %while3A_230 to %while3A_236 step %while3A_237  : i32 {
      %mul3A_259 = arith.constant 2 : i32
      %mul3A_260 = arith.muli %mul3A_259, %while3A_258 : i32
      %dma_wait3A_261 = arith.constant 0 : i32
      %dma_wait3A_262 = tpu.memref_slice %arg6[%mul3A_260, %dma_wait3A_261] : memref<64x128xi32, #tpu.memory_space<vmem>> -> memref<1x128xi32, #tpu.memory_space<vmem>>
      %dma_wait3A_263 = tpu.memref_squeeze %dma_wait3A_262 : memref<1x128xi32, #tpu.memory_space<vmem>> -> memref<128xi32, #tpu.memory_space<vmem>>
      %dma_wait3A_264 = arith.constant 0 : i32
      %dma_wait3A_265 = arith.constant 0 : i32
      %dma_wait3A_266 = tpu.memref_slice %arg2[%dma_wait3A_264, %dma_wait3A_265] : memref<10000x128xf32, #tpu.memory_space<hbm>> -> memref<10000x128xf32, #tpu.memory_space<hbm>>
      tpu.wait_indirect_dma semaphore(%arg11 : memref<!tpu.dma_semaphore, #tpu.memory_space<semaphore_mem>>) src(%dma_wait3A_266 : memref<10000x128xf32, #tpu.memory_space<hbm>>) dst(%arg8 : memref<128x128xf32, #tpu.memory_space<vmem>>)
      %add3A_267 = arith.constant 1 : i32
      %add3A_268 = arith.addi %mul3A_260, %add3A_267 : i32
      %dma_wait3A_269 = arith.constant 0 : i32
      %dma_wait3A_270 = tpu.memref_slice %arg6[%add3A_268, %dma_wait3A_269] : memref<64x128xi32, #tpu.memory_space<vmem>> -> memref<1x128xi32, #tpu.memory_space<vmem>>
      %dma_wait3A_271 = tpu.memref_squeeze %dma_wait3A_270 : memref<1x128xi32, #tpu.memory_space<vmem>> -> memref<128xi32, #tpu.memory_space<vmem>>
      %dma_wait3A_272 = arith.constant 0 : i32
      %dma_wait3A_273 = arith.constant 0 : i32
      %dma_wait3A_274 = tpu.memref_slice %arg2[%dma_wait3A_272, %dma_wait3A_273] : memref<10000x128xf32, #tpu.memory_space<hbm>> -> memref<10000x128xf32, #tpu.memory_space<hbm>>
      tpu.wait_indirect_dma semaphore(%arg11 : memref<!tpu.dma_semaphore, #tpu.memory_space<semaphore_mem>>) src(%dma_wait3A_274 : memref<10000x128xf32, #tpu.memory_space<hbm>>) dst(%arg9 : memref<128x128xf32, #tpu.memory_space<vmem>>)
      "tpu.region"() ({
        %run_scoped3A = tpu.sem_alloc : memref<!tpu.dma_semaphore, #tpu.memory_space<semaphore_mem>>
        %dma_start3A_293 = arith.constant 0 : i32
        %dma_start3A_294 = tpu.memref_slice %arg7[%mul3A_260, %dma_start3A_293] : memref<64x128xi32, #tpu.memory_space<vmem>> -> memref<1x128xi32, #tpu.memory_space<vmem>>
        %dma_start3A_295 = tpu.memref_squeeze %dma_start3A_294 : memref<1x128xi32, #tpu.memory_space<vmem>> -> memref<128xi32, #tpu.memory_space<vmem>>
        %dma_start3A_296 = arith.constant 0 : i32
        %dma_start3A_297 = arith.constant 0 : i32
        %dma_start3A_298 = tpu.memref_slice %arg10[%dma_start3A_296, %dma_start3A_297] : memref<10112x128xf32, #tpu.memory_space<vmem_shared>> -> memref<10112x128xf32, #tpu.memory_space<vmem_shared>>
        tpu.enqueue_indirect_dma source(%arg8 : memref<128x128xf32, #tpu.memory_space<vmem>>) target(%dma_start3A_298 : memref<10112x128xf32, #tpu.memory_space<vmem_shared>>) offsets(%dma_start3A_295 : memref<128xi32, #tpu.memory_space<vmem>>) semaphore(%run_scoped3A : memref<!tpu.dma_semaphore, #tpu.memory_space<semaphore_mem>>) {add = true}
        %dma_wait3A_299 = arith.constant 0 : i32
        %dma_wait3A_300 = tpu.memref_slice %arg7[%mul3A_260, %dma_wait3A_299] : memref<64x128xi32, #tpu.memory_space<vmem>> -> memref<1x128xi32, #tpu.memory_space<vmem>>
        %dma_wait3A_301 = tpu.memref_squeeze %dma_wait3A_300 : memref<1x128xi32, #tpu.memory_space<vmem>> -> memref<128xi32, #tpu.memory_space<vmem>>
        %dma_wait3A_302 = arith.constant 0 : i32
        %dma_wait3A_303 = arith.constant 0 : i32
        %dma_wait3A_304 = tpu.memref_slice %arg10[%dma_wait3A_302, %dma_wait3A_303] : memref<10112x128xf32, #tpu.memory_space<vmem_shared>> -> memref<10112x128xf32, #tpu.memory_space<vmem_shared>>
        tpu.wait_indirect_dma semaphore(%run_scoped3A : memref<!tpu.dma_semaphore, #tpu.memory_space<semaphore_mem>>) src(%arg8 : memref<128x128xf32, #tpu.memory_space<vmem>>) dst(%dma_wait3A_304 : memref<10112x128xf32, #tpu.memory_space<vmem_shared>>)
        tpu.yield
      }) : () -> ()
      %add3A_275 = arith.constant 1 : i32
      %add3A_276 = arith.addi %mul3A_260, %add3A_275 : i32
      "tpu.region"() ({
        %run_scoped3A = tpu.sem_alloc : memref<!tpu.dma_semaphore, #tpu.memory_space<semaphore_mem>>
        %dma_start3A_293 = arith.constant 0 : i32
        %dma_start3A_294 = tpu.memref_slice %arg7[%add3A_276, %dma_start3A_293] : memref<64x128xi32, #tpu.memory_space<vmem>> -> memref<1x128xi32, #tpu.memory_space<vmem>>
        %dma_start3A_295 = tpu.memref_squeeze %dma_start3A_294 : memref<1x128xi32, #tpu.memory_space<vmem>> -> memref<128xi32, #tpu.memory_space<vmem>>
        %dma_start3A_296 = arith.constant 0 : i32
        %dma_start3A_297 = arith.constant 0 : i32
        %dma_start3A_298 = tpu.memref_slice %arg10[%dma_start3A_296, %dma_start3A_297] : memref<10112x128xf32, #tpu.memory_space<vmem_shared>> -> memref<10112x128xf32, #tpu.memory_space<vmem_shared>>
        tpu.enqueue_indirect_dma source(%arg9 : memref<128x128xf32, #tpu.memory_space<vmem>>) target(%dma_start3A_298 : memref<10112x128xf32, #tpu.memory_space<vmem_shared>>) offsets(%dma_start3A_295 : memref<128xi32, #tpu.memory_space<vmem>>) semaphore(%run_scoped3A : memref<!tpu.dma_semaphore, #tpu.memory_space<semaphore_mem>>) {add = true}
        %dma_wait3A_299 = arith.constant 0 : i32
        %dma_wait3A_300 = tpu.memref_slice %arg7[%add3A_276, %dma_wait3A_299] : memref<64x128xi32, #tpu.memory_space<vmem>> -> memref<1x128xi32, #tpu.memory_space<vmem>>
        %dma_wait3A_301 = tpu.memref_squeeze %dma_wait3A_300 : memref<1x128xi32, #tpu.memory_space<vmem>> -> memref<128xi32, #tpu.memory_space<vmem>>
        %dma_wait3A_302 = arith.constant 0 : i32
        %dma_wait3A_303 = arith.constant 0 : i32
        %dma_wait3A_304 = tpu.memref_slice %arg10[%dma_wait3A_302, %dma_wait3A_303] : memref<10112x128xf32, #tpu.memory_space<vmem_shared>> -> memref<10112x128xf32, #tpu.memory_space<vmem_shared>>
        tpu.wait_indirect_dma semaphore(%run_scoped3A : memref<!tpu.dma_semaphore, #tpu.memory_space<semaphore_mem>>) src(%arg9 : memref<128x128xf32, #tpu.memory_space<vmem>>) dst(%dma_wait3A_304 : memref<10112x128xf32, #tpu.memory_space<vmem_shared>>)
        tpu.yield
      }) : () -> ()
      %add3A_277 = arith.constant 2 : i32
      %add3A_278 = arith.addi %mul3A_260, %add3A_277 : i32
      %dma_start3A_279 = arith.constant 0 : i32
      %dma_start3A_280 = tpu.memref_slice %arg6[%add3A_278, %dma_start3A_279] : memref<64x128xi32, #tpu.memory_space<vmem>> -> memref<1x128xi32, #tpu.memory_space<vmem>>
      %dma_start3A_281 = tpu.memref_squeeze %dma_start3A_280 : memref<1x128xi32, #tpu.memory_space<vmem>> -> memref<128xi32, #tpu.memory_space<vmem>>
      %dma_start3A_282 = arith.constant 0 : i32
      %dma_start3A_283 = arith.constant 0 : i32
      %dma_start3A_284 = tpu.memref_slice %arg2[%dma_start3A_282, %dma_start3A_283] : memref<10000x128xf32, #tpu.memory_space<hbm>> -> memref<10000x128xf32, #tpu.memory_space<hbm>>
      tpu.enqueue_indirect_dma source(%dma_start3A_284 : memref<10000x128xf32, #tpu.memory_space<hbm>>) target(%arg8 : memref<128x128xf32, #tpu.memory_space<vmem>>) offsets(%dma_start3A_281 : memref<128xi32, #tpu.memory_space<vmem>>) semaphore(%arg11 : memref<!tpu.dma_semaphore, #tpu.memory_space<semaphore_mem>>)
      %add3A_285 = arith.constant 3 : i32
      %add3A_286 = arith.addi %mul3A_260, %add3A_285 : i32
      %dma_start3A_287 = arith.constant 0 : i32
      %dma_start3A_288 = tpu.memref_slice %arg6[%add3A_286, %dma_start3A_287] : memref<64x128xi32, #tpu.memory_space<vmem>> -> memref<1x128xi32, #tpu.memory_space<vmem>>
      %dma_start3A_289 = tpu.memref_squeeze %dma_start3A_288 : memref<1x128xi32, #tpu.memory_space<vmem>> -> memref<128xi32, #tpu.memory_space<vmem>>
      %dma_start3A_290 = arith.constant 0 : i32
      %dma_start3A_291 = arith.constant 0 : i32
      %dma_start3A_292 = tpu.memref_slice %arg2[%dma_start3A_290, %dma_start3A_291] : memref<10000x128xf32, #tpu.memory_space<hbm>> -> memref<10000x128xf32, #tpu.memory_space<hbm>>
      tpu.enqueue_indirect_dma source(%dma_start3A_292 : memref<10000x128xf32, #tpu.memory_space<hbm>>) target(%arg9 : memref<128x128xf32, #tpu.memory_space<vmem>>) offsets(%dma_start3A_289 : memref<128xi32, #tpu.memory_space<vmem>>) semaphore(%arg11 : memref<!tpu.dma_semaphore, #tpu.memory_space<semaphore_mem>>)
    }
    %while3A_238 = arith.constant 1 : i32
    scf.for %while3A_258 = %while3A_236 to %while3A_232 step %while3A_238  : i32 {
      %mul3A_259 = arith.constant 2 : i32
      %mul3A_260 = arith.muli %mul3A_259, %while3A_258 : i32
      %dma_wait3A_261 = arith.constant 0 : i32
      %dma_wait3A_262 = tpu.memref_slice %arg6[%mul3A_260, %dma_wait3A_261] : memref<64x128xi32, #tpu.memory_space<vmem>> -> memref<1x128xi32, #tpu.memory_space<vmem>>
      %dma_wait3A_263 = tpu.memref_squeeze %dma_wait3A_262 : memref<1x128xi32, #tpu.memory_space<vmem>> -> memref<128xi32, #tpu.memory_space<vmem>>
      %dma_wait3A_264 = arith.constant 0 : i32
      %dma_wait3A_265 = arith.constant 0 : i32
      %dma_wait3A_266 = tpu.memref_slice %arg2[%dma_wait3A_264, %dma_wait3A_265] : memref<10000x128xf32, #tpu.memory_space<hbm>> -> memref<10000x128xf32, #tpu.memory_space<hbm>>
      tpu.wait_indirect_dma semaphore(%arg11 : memref<!tpu.dma_semaphore, #tpu.memory_space<semaphore_mem>>) src(%dma_wait3A_266 : memref<10000x128xf32, #tpu.memory_space<hbm>>) dst(%arg8 : memref<128x128xf32, #tpu.memory_space<vmem>>)
      %add3A_267 = arith.constant 1 : i32
      %add3A_268 = arith.addi %mul3A_260, %add3A_267 : i32
      %dma_wait3A_269 = arith.constant 0 : i32
      %dma_wait3A_270 = tpu.memref_slice %arg6[%add3A_268, %dma_wait3A_269] : memref<64x128xi32, #tpu.memory_space<vmem>> -> memref<1x128xi32, #tpu.memory_space<vmem>>
      %dma_wait3A_271 = tpu.memref_squeeze %dma_wait3A_270 : memref<1x128xi32, #tpu.memory_space<vmem>> -> memref<128xi32, #tpu.memory_space<vmem>>
      %dma_wait3A_272 = arith.constant 0 : i32
      %dma_wait3A_273 = arith.constant 0 : i32
      %dma_wait3A_274 = tpu.memref_slice %arg2[%dma_wait3A_272, %dma_wait3A_273] : memref<10000x128xf32, #tpu.memory_space<hbm>> -> memref<10000x128xf32, #tpu.memory_space<hbm>>
      tpu.wait_indirect_dma semaphore(%arg11 : memref<!tpu.dma_semaphore, #tpu.memory_space<semaphore_mem>>) src(%dma_wait3A_274 : memref<10000x128xf32, #tpu.memory_space<hbm>>) dst(%arg9 : memref<128x128xf32, #tpu.memory_space<vmem>>)
      "tpu.region"() ({
        %run_scoped3A = tpu.sem_alloc : memref<!tpu.dma_semaphore, #tpu.memory_space<semaphore_mem>>
        %dma_start3A_293 = arith.constant 0 : i32
        %dma_start3A_294 = tpu.memref_slice %arg7[%mul3A_260, %dma_start3A_293] : memref<64x128xi32, #tpu.memory_space<vmem>> -> memref<1x128xi32, #tpu.memory_space<vmem>>
        %dma_start3A_295 = tpu.memref_squeeze %dma_start3A_294 : memref<1x128xi32, #tpu.memory_space<vmem>> -> memref<128xi32, #tpu.memory_space<vmem>>
        %dma_start3A_296 = arith.constant 0 : i32
        %dma_start3A_297 = arith.constant 0 : i32
        %dma_start3A_298 = tpu.memref_slice %arg10[%dma_start3A_296, %dma_start3A_297] : memref<10112x128xf32, #tpu.memory_space<vmem_shared>> -> memref<10112x128xf32, #tpu.memory_space<vmem_shared>>
        tpu.enqueue_indirect_dma source(%arg8 : memref<128x128xf32, #tpu.memory_space<vmem>>) target(%dma_start3A_298 : memref<10112x128xf32, #tpu.memory_space<vmem_shared>>) offsets(%dma_start3A_295 : memref<128xi32, #tpu.memory_space<vmem>>) semaphore(%run_scoped3A : memref<!tpu.dma_semaphore, #tpu.memory_space<semaphore_mem>>) {add = true}
        %dma_wait3A_299 = arith.constant 0 : i32
        %dma_wait3A_300 = tpu.memref_slice %arg7[%mul3A_260, %dma_wait3A_299] : memref<64x128xi32, #tpu.memory_space<vmem>> -> memref<1x128xi32, #tpu.memory_space<vmem>>
        %dma_wait3A_301 = tpu.memref_squeeze %dma_wait3A_300 : memref<1x128xi32, #tpu.memory_space<vmem>> -> memref<128xi32, #tpu.memory_space<vmem>>
        %dma_wait3A_302 = arith.constant 0 : i32
        %dma_wait3A_303 = arith.constant 0 : i32
        %dma_wait3A_304 = tpu.memref_slice %arg10[%dma_wait3A_302, %dma_wait3A_303] : memref<10112x128xf32, #tpu.memory_space<vmem_shared>> -> memref<10112x128xf32, #tpu.memory_space<vmem_shared>>
        tpu.wait_indirect_dma semaphore(%run_scoped3A : memref<!tpu.dma_semaphore, #tpu.memory_space<semaphore_mem>>) src(%arg8 : memref<128x128xf32, #tpu.memory_space<vmem>>) dst(%dma_wait3A_304 : memref<10112x128xf32, #tpu.memory_space<vmem_shared>>)
        tpu.yield
      }) : () -> ()
      %add3A_275 = arith.constant 1 : i32
      %add3A_276 = arith.addi %mul3A_260, %add3A_275 : i32
      "tpu.region"() ({
        %run_scoped3A = tpu.sem_alloc : memref<!tpu.dma_semaphore, #tpu.memory_space<semaphore_mem>>
        %dma_start3A_293 = arith.constant 0 : i32
        %dma_start3A_294 = tpu.memref_slice %arg7[%add3A_276, %dma_start3A_293] : memref<64x128xi32, #tpu.memory_space<vmem>> -> memref<1x128xi32, #tpu.memory_space<vmem>>
        %dma_start3A_295 = tpu.memref_squeeze %dma_start3A_294 : memref<1x128xi32, #tpu.memory_space<vmem>> -> memref<128xi32, #tpu.memory_space<vmem>>
        %dma_start3A_296 = arith.constant 0 : i32
        %dma_start3A_297 = arith.constant 0 : i32
        %dma_start3A_298 = tpu.memref_slice %arg10[%dma_start3A_296, %dma_start3A_297] : memref<10112x128xf32, #tpu.memory_space<vmem_shared>> -> memref<10112x128xf32, #tpu.memory_space<vmem_shared>>
        tpu.enqueue_indirect_dma source(%arg9 : memref<128x128xf32, #tpu.memory_space<vmem>>) target(%dma_start3A_298 : memref<10112x128xf32, #tpu.memory_space<vmem_shared>>) offsets(%dma_start3A_295 : memref<128xi32, #tpu.memory_space<vmem>>) semaphore(%run_scoped3A : memref<!tpu.dma_semaphore, #tpu.memory_space<semaphore_mem>>) {add = true}
        %dma_wait3A_299 = arith.constant 0 : i32
        %dma_wait3A_300 = tpu.memref_slice %arg7[%add3A_276, %dma_wait3A_299] : memref<64x128xi32, #tpu.memory_space<vmem>> -> memref<1x128xi32, #tpu.memory_space<vmem>>
        %dma_wait3A_301 = tpu.memref_squeeze %dma_wait3A_300 : memref<1x128xi32, #tpu.memory_space<vmem>> -> memref<128xi32, #tpu.memory_space<vmem>>
        %dma_wait3A_302 = arith.constant 0 : i32
        %dma_wait3A_303 = arith.constant 0 : i32
        %dma_wait3A_304 = tpu.memref_slice %arg10[%dma_wait3A_302, %dma_wait3A_303] : memref<10112x128xf32, #tpu.memory_space<vmem_shared>> -> memref<10112x128xf32, #tpu.memory_space<vmem_shared>>
        tpu.wait_indirect_dma semaphore(%run_scoped3A : memref<!tpu.dma_semaphore, #tpu.memory_space<semaphore_mem>>) src(%arg9 : memref<128x128xf32, #tpu.memory_space<vmem>>) dst(%dma_wait3A_304 : memref<10112x128xf32, #tpu.memory_space<vmem_shared>>)
        tpu.yield
      }) : () -> ()
      %add3A_277 = arith.constant 2 : i32
      %add3A_278 = arith.addi %mul3A_260, %add3A_277 : i32
      %dma_start3A_279 = arith.constant 0 : i32
      %dma_start3A_280 = tpu.memref_slice %arg6[%add3A_278, %dma_start3A_279] : memref<64x128xi32, #tpu.memory_space<vmem>> -> memref<1x128xi32, #tpu.memory_space<vmem>>
      %dma_start3A_281 = tpu.memref_squeeze %dma_start3A_280 : memref<1x128xi32, #tpu.memory_space<vmem>> -> memref<128xi32, #tpu.memory_space<vmem>>
      %dma_start3A_282 = arith.constant 0 : i32
      %dma_start3A_283 = arith.constant 0 : i32
      %dma_start3A_284 = tpu.memref_slice %arg2[%dma_start3A_282, %dma_start3A_283] : memref<10000x128xf32, #tpu.memory_space<hbm>> -> memref<10000x128xf32, #tpu.memory_space<hbm>>
      tpu.enqueue_indirect_dma source(%dma_start3A_284 : memref<10000x128xf32, #tpu.memory_space<hbm>>) target(%arg8 : memref<128x128xf32, #tpu.memory_space<vmem>>) offsets(%dma_start3A_281 : memref<128xi32, #tpu.memory_space<vmem>>) semaphore(%arg11 : memref<!tpu.dma_semaphore, #tpu.memory_space<semaphore_mem>>)
      %add3A_285 = arith.constant 3 : i32
      %add3A_286 = arith.addi %mul3A_260, %add3A_285 : i32
      %dma_start3A_287 = arith.constant 0 : i32
      %dma_start3A_288 = tpu.memref_slice %arg6[%add3A_286, %dma_start3A_287] : memref<64x128xi32, #tpu.memory_space<vmem>> -> memref<1x128xi32, #tpu.memory_space<vmem>>
      %dma_start3A_289 = tpu.memref_squeeze %dma_start3A_288 : memref<1x128xi32, #tpu.memory_space<vmem>> -> memref<128xi32, #tpu.memory_space<vmem>>
      %dma_start3A_290 = arith.constant 0 : i32
      %dma_start3A_291 = arith.constant 0 : i32
      %dma_start3A_292 = tpu.memref_slice %arg2[%dma_start3A_290, %dma_start3A_291] : memref<10000x128xf32, #tpu.memory_space<hbm>> -> memref<10000x128xf32, #tpu.memory_space<hbm>>
      tpu.enqueue_indirect_dma source(%dma_start3A_292 : memref<10000x128xf32, #tpu.memory_space<hbm>>) target(%arg9 : memref<128x128xf32, #tpu.memory_space<vmem>>) offsets(%dma_start3A_289 : memref<128xi32, #tpu.memory_space<vmem>>) semaphore(%arg11 : memref<!tpu.dma_semaphore, #tpu.memory_space<semaphore_mem>>)
    }
    %sub3A_239 = arith.constant 2 : i32
    %sub3A_240 = arith.subi %select_n3A_88, %sub3A_239 : i32
    %dma_wait3A_241 = arith.constant 0 : i32
    %dma_wait3A_242 = tpu.memref_slice %arg6[%sub3A_240, %dma_wait3A_241] : memref<64x128xi32, #tpu.memory_space<vmem>> -> memref<1x128xi32, #tpu.memory_space<vmem>>
    %dma_wait3A_243 = tpu.memref_squeeze %dma_wait3A_242 : memref<1x128xi32, #tpu.memory_space<vmem>> -> memref<128xi32, #tpu.memory_space<vmem>>
    %dma_wait3A_244 = arith.constant 0 : i32
    %dma_wait3A_245 = arith.constant 0 : i32
    %dma_wait3A_246 = tpu.memref_slice %arg2[%dma_wait3A_244, %dma_wait3A_245] : memref<10000x128xf32, #tpu.memory_space<hbm>> -> memref<10000x128xf32, #tpu.memory_space<hbm>>
    tpu.wait_indirect_dma semaphore(%arg11 : memref<!tpu.dma_semaphore, #tpu.memory_space<semaphore_mem>>) src(%dma_wait3A_246 : memref<10000x128xf32, #tpu.memory_space<hbm>>) dst(%arg8 : memref<128x128xf32, #tpu.memory_space<vmem>>)
    %add3A_247 = arith.constant 1 : i32
    %add3A_248 = arith.addi %sub3A_240, %add3A_247 : i32
    %dma_wait3A_249 = arith.constant 0 : i32
    %dma_wait3A_250 = tpu.memref_slice %arg6[%add3A_248, %dma_wait3A_249] : memref<64x128xi32, #tpu.memory_space<vmem>> -> memref<1x128xi32, #tpu.memory_space<vmem>>
    %dma_wait3A_251 = tpu.memref_squeeze %dma_wait3A_250 : memref<1x128xi32, #tpu.memory_space<vmem>> -> memref<128xi32, #tpu.memory_space<vmem>>
    %dma_wait3A_252 = arith.constant 0 : i32
    %dma_wait3A_253 = arith.constant 0 : i32
    %dma_wait3A_254 = tpu.memref_slice %arg2[%dma_wait3A_252, %dma_wait3A_253] : memref<10000x128xf32, #tpu.memory_space<hbm>> -> memref<10000x128xf32, #tpu.memory_space<hbm>>
    tpu.wait_indirect_dma semaphore(%arg11 : memref<!tpu.dma_semaphore, #tpu.memory_space<semaphore_mem>>) src(%dma_wait3A_254 : memref<10000x128xf32, #tpu.memory_space<hbm>>) dst(%arg9 : memref<128x128xf32, #tpu.memory_space<vmem>>)
    "tpu.region"() ({
      %run_scoped3A = tpu.sem_alloc : memref<!tpu.dma_semaphore, #tpu.memory_space<semaphore_mem>>
      %dma_start3A_258 = arith.constant 0 : i32
      %dma_start3A_259 = tpu.memref_slice %arg7[%sub3A_240, %dma_start3A_258] : memref<64x128xi32, #tpu.memory_space<vmem>> -> memref<1x128xi32, #tpu.memory_space<vmem>>
      %dma_start3A_260 = tpu.memref_squeeze %dma_start3A_259 : memref<1x128xi32, #tpu.memory_space<vmem>> -> memref<128xi32, #tpu.memory_space<vmem>>
      %dma_start3A_261 = arith.constant 0 : i32
      %dma_start3A_262 = arith.constant 0 : i32
      %dma_start3A_263 = tpu.memref_slice %arg10[%dma_start3A_261, %dma_start3A_262] : memref<10112x128xf32, #tpu.memory_space<vmem_shared>> -> memref<10112x128xf32, #tpu.memory_space<vmem_shared>>
      tpu.enqueue_indirect_dma source(%arg8 : memref<128x128xf32, #tpu.memory_space<vmem>>) target(%dma_start3A_263 : memref<10112x128xf32, #tpu.memory_space<vmem_shared>>) offsets(%dma_start3A_260 : memref<128xi32, #tpu.memory_space<vmem>>) semaphore(%run_scoped3A : memref<!tpu.dma_semaphore, #tpu.memory_space<semaphore_mem>>) {add = true}
      %dma_wait3A_264 = arith.constant 0 : i32
      %dma_wait3A_265 = tpu.memref_slice %arg7[%sub3A_240, %dma_wait3A_264] : memref<64x128xi32, #tpu.memory_space<vmem>> -> memref<1x128xi32, #tpu.memory_space<vmem>>
      %dma_wait3A_266 = tpu.memref_squeeze %dma_wait3A_265 : memref<1x128xi32, #tpu.memory_space<vmem>> -> memref<128xi32, #tpu.memory_space<vmem>>
      %dma_wait3A_267 = arith.constant 0 : i32
      %dma_wait3A_268 = arith.constant 0 : i32
      %dma_wait3A_269 = tpu.memref_slice %arg10[%dma_wait3A_267, %dma_wait3A_268] : memref<10112x128xf32, #tpu.memory_space<vmem_shared>> -> memref<10112x128xf32, #tpu.memory_space<vmem_shared>>
      tpu.wait_indirect_dma semaphore(%run_scoped3A : memref<!tpu.dma_semaphore, #tpu.memory_space<semaphore_mem>>) src(%arg8 : memref<128x128xf32, #tpu.memory_space<vmem>>) dst(%dma_wait3A_269 : memref<10112x128xf32, #tpu.memory_space<vmem_shared>>)
      tpu.yield
    }) : () -> ()
    %add3A_255 = arith.constant 1 : i32
    %add3A_256 = arith.addi %sub3A_240, %add3A_255 : i32
    "tpu.region"() ({
      %run_scoped3A = tpu.sem_alloc : memref<!tpu.dma_semaphore, #tpu.memory_space<semaphore_mem>>
      %dma_start3A_258 = arith.constant 0 : i32
      %dma_start3A_259 = tpu.memref_slice %arg7[%add3A_256, %dma_start3A_258] : memref<64x128xi32, #tpu.memory_space<vmem>> -> memref<1x128xi32, #tpu.memory_space<vmem>>
      %dma_start3A_260 = tpu.memref_squeeze %dma_start3A_259 : memref<1x128xi32, #tpu.memory_space<vmem>> -> memref<128xi32, #tpu.memory_space<vmem>>
      %dma_start3A_261 = arith.constant 0 : i32
      %dma_start3A_262 = arith.constant 0 : i32
      %dma_start3A_263 = tpu.memref_slice %arg10[%dma_start3A_261, %dma_start3A_262] : memref<10112x128xf32, #tpu.memory_space<vmem_shared>> -> memref<10112x128xf32, #tpu.memory_space<vmem_shared>>
      tpu.enqueue_indirect_dma source(%arg9 : memref<128x128xf32, #tpu.memory_space<vmem>>) target(%dma_start3A_263 : memref<10112x128xf32, #tpu.memory_space<vmem_shared>>) offsets(%dma_start3A_260 : memref<128xi32, #tpu.memory_space<vmem>>) semaphore(%run_scoped3A : memref<!tpu.dma_semaphore, #tpu.memory_space<semaphore_mem>>) {add = true}
      %dma_wait3A_264 = arith.constant 0 : i32
      %dma_wait3A_265 = tpu.memref_slice %arg7[%add3A_256, %dma_wait3A_264] : memref<64x128xi32, #tpu.memory_space<vmem>> -> memref<1x128xi32, #tpu.memory_space<vmem>>
      %dma_wait3A_266 = tpu.memref_squeeze %dma_wait3A_265 : memref<1x128xi32, #tpu.memory_space<vmem>> -> memref<128xi32, #tpu.memory_space<vmem>>
      %dma_wait3A_267 = arith.constant 0 : i32
      %dma_wait3A_268 = arith.constant 0 : i32
      %dma_wait3A_269 = tpu.memref_slice %arg10[%dma_wait3A_267, %dma_wait3A_268] : memref<10112x128xf32, #tpu.memory_space<vmem_shared>> -> memref<10112x128xf32, #tpu.memory_space<vmem_shared>>
      tpu.wait_indirect_dma semaphore(%run_scoped3A : memref<!tpu.dma_semaphore, #tpu.memory_space<semaphore_mem>>) src(%arg9 : memref<128x128xf32, #tpu.memory_space<vmem>>) dst(%dma_wait3A_269 : memref<10112x128xf32, #tpu.memory_space<vmem_shared>>)
      tpu.yield
    }) : () -> ()
    %barrier3A_257 = arith.constant 0 : index
    tpu.barrier barrier_id(%barrier3A_257)
    "tpu.region"() ({
      %run_scoped3A = tpu.sem_alloc : memref<!tpu.dma_semaphore, #tpu.memory_space<semaphore_mem>>
      %dma_start3A_258 = arith.constant 0 : i32
      %dma_start3A_259 = arith.constant 0 : i32
      %dma_start3A_260 = tpu.memref_slice %arg5[%arg0, %dma_start3A_258, %dma_start3A_259] : memref<2x10112x128xf32, #tpu.memory_space<hbm>> -> memref<1x10112x128xf32, #tpu.memory_space<hbm>>
      %dma_start3A_261 = tpu.memref_squeeze %dma_start3A_260 : memref<1x10112x128xf32, #tpu.memory_space<hbm>> -> memref<10112x128xf32, #tpu.memory_space<hbm>>
      %dma_start3A_262 = arith.constant 0 : i32
      %dma_start3A_263 = tpu.memref_slice %dma_start3A_261[%mul3A_5, %dma_start3A_262] : memref<10112x128xf32, #tpu.memory_space<hbm>> -> memref<632x128xf32, #tpu.memory_space<hbm>>
      %dma_start3A_264 = arith.constant 0 : i32
      %dma_start3A_265 = tpu.memref_slice %arg10[%mul3A_5, %dma_start3A_264] : memref<10112x128xf32, #tpu.memory_space<vmem_shared>> -> memref<632x128xf32, #tpu.memory_space<vmem_shared>>
      tpu.enqueue_dma source(%dma_start3A_265 : memref<632x128xf32, #tpu.memory_space<vmem_shared>>) target(%dma_start3A_263 : memref<632x128xf32, #tpu.memory_space<hbm>>) target_semaphore(%run_scoped3A : memref<!tpu.dma_semaphore, #tpu.memory_space<semaphore_mem>>)
      %dma_wait3A_266 = arith.constant 0 : i32
      %dma_wait3A_267 = arith.constant 0 : i32
      %dma_wait3A_268 = tpu.memref_slice %arg5[%arg0, %dma_wait3A_266, %dma_wait3A_267] : memref<2x10112x128xf32, #tpu.memory_space<hbm>> -> memref<1x10112x128xf32, #tpu.memory_space<hbm>>
      %dma_wait3A_269 = tpu.memref_squeeze %dma_wait3A_268 : memref<1x10112x128xf32, #tpu.memory_space<hbm>> -> memref<10112x128xf32, #tpu.memory_space<hbm>>
      %dma_wait3A_270 = arith.constant 0 : i32
      %dma_wait3A_271 = tpu.memref_slice %dma_wait3A_269[%mul3A_5, %dma_wait3A_270] : memref<10112x128xf32, #tpu.memory_space<hbm>> -> memref<632x128xf32, #tpu.memory_space<hbm>>
      %dma_wait3A_272 = arith.constant 0 : i32
      %dma_wait3A_273 = tpu.memref_slice %arg10[%mul3A_5, %dma_wait3A_272] : memref<10112x128xf32, #tpu.memory_space<vmem_shared>> -> memref<632x128xf32, #tpu.memory_space<vmem_shared>>
      tpu.wait_dma2 semaphore(%run_scoped3A : memref<!tpu.dma_semaphore, #tpu.memory_space<semaphore_mem>>) src(%dma_wait3A_273 : memref<632x128xf32, #tpu.memory_space<vmem_shared>>) dst(%dma_wait3A_271 : memref<632x128xf32, #tpu.memory_space<hbm>>)
      tpu.yield
    }) : () -> ()
    return
  }
}

module attributes {stable_mosaic.version = 14 : i64} {
  func.func @_dense_body(%arg0: i32, %arg1: memref<2x1000x128xf32, #tpu.memory_space<vmem>>, %arg2: memref<2x1000x1xf32, #tpu.memory_space<vmem>>, %arg3: memref<1000x128xf32, #tpu.memory_space<vmem>>, %arg4: memref<128x128xf32, #tpu.memory_space<vmem>>, %arg5: memref<128x128xf32, #tpu.memory_space<vmem>>, %arg6: memref<1x128xf32, #tpu.memory_space<vmem>>, %arg7: memref<1x1xf32, #tpu.memory_space<vmem>>, %arg8: memref<1000x128xf32, #tpu.memory_space<vmem>>) attributes {dimension_semantics = [#tpu.dimension_semantics<arbitrary>], iteration_bounds = array<i64: 10>, scalar_prefetch = 0 : i64, scratch_operands = 0 : i64, tpu.core_type = #tpu.core_type<tc>, window_params = [{transform_indices = @transform_0, window_bounds = array<i64: 2, 1000, 128>}, {transform_indices = @transform_1, window_bounds = array<i64: 2, 1000, 1>}, {transform_indices = @transform_2, window_bounds = array<i64: 1000, 128>}, {pipeline_mode = #tpu.pipeline_mode<synchronous>, transform_indices = @transform_3, window_bounds = array<i64: 128, 128>}, {pipeline_mode = #tpu.pipeline_mode<synchronous>, transform_indices = @transform_4, window_bounds = array<i64: 128, 128>}, {pipeline_mode = #tpu.pipeline_mode<synchronous>, transform_indices = @transform_5, window_bounds = array<i64: 1, 128>}, {pipeline_mode = #tpu.pipeline_mode<synchronous>, transform_indices = @transform_6, window_bounds = array<i64: 1, 1>}, {transform_indices = @transform_7, window_bounds = array<i64: 1000, 128>}]} {
    %get3A = arith.constant 0 : index
    %get3A_0 = arith.constant 0 : index
    %get3A_1 = arith.constant 0 : index
    %get3A_2 = vector.load %arg1[%get3A, %get3A_0, %get3A_1] : memref<2x1000x128xf32, #tpu.memory_space<vmem>>, vector<1x1000x128xf32>
    %get3A_3 = vector.shape_cast %get3A_2 : vector<1x1000x128xf32> to vector<1000x128xf32>
    %get3A_4 = arith.constant 1 : index
    %get3A_5 = arith.constant 0 : index
    %get3A_6 = arith.constant 0 : index
    %get3A_7 = vector.load %arg1[%get3A_4, %get3A_5, %get3A_6] : memref<2x1000x128xf32, #tpu.memory_space<vmem>>, vector<1x1000x128xf32>
    %get3A_8 = vector.shape_cast %get3A_7 : vector<1x1000x128xf32> to vector<1000x128xf32>
    %add3A = arith.addf %get3A_3, %get3A_8 : vector<1000x128xf32>
    %get3A_9 = arith.constant 0 : index
    %get3A_10 = arith.constant 0 : index
    %get3A_11 = arith.constant 0 : index
    %get3A_12 = vector.load %arg2[%get3A_9, %get3A_10, %get3A_11] : memref<2x1000x1xf32, #tpu.memory_space<vmem>>, vector<1x1000x1xf32>
    %get3A_13 = vector.shape_cast %get3A_12 : vector<1x1000x1xf32> to vector<1000x1xf32>
    %get3A_14 = arith.constant 1 : index
    %get3A_15 = arith.constant 0 : index
    %get3A_16 = arith.constant 0 : index
    %get3A_17 = vector.load %arg2[%get3A_14, %get3A_15, %get3A_16] : memref<2x1000x1xf32, #tpu.memory_space<vmem>>, vector<1x1000x1xf32>
    %get3A_18 = vector.shape_cast %get3A_17 : vector<1x1000x1xf32> to vector<1000x1xf32>
    %add3A_19 = arith.addf %get3A_13, %get3A_18 : vector<1000x1xf32>
    %max3A = arith.constant 1.000000e+00 : f32
    %max3A_20 = vector.broadcast %max3A : f32 to vector<1000x1xf32>
    %max3A_21 = arith.maximumf %add3A_19, %max3A_20 : vector<1000x1xf32>
    %div3A = vector.broadcast %max3A_21 : vector<1000x1xf32> to vector<1000x128xf32>
    %div3A_22 = arith.divf %add3A, %div3A : vector<1000x128xf32>
    %get3A_23 = arith.constant 0 : index
    %get3A_24 = arith.constant 0 : index
    %get3A_25 = vector.load %arg4[%get3A_23, %get3A_24] : memref<128x128xf32, #tpu.memory_space<vmem>>, vector<128x128xf32>
    %dot_general3A = arith.constant dense<0.000000e+00> : vector<1000x128xf32>
    %dot_general3A_26 = tpu.matmul %div3A_22, %get3A_25, %dot_general3A {dimension_numbers = #tpu.dot_dimension_numbers<[1], [0], [0], [1], [0, 0, 1, 1], [], []>, transpose_lhs_hint = false} : vector<1000x128xf32>, vector<128x128xf32>, vector<1000x128xf32> -> vector<1000x128xf32>
    %get3A_27 = arith.constant 0 : index
    %get3A_28 = arith.constant 0 : index
    %get3A_29 = vector.load %arg6[%get3A_27, %get3A_28] : memref<1x128xf32, #tpu.memory_space<vmem>>, vector<1x128xf32>
    %add3A_30 = vector.broadcast %get3A_29 : vector<1x128xf32> to vector<1000x128xf32>
    %add3A_31 = arith.addf %dot_general3A_26, %add3A_30 : vector<1000x128xf32>
    %get3A_32 = arith.constant 0 : index
    %get3A_33 = arith.constant 0 : index
    %get3A_34 = vector.load %arg3[%get3A_32, %get3A_33] : memref<1000x128xf32, #tpu.memory_space<vmem>>, vector<1000x128xf32>
    %get3A_35 = arith.constant 0 : index
    %get3A_36 = arith.constant 0 : index
    %get3A_37 = vector.load %arg5[%get3A_35, %get3A_36] : memref<128x128xf32, #tpu.memory_space<vmem>>, vector<128x128xf32>
    %dot_general3A_38 = arith.constant dense<0.000000e+00> : vector<1000x128xf32>
    %dot_general3A_39 = tpu.matmul %get3A_34, %get3A_37, %dot_general3A_38 {dimension_numbers = #tpu.dot_dimension_numbers<[1], [0], [0], [1], [0, 0, 1, 1], [], []>, transpose_lhs_hint = false} : vector<1000x128xf32>, vector<128x128xf32>, vector<1000x128xf32> -> vector<1000x128xf32>
    %add3A_40 = arith.addf %add3A_31, %dot_general3A_39 : vector<1000x128xf32>
    %get3A_41 = arith.constant 0 : index
    %get3A_42 = arith.constant 0 : index
    %get3A_43 = vector.load %arg7[%get3A_41, %get3A_42] : memref<1x1xf32, #tpu.memory_space<vmem>>, vector<1x1xf32>
    %get3A_44 = vector.extract %get3A_43[0, 0] : f32 from vector<1x1xf32>
    %ge3A = arith.constant 0.000000e+00 : f32
    %ge3A_45 = vector.broadcast %ge3A : f32 to vector<1000x128xf32>
    %ge3A_46 = arith.cmpf oge, %add3A_40, %ge3A_45 : vector<1000x128xf32>
    %mul3A = vector.broadcast %get3A_44 : f32 to vector<1000x128xf32>
    %mul3A_47 = arith.mulf %mul3A, %add3A_40 : vector<1000x128xf32>
    %select_n3A = arith.select %ge3A_46, %add3A_40, %mul3A_47 : vector<1000x128xi1>, vector<1000x128xf32>
    %swap3A = arith.constant 0 : index
    %swap3A_48 = arith.constant 0 : index
    %swap3A_49 = vector.load %arg8[%swap3A, %swap3A_48] : memref<1000x128xf32, #tpu.memory_space<vmem>>, vector<1000x128xf32>
    tpu.vector_store %arg8[%swap3A, %swap3A_48], %select_n3A {strides = array<i32>} : memref<1000x128xf32, #tpu.memory_space<vmem>>, vector<1000x128xf32>,
    return
  }
  func.func @transform_0(%arg0: i32) -> (i32, i32, i32) {
    %c0_i32 = arith.constant 0 : i32
    %c0_i32_0 = arith.constant 0 : i32
    %c0_i32_1 = arith.constant 0 : i32
    return %c0_i32, %arg0, %c0_i32_0 : i32, i32, i32
  }
  func.func @transform_1(%arg0: i32) -> (i32, i32, i32) {
    %c0_i32 = arith.constant 0 : i32
    %c0_i32_0 = arith.constant 0 : i32
    %c0_i32_1 = arith.constant 0 : i32
    return %c0_i32, %arg0, %c0_i32_0 : i32, i32, i32
  }
  func.func @transform_2(%arg0: i32) -> (i32, i32) {
    %c0_i32 = arith.constant 0 : i32
    %c0_i32_0 = arith.constant 0 : i32
    return %arg0, %c0_i32 : i32, i32
  }
  func.func @transform_3(%arg0: i32) -> (i32, i32) {
    %c0_i32 = arith.constant 0 : i32
    %c0_i32_0 = arith.constant 0 : i32
    %c0_i32_1 = arith.constant 0 : i32
    return %c0_i32, %c0_i32_0 : i32, i32
  }
  func.func @transform_4(%arg0: i32) -> (i32, i32) {
    %c0_i32 = arith.constant 0 : i32
    %c0_i32_0 = arith.constant 0 : i32
    %c0_i32_1 = arith.constant 0 : i32
    return %c0_i32, %c0_i32_0 : i32, i32
  }
  func.func @transform_5(%arg0: i32) -> (i32, i32) {
    %c0_i32 = arith.constant 0 : i32
    %c0_i32_0 = arith.constant 0 : i32
    %c0_i32_1 = arith.constant 0 : i32
    return %c0_i32, %c0_i32_0 : i32, i32
  }
  func.func @transform_6(%arg0: i32) -> (i32, i32) {
    %c0_i32 = arith.constant 0 : i32
    %c0_i32_0 = arith.constant 0 : i32
    %c0_i32_1 = arith.constant 0 : i32
    return %c0_i32, %c0_i32_0 : i32, i32
  }
  func.func @transform_7(%arg0: i32) -> (i32, i32) {
    %c0_i32 = arith.constant 0 : i32
    %c0_i32_0 = arith.constant 0 : i32
    return %arg0, %c0_i32 : i32, i32
  }
}

module attributes {stable_mosaic.version = 14 : i64} {
  func.func @_dense_body(%arg0: i32, %arg1: memref<2x1024x128xf32, #tpu.memory_space<vmem>>, %arg2: memref<2x1024x1xf32, #tpu.memory_space<vmem>>, %arg3: memref<1024x128xf32, #tpu.memory_space<vmem>>, %arg4: memref<128x128xf32, #tpu.memory_space<vmem>>, %arg5: memref<128x128xf32, #tpu.memory_space<vmem>>, %arg6: memref<1x128xf32, #tpu.memory_space<vmem>>, %arg7: memref<1x1xf32, #tpu.memory_space<vmem>>, %arg8: memref<1024x128xf32, #tpu.memory_space<vmem>>) attributes {dimension_semantics = [#tpu.dimension_semantics<arbitrary>], iteration_bounds = array<i64: 1>, scalar_prefetch = 0 : i64, scratch_operands = 0 : i64, tpu.core_type = #tpu.core_type<tc>, window_params = [{pipeline_mode = #tpu.pipeline_mode<synchronous>, transform_indices = @transform_0, window_bounds = array<i64: 2, 1024, 128>}, {pipeline_mode = #tpu.pipeline_mode<synchronous>, transform_indices = @transform_1, window_bounds = array<i64: 2, 1024, 1>}, {pipeline_mode = #tpu.pipeline_mode<synchronous>, transform_indices = @transform_2, window_bounds = array<i64: 1024, 128>}, {pipeline_mode = #tpu.pipeline_mode<synchronous>, transform_indices = @transform_3, window_bounds = array<i64: 128, 128>}, {pipeline_mode = #tpu.pipeline_mode<synchronous>, transform_indices = @transform_4, window_bounds = array<i64: 128, 128>}, {pipeline_mode = #tpu.pipeline_mode<synchronous>, transform_indices = @transform_5, window_bounds = array<i64: 1, 128>}, {pipeline_mode = #tpu.pipeline_mode<synchronous>, transform_indices = @transform_6, window_bounds = array<i64: 1, 1>}, {pipeline_mode = #tpu.pipeline_mode<synchronous>, transform_indices = @transform_7, window_bounds = array<i64: 1024, 128>}]} {
    %get3A = arith.constant 0 : index
    %get3A_0 = arith.constant 0 : index
    %get3A_1 = arith.constant 0 : index
    %get3A_2 = vector.load %arg1[%get3A, %get3A_0, %get3A_1] : memref<2x1024x128xf32, #tpu.memory_space<vmem>>, vector<1x1024x128xf32>
    %get3A_3 = vector.shape_cast %get3A_2 : vector<1x1024x128xf32> to vector<1024x128xf32>
    %get3A_4 = arith.constant 1 : index
    %get3A_5 = arith.constant 0 : index
    %get3A_6 = arith.constant 0 : index
    %get3A_7 = vector.load %arg1[%get3A_4, %get3A_5, %get3A_6] : memref<2x1024x128xf32, #tpu.memory_space<vmem>>, vector<1x1024x128xf32>
    %get3A_8 = vector.shape_cast %get3A_7 : vector<1x1024x128xf32> to vector<1024x128xf32>
    %add3A = arith.addf %get3A_3, %get3A_8 : vector<1024x128xf32>
    %get3A_9 = arith.constant 0 : index
    %get3A_10 = arith.constant 0 : index
    %get3A_11 = arith.constant 0 : index
    %get3A_12 = vector.load %arg2[%get3A_9, %get3A_10, %get3A_11] : memref<2x1024x1xf32, #tpu.memory_space<vmem>>, vector<1x1024x1xf32>
    %get3A_13 = vector.shape_cast %get3A_12 : vector<1x1024x1xf32> to vector<1024x1xf32>
    %get3A_14 = arith.constant 1 : index
    %get3A_15 = arith.constant 0 : index
    %get3A_16 = arith.constant 0 : index
    %get3A_17 = vector.load %arg2[%get3A_14, %get3A_15, %get3A_16] : memref<2x1024x1xf32, #tpu.memory_space<vmem>>, vector<1x1024x1xf32>
    %get3A_18 = vector.shape_cast %get3A_17 : vector<1x1024x1xf32> to vector<1024x1xf32>
    %add3A_19 = arith.addf %get3A_13, %get3A_18 : vector<1024x1xf32>
    %max3A = arith.constant 1.000000e+00 : f32
    %max3A_20 = vector.broadcast %max3A : f32 to vector<1024x1xf32>
    %max3A_21 = arith.maximumf %add3A_19, %max3A_20 : vector<1024x1xf32>
    %div3A = vector.broadcast %max3A_21 : vector<1024x1xf32> to vector<1024x128xf32>
    %div3A_22 = arith.divf %add3A, %div3A : vector<1024x128xf32>
    %get3A_23 = arith.constant 0 : index
    %get3A_24 = arith.constant 0 : index
    %get3A_25 = vector.load %arg4[%get3A_23, %get3A_24] : memref<128x128xf32, #tpu.memory_space<vmem>>, vector<128x128xf32>
    %dot_general3A = arith.constant dense<0.000000e+00> : vector<1024x128xf32>
    %dot_general3A_26 = tpu.matmul %div3A_22, %get3A_25, %dot_general3A {dimension_numbers = #tpu.dot_dimension_numbers<[1], [0], [0], [1], [0, 0, 1, 1], [], []>, transpose_lhs_hint = false} : vector<1024x128xf32>, vector<128x128xf32>, vector<1024x128xf32> -> vector<1024x128xf32>
    %get3A_27 = arith.constant 0 : index
    %get3A_28 = arith.constant 0 : index
    %get3A_29 = vector.load %arg6[%get3A_27, %get3A_28] : memref<1x128xf32, #tpu.memory_space<vmem>>, vector<1x128xf32>
    %add3A_30 = vector.broadcast %get3A_29 : vector<1x128xf32> to vector<1024x128xf32>
    %add3A_31 = arith.addf %dot_general3A_26, %add3A_30 : vector<1024x128xf32>
    %get3A_32 = arith.constant 0 : index
    %get3A_33 = arith.constant 0 : index
    %get3A_34 = vector.load %arg3[%get3A_32, %get3A_33] : memref<1024x128xf32, #tpu.memory_space<vmem>>, vector<1024x128xf32>
    %get3A_35 = arith.constant 0 : index
    %get3A_36 = arith.constant 0 : index
    %get3A_37 = vector.load %arg5[%get3A_35, %get3A_36] : memref<128x128xf32, #tpu.memory_space<vmem>>, vector<128x128xf32>
    %dot_general3A_38 = arith.constant dense<0.000000e+00> : vector<1024x128xf32>
    %dot_general3A_39 = tpu.matmul %get3A_34, %get3A_37, %dot_general3A_38 {dimension_numbers = #tpu.dot_dimension_numbers<[1], [0], [0], [1], [0, 0, 1, 1], [], []>, transpose_lhs_hint = false} : vector<1024x128xf32>, vector<128x128xf32>, vector<1024x128xf32> -> vector<1024x128xf32>
    %add3A_40 = arith.addf %add3A_31, %dot_general3A_39 : vector<1024x128xf32>
    %get3A_41 = arith.constant 0 : index
    %get3A_42 = arith.constant 0 : index
    %get3A_43 = vector.load %arg7[%get3A_41, %get3A_42] : memref<1x1xf32, #tpu.memory_space<vmem>>, vector<1x1xf32>
    %get3A_44 = vector.extract %get3A_43[0, 0] : f32 from vector<1x1xf32>
    %ge3A = arith.constant 0.000000e+00 : f32
    %ge3A_45 = vector.broadcast %ge3A : f32 to vector<1024x128xf32>
    %ge3A_46 = arith.cmpf oge, %add3A_40, %ge3A_45 : vector<1024x128xf32>
    %mul3A = vector.broadcast %get3A_44 : f32 to vector<1024x128xf32>
    %mul3A_47 = arith.mulf %mul3A, %add3A_40 : vector<1024x128xf32>
    %select_n3A = arith.select %ge3A_46, %add3A_40, %mul3A_47 : vector<1024x128xi1>, vector<1024x128xf32>
    %swap3A = arith.constant 0 : index
    %swap3A_48 = arith.constant 0 : index
    %swap3A_49 = vector.load %arg8[%swap3A, %swap3A_48] : memref<1024x128xf32, #tpu.memory_space<vmem>>, vector<1024x128xf32>
    tpu.vector_store %arg8[%swap3A, %swap3A_48], %select_n3A {strides = array<i32>} : memref<1024x128xf32, #tpu.memory_space<vmem>>, vector<1024x128xf32>,
    return
  }
  func.func @transform_0(%arg0: i32) -> (i32, i32, i32) {
    %c0_i32 = arith.constant 0 : i32
    %c0_i32_0 = arith.constant 0 : i32
    %c0_i32_1 = arith.constant 0 : i32
    %c0_i32_2 = arith.constant 0 : i32
    return %c0_i32, %c0_i32_0, %c0_i32_1 : i32, i32, i32
  }
  func.func @transform_1(%arg0: i32) -> (i32, i32, i32) {
    %c0_i32 = arith.constant 0 : i32
    %c0_i32_0 = arith.constant 0 : i32
    %c0_i32_1 = arith.constant 0 : i32
    %c0_i32_2 = arith.constant 0 : i32
    return %c0_i32, %c0_i32_0, %c0_i32_1 : i32, i32, i32
  }
  func.func @transform_2(%arg0: i32) -> (i32, i32) {
    %c0_i32 = arith.constant 0 : i32
    %c0_i32_0 = arith.constant 0 : i32
    %c0_i32_1 = arith.constant 0 : i32
    return %c0_i32, %c0_i32_0 : i32, i32
  }
  func.func @transform_3(%arg0: i32) -> (i32, i32) {
    %c0_i32 = arith.constant 0 : i32
    %c0_i32_0 = arith.constant 0 : i32
    %c0_i32_1 = arith.constant 0 : i32
    return %c0_i32, %c0_i32_0 : i32, i32
  }
  func.func @transform_4(%arg0: i32) -> (i32, i32) {
    %c0_i32 = arith.constant 0 : i32
    %c0_i32_0 = arith.constant 0 : i32
    %c0_i32_1 = arith.constant 0 : i32
    return %c0_i32, %c0_i32_0 : i32, i32
  }
  func.func @transform_5(%arg0: i32) -> (i32, i32) {
    %c0_i32 = arith.constant 0 : i32
    %c0_i32_0 = arith.constant 0 : i32
    %c0_i32_1 = arith.constant 0 : i32
    return %c0_i32, %c0_i32_0 : i32, i32
  }
  func.func @transform_6(%arg0: i32) -> (i32, i32) {
    %c0_i32 = arith.constant 0 : i32
    %c0_i32_0 = arith.constant 0 : i32
    %c0_i32_1 = arith.constant 0 : i32
    return %c0_i32, %c0_i32_0 : i32, i32
  }
  func.func @transform_7(%arg0: i32) -> (i32, i32) {
    %c0_i32 = arith.constant 0 : i32
    %c0_i32_0 = arith.constant 0 : i32
    %c0_i32_1 = arith.constant 0 : i32
    return %c0_i32, %c0_i32_0 : i32, i32
  }
}

</mosaic_0001>

<sc_bundles>
// kernel: kernel.11.cloned.1.call-start
scs
__scs_entry_jumppad:
0x0: {  	(pc) =	sbr.rel $0x88, $3  }
0x1: {  	(tag) =	ssettag $0x0;
	lr =	simm.s32 $0x1  }
0x2: {  	[smem:$0x3F94] =	sst lr;
	_ =	strace $0xD0000000  }
0x3: {  	_ = 	snop  }
0x4: {  	_ = 	snop  }
0x5: {  	_ = 	snop  }
0x6: {  	_ = 	snop  }
0x7: {  	_ = 	snop  }
__scs_overlays_trampoline_lowered:
0x8: {  	[smem:$0x3FA3] =	sst s0  }
0x9: {  	[smem:$0x3FA4] =	sst s1  }
0xa: {  	[smem:$0x3FA5] =	sst s2  }
0xb: {  	[smem:$0x3FA6] =	sst s3  }
0xc: {  	[smem:$0x3FA7] =	sst s4  }
0xd: {  	[smem:$0x3FA8] =	sst s5  }
0xe: {  	[smem:$0x3FA9] =	sst s6  }
0xf: {  	[smem:$0x3FAA] =	sst s7  }
0x10: {  	[smem:$0x3FAB] =	sst s8  }
0x11: {  	[smem:$0x3FAC] =	sst s9;
	s0 =	simm.s32 @!p0 $0x0  }
0x12: {  	s1 =	sld [smem:$0x3F92];
	s0 =	simm.s32 @p0 $0x1  }
0x13: {  	[smem:$0x3FAD] =	sst s0;
	s0 =	simm.s32 @!p1 $0x0  }
0x14: {  	s2 =	sld [smem:$0x3F91];
	s0 =	simm.s32 @p1 $0x1  }
0x15: {  	[smem:$0x3FAE] =	sst s0;
	s0 =	simm.s32 @!p2 $0x0  }
0x16: {  	s3 =	sld [smem:$0x3FDB];
	s0 =	simm.s32 @p2 $0x1  }
0x17: {  	s4 =	simm.s32 $0x1BF5;
	[smem:$0x3FB0] =	sst s0  }
0x18: {  	s0 =	sld [smem:$0x3F93];
	_ =	swait.ge [sflag:s4], $0x0  }
0x19: {  	s7 =	sld [smem:$0x3F94]  }
0x1a: {  	s8 =	sadd.s32 $0xFFFFE003, lr  }
0x1b: {  	s9 =	sadd.s32 $0xFFFFFEF7, lr;
	s5 =	simm.s32 $0xFFFFFFFF;
	p2 =	slt.u32 s8, $0xFFFFF086  }
0x1c: {  	p1 =	slt.u32 s9, $0xF7A;
	s5 =	simm.s32 @!p2 $0x0  }
0x1d: {  	s5 =	simm.s32 @p1 $0x1;
	p0 =	seq.s32 s7, s2  }
0x1e: {  	s7 =	smul.u32 @!p0 $0xF7A, s2;
	p2 =	seq.s32 @!p0 s5, $0x0  }
0x1f: {  	s9 =	smul.u32 $0xF7A, s1;
	s8 =	simm.s32 @!p0 $0x1BF5;
	p2 =	por !p2, p0  }
0x20: {  	[sflag:s8] =	ssyncset.s32 @!p0 $0xFFFFF086;
	s6 =	sadd.s32 @!p0 s3, s7;
	s7 =	simm.s32 @!p0 $0x108  }
0x21: {  	s3 =	sadd.s32 s3, s9;
	s6 =	sadd.s32 @!p0 $0x88, s6;
	s7 =	simm.s32 @p2 $0x1082  }
0x22: {  	[simem:s7], [sflag:s8] =	dma.local @!p0 [hbm:s6], $0xF7A  }
0x23: {  	s9 =	sor.u32 $0xD0000000, s2;
	s6 =	simm.s32 $0x108;
	_ =	swait.ge @!p0 [sflag:s8], $0x0  }
0x24: {  	s3 =	sadd.s32 $0x88, s3;
	s6 =	simm.s32 @!p1 $0x1082;
	[sflag:s4] =	ssyncset.s32 $0xFFFFF086  }
0x25: {  	[simem:s6], [sflag:s4] =	dma.local [hbm:s3], $0xF7A  }
0x26: {  	[smem:$0x3F94] =	sst s1;
	(tag) =	ssettag s2;
	_ =	strace s9  }
0x27: {  	s1 =	sld [smem:$0x3FA4]  }
0x28: {  	s2 =	sld [smem:$0x3FA5]  }
0x29: {  	s4 =	sld [smem:$0x3FA7]  }
0x2a: {  	p0 =	seq.s32 s5, $0x0;
	s5 =	sld [smem:$0x3FA8]  }
0x2b: {  	s6 =	sld [smem:$0x3FA9]  }
0x2c: {  	s7 =	sld [smem:$0x3FAA]  }
0x2d: {  	s3 =	simm.s32 $0x108;
	s8 =	sld [smem:$0x3FAB]  }
0x2e: {  	s3 =	simm.s32 @!p0 $0x1082;
	s9 =	sld [smem:$0x3FAC]  }
0x2f: {  	lr =	sadd.s32 s0, s3;
	s0 =	sld [smem:$0x3FA3]  }
0x30: {  	s3 =	sld [smem:$0x3FA6]  }
0x31: {  	[smem:$0x3FAF] =	sst s10  }
0x32: {  	s10 =	sld [smem:$0x3FAD];
	_ =	sdelay $0x3  }
0x33: {  	p0 =	seq.s32 s10, $0x1;
	s10 =	sld [smem:$0x3FAF];
	_ =	sdelay $0x3  }
0x34: {  	[smem:$0x3FAF] =	sst s10  }
0x35: {  	s10 =	sld [smem:$0x3FAE];
	_ =	sdelay $0x3  }
0x36: {  	p1 =	seq.s32 s10, $0x1;
	s10 =	sld [smem:$0x3FAF];
	_ =	sdelay $0x3  }
0x37: {  	[smem:$0x3FAF] =	sst s10  }
0x38: {  	s10 =	sld [smem:$0x3FB0]  }
0x39: {  	_ = 	snop;
	(pc) =	sbr.ind lr, $3  }
0x3a: {  	_ = 	snop  }
0x3b: {  	_ = 	snop  }
0x3c: {  	p2 =	seq.s32 s10, $0x1;
	s10 =	sld [smem:$0x3FAF]  }
0x3d: {  	_ =	shalt  }
0x3e: {  	_ =	shalt  }
0x3f: {  	_ =	shalt  }
0x40: {  	_ =	shalt  }
0x41: {  	_ =	shalt  }
0x42: {  	_ =	shalt  }
0x43: {  	_ =	shalt  }
0x44: {  	_ =	shalt  }
0x45: {  	_ =	shalt  }
0x46: {  	_ =	shalt  }
0x47: {  	_ =	shalt  }
0x48: {  	_ =	shalt  }
0x49: {  	_ =	shalt  }
0x4a: {  	_ =	shalt  }
0x4b: {  	_ =	shalt  }
0x4c: {  	_ =	shalt  }
0x4d: {  	_ =	shalt  }
0x4e: {  	_ =	shalt  }
0x4f: {  	_ =	shalt  }
0x50: {  	_ =	shalt  }
0x51: {  	_ =	shalt  }
0x52: {  	_ =	shalt  }
0x53: {  	_ =	shalt  }
0x54: {  	_ =	shalt  }
0x55: {  	_ =	shalt  }
0x56: {  	_ =	shalt  }
0x57: {  	_ =	shalt  }
0x58: {  	_ =	shalt  }
0x59: {  	_ =	shalt  }
0x5a: {  	_ =	shalt  }
0x5b: {  	_ =	shalt  }
0x5c: {  	_ =	shalt  }
0x5d: {  	_ =	shalt  }
0x5e: {  	_ =	shalt  }
0x5f: {  	_ =	shalt  }
0x60: {  	_ =	shalt  }
0x61: {  	_ =	shalt  }
0x62: {  	_ =	shalt  }
0x63: {  	_ =	shalt  }
0x64: {  	_ =	shalt  }
0x65: {  	_ =	shalt  }
0x66: {  	_ =	shalt  }
0x67: {  	_ =	shalt  }
0x68: {  	_ =	shalt  }
0x69: {  	_ =	shalt  }
0x6a: {  	_ =	shalt  }
0x6b: {  	_ =	shalt  }
0x6c: {  	_ =	shalt  }
0x6d: {  	_ =	shalt  }
0x6e: {  	_ =	shalt  }
0x6f: {  	_ =	shalt  }
0x70: {  	_ =	shalt  }
0x71: {  	_ =	shalt  }
0x72: {  	_ =	shalt  }
0x73: {  	_ =	shalt  }
0x74: {  	_ =	shalt  }
0x75: {  	_ =	shalt  }
0x76: {  	_ =	shalt  }
0x77: {  	_ =	shalt  }
0x78: {  	_ =	shalt  }
0x79: {  	_ =	shalt  }
0x7a: {  	_ =	shalt  }
0x7b: {  	_ =	shalt  }
0x7c: {  	_ =	shalt  }
0x7d: {  	_ =	shalt  }
0x7e: {  	_ =	shalt  }
0x7f: {  	_ =	shalt  }
0x80: {  	_ =	shalt  }
0x81: {  	_ =	shalt  }
0x82: {  	_ =	shalt  }
0x83: {  	_ =	shalt  }
0x84: {  	_ =	shalt  }
0x85: {  	_ =	shalt  }
0x86: {  	_ =	shalt  }
0x87: {  	_ =	shalt  }
.Lfunc_end0:
.L_simem_size_0:
called_computation.1_lowered:
.L_overlay_start_0:
0x88: {  	s2 =	sld [smem:$0x3FD9]  }
0x89: {  	s3 =	sld [smem:$0x3FFE];
	_ =	sdelay $0x1  }
0x8a: {  	s1 =	srdreg.scid  }
0x8b: {  	s0 =	sand.u32 $0x1, s1  }
0x8c: {  	s16 =	sshll.u32 s0, $0xA;
	s2 =	sadd.s32 s3, s2  }
0x8d: {  	s2 =	sadd.s32 s2, s16  }
0x8e: {  	[smem:$0x3FBB] =	sst s2  }
0x8f: {  	_ = 	snop  }
0x90: {  	(tm) =	ssettm $0x1  }
0x91: {  	s17 =	sld [smem:$0x3FFB];
	_ =	sdelay $0x3  }
0x92: {  	_ =	strace s17  }
0x93: {  	s2 =	sld [smem:$0x3FFC];
	_ =	sdelay $0x3  }
0x94: {  	_ =	strace s2  }
0x95: {  	s2 =	sld [smem:$0x3FFD];
	_ =	sdelay $0x3  }
0x96: {  	_ =	strace s2  }
0x97: {  	_ =	strace $0x8FFFFFFF  }
0x98: {  	s18 =	sld [smem:$0x3FDB];
	_ =	sdelay $0x1  }
0x99: {  	s19 =	simm.s32 $_scs_section_size  }
0x9a: {  	s4 =	simm.s32 $_size__tile_overlayer_lowered;
	s5 =	simm.s32 $_tile_overlayer_lowered  }
0x9b: {  	s22 =	simm.s32 $0x1BFF;
	s21 =	sshll.u32 s5, $0x1;
	s2 =	sadd.s32 s19, s18  }
0x9c: {  	s6 =	simm.s32 $0x0;
	s20 =	sshll.u32 s4, $0x1;
	s4 =	sadd.s32 s21, s2  }
0x9d: {  	[timem:s6], [sflag:s22] =	dma.local [hbm:s4], s20  }
0x9e: {  	_ =	swait.ge [sflag:s22], s20  }
0x9f: {  	s3 =	ssub.s32 $0x0, s20;
	[sflag:s22] =	ssyncset.done $0x0  }
0xa0: {  	[sflag:s22] =	ssyncadd.s32 s3;
	_ =	sdelay $0x1  }
0xa1: {  	s23 =	simm.s32 $0x1B8B  }
0xa2: {  	_ =	swait.ge [sflag:s23], $0x1  }
0xa3: {  	[sflag:s23] =	ssyncset.done $0x0  }
0xa4: {  	s25 =	simm.s32 $0x1B8E;
	s24 =	sld [smem:$0x3FFE];
	[sflag:s23] =	ssyncadd.s32 $0xFFFFFFFF  }
0xa5: {  	s26 =	simm.s32 $execute0_lowered;
	[smem:$0x3FD2] =	sst s25  }
0xa6: {  	s4 =	sshll.u32 s26, $0x1;
	_ =	strace $0x80000049;
	[dreg:$0x1] =	wrdreg $0xFFFFFFFF  }
0xa7: {  	s28 =	simm.s32 $_size_execute0_lowered;
	s2 =	sadd.s32 s2, s4;
	[dreg:$0x0] =	wrdreg $0x0  }
0xa8: {  	s4 =	sshll.u32 s28, $0x1;
	[dreg:$0x2] =	wrdreg s2  }
0xa9: {  	[dreg:$0x3] =	wrdreg s4  }
0xaa: {  	[dreg:$0x4] =	wrdreg $0xC0  }
0xab: {  	_ =	task [dreg:s6], $0x5FFFF  }
0xac: {  	[dreg:$0x1] =	wrdreg $0xFFFFFFFF  }
0xad: {  	[dreg:$0x0] =	wrdreg $0x60  }
0xae: {  	[dreg:$0x2] =	wrdreg s24  }
0xaf: {  	[dreg:$0x3] =	wrdreg $0xC0000  }
0xb0: {  	[dreg:$0x4] =	wrdreg $0x9  }
0xb1: {  	_ =	task.clear_ibuf [dreg:s6], $0x5FFFF;
	_ =	strace $0x90000049  }
0xb2: {  	s29 =	simm.s32 $0x9;
	_ =	strace $0x8000004B  }
0xb3: {  	_ =	swait.ge [sflag:s29], $0x1  }
0xb4: {  	[sflag:s29] =	ssyncadd.s32 $0xFFFFFFFF  }
0xb5: {  	_ =	strace $0x9000004B  }
0xb6: {  	_ =	sfence  }
0xb7: {  	s30 =	sld [smem:$0x0];
	_ =	sdelay $0x2  }
0xb8: {  	s31 =	sshll.u32 s1, $0xD;
	s1 =	sshrl.u32 s1, $0x2  }
0xb9: {  	s3 =	sand.u32 $0x4000, s31;
	s1 =	sadd.s32 s1, s30  }
0xba: {  	s0 =	sor.u32 s3, s0;
	s1 =	sshll.u32 s1, $0x11  }
0xbb: {  	s0 =	sor.u32 s1, s0  }
0xbc: {  	s0 =	sadd.s32 $0x8F2B, s0  }
0xbd: {  	[sflag:s0] =	ssyncadd.remote.s32 $0x1  }
0xbe: {  	_ =	sfence.sel $0xFFFF  }
0xbf: {  	[dreg:$0x0] =	wrdreg $0xFFFFFFFF;
	(pc) =	sbr.abs _section_cstart, $3  }
0xc0: {  	[dreg:$0x1] =	wrdreg $0xFFFFFFFF  }
0xc1: {  	_ =	task.clear_ibuf [dreg:s6], $0x2FFFF;
	_ =	strace $0x9FFFFFFF  }
0xc2: {  	(tm) =	ssettm $0x7FFFFFFF  }
0xc3: {  	_ =	shalt  }
tec
execute0_lowered:
.L_overlay_start_1:
0x0: {  	(tag) =	ssettag $0x1  }
0x1: {  	s0 =	rddreg [dreg:$0x0]  }
0x2: {  	s1 =	rddreg [dreg:$0x1]  }
0x3: {  	s3 =	simm.s32 $0x0;
	s2 =	srdreg.scid;
	s18 =	stileid.u32  }
0x4: {  	s12 =	simm.s32 $0x40;
	s19 =	simm.s32 $0x1;
	s20 =	simm.s32 $0x2000  }
0x5: {  	s21 =	simm.s32 $0x80;
	s22 =	simm.s32 $0x8000;
	s23 =	simm.s32 $0x2  }
0x6: {  	s29 =	simm.s32 $0x2000;
	s30 =	simm.s32 $0x100;
	[smem:$0x7FF] =	sst s3  }
0x7: {  	s4 =	sadd.s32 $0x17600, s0;
	s2 =	sand.u32 $0x1, s2;
	s5 =	smul.u32 $0x4F000, s18  }
0x8: {  	s6 =	sadd.s32 $0xD200, s0;
	s15 =	sadd.s32 $0x2E00, s0;
	s31 =	smul.u32 $0x2780, s18  }
0x9: {  	s11 =	sshll.u32 s18, $0x5;
	_ =	strace $0x8000004A;
	s7 =	smul.u32 $0x27800, s2  }
0xa: {  	s8 =	ssub.s32 $0x2, s2;
	p0 =	seq.s32 s2, $0x0;
	s2 =	sshll.u32 s18, $0x7  }
0xb: {  	s10 =	sor.u32 $0x800, s11;
	s14 =	sor.u32 $0x810, s11;
	s18 =	simm.s32 $0x4000  }
0xc: {  	s9 =	sshrl.u32 s8, $0x1;
	s5 =	sshrl.u32 s5, $0x2;
	s10 =	smov.u32 @p0 s2  }
0xd: {  	s12 =	simm.s32 @!p0 $0x10;
	s2 =	sor.u32 $0x40, s2;
	s0 =	sadd.s32 s7, s0  }
0xe: {  	s17 =	ssub.s32 s8, s9;
	s5 =	sadd.s32 s5, s1;
	s13 =	sshll.u32 s10, $0x4  }
0xf: {  	s26 =	sshll.u32 s12, $0x7;
	s14 =	smov.u32 @p0 s2;
	s28 =	sshrl.u32 s12, $0x1  }
0x10: {  	s24 =	sadd.s32 $0x4000, s5;
	s25 =	sadd.s32 $0x8000, s5;
	s8 =	sadd.s32 $0xC000, s5  }
0x11: {  	s9 =	sadd.s32 $0x10000, s5;
	s10 =	sadd.s32 s6, s13;
	s11 =	sadd.s32 s15, s13  }
0x12: {  	s12 =	sadd.s32 $0x1F00, s26;
	s16 =	sshll.u32 s14, $0x4;
	s13 =	sadd.s32 $0x1F80, s26  }
0x13: {  	s0 =	sadd.s32 $0xB6800, s0;
	s17 =	smax.u32 s17, $0x1;
	[dreg:$0x3] =	wrdreg s24  }
0x14: {  	[dreg:$0x4] =	wrdreg s25;
	s14 =	sadd.s32 s6, s16;
	s15 =	sadd.s32 s15, s16  }
0x15: {  	v0 =	vimm.f32 $0.0e+00;
	s16 =	sadd.s32 $0xFFFFFFFF, s28;
	s24 =	sadd.s32 s31, s0;
	s25 =	simm.s32 $0x0  }
.LBB2_1:
0x16: {  	s0 =	simm.s32 $0x0;
	s2 =	simm.s32 $0x200  }
.LBB2_2:
0x17: {  	p0 =	sne.s32 s2, $0xFE00;
	[tilespmem:s0+$0x4070] =	vst v0  }
0x18: {  	[tilespmem:s0+$0x4000] =	vst v0  }
0x19: {  	[tilespmem:s0+$0x4010] =	vst v0  }
.Ltmp0:
0x1a: {  	[tilespmem:s0+$0x4020] =	vst v0;
	(pc) =	sbr.rel @p0 .LBB2_2-.Ltmp0, $4  }
0x1b: {  	[tilespmem:s0+$0x4030] =	vst v0  }
0x1c: {  	[tilespmem:s0+$0x4040] =	vst v0  }
0x1d: {  	[tilespmem:s0+$0x4050] =	vst v0  }
0x1e: {  	[tilespmem:s0+$0x4060] =	vst v0;
	s0 =	sshra.s32 s2, $0x2;
	s2 =	sadd.s32 $0x200, s2  }
0x1f: {  	[tilespmem:s0+$0x4070] =	vst v0  }
0x20: {  	[tilespmem:s0+$0x4000] =	vst v0  }
0x21: {  	[tilespmem:s0+$0x4010] =	vst v0  }
0x22: {  	[tilespmem:s0+$0x4020] =	vst v0  }
0x23: {  	[tilespmem:s0+$0x4030] =	vst v0  }
0x24: {  	[tilespmem:s0+$0x4040] =	vst v0  }
0x25: {  	[tilespmem:s0+$0x4050] =	vst v0  }
0x26: {  	[tilespmem:s0+$0x4060] =	vst v0  }
0x27: {  	[spmem:s5] =	stream.linear.scatter [tilespmem:s18], [sflag:$0x1], $0x4000, $0x38;
	[tilespmem:$0x1FC00] =	vst v63  }
0x28: {  	s7 =	rddreg [dreg:$0x3]  }
0x29: {  	[spmem:s7] =	stream.linear.scatter [tilespmem:s18], [sflag:$0x1], $0x4000, $0x38;
	[tilespmem:$0x1FC00] =	vst v63  }
0x2a: {  	s26 =	rddreg [dreg:$0x4]  }
0x2b: {  	[spmem:s26] =	stream.linear.scatter [tilespmem:s18], [sflag:$0x1], $0x4000, $0x38;
	[tilespmem:$0x1FC00] =	vst v63  }
0x2c: {  	_ = 	snop  }
0x2d: {  	[spmem:s8] =	stream.linear.scatter [tilespmem:s18], [sflag:$0x1], $0x4000, $0x38;
	[tilespmem:$0x1FC00] =	vst v63  }
0x2e: {  	_ = 	snop  }
0x2f: {  	[spmem:s9] =	stream.linear.scatter [tilespmem:s18], [sflag:$0x1], $0x3C00, $0x38;
	[tilespmem:$0x1FC00] =	vst v63  }
0x30: {  	_ =	swait.ge [sflag:s19], $0x4000  }
0x31: {  	[sflag:s19] =	ssyncset.done $0x0  }
0x32: {  	[sflag:s19] =	ssyncadd.s32 $0xFFFFC000  }
0x33: {  	_ =	swait.ge [sflag:s19], $0x4000  }
0x34: {  	[sflag:s19] =	ssyncset.done $0x0  }
0x35: {  	[sflag:s19] =	ssyncadd.s32 $0xFFFFC000  }
0x36: {  	_ =	swait.ge [sflag:s19], $0x4000  }
0x37: {  	[sflag:s19] =	ssyncset.done $0x0  }
0x38: {  	[sflag:s19] =	ssyncadd.s32 $0xFFFFC000  }
0x39: {  	_ =	swait.ge [sflag:s19], $0x4000  }
0x3a: {  	[sflag:s19] =	ssyncset.done $0x0  }
0x3b: {  	[sflag:s19] =	ssyncadd.s32 $0xFFFFC000  }
0x3c: {  	_ =	swait.ge [sflag:s19], $0x3C00  }
0x3d: {  	[sflag:s19] =	ssyncset.done $0x0  }
0x3e: {  	[sflag:s19] =	ssyncadd.s32 $0xFFFFC400  }
0x3f: {  	[bflag:$0x0] =	sbarrier.arrive $0xFFFF  }
0x40: {  	[tilespmem:s3], [sflag:$0x1] =	stream.linear.gather [hbm4b:s10+s3], $0x2000, $0x38;
	[tilespmem:$0x1FC00] =	vst v63  }
0x41: {  	_ = 	snop  }
0x42: {  	[tilespmem:s20], [sflag:$0x1] =	stream.linear.gather [hbm4b:s11+s3], $0x2000, $0x38;
	[tilespmem:$0x1FC00] =	vst v63  }
0x43: {  	_ =	swait.ge [sflag:s19], $0x2000  }
0x44: {  	[sflag:s19] =	ssyncset.done $0x0  }
0x45: {  	[sflag:s19] =	ssyncadd.s32 $0xFFFFE000  }
0x46: {  	_ =	swait.ge [sflag:s19], $0x2000  }
0x47: {  	[sflag:s19] =	ssyncset.done $0x0  }
0x48: {  	[sflag:s19] =	ssyncadd.s32 $0xFFFFE000  }
0x49: {  	[tilespmem:s18], [sflag:$0x1] =	stream.indirect.gather [hbm4b:s4+s21], $0x80, s3, s21, $0xb8;
	[tilespmem:$0x1FC00] =	vst v63  }
0x4a: {  	_ = 	snop  }
0x4b: {  	[tilespmem:s22], [sflag:$0x1] =	stream.indirect.gather [hbm4b:s4+s21], $0x80, s21, s21, $0xb8;
	[tilespmem:$0x1FC00] =	vst v63  }
0x4c: {  	_ =	swait.ge [sflag:s19], $0x4000  }
0x4d: {  	[sflag:s19] =	ssyncset.done $0x0  }
0x4e: {  	[sflag:s19] =	ssyncadd.s32 $0xFFFFC000  }
0x4f: {  	_ =	swait.ge [sflag:s19], $0x4000  }
0x50: {  	[sflag:s19] =	ssyncset.done $0x0  }
0x51: {  	[sflag:s19] =	ssyncadd.s32 $0xFFFFC000  }
0x52: {  	[spmem:s1] =	stream.indirect.scatter.add.f32 [tilespmem:s18], [sflag:$0x2], $0x80, s29, s21, $0xb8;
	[tilespmem:$0x1FC00] =	vst v63  }
0x53: {  	_ =	swait.ge [sflag:s23], $0x4000  }
0x54: {  	[sflag:s23] =	ssyncset.done $0x0  }
0x55: {  	s28 =	simm.s32 $0x2080;
	p0 =	sne.s32 s16, $0x1;
	[sflag:s23] =	ssyncadd.s32 $0xFFFFC000  }
0x56: {  	[spmem:s1] =	stream.indirect.scatter.add.f32 [tilespmem:s22], [sflag:$0x2], $0x80, s28, s21, $0xb8;
	[tilespmem:$0x1FC00] =	vst v63  }
.Ltmp1:
0x57: {  	_ = 	snop;
	(pc) =	sbr.rel @!p0 .LBB2_5-.Ltmp1, $4  }
0x58: {  	s31 =	sadd.s32 $0xFFFFFFFF, s16;
	_ =	swait.ge [sflag:s23], $0x4000  }
0x59: {  	s0 =	simm.s32 $0x280;
	s2 =	simm.s32 $0x2180;
	[sflag:s23] =	ssyncset.done $0x0  }
0x5a: {  	s6 =	simm.s32 $0x180;
	s26 =	simm.s32 $0x180;
	[sflag:s23] =	ssyncadd.s32 $0xFFFFC000  }
0x5b: {  	[tilespmem:s18], [sflag:$0x1] =	stream.indirect.gather [hbm4b:s4+s21], $0x80, s30, s21, $0xb8;
	[tilespmem:$0x1FC00] =	vst v63  }
.LBB2_4:
0x5c: {  	[tilespmem:s22], [sflag:$0x1] =	stream.indirect.gather [hbm4b:s4+s21], $0x80, s6, s21, $0xb8;
	[tilespmem:$0x1FC00] =	vst v63  }
0x5d: {  	p1 =	sne.s32 s31, $0x1;
	s31 =	sadd.s32 $0xFFFFFFFF, s31;
	_ =	swait.ge [sflag:s19], $0x4000  }
0x5e: {  	s6 =	smov.u32 s0;
	[sflag:s19] =	ssyncset.done $0x0  }
0x5f: {  	[sflag:s19] =	ssyncadd.s32 $0xFFFFC000  }
0x60: {  	_ =	swait.ge [sflag:s19], $0x4000  }
0x61: {  	[sflag:s19] =	ssyncset.done $0x0  }
0x62: {  	s7 =	sadd.s32 $0xFFFFFF80, s2;
	[sflag:s19] =	ssyncadd.s32 $0xFFFFC000  }
0x63: {  	[spmem:s1] =	stream.indirect.scatter.add.f32 [tilespmem:s18], [sflag:$0x2], $0x80, s7, s21, $0xb8;
	[tilespmem:$0x1FC00] =	vst v63  }
0x64: {  	_ =	swait.ge [sflag:s23], $0x4000  }
0x65: {  	[sflag:s23] =	ssyncset.done $0x0  }
0x66: {  	[sflag:s23] =	ssyncadd.s32 $0xFFFFC000  }
0x67: {  	[spmem:s1] =	stream.indirect.scatter.add.f32 [tilespmem:s22], [sflag:$0x2], $0x80, s2, s21, $0xb8;
	[tilespmem:$0x1FC00] =	vst v63  }
.Ltmp2:
0x68: {  	_ =	swait.ge [sflag:s23], $0x4000;
	(pc) =	sbr.rel @p1 .LBB2_4-.Ltmp2, $4  }
0x69: {  	[sflag:s23] =	ssyncset.done $0x0  }
0x6a: {  	s7 =	sadd.s32 $0xFFFFFF80, s0;
	[sflag:s23] =	ssyncadd.s32 $0xFFFFC000  }
0x6b: {  	[tilespmem:s18], [sflag:$0x1] =	stream.indirect.gather [hbm4b:s4+s21], $0x80, s7, s21, $0xb8;
	[tilespmem:$0x1FC00] =	vst v63  }
0x6c: {  	s0 =	sadd.s32 $0x100, s0;
	s2 =	sadd.s32 $0x100, s2  }
.LBB2_5:
0x6d: {  	[tilespmem:s22], [sflag:$0x1] =	stream.indirect.gather [hbm4b:s4+s21], $0x80, s6, s21, $0xb8;
	[tilespmem:$0x1FC00] =	vst v63  }
0x6e: {  	_ =	swait.ge [sflag:s19], $0x4000  }
0x6f: {  	[sflag:s19] =	ssyncset.done $0x0  }
0x70: {  	[sflag:s19] =	ssyncadd.s32 $0xFFFFC000  }
0x71: {  	_ =	swait.ge [sflag:s19], $0x4000  }
0x72: {  	[sflag:s19] =	ssyncset.done $0x0  }
0x73: {  	[sflag:s19] =	ssyncadd.s32 $0xFFFFC000  }
0x74: {  	[spmem:s1] =	stream.indirect.scatter.add.f32 [tilespmem:s18], [sflag:$0x2], $0x80, s12, s21, $0xb8;
	[tilespmem:$0x1FC00] =	vst v63  }
0x75: {  	_ =	swait.ge [sflag:s23], $0x4000  }
0x76: {  	[sflag:s23] =	ssyncset.done $0x0  }
0x77: {  	[sflag:s23] =	ssyncadd.s32 $0xFFFFC000  }
0x78: {  	[spmem:s1] =	stream.indirect.scatter.add.f32 [tilespmem:s22], [sflag:$0x2], $0x80, s13, s21, $0xb8;
	[tilespmem:$0x1FC00] =	vst v63  }
0x79: {  	_ =	swait.ge [sflag:s23], $0x4000  }
0x7a: {  	[sflag:s23] =	ssyncset.done $0x0  }
0x7b: {  	[sflag:s23] =	ssyncadd.s32 $0xFFFFC000  }
0x7c: {  	[tilespmem:s3], [sflag:$0x1] =	stream.linear.gather [hbm4b:s14+s3], $0x2000, $0x38;
	[tilespmem:$0x1FC00] =	vst v63  }
0x7d: {  	_ = 	snop  }
0x7e: {  	[tilespmem:s20], [sflag:$0x1] =	stream.linear.gather [hbm4b:s15+s3], $0x2000, $0x38;
	[tilespmem:$0x1FC00] =	vst v63  }
0x7f: {  	_ =	swait.ge [sflag:s19], $0x2000  }
0x80: {  	[sflag:s19] =	ssyncset.done $0x0  }
0x81: {  	[sflag:s19] =	ssyncadd.s32 $0xFFFFE000  }
0x82: {  	_ =	swait.ge [sflag:s19], $0x2000  }
0x83: {  	[sflag:s19] =	ssyncset.done $0x0  }
0x84: {  	[sflag:s19] =	ssyncadd.s32 $0xFFFFE000  }
0x85: {  	[tilespmem:s18], [sflag:$0x1] =	stream.indirect.gather [hbm4b:s4+s21], $0x80, s3, s21, $0xb8;
	[tilespmem:$0x1FC00] =	vst v63  }
0x86: {  	_ = 	snop  }
0x87: {  	[tilespmem:s22], [sflag:$0x1] =	stream.indirect.gather [hbm4b:s4+s21], $0x80, s21, s21, $0xb8;
	[tilespmem:$0x1FC00] =	vst v63  }
0x88: {  	_ =	swait.ge [sflag:s19], $0x4000  }
0x89: {  	[sflag:s19] =	ssyncset.done $0x0  }
0x8a: {  	[sflag:s19] =	ssyncadd.s32 $0xFFFFC000  }
0x8b: {  	_ =	swait.ge [sflag:s19], $0x4000  }
0x8c: {  	[sflag:s19] =	ssyncset.done $0x0  }
0x8d: {  	[sflag:s19] =	ssyncadd.s32 $0xFFFFC000  }
0x8e: {  	[spmem:s1] =	stream.indirect.scatter.add.f32 [tilespmem:s18], [sflag:$0x2], $0x80, s29, s21, $0xb8;
	[tilespmem:$0x1FC00] =	vst v63  }
0x8f: {  	_ =	swait.ge [sflag:s23], $0x4000  }
0x90: {  	[sflag:s23] =	ssyncset.done $0x0  }
0x91: {  	[sflag:s23] =	ssyncadd.s32 $0xFFFFC000  }
0x92: {  	[spmem:s1] =	stream.indirect.scatter.add.f32 [tilespmem:s22], [sflag:$0x2], $0x80, s28, s21, $0xb8;
	[tilespmem:$0x1FC00] =	vst v63  }
.Ltmp3:
0x93: {  	_ = 	snop;
	(pc) =	sbr.rel @!p0 .LBB2_7-.Ltmp3, $4  }
0x94: {  	_ =	swait.ge [sflag:s23], $0x4000  }
0x95: {  	s0 =	sadd.s32 $0xFFFFFFFF, s16;
	[sflag:s23] =	ssyncset.done $0x0  }
0x96: {  	s2 =	simm.s32 $0x280;
	s28 =	simm.s32 $0x2180;
	[sflag:s23] =	ssyncadd.s32 $0xFFFFC000  }
0x97: {  	[tilespmem:s18], [sflag:$0x1] =	stream.indirect.gather [hbm4b:s4+s21], $0x80, s30, s21, $0xb8;
	[tilespmem:$0x1FC00] =	vst v63  }
.LBB2_6:
0x98: {  	[tilespmem:s22], [sflag:$0x1] =	stream.indirect.gather [hbm4b:s4+s21], $0x80, s26, s21, $0xb8;
	[tilespmem:$0x1FC00] =	vst v63  }
0x99: {  	p0 =	sne.s32 s0, $0x1;
	s0 =	sadd.s32 $0xFFFFFFFF, s0;
	_ =	swait.ge [sflag:s19], $0x4000  }
0x9a: {  	s26 =	smov.u32 s2;
	[sflag:s19] =	ssyncset.done $0x0  }
0x9b: {  	[sflag:s19] =	ssyncadd.s32 $0xFFFFC000  }
0x9c: {  	_ =	swait.ge [sflag:s19], $0x4000  }
0x9d: {  	[sflag:s19] =	ssyncset.done $0x0  }
0x9e: {  	s6 =	sadd.s32 $0xFFFFFF80, s28;
	[sflag:s19] =	ssyncadd.s32 $0xFFFFC000  }
0x9f: {  	[spmem:s1] =	stream.indirect.scatter.add.f32 [tilespmem:s18], [sflag:$0x2], $0x80, s6, s21, $0xb8;
	[tilespmem:$0x1FC00] =	vst v63  }
0xa0: {  	_ =	swait.ge [sflag:s23], $0x4000  }
0xa1: {  	[sflag:s23] =	ssyncset.done $0x0  }
0xa2: {  	[sflag:s23] =	ssyncadd.s32 $0xFFFFC000  }
0xa3: {  	[spmem:s1] =	stream.indirect.scatter.add.f32 [tilespmem:s22], [sflag:$0x2], $0x80, s28, s21, $0xb8;
	[tilespmem:$0x1FC00] =	vst v63  }
.Ltmp4:
0xa4: {  	_ =	swait.ge [sflag:s23], $0x4000;
	(pc) =	sbr.rel @p0 .LBB2_6-.Ltmp4, $4  }
0xa5: {  	[sflag:s23] =	ssyncset.done $0x0  }
0xa6: {  	s6 =	sadd.s32 $0xFFFFFF80, s2;
	[sflag:s23] =	ssyncadd.s32 $0xFFFFC000  }
0xa7: {  	[tilespmem:s18], [sflag:$0x1] =	stream.indirect.gather [hbm4b:s4+s21], $0x80, s6, s21, $0xb8;
	[tilespmem:$0x1FC00] =	vst v63  }
0xa8: {  	s2 =	sadd.s32 $0x100, s2;
	s28 =	sadd.s32 $0x100, s28  }
.LBB2_7:
0xa9: {  	[tilespmem:s22], [sflag:$0x1] =	stream.indirect.gather [hbm4b:s4+s21], $0x80, s26, s21, $0xb8;
	[tilespmem:$0x1FC00] =	vst v63  }
0xaa: {  	_ =	swait.ge [sflag:s19], $0x4000  }
0xab: {  	[sflag:s19] =	ssyncset.done $0x0  }
0xac: {  	[sflag:s19] =	ssyncadd.s32 $0xFFFFC000  }
0xad: {  	_ =	swait.ge [sflag:s19], $0x4000  }
0xae: {  	[sflag:s19] =	ssyncset.done $0x0  }
0xaf: {  	[sflag:s19] =	ssyncadd.s32 $0xFFFFC000  }
0xb0: {  	[spmem:s1] =	stream.indirect.scatter.add.f32 [tilespmem:s18], [sflag:$0x2], $0x80, s12, s21, $0xb8;
	[tilespmem:$0x1FC00] =	vst v63  }
0xb1: {  	_ =	swait.ge [sflag:s23], $0x4000  }
0xb2: {  	[sflag:s23] =	ssyncset.done $0x0  }
0xb3: {  	[sflag:s23] =	ssyncadd.s32 $0xFFFFC000  }
0xb4: {  	[spmem:s1] =	stream.indirect.scatter.add.f32 [tilespmem:s22], [sflag:$0x2], $0x80, s13, s21, $0xb8;
	[tilespmem:$0x1FC00] =	vst v63  }
0xb5: {  	s0 =	stileid.u32;
	_ =	swait.ge [sflag:s23], $0x4000  }
0xb6: {  	s2 =	sshrl.u32 s5, $0x3;
	s25 =	sadd.s32 $0x1, s25;
	[sflag:s23] =	ssyncset.done $0x0  }
0xb7: {  	s0 =	sshll.u32 s0, $0x6;
	p0 =	sne.s32 s25, s17;
	[sflag:s23] =	ssyncadd.s32 $0xFFFFC000  }
.Ltmp5:
0xb8: {  	s0 =	sor.u32 $0x1C02, s0;
	[bflag:$0x0] =	sbarrier.arrive $0xFFFF;
	(pc) =	sbr.rel @p0 .LBB2_1-.Ltmp5, $4  }
0xb9: {  	[hbm:s24], [sflag:s0] =	dma.local [spmem:s2], $0x2780  }
0xba: {  	_ =	swait.ge [sflag:s23], $0x2780  }
0xbb: {  	[sflag:s23] =	ssyncset.done $0x0  }
0xbc: {  	[sflag:s23] =	ssyncadd.s32 $0xFFFFD880  }
0xbd: {  	_ =	sfence.sel $0x180000  }
0xbe: {  	[bflag:$0x0] =	sbarrier.arrive $0xFFFF  }
0xbf: {  	_ =	strace $0x9000004A  }
0xc0: {  	s0 =	stileid.u32;
	[bflag:$0x2] =	sbarrier.arrive $0xFFFF  }
0xc1: {  	p0 =	sne.s32 s0, $0x0;
	s0 =	rddreg [dreg:$0x2]  }
0xc2: {  	s0 =	sadd.s32 @!p0 $0x100000, s0  }
0xc3: {  	[sflag:s0] =	ssyncadd.tile.s32 @!p0 $0x1;
	_ =	shalt  }
.Lfunc_end2:
_tile_overlayer_lowered:
.L_overlay_start_2:
0xc4: {  	(tag) =	ssettag $0x2  }
0xc5: {  	s0 =	rddreg [dreg:$0x0];
	s2 =	stileid.u32  }
0xc6: {  	s1 =	rddreg [dreg:$0x1];
	p0 =	sne.s32 s2, $0x0  }
0xc7: {  	s3 =	rddreg [dreg:$0x2];
	[bflag:$0x3] =	sbarrier.arrive $0xFFFF;
	s2 =	simm.s32 @!p0 $0x1C02  }
0xc8: {  	[timem:s3], [sflag:s2] =	dma.local @!p0 [hbm:s0], s1  }
0xc9: {  	s0 =	simm.s32 @!p0 $0x2  }
0xca: {  	_ =	swait.ge @!p0 [sflag:s0], s1  }
0xcb: {  	s1 =	ssub.s32 @!p0 $0x0, s1;
	[sflag:s0] =	ssyncset.done @!p0 $0x0  }
0xcc: {  	[sflag:s0] =	ssyncadd.s32 @!p0 s1  }
0xcd: {  	[bflag:$0x3] =	sbarrier.arrive $0xFFFF  }
0xce: {  	_ =	shalt  }

// kernel: kernel.14.cloned.1.call-start
scs
__scs_entry_jumppad:
0x0: {  	(pc) =	sbr.rel $0x88, $3  }
0x1: {  	(tag) =	ssettag $0x0;
	lr =	simm.s32 $0x1  }
0x2: {  	[smem:$0x3F94] =	sst lr;
	_ =	strace $0xD0000000  }
0x3: {  	_ = 	snop  }
0x4: {  	_ = 	snop  }
0x5: {  	_ = 	snop  }
0x6: {  	_ = 	snop  }
0x7: {  	_ = 	snop  }
__scs_overlays_trampoline_lowered:
0x8: {  	[smem:$0x3FA3] =	sst s0  }
0x9: {  	[smem:$0x3FA4] =	sst s1  }
0xa: {  	[smem:$0x3FA5] =	sst s2  }
0xb: {  	[smem:$0x3FA6] =	sst s3  }
0xc: {  	[smem:$0x3FA7] =	sst s4  }
0xd: {  	[smem:$0x3FA8] =	sst s5  }
0xe: {  	[smem:$0x3FA9] =	sst s6  }
0xf: {  	[smem:$0x3FAA] =	sst s7  }
0x10: {  	[smem:$0x3FAB] =	sst s8  }
0x11: {  	[smem:$0x3FAC] =	sst s9;
	s0 =	simm.s32 @!p0 $0x0  }
0x12: {  	s1 =	sld [smem:$0x3F92];
	s0 =	simm.s32 @p0 $0x1  }
0x13: {  	[smem:$0x3FAD] =	sst s0;
	s0 =	simm.s32 @!p1 $0x0  }
0x14: {  	s2 =	sld [smem:$0x3F91];
	s0 =	simm.s32 @p1 $0x1  }
0x15: {  	[smem:$0x3FAE] =	sst s0;
	s0 =	simm.s32 @!p2 $0x0  }
0x16: {  	s3 =	sld [smem:$0x3FDB];
	s0 =	simm.s32 @p2 $0x1  }
0x17: {  	s4 =	simm.s32 $0x1BF5;
	[smem:$0x3FB0] =	sst s0  }
0x18: {  	s0 =	sld [smem:$0x3F93];
	_ =	swait.ge [sflag:s4], $0x0  }
0x19: {  	s7 =	sld [smem:$0x3F94]  }
0x1a: {  	s8 =	sadd.s32 $0xFFFFE003, lr  }
0x1b: {  	s9 =	sadd.s32 $0xFFFFFEF7, lr;
	s5 =	simm.s32 $0xFFFFFFFF;
	p2 =	slt.u32 s8, $0xFFFFF086  }
0x1c: {  	p1 =	slt.u32 s9, $0xF7A;
	s5 =	simm.s32 @!p2 $0x0  }
0x1d: {  	s5 =	simm.s32 @p1 $0x1;
	p0 =	seq.s32 s7, s2  }
0x1e: {  	s7 =	smul.u32 @!p0 $0xF7A, s2;
	p2 =	seq.s32 @!p0 s5, $0x0  }
0x1f: {  	s9 =	smul.u32 $0xF7A, s1;
	s8 =	simm.s32 @!p0 $0x1BF5;
	p2 =	por !p2, p0  }
0x20: {  	[sflag:s8] =	ssyncset.s32 @!p0 $0xFFFFF086;
	s6 =	sadd.s32 @!p0 s3, s7;
	s7 =	simm.s32 @!p0 $0x108  }
0x21: {  	s3 =	sadd.s32 s3, s9;
	s6 =	sadd.s32 @!p0 $0x88, s6;
	s7 =	simm.s32 @p2 $0x1082  }
0x22: {  	[simem:s7], [sflag:s8] =	dma.local @!p0 [hbm:s6], $0xF7A  }
0x23: {  	s9 =	sor.u32 $0xD0000000, s2;
	s6 =	simm.s32 $0x108;
	_ =	swait.ge @!p0 [sflag:s8], $0x0  }
0x24: {  	s3 =	sadd.s32 $0x88, s3;
	s6 =	simm.s32 @!p1 $0x1082;
	[sflag:s4] =	ssyncset.s32 $0xFFFFF086  }
0x25: {  	[simem:s6], [sflag:s4] =	dma.local [hbm:s3], $0xF7A  }
0x26: {  	[smem:$0x3F94] =	sst s1;
	(tag) =	ssettag s2;
	_ =	strace s9  }
0x27: {  	s1 =	sld [smem:$0x3FA4]  }
0x28: {  	s2 =	sld [smem:$0x3FA5]  }
0x29: {  	s4 =	sld [smem:$0x3FA7]  }
0x2a: {  	p0 =	seq.s32 s5, $0x0;
	s5 =	sld [smem:$0x3FA8]  }
0x2b: {  	s6 =	sld [smem:$0x3FA9]  }
0x2c: {  	s7 =	sld [smem:$0x3FAA]  }
0x2d: {  	s3 =	simm.s32 $0x108;
	s8 =	sld [smem:$0x3FAB]  }
0x2e: {  	s3 =	simm.s32 @!p0 $0x1082;
	s9 =	sld [smem:$0x3FAC]  }
0x2f: {  	lr =	sadd.s32 s0, s3;
	s0 =	sld [smem:$0x3FA3]  }
0x30: {  	s3 =	sld [smem:$0x3FA6]  }
0x31: {  	[smem:$0x3FAF] =	sst s10  }
0x32: {  	s10 =	sld [smem:$0x3FAD];
	_ =	sdelay $0x3  }
0x33: {  	p0 =	seq.s32 s10, $0x1;
	s10 =	sld [smem:$0x3FAF];
	_ =	sdelay $0x3  }
0x34: {  	[smem:$0x3FAF] =	sst s10  }
0x35: {  	s10 =	sld [smem:$0x3FAE];
	_ =	sdelay $0x3  }
0x36: {  	p1 =	seq.s32 s10, $0x1;
	s10 =	sld [smem:$0x3FAF];
	_ =	sdelay $0x3  }
0x37: {  	[smem:$0x3FAF] =	sst s10  }
0x38: {  	s10 =	sld [smem:$0x3FB0]  }
0x39: {  	_ = 	snop;
	(pc) =	sbr.ind lr, $3  }
0x3a: {  	_ = 	snop  }
0x3b: {  	_ = 	snop  }
0x3c: {  	p2 =	seq.s32 s10, $0x1;
	s10 =	sld [smem:$0x3FAF]  }
0x3d: {  	_ =	shalt  }
0x3e: {  	_ =	shalt  }
0x3f: {  	_ =	shalt  }
0x40: {  	_ =	shalt  }
0x41: {  	_ =	shalt  }
0x42: {  	_ =	shalt  }
0x43: {  	_ =	shalt  }
0x44: {  	_ =	shalt  }
0x45: {  	_ =	shalt  }
0x46: {  	_ =	shalt  }
0x47: {  	_ =	shalt  }
0x48: {  	_ =	shalt  }
0x49: {  	_ =	shalt  }
0x4a: {  	_ =	shalt  }
0x4b: {  	_ =	shalt  }
0x4c: {  	_ =	shalt  }
0x4d: {  	_ =	shalt  }
0x4e: {  	_ =	shalt  }
0x4f: {  	_ =	shalt  }
0x50: {  	_ =	shalt  }
0x51: {  	_ =	shalt  }
0x52: {  	_ =	shalt  }
0x53: {  	_ =	shalt  }
0x54: {  	_ =	shalt  }
0x55: {  	_ =	shalt  }
0x56: {  	_ =	shalt  }
0x57: {  	_ =	shalt  }
0x58: {  	_ =	shalt  }
0x59: {  	_ =	shalt  }
0x5a: {  	_ =	shalt  }
0x5b: {  	_ =	shalt  }
0x5c: {  	_ =	shalt  }
0x5d: {  	_ =	shalt  }
0x5e: {  	_ =	shalt  }
0x5f: {  	_ =	shalt  }
0x60: {  	_ =	shalt  }
0x61: {  	_ =	shalt  }
0x62: {  	_ =	shalt  }
0x63: {  	_ =	shalt  }
0x64: {  	_ =	shalt  }
0x65: {  	_ =	shalt  }
0x66: {  	_ =	shalt  }
0x67: {  	_ =	shalt  }
0x68: {  	_ =	shalt  }
0x69: {  	_ =	shalt  }
0x6a: {  	_ =	shalt  }
0x6b: {  	_ =	shalt  }
0x6c: {  	_ =	shalt  }
0x6d: {  	_ =	shalt  }
0x6e: {  	_ =	shalt  }
0x6f: {  	_ =	shalt  }
0x70: {  	_ =	shalt  }
0x71: {  	_ =	shalt  }
0x72: {  	_ =	shalt  }
0x73: {  	_ =	shalt  }
0x74: {  	_ =	shalt  }
0x75: {  	_ =	shalt  }
0x76: {  	_ =	shalt  }
0x77: {  	_ =	shalt  }
0x78: {  	_ =	shalt  }
0x79: {  	_ =	shalt  }
0x7a: {  	_ =	shalt  }
0x7b: {  	_ =	shalt  }
0x7c: {  	_ =	shalt  }
0x7d: {  	_ =	shalt  }
0x7e: {  	_ =	shalt  }
0x7f: {  	_ =	shalt  }
0x80: {  	_ =	shalt  }
0x81: {  	_ =	shalt  }
0x82: {  	_ =	shalt  }
0x83: {  	_ =	shalt  }
0x84: {  	_ =	shalt  }
0x85: {  	_ =	shalt  }
0x86: {  	_ =	shalt  }
0x87: {  	_ =	shalt  }
.Lfunc_end0:
.L_simem_size_0:
called_computation.2_lowered:
.L_overlay_start_0:
0x88: {  	s2 =	sld [smem:$0x3FD9]  }
0x89: {  	s3 =	sld [smem:$0x3FFE];
	_ =	sdelay $0x1  }
0x8a: {  	s1 =	srdreg.scid  }
0x8b: {  	s0 =	sand.u32 $0x1, s1  }
0x8c: {  	s16 =	sshll.u32 s0, $0xA;
	s2 =	sadd.s32 s3, s2  }
0x8d: {  	s2 =	sadd.s32 s2, s16  }
0x8e: {  	[smem:$0x3FBB] =	sst s2  }
0x8f: {  	_ = 	snop  }
0x90: {  	(tm) =	ssettm $0x1  }
0x91: {  	s17 =	sld [smem:$0x3FFB];
	_ =	sdelay $0x3  }
0x92: {  	_ =	strace s17  }
0x93: {  	s2 =	sld [smem:$0x3FFC];
	_ =	sdelay $0x3  }
0x94: {  	_ =	strace s2  }
0x95: {  	s2 =	sld [smem:$0x3FFD];
	_ =	sdelay $0x3  }
0x96: {  	_ =	strace s2  }
0x97: {  	_ =	strace $0x8FFFFFFF  }
0x98: {  	s18 =	sld [smem:$0x3FDB];
	_ =	sdelay $0x1  }
0x99: {  	s19 =	simm.s32 $_scs_section_size  }
0x9a: {  	s4 =	simm.s32 $_size__tile_overlayer_lowered;
	s5 =	simm.s32 $_tile_overlayer_lowered  }
0x9b: {  	s22 =	simm.s32 $0x1BFF;
	s21 =	sshll.u32 s5, $0x1;
	s2 =	sadd.s32 s19, s18  }
0x9c: {  	s6 =	simm.s32 $0x0;
	s20 =	sshll.u32 s4, $0x1;
	s4 =	sadd.s32 s21, s2  }
0x9d: {  	[timem:s6], [sflag:s22] =	dma.local [hbm:s4], s20  }
0x9e: {  	_ =	swait.ge [sflag:s22], s20  }
0x9f: {  	s3 =	ssub.s32 $0x0, s20;
	[sflag:s22] =	ssyncset.done $0x0  }
0xa0: {  	[sflag:s22] =	ssyncadd.s32 s3;
	_ =	sdelay $0x1  }
0xa1: {  	s23 =	simm.s32 $0x1B8B  }
0xa2: {  	_ =	swait.ge [sflag:s23], $0x1  }
0xa3: {  	[sflag:s23] =	ssyncset.done $0x0  }
0xa4: {  	s25 =	simm.s32 $0x1B8E;
	s24 =	sld [smem:$0x3FFE];
	[sflag:s23] =	ssyncadd.s32 $0xFFFFFFFF  }
0xa5: {  	s26 =	simm.s32 $execute0_lowered;
	[smem:$0x3FD2] =	sst s25  }
0xa6: {  	s4 =	sshll.u32 s26, $0x1;
	_ =	strace $0x8000004C;
	[dreg:$0x1] =	wrdreg $0xFFFFFFFF  }
0xa7: {  	s28 =	simm.s32 $_size_execute0_lowered;
	s2 =	sadd.s32 s2, s4;
	[dreg:$0x0] =	wrdreg $0x0  }
0xa8: {  	s4 =	sshll.u32 s28, $0x1;
	[dreg:$0x2] =	wrdreg s2  }
0xa9: {  	[dreg:$0x3] =	wrdreg s4  }
0xaa: {  	[dreg:$0x4] =	wrdreg $0xC0  }
0xab: {  	_ =	task [dreg:s6], $0x5FFFF  }
0xac: {  	[dreg:$0x1] =	wrdreg $0xFFFFFFFF  }
0xad: {  	[dreg:$0x0] =	wrdreg $0x60  }
0xae: {  	[dreg:$0x2] =	wrdreg s24  }
0xaf: {  	[dreg:$0x3] =	wrdreg $0xC0000  }
0xb0: {  	[dreg:$0x4] =	wrdreg $0x9  }
0xb1: {  	_ =	task.clear_ibuf [dreg:s6], $0x5FFFF;
	_ =	strace $0x9000004C  }
0xb2: {  	s29 =	simm.s32 $0x9;
	_ =	strace $0x8000004E  }
0xb3: {  	_ =	swait.ge [sflag:s29], $0x1  }
0xb4: {  	[sflag:s29] =	ssyncadd.s32 $0xFFFFFFFF  }
0xb5: {  	_ =	strace $0x9000004E  }
0xb6: {  	_ =	sfence  }
0xb7: {  	s30 =	sld [smem:$0x0];
	_ =	sdelay $0x2  }
0xb8: {  	s31 =	sshll.u32 s1, $0xD;
	s1 =	sshrl.u32 s1, $0x2  }
0xb9: {  	s3 =	sand.u32 $0x4000, s31;
	s1 =	sadd.s32 s1, s30  }
0xba: {  	s0 =	sor.u32 s3, s0;
	s1 =	sshll.u32 s1, $0x11  }
0xbb: {  	s0 =	sor.u32 s1, s0  }
0xbc: {  	s0 =	sadd.s32 $0x8F2B, s0  }
0xbd: {  	[sflag:s0] =	ssyncadd.remote.s32 $0x1  }
0xbe: {  	_ =	sfence.sel $0xFFFF  }
0xbf: {  	[dreg:$0x0] =	wrdreg $0xFFFFFFFF;
	(pc) =	sbr.abs _section_cstart, $3  }
0xc0: {  	[dreg:$0x1] =	wrdreg $0xFFFFFFFF  }
0xc1: {  	_ =	task.clear_ibuf [dreg:s6], $0x2FFFF;
	_ =	strace $0x9FFFFFFF  }
0xc2: {  	(tm) =	ssettm $0x7FFFFFFF  }
0xc3: {  	_ =	shalt  }
tec
execute0_lowered:
.L_overlay_start_1:
0x0: {  	(tag) =	ssettag $0x1  }
0x1: {  	s0 =	rddreg [dreg:$0x0]  }
0x2: {  	s1 =	rddreg [dreg:$0x1]  }
0x3: {  	s3 =	simm.s32 $0x0;
	s2 =	srdreg.scid;
	s18 =	stileid.u32  }
0x4: {  	s12 =	simm.s32 $0x40;
	s19 =	simm.s32 $0x1;
	s20 =	simm.s32 $0x2000  }
0x5: {  	s21 =	simm.s32 $0x80;
	s22 =	simm.s32 $0x8000;
	s23 =	simm.s32 $0x2  }
0x6: {  	s29 =	simm.s32 $0x2000;
	s30 =	simm.s32 $0x100;
	[smem:$0x7FF] =	sst s3  }
0x7: {  	s4 =	sadd.s32 $0x17600, s0;
	s2 =	sand.u32 $0x1, s2;
	s5 =	smul.u32 $0x4F000, s18  }
0x8: {  	s6 =	sadd.s32 $0xD200, s0;
	s15 =	sadd.s32 $0x2E00, s0;
	s31 =	smul.u32 $0x2780, s18  }
0x9: {  	s11 =	sshll.u32 s18, $0x5;
	_ =	strace $0x8000004D;
	s7 =	smul.u32 $0x27800, s2  }
0xa: {  	s8 =	ssub.s32 $0x2, s2;
	p0 =	seq.s32 s2, $0x0;
	s2 =	sshll.u32 s18, $0x7  }
0xb: {  	s10 =	sor.u32 $0x800, s11;
	s14 =	sor.u32 $0x810, s11;
	s18 =	simm.s32 $0x4000  }
0xc: {  	s9 =	sshrl.u32 s8, $0x1;
	s5 =	sshrl.u32 s5, $0x2;
	s10 =	smov.u32 @p0 s2  }
0xd: {  	s12 =	simm.s32 @!p0 $0x10;
	s2 =	sor.u32 $0x40, s2;
	s0 =	sadd.s32 s7, s0  }
0xe: {  	s17 =	ssub.s32 s8, s9;
	s5 =	sadd.s32 s5, s1;
	s13 =	sshll.u32 s10, $0x4  }
0xf: {  	s26 =	sshll.u32 s12, $0x7;
	s14 =	smov.u32 @p0 s2;
	s28 =	sshrl.u32 s12, $0x1  }
0x10: {  	s24 =	sadd.s32 $0x4000, s5;
	s25 =	sadd.s32 $0x8000, s5;
	s8 =	sadd.s32 $0xC000, s5  }
0x11: {  	s9 =	sadd.s32 $0x10000, s5;
	s10 =	sadd.s32 s6, s13;
	s11 =	sadd.s32 s15, s13  }
0x12: {  	s12 =	sadd.s32 $0x1F00, s26;
	s16 =	sshll.u32 s14, $0x4;
	s13 =	sadd.s32 $0x1F80, s26  }
0x13: {  	s0 =	sadd.s32 $0x66800, s0;
	s17 =	smax.u32 s17, $0x1;
	[dreg:$0x3] =	wrdreg s24  }
0x14: {  	[dreg:$0x4] =	wrdreg s25;
	s14 =	sadd.s32 s6, s16;
	s15 =	sadd.s32 s15, s16  }
0x15: {  	v0 =	vimm.f32 $0.0e+00;
	s16 =	sadd.s32 $0xFFFFFFFF, s28;
	s24 =	sadd.s32 s31, s0;
	s25 =	simm.s32 $0x0  }
.LBB2_1:
0x16: {  	s0 =	simm.s32 $0x0;
	s2 =	simm.s32 $0x200  }
.LBB2_2:
0x17: {  	p0 =	sne.s32 s2, $0xFE00;
	[tilespmem:s0+$0x4070] =	vst v0  }
0x18: {  	[tilespmem:s0+$0x4000] =	vst v0  }
0x19: {  	[tilespmem:s0+$0x4010] =	vst v0  }
.Ltmp0:
0x1a: {  	[tilespmem:s0+$0x4020] =	vst v0;
	(pc) =	sbr.rel @p0 .LBB2_2-.Ltmp0, $4  }
0x1b: {  	[tilespmem:s0+$0x4030] =	vst v0  }
0x1c: {  	[tilespmem:s0+$0x4040] =	vst v0  }
0x1d: {  	[tilespmem:s0+$0x4050] =	vst v0  }
0x1e: {  	[tilespmem:s0+$0x4060] =	vst v0;
	s0 =	sshra.s32 s2, $0x2;
	s2 =	sadd.s32 $0x200, s2  }
0x1f: {  	[tilespmem:s0+$0x4070] =	vst v0  }
0x20: {  	[tilespmem:s0+$0x4000] =	vst v0  }
0x21: {  	[tilespmem:s0+$0x4010] =	vst v0  }
0x22: {  	[tilespmem:s0+$0x4020] =	vst v0  }
0x23: {  	[tilespmem:s0+$0x4030] =	vst v0  }
0x24: {  	[tilespmem:s0+$0x4040] =	vst v0  }
0x25: {  	[tilespmem:s0+$0x4050] =	vst v0  }
0x26: {  	[tilespmem:s0+$0x4060] =	vst v0  }
0x27: {  	[spmem:s5] =	stream.linear.scatter [tilespmem:s18], [sflag:$0x1], $0x4000, $0x38;
	[tilespmem:$0x1FC00] =	vst v63  }
0x28: {  	s7 =	rddreg [dreg:$0x3]  }
0x29: {  	[spmem:s7] =	stream.linear.scatter [tilespmem:s18], [sflag:$0x1], $0x4000, $0x38;
	[tilespmem:$0x1FC00] =	vst v63  }
0x2a: {  	s26 =	rddreg [dreg:$0x4]  }
0x2b: {  	[spmem:s26] =	stream.linear.scatter [tilespmem:s18], [sflag:$0x1], $0x4000, $0x38;
	[tilespmem:$0x1FC00] =	vst v63  }
0x2c: {  	_ = 	snop  }
0x2d: {  	[spmem:s8] =	stream.linear.scatter [tilespmem:s18], [sflag:$0x1], $0x4000, $0x38;
	[tilespmem:$0x1FC00] =	vst v63  }
0x2e: {  	_ = 	snop  }
0x2f: {  	[spmem:s9] =	stream.linear.scatter [tilespmem:s18], [sflag:$0x1], $0x3C00, $0x38;
	[tilespmem:$0x1FC00] =	vst v63  }
0x30: {  	_ =	swait.ge [sflag:s19], $0x4000  }
0x31: {  	[sflag:s19] =	ssyncset.done $0x0  }
0x32: {  	[sflag:s19] =	ssyncadd.s32 $0xFFFFC000  }
0x33: {  	_ =	swait.ge [sflag:s19], $0x4000  }
0x34: {  	[sflag:s19] =	ssyncset.done $0x0  }
0x35: {  	[sflag:s19] =	ssyncadd.s32 $0xFFFFC000  }
0x36: {  	_ =	swait.ge [sflag:s19], $0x4000  }
0x37: {  	[sflag:s19] =	ssyncset.done $0x0  }
0x38: {  	[sflag:s19] =	ssyncadd.s32 $0xFFFFC000  }
0x39: {  	_ =	swait.ge [sflag:s19], $0x4000  }
0x3a: {  	[sflag:s19] =	ssyncset.done $0x0  }
0x3b: {  	[sflag:s19] =	ssyncadd.s32 $0xFFFFC000  }
0x3c: {  	_ =	swait.ge [sflag:s19], $0x3C00  }
0x3d: {  	[sflag:s19] =	ssyncset.done $0x0  }
0x3e: {  	[sflag:s19] =	ssyncadd.s32 $0xFFFFC400  }
0x3f: {  	[bflag:$0x0] =	sbarrier.arrive $0xFFFF  }
0x40: {  	[tilespmem:s3], [sflag:$0x1] =	stream.linear.gather [hbm4b:s10+s3], $0x2000, $0x38;
	[tilespmem:$0x1FC00] =	vst v63  }
0x41: {  	_ = 	snop  }
0x42: {  	[tilespmem:s20], [sflag:$0x1] =	stream.linear.gather [hbm4b:s11+s3], $0x2000, $0x38;
	[tilespmem:$0x1FC00] =	vst v63  }
0x43: {  	_ =	swait.ge [sflag:s19], $0x2000  }
0x44: {  	[sflag:s19] =	ssyncset.done $0x0  }
0x45: {  	[sflag:s19] =	ssyncadd.s32 $0xFFFFE000  }
0x46: {  	_ =	swait.ge [sflag:s19], $0x2000  }
0x47: {  	[sflag:s19] =	ssyncset.done $0x0  }
0x48: {  	[sflag:s19] =	ssyncadd.s32 $0xFFFFE000  }
0x49: {  	[tilespmem:s18], [sflag:$0x1] =	stream.indirect.gather [hbm4b:s4+s21], $0x80, s3, s21, $0xb8;
	[tilespmem:$0x1FC00] =	vst v63  }
0x4a: {  	_ = 	snop  }
0x4b: {  	[tilespmem:s22], [sflag:$0x1] =	stream.indirect.gather [hbm4b:s4+s21], $0x80, s21, s21, $0xb8;
	[tilespmem:$0x1FC00] =	vst v63  }
0x4c: {  	_ =	swait.ge [sflag:s19], $0x4000  }
0x4d: {  	[sflag:s19] =	ssyncset.done $0x0  }
0x4e: {  	[sflag:s19] =	ssyncadd.s32 $0xFFFFC000  }
0x4f: {  	_ =	swait.ge [sflag:s19], $0x4000  }
0x50: {  	[sflag:s19] =	ssyncset.done $0x0  }
0x51: {  	[sflag:s19] =	ssyncadd.s32 $0xFFFFC000  }
0x52: {  	[spmem:s1] =	stream.indirect.scatter.add.f32 [tilespmem:s18], [sflag:$0x2], $0x80, s29, s21, $0xb8;
	[tilespmem:$0x1FC00] =	vst v63  }
0x53: {  	_ =	swait.ge [sflag:s23], $0x4000  }
0x54: {  	[sflag:s23] =	ssyncset.done $0x0  }
0x55: {  	s28 =	simm.s32 $0x2080;
	p0 =	sne.s32 s16, $0x1;
	[sflag:s23] =	ssyncadd.s32 $0xFFFFC000  }
0x56: {  	[spmem:s1] =	stream.indirect.scatter.add.f32 [tilespmem:s22], [sflag:$0x2], $0x80, s28, s21, $0xb8;
	[tilespmem:$0x1FC00] =	vst v63  }
.Ltmp1:
0x57: {  	_ = 	snop;
	(pc) =	sbr.rel @!p0 .LBB2_5-.Ltmp1, $4  }
0x58: {  	s31 =	sadd.s32 $0xFFFFFFFF, s16;
	_ =	swait.ge [sflag:s23], $0x4000  }
0x59: {  	s0 =	simm.s32 $0x280;
	s2 =	simm.s32 $0x2180;
	[sflag:s23] =	ssyncset.done $0x0  }
0x5a: {  	s6 =	simm.s32 $0x180;
	s26 =	simm.s32 $0x180;
	[sflag:s23] =	ssyncadd.s32 $0xFFFFC000  }
0x5b: {  	[tilespmem:s18], [sflag:$0x1] =	stream.indirect.gather [hbm4b:s4+s21], $0x80, s30, s21, $0xb8;
	[tilespmem:$0x1FC00] =	vst v63  }
.LBB2_4:
0x5c: {  	[tilespmem:s22], [sflag:$0x1] =	stream.indirect.gather [hbm4b:s4+s21], $0x80, s6, s21, $0xb8;
	[tilespmem:$0x1FC00] =	vst v63  }
0x5d: {  	p1 =	sne.s32 s31, $0x1;
	s31 =	sadd.s32 $0xFFFFFFFF, s31;
	_ =	swait.ge [sflag:s19], $0x4000  }
0x5e: {  	s6 =	smov.u32 s0;
	[sflag:s19] =	ssyncset.done $0x0  }
0x5f: {  	[sflag:s19] =	ssyncadd.s32 $0xFFFFC000  }
0x60: {  	_ =	swait.ge [sflag:s19], $0x4000  }
0x61: {  	[sflag:s19] =	ssyncset.done $0x0  }
0x62: {  	s7 =	sadd.s32 $0xFFFFFF80, s2;
	[sflag:s19] =	ssyncadd.s32 $0xFFFFC000  }
0x63: {  	[spmem:s1] =	stream.indirect.scatter.add.f32 [tilespmem:s18], [sflag:$0x2], $0x80, s7, s21, $0xb8;
	[tilespmem:$0x1FC00] =	vst v63  }
0x64: {  	_ =	swait.ge [sflag:s23], $0x4000  }
0x65: {  	[sflag:s23] =	ssyncset.done $0x0  }
0x66: {  	[sflag:s23] =	ssyncadd.s32 $0xFFFFC000  }
0x67: {  	[spmem:s1] =	stream.indirect.scatter.add.f32 [tilespmem:s22], [sflag:$0x2], $0x80, s2, s21, $0xb8;
	[tilespmem:$0x1FC00] =	vst v63  }
.Ltmp2:
0x68: {  	_ =	swait.ge [sflag:s23], $0x4000;
	(pc) =	sbr.rel @p1 .LBB2_4-.Ltmp2, $4  }
0x69: {  	[sflag:s23] =	ssyncset.done $0x0  }
0x6a: {  	s7 =	sadd.s32 $0xFFFFFF80, s0;
	[sflag:s23] =	ssyncadd.s32 $0xFFFFC000  }
0x6b: {  	[tilespmem:s18], [sflag:$0x1] =	stream.indirect.gather [hbm4b:s4+s21], $0x80, s7, s21, $0xb8;
	[tilespmem:$0x1FC00] =	vst v63  }
0x6c: {  	s0 =	sadd.s32 $0x100, s0;
	s2 =	sadd.s32 $0x100, s2  }
.LBB2_5:
0x6d: {  	[tilespmem:s22], [sflag:$0x1] =	stream.indirect.gather [hbm4b:s4+s21], $0x80, s6, s21, $0xb8;
	[tilespmem:$0x1FC00] =	vst v63  }
0x6e: {  	_ =	swait.ge [sflag:s19], $0x4000  }
0x6f: {  	[sflag:s19] =	ssyncset.done $0x0  }
0x70: {  	[sflag:s19] =	ssyncadd.s32 $0xFFFFC000  }
0x71: {  	_ =	swait.ge [sflag:s19], $0x4000  }
0x72: {  	[sflag:s19] =	ssyncset.done $0x0  }
0x73: {  	[sflag:s19] =	ssyncadd.s32 $0xFFFFC000  }
0x74: {  	[spmem:s1] =	stream.indirect.scatter.add.f32 [tilespmem:s18], [sflag:$0x2], $0x80, s12, s21, $0xb8;
	[tilespmem:$0x1FC00] =	vst v63  }
0x75: {  	_ =	swait.ge [sflag:s23], $0x4000  }
0x76: {  	[sflag:s23] =	ssyncset.done $0x0  }
0x77: {  	[sflag:s23] =	ssyncadd.s32 $0xFFFFC000  }
0x78: {  	[spmem:s1] =	stream.indirect.scatter.add.f32 [tilespmem:s22], [sflag:$0x2], $0x80, s13, s21, $0xb8;
	[tilespmem:$0x1FC00] =	vst v63  }
0x79: {  	_ =	swait.ge [sflag:s23], $0x4000  }
0x7a: {  	[sflag:s23] =	ssyncset.done $0x0  }
0x7b: {  	[sflag:s23] =	ssyncadd.s32 $0xFFFFC000  }
0x7c: {  	[tilespmem:s3], [sflag:$0x1] =	stream.linear.gather [hbm4b:s14+s3], $0x2000, $0x38;
	[tilespmem:$0x1FC00] =	vst v63  }
0x7d: {  	_ = 	snop  }
0x7e: {  	[tilespmem:s20], [sflag:$0x1] =	stream.linear.gather [hbm4b:s15+s3], $0x2000, $0x38;
	[tilespmem:$0x1FC00] =	vst v63  }
0x7f: {  	_ =	swait.ge [sflag:s19], $0x2000  }
0x80: {  	[sflag:s19] =	ssyncset.done $0x0  }
0x81: {  	[sflag:s19] =	ssyncadd.s32 $0xFFFFE000  }
0x82: {  	_ =	swait.ge [sflag:s19], $0x2000  }
0x83: {  	[sflag:s19] =	ssyncset.done $0x0  }
0x84: {  	[sflag:s19] =	ssyncadd.s32 $0xFFFFE000  }
0x85: {  	[tilespmem:s18], [sflag:$0x1] =	stream.indirect.gather [hbm4b:s4+s21], $0x80, s3, s21, $0xb8;
	[tilespmem:$0x1FC00] =	vst v63  }
0x86: {  	_ = 	snop  }
0x87: {  	[tilespmem:s22], [sflag:$0x1] =	stream.indirect.gather [hbm4b:s4+s21], $0x80, s21, s21, $0xb8;
	[tilespmem:$0x1FC00] =	vst v63  }
0x88: {  	_ =	swait.ge [sflag:s19], $0x4000  }
0x89: {  	[sflag:s19] =	ssyncset.done $0x0  }
0x8a: {  	[sflag:s19] =	ssyncadd.s32 $0xFFFFC000  }
0x8b: {  	_ =	swait.ge [sflag:s19], $0x4000  }
0x8c: {  	[sflag:s19] =	ssyncset.done $0x0  }
0x8d: {  	[sflag:s19] =	ssyncadd.s32 $0xFFFFC000  }
0x8e: {  	[spmem:s1] =	stream.indirect.scatter.add.f32 [tilespmem:s18], [sflag:$0x2], $0x80, s29, s21, $0xb8;
	[tilespmem:$0x1FC00] =	vst v63  }
0x8f: {  	_ =	swait.ge [sflag:s23], $0x4000  }
0x90: {  	[sflag:s23] =	ssyncset.done $0x0  }
0x91: {  	[sflag:s23] =	ssyncadd.s32 $0xFFFFC000  }
0x92: {  	[spmem:s1] =	stream.indirect.scatter.add.f32 [tilespmem:s22], [sflag:$0x2], $0x80, s28, s21, $0xb8;
	[tilespmem:$0x1FC00] =	vst v63  }
.Ltmp3:
0x93: {  	_ = 	snop;
	(pc) =	sbr.rel @!p0 .LBB2_7-.Ltmp3, $4  }
0x94: {  	_ =	swait.ge [sflag:s23], $0x4000  }
0x95: {  	s0 =	sadd.s32 $0xFFFFFFFF, s16;
	[sflag:s23] =	ssyncset.done $0x0  }
0x96: {  	s2 =	simm.s32 $0x280;
	s28 =	simm.s32 $0x2180;
	[sflag:s23] =	ssyncadd.s32 $0xFFFFC000  }
0x97: {  	[tilespmem:s18], [sflag:$0x1] =	stream.indirect.gather [hbm4b:s4+s21], $0x80, s30, s21, $0xb8;
	[tilespmem:$0x1FC00] =	vst v63  }
.LBB2_6:
0x98: {  	[tilespmem:s22], [sflag:$0x1] =	stream.indirect.gather [hbm4b:s4+s21], $0x80, s26, s21, $0xb8;
	[tilespmem:$0x1FC00] =	vst v63  }
0x99: {  	p0 =	sne.s32 s0, $0x1;
	s0 =	sadd.s32 $0xFFFFFFFF, s0;
	_ =	swait.ge [sflag:s19], $0x4000  }
0x9a: {  	s26 =	smov.u32 s2;
	[sflag:s19] =	ssyncset.done $0x0  }
0x9b: {  	[sflag:s19] =	ssyncadd.s32 $0xFFFFC000  }
0x9c: {  	_ =	swait.ge [sflag:s19], $0x4000  }
0x9d: {  	[sflag:s19] =	ssyncset.done $0x0  }
0x9e: {  	s6 =	sadd.s32 $0xFFFFFF80, s28;
	[sflag:s19] =	ssyncadd.s32 $0xFFFFC000  }
0x9f: {  	[spmem:s1] =	stream.indirect.scatter.add.f32 [tilespmem:s18], [sflag:$0x2], $0x80, s6, s21, $0xb8;
	[tilespmem:$0x1FC00] =	vst v63  }
0xa0: {  	_ =	swait.ge [sflag:s23], $0x4000  }
0xa1: {  	[sflag:s23] =	ssyncset.done $0x0  }
0xa2: {  	[sflag:s23] =	ssyncadd.s32 $0xFFFFC000  }
0xa3: {  	[spmem:s1] =	stream.indirect.scatter.add.f32 [tilespmem:s22], [sflag:$0x2], $0x80, s28, s21, $0xb8;
	[tilespmem:$0x1FC00] =	vst v63  }
.Ltmp4:
0xa4: {  	_ =	swait.ge [sflag:s23], $0x4000;
	(pc) =	sbr.rel @p0 .LBB2_6-.Ltmp4, $4  }
0xa5: {  	[sflag:s23] =	ssyncset.done $0x0  }
0xa6: {  	s6 =	sadd.s32 $0xFFFFFF80, s2;
	[sflag:s23] =	ssyncadd.s32 $0xFFFFC000  }
0xa7: {  	[tilespmem:s18], [sflag:$0x1] =	stream.indirect.gather [hbm4b:s4+s21], $0x80, s6, s21, $0xb8;
	[tilespmem:$0x1FC00] =	vst v63  }
0xa8: {  	s2 =	sadd.s32 $0x100, s2;
	s28 =	sadd.s32 $0x100, s28  }
.LBB2_7:
0xa9: {  	[tilespmem:s22], [sflag:$0x1] =	stream.indirect.gather [hbm4b:s4+s21], $0x80, s26, s21, $0xb8;
	[tilespmem:$0x1FC00] =	vst v63  }
0xaa: {  	_ =	swait.ge [sflag:s19], $0x4000  }
0xab: {  	[sflag:s19] =	ssyncset.done $0x0  }
0xac: {  	[sflag:s19] =	ssyncadd.s32 $0xFFFFC000  }
0xad: {  	_ =	swait.ge [sflag:s19], $0x4000  }
0xae: {  	[sflag:s19] =	ssyncset.done $0x0  }
0xaf: {  	[sflag:s19] =	ssyncadd.s32 $0xFFFFC000  }
0xb0: {  	[spmem:s1] =	stream.indirect.scatter.add.f32 [tilespmem:s18], [sflag:$0x2], $0x80, s12, s21, $0xb8;
	[tilespmem:$0x1FC00] =	vst v63  }
0xb1: {  	_ =	swait.ge [sflag:s23], $0x4000  }
0xb2: {  	[sflag:s23] =	ssyncset.done $0x0  }
0xb3: {  	[sflag:s23] =	ssyncadd.s32 $0xFFFFC000  }
0xb4: {  	[spmem:s1] =	stream.indirect.scatter.add.f32 [tilespmem:s22], [sflag:$0x2], $0x80, s13, s21, $0xb8;
	[tilespmem:$0x1FC00] =	vst v63  }
0xb5: {  	s0 =	stileid.u32;
	_ =	swait.ge [sflag:s23], $0x4000  }
0xb6: {  	s2 =	sshrl.u32 s5, $0x3;
	s25 =	sadd.s32 $0x1, s25;
	[sflag:s23] =	ssyncset.done $0x0  }
0xb7: {  	s0 =	sshll.u32 s0, $0x6;
	p0 =	sne.s32 s25, s17;
	[sflag:s23] =	ssyncadd.s32 $0xFFFFC000  }
.Ltmp5:
0xb8: {  	s0 =	sor.u32 $0x1C02, s0;
	[bflag:$0x0] =	sbarrier.arrive $0xFFFF;
	(pc) =	sbr.rel @p0 .LBB2_1-.Ltmp5, $4  }
0xb9: {  	[hbm:s24], [sflag:s0] =	dma.local [spmem:s2], $0x2780  }
0xba: {  	_ =	swait.ge [sflag:s23], $0x2780  }
0xbb: {  	[sflag:s23] =	ssyncset.done $0x0  }
0xbc: {  	[sflag:s23] =	ssyncadd.s32 $0xFFFFD880  }
0xbd: {  	_ =	sfence.sel $0x180000  }
0xbe: {  	[bflag:$0x0] =	sbarrier.arrive $0xFFFF  }
0xbf: {  	_ =	strace $0x9000004D  }
0xc0: {  	s0 =	stileid.u32;
	[bflag:$0x2] =	sbarrier.arrive $0xFFFF  }
0xc1: {  	p0 =	sne.s32 s0, $0x0;
	s0 =	rddreg [dreg:$0x2]  }
0xc2: {  	s0 =	sadd.s32 @!p0 $0x100000, s0  }
0xc3: {  	[sflag:s0] =	ssyncadd.tile.s32 @!p0 $0x1;
	_ =	shalt  }
.Lfunc_end2:
_tile_overlayer_lowered:
.L_overlay_start_2:
0xc4: {  	(tag) =	ssettag $0x2  }
0xc5: {  	s0 =	rddreg [dreg:$0x0];
	s2 =	stileid.u32  }
0xc6: {  	s1 =	rddreg [dreg:$0x1];
	p0 =	sne.s32 s2, $0x0  }
0xc7: {  	s3 =	rddreg [dreg:$0x2];
	[bflag:$0x3] =	sbarrier.arrive $0xFFFF;
	s2 =	simm.s32 @!p0 $0x1C02  }
0xc8: {  	[timem:s3], [sflag:s2] =	dma.local @!p0 [hbm:s0], s1  }
0xc9: {  	s0 =	simm.s32 @!p0 $0x2  }
0xca: {  	_ =	swait.ge @!p0 [sflag:s0], s1  }
0xcb: {  	s1 =	ssub.s32 @!p0 $0x0, s1;
	[sflag:s0] =	ssyncset.done @!p0 $0x0  }
0xcc: {  	[sflag:s0] =	ssyncadd.s32 @!p0 s1  }
0xcd: {  	[bflag:$0x3] =	sbarrier.arrive $0xFFFF  }
0xce: {  	_ =	shalt  }

// kernel: kernel.8.cloned.1.call-start
scs
__scs_entry_jumppad:
0x0: {  	(pc) =	sbr.rel $0x88, $3  }
0x1: {  	(tag) =	ssettag $0x0;
	lr =	simm.s32 $0x1  }
0x2: {  	[smem:$0x3F94] =	sst lr;
	_ =	strace $0xD0000000  }
0x3: {  	_ = 	snop  }
0x4: {  	_ = 	snop  }
0x5: {  	_ = 	snop  }
0x6: {  	_ = 	snop  }
0x7: {  	_ = 	snop  }
__scs_overlays_trampoline_lowered:
0x8: {  	[smem:$0x3FA3] =	sst s0  }
0x9: {  	[smem:$0x3FA4] =	sst s1  }
0xa: {  	[smem:$0x3FA5] =	sst s2  }
0xb: {  	[smem:$0x3FA6] =	sst s3  }
0xc: {  	[smem:$0x3FA7] =	sst s4  }
0xd: {  	[smem:$0x3FA8] =	sst s5  }
0xe: {  	[smem:$0x3FA9] =	sst s6  }
0xf: {  	[smem:$0x3FAA] =	sst s7  }
0x10: {  	[smem:$0x3FAB] =	sst s8  }
0x11: {  	[smem:$0x3FAC] =	sst s9;
	s0 =	simm.s32 @!p0 $0x0  }
0x12: {  	s1 =	sld [smem:$0x3F92];
	s0 =	simm.s32 @p0 $0x1  }
0x13: {  	[smem:$0x3FAD] =	sst s0;
	s0 =	simm.s32 @!p1 $0x0  }
0x14: {  	s2 =	sld [smem:$0x3F91];
	s0 =	simm.s32 @p1 $0x1  }
0x15: {  	[smem:$0x3FAE] =	sst s0;
	s0 =	simm.s32 @!p2 $0x0  }
0x16: {  	s3 =	sld [smem:$0x3FDB];
	s0 =	simm.s32 @p2 $0x1  }
0x17: {  	s4 =	simm.s32 $0x1BF5;
	[smem:$0x3FB0] =	sst s0  }
0x18: {  	s0 =	sld [smem:$0x3F93];
	_ =	swait.ge [sflag:s4], $0x0  }
0x19: {  	s7 =	sld [smem:$0x3F94]  }
0x1a: {  	s8 =	sadd.s32 $0xFFFFE003, lr  }
0x1b: {  	s9 =	sadd.s32 $0xFFFFFEF7, lr;
	s5 =	simm.s32 $0xFFFFFFFF;
	p2 =	slt.u32 s8, $0xFFFFF086  }
0x1c: {  	p1 =	slt.u32 s9, $0xF7A;
	s5 =	simm.s32 @!p2 $0x0  }
0x1d: {  	s5 =	simm.s32 @p1 $0x1;
	p0 =	seq.s32 s7, s2  }
0x1e: {  	s7 =	smul.u32 @!p0 $0xF7A, s2;
	p2 =	seq.s32 @!p0 s5, $0x0  }
0x1f: {  	s9 =	smul.u32 $0xF7A, s1;
	s8 =	simm.s32 @!p0 $0x1BF5;
	p2 =	por !p2, p0  }
0x20: {  	[sflag:s8] =	ssyncset.s32 @!p0 $0xFFFFF086;
	s6 =	sadd.s32 @!p0 s3, s7;
	s7 =	simm.s32 @!p0 $0x108  }
0x21: {  	s3 =	sadd.s32 s3, s9;
	s6 =	sadd.s32 @!p0 $0x88, s6;
	s7 =	simm.s32 @p2 $0x1082  }
0x22: {  	[simem:s7], [sflag:s8] =	dma.local @!p0 [hbm:s6], $0xF7A  }
0x23: {  	s9 =	sor.u32 $0xD0000000, s2;
	s6 =	simm.s32 $0x108;
	_ =	swait.ge @!p0 [sflag:s8], $0x0  }
0x24: {  	s3 =	sadd.s32 $0x88, s3;
	s6 =	simm.s32 @!p1 $0x1082;
	[sflag:s4] =	ssyncset.s32 $0xFFFFF086  }
0x25: {  	[simem:s6], [sflag:s4] =	dma.local [hbm:s3], $0xF7A  }
0x26: {  	[smem:$0x3F94] =	sst s1;
	(tag) =	ssettag s2;
	_ =	strace s9  }
0x27: {  	s1 =	sld [smem:$0x3FA4]  }
0x28: {  	s2 =	sld [smem:$0x3FA5]  }
0x29: {  	s4 =	sld [smem:$0x3FA7]  }
0x2a: {  	p0 =	seq.s32 s5, $0x0;
	s5 =	sld [smem:$0x3FA8]  }
0x2b: {  	s6 =	sld [smem:$0x3FA9]  }
0x2c: {  	s7 =	sld [smem:$0x3FAA]  }
0x2d: {  	s3 =	simm.s32 $0x108;
	s8 =	sld [smem:$0x3FAB]  }
0x2e: {  	s3 =	simm.s32 @!p0 $0x1082;
	s9 =	sld [smem:$0x3FAC]  }
0x2f: {  	lr =	sadd.s32 s0, s3;
	s0 =	sld [smem:$0x3FA3]  }
0x30: {  	s3 =	sld [smem:$0x3FA6]  }
0x31: {  	[smem:$0x3FAF] =	sst s10  }
0x32: {  	s10 =	sld [smem:$0x3FAD];
	_ =	sdelay $0x3  }
0x33: {  	p0 =	seq.s32 s10, $0x1;
	s10 =	sld [smem:$0x3FAF];
	_ =	sdelay $0x3  }
0x34: {  	[smem:$0x3FAF] =	sst s10  }
0x35: {  	s10 =	sld [smem:$0x3FAE];
	_ =	sdelay $0x3  }
0x36: {  	p1 =	seq.s32 s10, $0x1;
	s10 =	sld [smem:$0x3FAF];
	_ =	sdelay $0x3  }
0x37: {  	[smem:$0x3FAF] =	sst s10  }
0x38: {  	s10 =	sld [smem:$0x3FB0]  }
0x39: {  	_ = 	snop;
	(pc) =	sbr.ind lr, $3  }
0x3a: {  	_ = 	snop  }
0x3b: {  	_ = 	snop  }
0x3c: {  	p2 =	seq.s32 s10, $0x1;
	s10 =	sld [smem:$0x3FAF]  }
0x3d: {  	_ =	shalt  }
0x3e: {  	_ =	shalt  }
0x3f: {  	_ =	shalt  }
0x40: {  	_ =	shalt  }
0x41: {  	_ =	shalt  }
0x42: {  	_ =	shalt  }
0x43: {  	_ =	shalt  }
0x44: {  	_ =	shalt  }
0x45: {  	_ =	shalt  }
0x46: {  	_ =	shalt  }
0x47: {  	_ =	shalt  }
0x48: {  	_ =	shalt  }
0x49: {  	_ =	shalt  }
0x4a: {  	_ =	shalt  }
0x4b: {  	_ =	shalt  }
0x4c: {  	_ =	shalt  }
0x4d: {  	_ =	shalt  }
0x4e: {  	_ =	shalt  }
0x4f: {  	_ =	shalt  }
0x50: {  	_ =	shalt  }
0x51: {  	_ =	shalt  }
0x52: {  	_ =	shalt  }
0x53: {  	_ =	shalt  }
0x54: {  	_ =	shalt  }
0x55: {  	_ =	shalt  }
0x56: {  	_ =	shalt  }
0x57: {  	_ =	shalt  }
0x58: {  	_ =	shalt  }
0x59: {  	_ =	shalt  }
0x5a: {  	_ =	shalt  }
0x5b: {  	_ =	shalt  }
0x5c: {  	_ =	shalt  }
0x5d: {  	_ =	shalt  }
0x5e: {  	_ =	shalt  }
0x5f: {  	_ =	shalt  }
0x60: {  	_ =	shalt  }
0x61: {  	_ =	shalt  }
0x62: {  	_ =	shalt  }
0x63: {  	_ =	shalt  }
0x64: {  	_ =	shalt  }
0x65: {  	_ =	shalt  }
0x66: {  	_ =	shalt  }
0x67: {  	_ =	shalt  }
0x68: {  	_ =	shalt  }
0x69: {  	_ =	shalt  }
0x6a: {  	_ =	shalt  }
0x6b: {  	_ =	shalt  }
0x6c: {  	_ =	shalt  }
0x6d: {  	_ =	shalt  }
0x6e: {  	_ =	shalt  }
0x6f: {  	_ =	shalt  }
0x70: {  	_ =	shalt  }
0x71: {  	_ =	shalt  }
0x72: {  	_ =	shalt  }
0x73: {  	_ =	shalt  }
0x74: {  	_ =	shalt  }
0x75: {  	_ =	shalt  }
0x76: {  	_ =	shalt  }
0x77: {  	_ =	shalt  }
0x78: {  	_ =	shalt  }
0x79: {  	_ =	shalt  }
0x7a: {  	_ =	shalt  }
0x7b: {  	_ =	shalt  }
0x7c: {  	_ =	shalt  }
0x7d: {  	_ =	shalt  }
0x7e: {  	_ =	shalt  }
0x7f: {  	_ =	shalt  }
0x80: {  	_ =	shalt  }
0x81: {  	_ =	shalt  }
0x82: {  	_ =	shalt  }
0x83: {  	_ =	shalt  }
0x84: {  	_ =	shalt  }
0x85: {  	_ =	shalt  }
0x86: {  	_ =	shalt  }
0x87: {  	_ =	shalt  }
.Lfunc_end0:
.L_simem_size_0:
called_computation_lowered:
.L_overlay_start_0:
0x88: {  	s2 =	sld [smem:$0x3FD9]  }
0x89: {  	s3 =	sld [smem:$0x3FFE];
	_ =	sdelay $0x1  }
0x8a: {  	s1 =	srdreg.scid  }
0x8b: {  	s0 =	sand.u32 $0x1, s1  }
0x8c: {  	s17 =	sshll.u32 s0, $0xA;
	s2 =	sadd.s32 s3, s2  }
0x8d: {  	s2 =	sadd.s32 s2, s17  }
0x8e: {  	[smem:$0x3FBB] =	sst s2  }
0x8f: {  	_ = 	snop  }
0x90: {  	s2 =	sld [smem:$0x3FC9]  }
0x91: {  	s18 =	sld [smem:$0x3FD0];
	(tm) =	ssettm $0x1  }
0x92: {  	s4 =	sld [smem:$0x3FFB];
	_ =	sdelay $0x3  }
0x93: {  	_ =	strace s4  }
0x94: {  	s4 =	sld [smem:$0x3FFC];
	_ =	sdelay $0x3  }
0x95: {  	_ =	strace s4  }
0x96: {  	s4 =	sld [smem:$0x3FFD];
	_ =	sdelay $0x3  }
0x97: {  	_ =	strace s4  }
0x98: {  	_ =	strace $0x8FFFFFFF  }
0x99: {  	s19 =	sld [smem:$0x3FDB];
	_ =	sdelay $0x1  }
0x9a: {  	s5 =	simm.s32 $_scs_section_size  }
0x9b: {  	s6 =	simm.s32 $_size__tile_overlayer_lowered;
	s7 =	simm.s32 $_tile_overlayer_lowered  }
0x9c: {  	s22 =	simm.s32 $0x1BFF;
	s21 =	sshll.u32 s7, $0x1;
	s4 =	sadd.s32 s5, s19  }
0x9d: {  	s8 =	simm.s32 $0x0;
	s20 =	sshll.u32 s6, $0x1;
	s6 =	sadd.s32 s21, s4  }
0x9e: {  	[timem:s8], [sflag:s22] =	dma.local [hbm:s6], s20  }
0x9f: {  	_ =	swait.ge [sflag:s22], s20  }
0xa0: {  	s5 =	ssub.s32 $0x0, s20;
	[sflag:s22] =	ssyncset.done $0x0  }
0xa1: {  	[sflag:s22] =	ssyncadd.s32 s5;
	_ =	sdelay $0x1  }
0xa2: {  	s23 =	simm.s32 $0x1B8B  }
0xa3: {  	_ =	swait.ge [sflag:s23], $0x1  }
0xa4: {  	[sflag:s23] =	ssyncset.done $0x0  }
0xa5: {  	s25 =	simm.s32 $0x1B8E;
	s24 =	sld [smem:$0x3FFE];
	[sflag:s23] =	ssyncadd.s32 $0xFFFFFFFF  }
0xa6: {  	s26 =	simm.s32 $execute0_lowered;
	[smem:$0x3FD2] =	sst s25  }
0xa7: {  	s6 =	sshll.u32 s26, $0x1;
	_ =	strace $0x80000046;
	[dreg:$0x1] =	wrdreg $0xFFFFFFFF  }
0xa8: {  	s28 =	simm.s32 $_size_execute0_lowered;
	s4 =	sadd.s32 s4, s6;
	[dreg:$0x0] =	wrdreg $0x0  }
0xa9: {  	s6 =	sshll.u32 s28, $0x1;
	[dreg:$0x2] =	wrdreg s4  }
0xaa: {  	[dreg:$0x3] =	wrdreg s6  }
0xab: {  	[dreg:$0x4] =	wrdreg $0xC0  }
0xac: {  	_ =	task [dreg:s8], $0x5FFFF  }
0xad: {  	[dreg:$0x1] =	wrdreg $0xFFFFFFFF  }
0xae: {  	[dreg:$0x0] =	wrdreg $0x60  }
0xaf: {  	[dreg:$0x2] =	wrdreg s2  }
0xb0: {  	[dreg:$0x3] =	wrdreg s24  }
0xb1: {  	[dreg:$0x4] =	wrdreg s18  }
0xb2: {  	[dreg:$0x5] =	wrdreg $0xC0800  }
0xb3: {  	[dreg:$0x6] =	wrdreg $0x1FC800  }
0xb4: {  	[dreg:$0x7] =	wrdreg $0x9  }
0xb5: {  	_ =	task.clear_ibuf [dreg:s8], $0x8FFFF;
	_ =	strace $0x90000046  }
0xb6: {  	s29 =	simm.s32 $0x9;
	_ =	strace $0x80000048  }
0xb7: {  	_ =	swait.ge [sflag:s29], $0x1  }
0xb8: {  	[sflag:s29] =	ssyncadd.s32 $0xFFFFFFFF  }
0xb9: {  	_ =	strace $0x90000048  }
0xba: {  	_ =	sfence  }
0xbb: {  	s30 =	sld [smem:$0x0];
	_ =	sdelay $0x2  }
0xbc: {  	s31 =	sshll.u32 s1, $0xD;
	s1 =	sshrl.u32 s1, $0x2  }
0xbd: {  	s3 =	sand.u32 $0x4000, s31;
	s1 =	sadd.s32 s1, s30  }
0xbe: {  	s0 =	sor.u32 s3, s0;
	s1 =	sshll.u32 s1, $0x11  }
0xbf: {  	s0 =	sor.u32 s1, s0  }
0xc0: {  	s0 =	sadd.s32 $0x8F2B, s0  }
0xc1: {  	[sflag:s0] =	ssyncadd.remote.s32 $0x1  }
0xc2: {  	_ =	sfence.sel $0xFFFF  }
0xc3: {  	[dreg:$0x0] =	wrdreg $0xFFFFFFFF;
	(pc) =	sbr.abs _section_cstart, $3  }
0xc4: {  	[dreg:$0x1] =	wrdreg $0xFFFFFFFF  }
0xc5: {  	_ =	task.clear_ibuf [dreg:s8], $0x2FFFF;
	_ =	strace $0x9FFFFFFF  }
0xc6: {  	(tm) =	ssettm $0x7FFFFFFF  }
0xc7: {  	_ =	shalt  }
tec
execute0_lowered:
.L_overlay_start_1:
0x0: {  	(tag) =	ssettag $0x1  }
0x1: {  	s1 =	rddreg [dreg:$0x0]  }
0x2: {  	s0 =	rddreg [dreg:$0x1]  }
0x3: {  	s5 =	rddreg [dreg:$0x2]  }
0x4: {  	s2 =	rddreg [dreg:$0x3]  }
0x5: {  	s3 =	rddreg [dreg:$0x4];
	s4 =	simm.s32 $0x0;
	s16 =	stileid.u32  }
0x6: {  	s6 =	srdreg.scid;
	s28 =	simm.s32 $0x1;
	s9 =	smul.u32 $0x4F000, s16  }
0x7: {  	s29 =	simm.s32 $0x2000;
	s30 =	simm.s32 $0x80;
	s12 =	smul.u32 $0xA00, s16  }
0x8: {  	s31 =	simm.s32 $0x8000;
	s7 =	sand.u32 $0x1, s6;
	s23 =	smul.u32 $0x2780, s16  }
0x9: {  	[smem:$0x7FF] =	sst s4;
	s8 =	sadd.s32 $0xD200, s0;
	s6 =	smul.u32 $0x27800, s7  }
0xa: {  	s10 =	sadd.s32 $0x2E00, s0;
	s24 =	smul.u32 $0xA0, s16;
	s9 =	sshrl.u32 s9, $0x2  }
0xb: {  	_ =	strace $0x80000047;
	s0 =	sadd.s32 s6, s0;
	s6 =	sadd.s32 s9, s2  }
0xc: {  	s11 =	ssub.s32 $0x2, s7;
	p0 =	seq.s32 s7, $0x0;
	s13 =	sadd.s32 $0x4000, s6  }
0xd: {  	s7 =	sshll.u32 s7, $0x4;
	s14 =	sadd.s32 $0x8000, s6;
	[dreg:$0x6] =	wrdreg s13  }
0xe: {  	s26 =	sshrl.u32 s12, $0x2;
	s15 =	sadd.s32 $0xC000, s6;
	[dreg:$0x7] =	wrdreg s14  }
0xf: {  	s9 =	sadd.s32 s26, s3;
	s17 =	sadd.s32 $0x10000, s6;
	[dreg:$0x8] =	wrdreg s15  }
0x10: {  	s25 =	sshrl.u32 s11, $0x1;
	s18 =	sadd.s32 $0x80, s9;
	[dreg:$0x9] =	wrdreg s17  }
0x11: {  	s12 =	sshll.u32 s16, $0x7;
	s19 =	sadd.s32 $0x100, s9;
	[dreg:$0xa] =	wrdreg s18  }
0x12: {  	s5 =	sadd.s32 s5, s7;
	s20 =	sadd.s32 $0x180, s9;
	[dreg:$0xb] =	wrdreg s19  }
0x13: {  	s7 =	simm.s32 $0x0;
	s21 =	sadd.s32 $0x200, s9;
	[dreg:$0xc] =	wrdreg s20  }
0x14: {  	s11 =	ssub.s32 s11, s25;
	s0 =	sadd.s32 $0x17600, s0;
	[dreg:$0xd] =	wrdreg s21  }
0x15: {  	s13 =	sshll.u32 s16, $0x5;
	s15 =	sor.u32 $0x40, s12;
	s20 =	sadd.s32 s23, s0  }
0x16: {  	s21 =	sadd.s32 s24, s5;
	s0 =	simm.s32 $0x2;
	s14 =	sor.u32 $0x800, s13  }
0x17: {  	s5 =	simm.s32 $0xC000;
	s13 =	sor.u32 $0x810, s13;
	s14 =	smov.u32 @p0 s12  }
0x18: {  	s12 =	simm.s32 $0x40;
	s13 =	smov.u32 @p0 s15;
	s14 =	sshll.u32 s14, $0x4  }
0x19: {  	s12 =	simm.s32 @!p0 $0x10;
	s13 =	sshll.u32 s13, $0x4;
	s22 =	sadd.s32 s8, s14  }
0x1a: {  	s14 =	sadd.s32 s10, s14;
	s18 =	sadd.s32 s8, s13;
	s19 =	sadd.s32 s10, s13  }
0x1b: {  	s25 =	sshrl.u32 s12, $0x1;
	s26 =	sshll.u32 s12, $0x7;
	[dreg:$0xe] =	wrdreg s22  }
0x1c: {  	[dreg:$0xf] =	wrdreg s14;
	s22 =	sadd.s32 $0x1F00, s26;
	s23 =	sadd.s32 $0x1F80, s26  }
0x1d: {  	v0 =	vimm.f32 $0.0e+00;
	v1 =	vimm.f32 $1.000000000e+00;
	s24 =	sadd.s32 $0xFFFFFFFF, s25;
	s25 =	smax.u32 s11, $0x1;
	s26 =	simm.s32 $0x4000  }
.LBB2_1:
0x1e: {  	s8 =	simm.s32 $0x0;
	s10 =	simm.s32 $0x200  }
.LBB2_2:
0x1f: {  	p0 =	sne.s32 s10, $0xFE00;
	[tilespmem:s8+$0x4070] =	vst v0  }
0x20: {  	[tilespmem:s8+$0x4000] =	vst v0  }
0x21: {  	[tilespmem:s8+$0x4010] =	vst v0  }
.Ltmp0:
0x22: {  	[tilespmem:s8+$0x4020] =	vst v0;
	(pc) =	sbr.rel @p0 .LBB2_2-.Ltmp0, $4  }
0x23: {  	[tilespmem:s8+$0x4030] =	vst v0  }
0x24: {  	[tilespmem:s8+$0x4040] =	vst v0  }
0x25: {  	[tilespmem:s8+$0x4050] =	vst v0  }
0x26: {  	[tilespmem:s8+$0x4060] =	vst v0;
	s8 =	sshra.s32 s10, $0x2;
	s10 =	sadd.s32 $0x200, s10  }
0x27: {  	[tilespmem:s8+$0x4070] =	vst v0  }
0x28: {  	[tilespmem:s8+$0x4000] =	vst v0  }
0x29: {  	[tilespmem:s8+$0x4010] =	vst v0  }
0x2a: {  	[tilespmem:s8+$0x4020] =	vst v0  }
0x2b: {  	[tilespmem:s8+$0x4030] =	vst v0  }
0x2c: {  	[tilespmem:s8+$0x4040] =	vst v0  }
0x2d: {  	[tilespmem:s8+$0x4050] =	vst v0  }
0x2e: {  	[tilespmem:s8+$0x4060] =	vst v0  }
0x2f: {  	[tilespmem:$0xC000] =	vst v1  }
0x30: {  	[tilespmem:$0xC010] =	vst v1  }
0x31: {  	[tilespmem:$0xC020] =	vst v1  }
0x32: {  	[tilespmem:$0xC030] =	vst v1  }
0x33: {  	[tilespmem:$0xC040] =	vst v1  }
0x34: {  	[tilespmem:$0xC050] =	vst v1  }
0x35: {  	[tilespmem:$0xC060] =	vst v1  }
0x36: {  	[tilespmem:$0xC070] =	vst v1  }
0x37: {  	[spmem:s6] =	stream.linear.scatter [tilespmem:s26], [sflag:$0x1], $0x4000, $0x38;
	[tilespmem:$0x1FF00] =	vst v63  }
0x38: {  	s16 =	rddreg [dreg:$0x6]  }
0x39: {  	[spmem:s16] =	stream.linear.scatter [tilespmem:s26], [sflag:$0x1], $0x4000, $0x38;
	[tilespmem:$0x1FF00] =	vst v63  }
0x3a: {  	s17 =	rddreg [dreg:$0x7]  }
0x3b: {  	[spmem:s17] =	stream.linear.scatter [tilespmem:s26], [sflag:$0x1], $0x4000, $0x38;
	[tilespmem:$0x1FF00] =	vst v63  }
0x3c: {  	s10 =	rddreg [dreg:$0x8]  }
0x3d: {  	[spmem:s10] =	stream.linear.scatter [tilespmem:s26], [sflag:$0x1], $0x4000, $0x38;
	[tilespmem:$0x1FF00] =	vst v63  }
0x3e: {  	s11 =	rddreg [dreg:$0x9]  }
0x3f: {  	[spmem:s11] =	stream.linear.scatter [tilespmem:s26], [sflag:$0x1], $0x3C00, $0x38;
	[tilespmem:$0x1FF00] =	vst v63  }
0x40: {  	_ = 	snop  }
0x41: {  	[spmem:s9] =	stream.linear.scatter [tilespmem:s26], [sflag:$0x1], $0x80, $0x38;
	[tilespmem:$0x1FF00] =	vst v63  }
0x42: {  	s12 =	rddreg [dreg:$0xa]  }
0x43: {  	[spmem:s12] =	stream.linear.scatter [tilespmem:s26], [sflag:$0x1], $0x80, $0x38;
	[tilespmem:$0x1FF00] =	vst v63  }
0x44: {  	s13 =	rddreg [dreg:$0xb]  }
0x45: {  	[spmem:s13] =	stream.linear.scatter [tilespmem:s26], [sflag:$0x1], $0x80, $0x38;
	[tilespmem:$0x1FF00] =	vst v63  }
0x46: {  	s14 =	rddreg [dreg:$0xc]  }
0x47: {  	[spmem:s14] =	stream.linear.scatter [tilespmem:s26], [sflag:$0x1], $0x80, $0x38;
	[tilespmem:$0x1FF00] =	vst v63  }
0x48: {  	s15 =	rddreg [dreg:$0xd]  }
0x49: {  	[spmem:s15] =	stream.linear.scatter [tilespmem:s26], [sflag:$0x1], $0x80, $0x38;
	[tilespmem:$0x1FF00] =	vst v63  }
0x4a: {  	_ =	swait.ge [sflag:s28], $0x4000  }
0x4b: {  	[sflag:s28] =	ssyncset.done $0x0  }
0x4c: {  	[sflag:s28] =	ssyncadd.s32 $0xFFFFC000  }
0x4d: {  	_ =	swait.ge [sflag:s28], $0x4000  }
0x4e: {  	[sflag:s28] =	ssyncset.done $0x0  }
0x4f: {  	[sflag:s28] =	ssyncadd.s32 $0xFFFFC000  }
0x50: {  	_ =	swait.ge [sflag:s28], $0x4000  }
0x51: {  	[sflag:s28] =	ssyncset.done $0x0  }
0x52: {  	[sflag:s28] =	ssyncadd.s32 $0xFFFFC000  }
0x53: {  	_ =	swait.ge [sflag:s28], $0x4000  }
0x54: {  	[sflag:s28] =	ssyncset.done $0x0  }
0x55: {  	[sflag:s28] =	ssyncadd.s32 $0xFFFFC000  }
0x56: {  	_ =	swait.ge [sflag:s28], $0x3C00  }
0x57: {  	[sflag:s28] =	ssyncset.done $0x0  }
0x58: {  	[sflag:s28] =	ssyncadd.s32 $0xFFFFC400  }
0x59: {  	_ =	swait.ge [sflag:s28], $0x80  }
0x5a: {  	[sflag:s28] =	ssyncset.done $0x0  }
0x5b: {  	[sflag:s28] =	ssyncadd.s32 $0xFFFFFF80  }
0x5c: {  	_ =	swait.ge [sflag:s28], $0x80  }
0x5d: {  	[sflag:s28] =	ssyncset.done $0x0  }
0x5e: {  	[sflag:s28] =	ssyncadd.s32 $0xFFFFFF80  }
0x5f: {  	_ =	swait.ge [sflag:s28], $0x80  }
0x60: {  	[sflag:s28] =	ssyncset.done $0x0  }
0x61: {  	[sflag:s28] =	ssyncadd.s32 $0xFFFFFF80  }
0x62: {  	_ =	swait.ge [sflag:s28], $0x80  }
0x63: {  	[sflag:s28] =	ssyncset.done $0x0  }
0x64: {  	[sflag:s28] =	ssyncadd.s32 $0xFFFFFF80  }
0x65: {  	_ =	swait.ge [sflag:s28], $0x80  }
0x66: {  	[sflag:s28] =	ssyncset.done $0x0  }
0x67: {  	[sflag:s28] =	ssyncadd.s32 $0xFFFFFF80  }
0x68: {  	[bflag:$0x0] =	sbarrier.arrive $0xFFFF  }
0x69: {  	s16 =	rddreg [dreg:$0xe]  }
0x6a: {  	[tilespmem:s4], [sflag:$0x1] =	stream.linear.gather [hbm4b:s16+s4], $0x2000, $0x38;
	[tilespmem:$0x1FF00] =	vst v63  }
0x6b: {  	s17 =	rddreg [dreg:$0xf]  }
0x6c: {  	[tilespmem:s29], [sflag:$0x1] =	stream.linear.gather [hbm4b:s17+s4], $0x2000, $0x38;
	[tilespmem:$0x1FF00] =	vst v63  }
0x6d: {  	_ =	swait.ge [sflag:s28], $0x2000  }
0x6e: {  	[sflag:s28] =	ssyncset.done $0x0  }
0x6f: {  	[sflag:s28] =	ssyncadd.s32 $0xFFFFE000  }
0x70: {  	_ =	swait.ge [sflag:s28], $0x2000  }
0x71: {  	[sflag:s28] =	ssyncset.done $0x0  }
0x72: {  	[sflag:s28] =	ssyncadd.s32 $0xFFFFE000  }
0x73: {  	[tilespmem:s26], [sflag:$0x1] =	stream.indirect.gather [hbm4b:s1+s30], $0x80, s4, s30, $0xb8;
	[tilespmem:$0x1FF00] =	vst v63  }
0x74: {  	_ = 	snop  }
0x75: {  	[tilespmem:s31], [sflag:$0x1] =	stream.indirect.gather [hbm4b:s1+s30], $0x80, s30, s30, $0xb8;
	[tilespmem:$0x1FF00] =	vst v63  }
0x76: {  	_ =	swait.ge [sflag:s28], $0x4000  }
0x77: {  	[sflag:s28] =	ssyncset.done $0x0  }
0x78: {  	[sflag:s28] =	ssyncadd.s32 $0xFFFFC000  }
0x79: {  	_ =	swait.ge [sflag:s28], $0x4000  }
0x7a: {  	[sflag:s28] =	ssyncset.done $0x0  }
0x7b: {  	s11 =	simm.s32 $0x2000;
	[sflag:s28] =	ssyncadd.s32 $0xFFFFC000  }
0x7c: {  	[spmem:s2] =	stream.indirect.scatter.add.f32 [tilespmem:s26], [sflag:$0x2], $0x80, s11, s30, $0xb8;
	[tilespmem:$0x1FF00] =	vst v63  }
0x7d: {  	_ =	swait.ge [sflag:s0], $0x4000  }
0x7e: {  	[sflag:s0] =	ssyncset.done $0x0  }
0x7f: {  	s10 =	simm.s32 $0x2080;
	[sflag:s0] =	ssyncadd.s32 $0xFFFFC000  }
0x80: {  	[spmem:s2] =	stream.indirect.scatter.add.f32 [tilespmem:s31], [sflag:$0x2], $0x80, s10, s30, $0xb8;
	[tilespmem:$0x1FF00] =	vst v63  }
0x81: {  	_ =	swait.ge [sflag:s0], $0x4000  }
0x82: {  	[sflag:s0] =	ssyncset.done $0x0  }
0x83: {  	[sflag:s0] =	ssyncadd.s32 $0xFFFFC000  }
0x84: {  	[spmem:s3] =	stream.indirect.scatter.add.f32 [tilespmem:s5], [sflag:$0x2], $0x1, s11, s30, $0xb8;
	[tilespmem:$0x1FF00] =	vst v63  }
0x85: {  	_ =	swait.ge [sflag:s0], $0x80  }
0x86: {  	[sflag:s0] =	ssyncset.done $0x0  }
0x87: {  	p0 =	sne.s32 s24, $0x1;
	[sflag:s0] =	ssyncadd.s32 $0xFFFFFF80  }
0x88: {  	[spmem:s3] =	stream.indirect.scatter.add.f32 [tilespmem:s5], [sflag:$0x2], $0x1, s10, s30, $0xb8;
	[tilespmem:$0x1FF00] =	vst v63  }
.Ltmp1:
0x89: {  	_ = 	snop;
	(pc) =	sbr.rel @!p0 .LBB2_5-.Ltmp1, $4  }
0x8a: {  	s8 =	simm.s32 $0x180;
	s12 =	simm.s32 $0x100;
	_ =	swait.ge [sflag:s0], $0x80  }
0x8b: {  	s13 =	sadd.s32 $0xFFFFFFFF, s24;
	s14 =	simm.s32 $0x280;
	[sflag:s0] =	ssyncset.done $0x0  }
0x8c: {  	s15 =	simm.s32 $0x2180;
	s16 =	simm.s32 $0x180;
	[sflag:s0] =	ssyncadd.s32 $0xFFFFFF80  }
0x8d: {  	[tilespmem:s26], [sflag:$0x1] =	stream.indirect.gather [hbm4b:s1+s30], $0x80, s12, s30, $0xb8;
	[tilespmem:$0x1FF00] =	vst v63  }
.LBB2_4:
0x8e: {  	[tilespmem:s31], [sflag:$0x1] =	stream.indirect.gather [hbm4b:s1+s30], $0x80, s16, s30, $0xb8;
	[tilespmem:$0x1FF00] =	vst v63  }
0x8f: {  	p1 =	sne.s32 s13, $0x1;
	s13 =	sadd.s32 $0xFFFFFFFF, s13;
	_ =	swait.ge [sflag:s28], $0x4000  }
0x90: {  	s16 =	smov.u32 s14;
	[sflag:s28] =	ssyncset.done $0x0  }
0x91: {  	[sflag:s28] =	ssyncadd.s32 $0xFFFFC000  }
0x92: {  	_ =	swait.ge [sflag:s28], $0x4000  }
0x93: {  	[sflag:s28] =	ssyncset.done $0x0  }
0x94: {  	s17 =	sadd.s32 $0xFFFFFF80, s15;
	[sflag:s28] =	ssyncadd.s32 $0xFFFFC000  }
0x95: {  	[spmem:s2] =	stream.indirect.scatter.add.f32 [tilespmem:s26], [sflag:$0x2], $0x80, s17, s30, $0xb8;
	[tilespmem:$0x1FF00] =	vst v63  }
0x96: {  	_ =	swait.ge [sflag:s0], $0x4000  }
0x97: {  	[sflag:s0] =	ssyncset.done $0x0  }
0x98: {  	[sflag:s0] =	ssyncadd.s32 $0xFFFFC000  }
0x99: {  	[spmem:s2] =	stream.indirect.scatter.add.f32 [tilespmem:s31], [sflag:$0x2], $0x80, s15, s30, $0xb8;
	[tilespmem:$0x1FF00] =	vst v63  }
0x9a: {  	_ =	swait.ge [sflag:s0], $0x4000  }
0x9b: {  	[sflag:s0] =	ssyncset.done $0x0  }
0x9c: {  	[sflag:s0] =	ssyncadd.s32 $0xFFFFC000  }
0x9d: {  	[spmem:s3] =	stream.indirect.scatter.add.f32 [tilespmem:s5], [sflag:$0x2], $0x1, s17, s30, $0xb8;
	[tilespmem:$0x1FF00] =	vst v63  }
0x9e: {  	_ =	swait.ge [sflag:s0], $0x80  }
0x9f: {  	[sflag:s0] =	ssyncset.done $0x0  }
0xa0: {  	[sflag:s0] =	ssyncadd.s32 $0xFFFFFF80  }
0xa1: {  	[spmem:s3] =	stream.indirect.scatter.add.f32 [tilespmem:s5], [sflag:$0x2], $0x1, s15, s30, $0xb8;
	[tilespmem:$0x1FF00] =	vst v63  }
.Ltmp2:
0xa2: {  	_ =	swait.ge [sflag:s0], $0x80;
	(pc) =	sbr.rel @p1 .LBB2_4-.Ltmp2, $4  }
0xa3: {  	[sflag:s0] =	ssyncset.done $0x0  }
0xa4: {  	s17 =	sadd.s32 $0xFFFFFF80, s14;
	[sflag:s0] =	ssyncadd.s32 $0xFFFFFF80  }
0xa5: {  	[tilespmem:s26], [sflag:$0x1] =	stream.indirect.gather [hbm4b:s1+s30], $0x80, s17, s30, $0xb8;
	[tilespmem:$0x1FF00] =	vst v63  }
0xa6: {  	s14 =	sadd.s32 $0x100, s14;
	s15 =	sadd.s32 $0x100, s15  }
.LBB2_5:
0xa7: {  	[tilespmem:s31], [sflag:$0x1] =	stream.indirect.gather [hbm4b:s1+s30], $0x80, s16, s30, $0xb8;
	[tilespmem:$0x1FF00] =	vst v63  }
0xa8: {  	_ =	swait.ge [sflag:s28], $0x4000  }
0xa9: {  	[sflag:s28] =	ssyncset.done $0x0  }
0xaa: {  	[sflag:s28] =	ssyncadd.s32 $0xFFFFC000  }
0xab: {  	_ =	swait.ge [sflag:s28], $0x4000  }
0xac: {  	[sflag:s28] =	ssyncset.done $0x0  }
0xad: {  	[sflag:s28] =	ssyncadd.s32 $0xFFFFC000  }
0xae: {  	[spmem:s2] =	stream.indirect.scatter.add.f32 [tilespmem:s26], [sflag:$0x2], $0x80, s22, s30, $0xb8;
	[tilespmem:$0x1FF00] =	vst v63  }
0xaf: {  	_ =	swait.ge [sflag:s0], $0x4000  }
0xb0: {  	[sflag:s0] =	ssyncset.done $0x0  }
0xb1: {  	[sflag:s0] =	ssyncadd.s32 $0xFFFFC000  }
0xb2: {  	[spmem:s2] =	stream.indirect.scatter.add.f32 [tilespmem:s31], [sflag:$0x2], $0x80, s23, s30, $0xb8;
	[tilespmem:$0x1FF00] =	vst v63  }
0xb3: {  	_ =	swait.ge [sflag:s0], $0x4000  }
0xb4: {  	[sflag:s0] =	ssyncset.done $0x0  }
0xb5: {  	[sflag:s0] =	ssyncadd.s32 $0xFFFFC000  }
0xb6: {  	[spmem:s3] =	stream.indirect.scatter.add.f32 [tilespmem:s5], [sflag:$0x2], $0x1, s22, s30, $0xb8;
	[tilespmem:$0x1FF00] =	vst v63  }
0xb7: {  	_ =	swait.ge [sflag:s0], $0x80  }
0xb8: {  	[sflag:s0] =	ssyncset.done $0x0  }
0xb9: {  	[sflag:s0] =	ssyncadd.s32 $0xFFFFFF80  }
0xba: {  	[spmem:s3] =	stream.indirect.scatter.add.f32 [tilespmem:s5], [sflag:$0x2], $0x1, s23, s30, $0xb8;
	[tilespmem:$0x1FF00] =	vst v63  }
0xbb: {  	_ =	swait.ge [sflag:s0], $0x80  }
0xbc: {  	[sflag:s0] =	ssyncset.done $0x0  }
0xbd: {  	[sflag:s0] =	ssyncadd.s32 $0xFFFFFF80  }
0xbe: {  	[tilespmem:s4], [sflag:$0x1] =	stream.linear.gather [hbm4b:s18+s4], $0x2000, $0x38;
	[tilespmem:$0x1FF00] =	vst v63  }
0xbf: {  	_ = 	snop  }
0xc0: {  	[tilespmem:s29], [sflag:$0x1] =	stream.linear.gather [hbm4b:s19+s4], $0x2000, $0x38;
	[tilespmem:$0x1FF00] =	vst v63  }
0xc1: {  	_ =	swait.ge [sflag:s28], $0x2000  }
0xc2: {  	[sflag:s28] =	ssyncset.done $0x0  }
0xc3: {  	[sflag:s28] =	ssyncadd.s32 $0xFFFFE000  }
0xc4: {  	_ =	swait.ge [sflag:s28], $0x2000  }
0xc5: {  	[sflag:s28] =	ssyncset.done $0x0  }
0xc6: {  	[sflag:s28] =	ssyncadd.s32 $0xFFFFE000  }
0xc7: {  	[tilespmem:s26], [sflag:$0x1] =	stream.indirect.gather [hbm4b:s1+s30], $0x80, s4, s30, $0xb8;
	[tilespmem:$0x1FF00] =	vst v63  }
0xc8: {  	_ = 	snop  }
0xc9: {  	[tilespmem:s31], [sflag:$0x1] =	stream.indirect.gather [hbm4b:s1+s30], $0x80, s30, s30, $0xb8;
	[tilespmem:$0x1FF00] =	vst v63  }
0xca: {  	_ =	swait.ge [sflag:s28], $0x4000  }
0xcb: {  	[sflag:s28] =	ssyncset.done $0x0  }
0xcc: {  	[sflag:s28] =	ssyncadd.s32 $0xFFFFC000  }
0xcd: {  	_ =	swait.ge [sflag:s28], $0x4000  }
0xce: {  	[sflag:s28] =	ssyncset.done $0x0  }
0xcf: {  	[sflag:s28] =	ssyncadd.s32 $0xFFFFC000  }
0xd0: {  	[spmem:s2] =	stream.indirect.scatter.add.f32 [tilespmem:s26], [sflag:$0x2], $0x80, s11, s30, $0xb8;
	[tilespmem:$0x1FF00] =	vst v63  }
0xd1: {  	_ =	swait.ge [sflag:s0], $0x4000  }
0xd2: {  	[sflag:s0] =	ssyncset.done $0x0  }
0xd3: {  	[sflag:s0] =	ssyncadd.s32 $0xFFFFC000  }
0xd4: {  	[spmem:s2] =	stream.indirect.scatter.add.f32 [tilespmem:s31], [sflag:$0x2], $0x80, s10, s30, $0xb8;
	[tilespmem:$0x1FF00] =	vst v63  }
0xd5: {  	_ =	swait.ge [sflag:s0], $0x4000  }
0xd6: {  	[sflag:s0] =	ssyncset.done $0x0  }
0xd7: {  	[sflag:s0] =	ssyncadd.s32 $0xFFFFC000  }
0xd8: {  	[spmem:s3] =	stream.indirect.scatter.add.f32 [tilespmem:s5], [sflag:$0x2], $0x1, s11, s30, $0xb8;
	[tilespmem:$0x1FF00] =	vst v63  }
0xd9: {  	_ =	swait.ge [sflag:s0], $0x80  }
0xda: {  	[sflag:s0] =	ssyncset.done $0x0  }
0xdb: {  	[sflag:s0] =	ssyncadd.s32 $0xFFFFFF80  }
0xdc: {  	[spmem:s3] =	stream.indirect.scatter.add.f32 [tilespmem:s5], [sflag:$0x2], $0x1, s10, s30, $0xb8;
	[tilespmem:$0x1FF00] =	vst v63  }
.Ltmp3:
0xdd: {  	_ =	swait.ge [sflag:s0], $0x80;
	(pc) =	sbr.rel @!p0 .LBB2_7-.Ltmp3, $4  }
0xde: {  	[sflag:s0] =	ssyncset.done $0x0  }
0xdf: {  	[sflag:s0] =	ssyncadd.s32 $0xFFFFFF80  }
0xe0: {  	[tilespmem:s26], [sflag:$0x1] =	stream.indirect.gather [hbm4b:s1+s30], $0x80, s12, s30, $0xb8;
	[tilespmem:$0x1FF00] =	vst v63  }
0xe1: {  	s11 =	simm.s32 $0x280;
	s10 =	sadd.s32 $0xFFFFFFFF, s24;
	s12 =	simm.s32 $0x2180  }
.LBB2_6:
0xe2: {  	[tilespmem:s31], [sflag:$0x1] =	stream.indirect.gather [hbm4b:s1+s30], $0x80, s8, s30, $0xb8;
	[tilespmem:$0x1FF00] =	vst v63  }
0xe3: {  	p0 =	sne.s32 s10, $0x1;
	s10 =	sadd.s32 $0xFFFFFFFF, s10;
	_ =	swait.ge [sflag:s28], $0x4000  }
0xe4: {  	s8 =	smov.u32 s11;
	[sflag:s28] =	ssyncset.done $0x0  }
0xe5: {  	[sflag:s28] =	ssyncadd.s32 $0xFFFFC000  }
0xe6: {  	_ =	swait.ge [sflag:s28], $0x4000  }
0xe7: {  	[sflag:s28] =	ssyncset.done $0x0  }
0xe8: {  	s13 =	sadd.s32 $0xFFFFFF80, s12;
	[sflag:s28] =	ssyncadd.s32 $0xFFFFC000  }
0xe9: {  	[spmem:s2] =	stream.indirect.scatter.add.f32 [tilespmem:s26], [sflag:$0x2], $0x80, s13, s30, $0xb8;
	[tilespmem:$0x1FF00] =	vst v63  }
0xea: {  	_ =	swait.ge [sflag:s0], $0x4000  }
0xeb: {  	[sflag:s0] =	ssyncset.done $0x0  }
0xec: {  	[sflag:s0] =	ssyncadd.s32 $0xFFFFC000  }
0xed: {  	[spmem:s2] =	stream.indirect.scatter.add.f32 [tilespmem:s31], [sflag:$0x2], $0x80, s12, s30, $0xb8;
	[tilespmem:$0x1FF00] =	vst v63  }
0xee: {  	_ =	swait.ge [sflag:s0], $0x4000  }
0xef: {  	[sflag:s0] =	ssyncset.done $0x0  }
0xf0: {  	[sflag:s0] =	ssyncadd.s32 $0xFFFFC000  }
0xf1: {  	[spmem:s3] =	stream.indirect.scatter.add.f32 [tilespmem:s5], [sflag:$0x2], $0x1, s13, s30, $0xb8;
	[tilespmem:$0x1FF00] =	vst v63  }
0xf2: {  	_ =	swait.ge [sflag:s0], $0x80  }
0xf3: {  	[sflag:s0] =	ssyncset.done $0x0  }
0xf4: {  	[sflag:s0] =	ssyncadd.s32 $0xFFFFFF80  }
0xf5: {  	[spmem:s3] =	stream.indirect.scatter.add.f32 [tilespmem:s5], [sflag:$0x2], $0x1, s12, s30, $0xb8;
	[tilespmem:$0x1FF00] =	vst v63  }
.Ltmp4:
0xf6: {  	_ =	swait.ge [sflag:s0], $0x80;
	(pc) =	sbr.rel @p0 .LBB2_6-.Ltmp4, $4  }
0xf7: {  	[sflag:s0] =	ssyncset.done $0x0  }
0xf8: {  	s13 =	sadd.s32 $0xFFFFFF80, s11;
	[sflag:s0] =	ssyncadd.s32 $0xFFFFFF80  }
0xf9: {  	[tilespmem:s26], [sflag:$0x1] =	stream.indirect.gather [hbm4b:s1+s30], $0x80, s13, s30, $0xb8;
	[tilespmem:$0x1FF00] =	vst v63  }
0xfa: {  	s11 =	sadd.s32 $0x100, s11;
	s12 =	sadd.s32 $0x100, s12  }
.LBB2_7:
0xfb: {  	[tilespmem:s31], [sflag:$0x1] =	stream.indirect.gather [hbm4b:s1+s30], $0x80, s8, s30, $0xb8;
	[tilespmem:$0x1FF00] =	vst v63  }
0xfc: {  	_ =	swait.ge [sflag:s28], $0x4000  }
0xfd: {  	[sflag:s28] =	ssyncset.done $0x0  }
0xfe: {  	[sflag:s28] =	ssyncadd.s32 $0xFFFFC000  }
0xff: {  	_ =	swait.ge [sflag:s28], $0x4000  }
0x100: {  	[sflag:s28] =	ssyncset.done $0x0  }
0x101: {  	[sflag:s28] =	ssyncadd.s32 $0xFFFFC000  }
0x102: {  	[spmem:s2] =	stream.indirect.scatter.add.f32 [tilespmem:s26], [sflag:$0x2], $0x80, s22, s30, $0xb8;
	[tilespmem:$0x1FF00] =	vst v63  }
0x103: {  	_ =	swait.ge [sflag:s0], $0x4000  }
0x104: {  	[sflag:s0] =	ssyncset.done $0x0  }
0x105: {  	[sflag:s0] =	ssyncadd.s32 $0xFFFFC000  }
0x106: {  	[spmem:s2] =	stream.indirect.scatter.add.f32 [tilespmem:s31], [sflag:$0x2], $0x80, s23, s30, $0xb8;
	[tilespmem:$0x1FF00] =	vst v63  }
0x107: {  	_ =	swait.ge [sflag:s0], $0x4000  }
0x108: {  	[sflag:s0] =	ssyncset.done $0x0  }
0x109: {  	[sflag:s0] =	ssyncadd.s32 $0xFFFFC000  }
0x10a: {  	[spmem:s3] =	stream.indirect.scatter.add.f32 [tilespmem:s5], [sflag:$0x2], $0x1, s22, s30, $0xb8;
	[tilespmem:$0x1FF00] =	vst v63  }
0x10b: {  	_ =	swait.ge [sflag:s0], $0x80  }
0x10c: {  	[sflag:s0] =	ssyncset.done $0x0  }
0x10d: {  	[sflag:s0] =	ssyncadd.s32 $0xFFFFFF80  }
0x10e: {  	[spmem:s3] =	stream.indirect.scatter.add.f32 [tilespmem:s5], [sflag:$0x2], $0x1, s23, s30, $0xb8;
	[tilespmem:$0x1FF00] =	vst v63  }
0x10f: {  	_ =	swait.ge [sflag:s0], $0x80  }
0x110: {  	s16 =	stileid.u32;
	[sflag:s0] =	ssyncset.done $0x0  }
0x111: {  	s8 =	sshll.u32 s16, $0x6;
	[sflag:s0] =	ssyncadd.s32 $0xFFFFFF80  }
0x112: {  	s10 =	sshrl.u32 s6, $0x3;
	s8 =	sor.u32 $0x1C02, s8;
	[bflag:$0x0] =	sbarrier.arrive $0xFFFF  }
0x113: {  	[hbm:s20], [sflag:s8] =	dma.local [spmem:s10], $0x2780  }
0x114: {  	s17 =	sshrl.u32 s9, $0x3;
	s7 =	sadd.s32 $0x1, s7;
	_ =	swait.ge [sflag:s0], $0x2780  }
0x115: {  	s11 =	simm.s32 $0x20;
	p0 =	sne.s32 s7, s25;
	[sflag:s0] =	ssyncset.done $0x0  }
.Ltmp5:
0x116: {  	s12 =	simm.s32 $0x10;
	[sflag:s0] =	ssyncadd.s32 $0xFFFFD880;
	(pc) =	sbr.rel @p0 .LBB2_1-.Ltmp5, $4  }
0x117: {  	[hbm:s21@s11], [sflag:s8] =	dma.strided [spmem:s17@s12], $0x50, s28, $0x10   }
0x118: {  	_ =	swait.ge [sflag:s0], $0x50  }
0x119: {  	[sflag:s0] =	ssyncset.done $0x0  }
0x11a: {  	[sflag:s0] =	ssyncadd.s32 $0xFFFFFFB0  }
0x11b: {  	_ =	sfence.sel $0x180000  }
0x11c: {  	[bflag:$0x0] =	sbarrier.arrive $0xFFFF  }
0x11d: {  	_ =	strace $0x90000047  }
0x11e: {  	s0 =	stileid.u32;
	[bflag:$0x2] =	sbarrier.arrive $0xFFFF  }
0x11f: {  	p0 =	sne.s32 s0, $0x0;
	s0 =	rddreg [dreg:$0x5]  }
0x120: {  	s0 =	sadd.s32 @!p0 $0x100000, s0  }
0x121: {  	[sflag:s0] =	ssyncadd.tile.s32 @!p0 $0x1;
	_ =	shalt  }
.Lfunc_end2:
_tile_overlayer_lowered:
.L_overlay_start_2:
0x122: {  	(tag) =	ssettag $0x2  }
0x123: {  	s0 =	rddreg [dreg:$0x0];
	s2 =	stileid.u32  }
0x124: {  	s1 =	rddreg [dreg:$0x1];
	p0 =	sne.s32 s2, $0x0  }
0x125: {  	s3 =	rddreg [dreg:$0x2];
	[bflag:$0x3] =	sbarrier.arrive $0xFFFF;
	s2 =	simm.s32 @!p0 $0x1C02  }
0x126: {  	[timem:s3], [sflag:s2] =	dma.local @!p0 [hbm:s0], s1  }
0x127: {  	s0 =	simm.s32 @!p0 $0x2  }
0x128: {  	_ =	swait.ge @!p0 [sflag:s0], s1  }
0x129: {  	s1 =	ssub.s32 @!p0 $0x0, s1;
	[sflag:s0] =	ssyncset.done @!p0 $0x0  }
0x12a: {  	[sflag:s0] =	ssyncadd.s32 @!p0 s1  }
0x12b: {  	[bflag:$0x3] =	sbarrier.arrive $0xFFFF  }
0x12c: {  	_ =	shalt  }

</sc_bundles>
